<compile_context>
chip_gen: v7x
topology: tpu7x:2x2x1
jax: 0.10.2.dev20260603
libtpu: 0.0.44.dev20260713+nightly
codegen_flags: <defaults>
</compile_context>

<pallas_src>
import dataclasses

import jax
import jax.numpy as jnp
from jax import lax
from jax.experimental import pallas as pl
from jax.experimental.pallas import tpu as pltpu
from jax.experimental.pallas import tpu_sc as plsc

N = 10000
E = 160000
IN = 256
OUT = 256
H = 2
HO = H * OUT
DE_ = 16

NC = 2
NS = 16
NW = NC * NS

SPL_A = 5008
SPL_B = 4992
E_PAD = 16 * SPL_A + 16 * SPL_B + 16

NP = 10240

CW = 8
NCHUNK = HO // CW
W3 = 1280
NWIN3 = E // W3
ACCP = NP + 1
ACCSZ = ((CW * ACCP + 15) // 16) * 16

_i16 = lambda: lax.broadcasted_iota(jnp.int32, (16,), 0)


def _mesh():
    return plsc.VectorSubcoreMesh(core_axis_name="c", subcore_axis_name="s",
                                  num_cores=NC, num_subcores=NS)


def _sc_params(tc_tiling=None):
    cp = pltpu.CompilerParams(use_tc_tiling_on_sc=tc_tiling)
    if "needs_layout_passes" in pltpu.CompilerParams.__dataclass_fields__:
        cp = dataclasses.replace(cp, needs_layout_passes=False)
    return cp


def _wid():
    return lax.axis_index("s") * NC + lax.axis_index("c")


def _slice_params(wid):
    base = jnp.where(wid < 16, wid * SPL_A, 16 * SPL_A + (wid - 16) * SPL_B)
    ngroups = jnp.where(wid < 16, SPL_A // 16, SPL_B // 16)
    return base, ngroups


def _edge_logit(as_t, ad_t, ae_w, src16, dst16, g, h):
    gs = plsc.load_gather(as_t, [src16 * 2 + h])
    gd = plsc.load_gather(ad_t, [dst16 * 2 + h])
    ge = plsc.load_gather(ae_w, [(g * 16 + _i16()) * 2 + h])
    e = gs + gd + ge
    e = jnp.maximum(e, 0.2 * e)
    return jnp.exp(e)



def _p2a_body(src_hbm, dst_hbm, ae_hbm, as_hbm, ad_hbm, denp_hbm,
              as_t, ad_t, acc, src_w, dst_w, ae_w):
    wid = _wid()
    base, ngroups = _slice_params(wid)
    pltpu.sync_copy(as_hbm, as_t)
    pltpu.sync_copy(ad_hbm, ad_t)

    @pl.loop(0, 2 * N, step=16)
    def _(i):
        acc[pl.ds(i, 16)] = jnp.zeros((16,), jnp.float32)

    pltpu.sync_copy(src_hbm.at[pl.ds(base, SPL_A)], src_w)
    pltpu.sync_copy(dst_hbm.at[pl.ds(base, SPL_A)], dst_w)
    pltpu.sync_copy(ae_hbm.at[pl.ds(2 * base, 2 * SPL_A)], ae_w)

    iota = _i16()

    @pl.loop(0, ngroups)
    def _(g):
        src16 = src_w[pl.ds(g * 16, 16)]
        dst16 = dst_w[pl.ds(g * 16, 16)]
        for h in range(H):
            a = _edge_logit(as_t, ad_t, ae_w, src16, dst16, g, h)
            di = dst16 * 2 + h
            for j in range(16):
                plsc.addupdate_scatter(acc, [di], a, mask=iota == j)

    pltpu.sync_copy(acc, denp_hbm.at[wid])


def _p2a(src_p, dst_p, ae_p, as_f, ad_f):
    k = pl.kernel(
        _p2a_body,
        out_type=jax.ShapeDtypeStruct((NW, 2 * N), jnp.float32),
        mesh=_mesh(),
        compiler_params=_sc_params(),
        scratch_types=[
            pltpu.VMEM((2 * N,), jnp.float32),
            pltpu.VMEM((2 * N,), jnp.float32),
            pltpu.VMEM((2 * N,), jnp.float32),
            pltpu.VMEM((SPL_A,), jnp.int32),
            pltpu.VMEM((SPL_A,), jnp.int32),
            pltpu.VMEM((2 * SPL_A,), jnp.float32),
        ],
    )
    return k(src_p, dst_p, ae_p, as_f, ad_f)



def _p2c_body(src_hbm, dst_hbm, ae_hbm, as_hbm, ad_hbm, den_hbm,
              alpha_hbm, alphat_hbm,
              as_t, ad_t, den_t, src_w, dst_w, ae_w, aw, at0, at1):
    wid = _wid()
    base, ngroups = _slice_params(wid)
    pltpu.sync_copy(as_hbm, as_t)
    pltpu.sync_copy(ad_hbm, ad_t)
    pltpu.sync_copy(den_hbm, den_t)
    pltpu.sync_copy(src_hbm.at[pl.ds(base, SPL_A)], src_w)
    pltpu.sync_copy(dst_hbm.at[pl.ds(base, SPL_A)], dst_w)
    pltpu.sync_copy(ae_hbm.at[pl.ds(2 * base, 2 * SPL_A)], ae_w)

    iota = _i16()
    ats = (at0, at1)

    @pl.loop(0, ngroups)
    def _(g):
        src16 = src_w[pl.ds(g * 16, 16)]
        dst16 = dst_w[pl.ds(g * 16, 16)]
        for h in range(H):
            a = _edge_logit(as_t, ad_t, ae_w, src16, dst16, g, h)
            d = plsc.load_gather(den_t, [dst16 * 2 + h])
            alpha = a / (d + 1e-16)
            plsc.store_scatter(aw, [(g * 16 + iota) * 2 + h], alpha)
            ats[h][pl.ds(g * 16, 16)] = alpha

    @pl.when(wid < 16)
    def _():
        pltpu.sync_copy(aw.at[pl.ds(0, 2 * SPL_A)],
                        alpha_hbm.at[pl.ds(2 * base, 2 * SPL_A)])
        for h in range(H):
            pltpu.sync_copy(ats[h].at[pl.ds(0, SPL_A)],
                            alphat_hbm.at[pl.ds(h * E + base, SPL_A)])

    @pl.when(wid >= 16)
    def _():
        pltpu.sync_copy(aw.at[pl.ds(0, 2 * SPL_B)],
                        alpha_hbm.at[pl.ds(2 * base, 2 * SPL_B)])
        for h in range(H):
            pltpu.sync_copy(ats[h].at[pl.ds(0, SPL_B)],
                            alphat_hbm.at[pl.ds(h * E + base, SPL_B)])


def _p2c(src_p, dst_p, ae_p, as_f, ad_f, den_f):
    k = pl.kernel(
        _p2c_body,
        out_type=(
            jax.ShapeDtypeStruct((2 * E,), jnp.float32),
            jax.ShapeDtypeStruct((2 * E,), jnp.float32),
        ),
        mesh=_mesh(),
        compiler_params=_sc_params(),
        scratch_types=[
            pltpu.VMEM((2 * N,), jnp.float32),
            pltpu.VMEM((2 * N,), jnp.float32),
            pltpu.VMEM((2 * N,), jnp.float32),
            pltpu.VMEM((SPL_A,), jnp.int32),
            pltpu.VMEM((SPL_A,), jnp.int32),
            pltpu.VMEM((2 * SPL_A,), jnp.float32),
            pltpu.VMEM((2 * SPL_A,), jnp.float32),
            pltpu.VMEM((SPL_A,), jnp.float32),
            pltpu.VMEM((SPL_A,), jnp.float32),
        ],
    )
    return k(src_p, dst_p, ae_p, as_f, ad_f, den_f)



def _p3_body(hflat_hbm, alphat_hbm, src_hbm, dst_hbm, outt_hbm,
             acc, rows0, rows1, src_w0, src_w1, dst_w0, dst_w1,
             al_w0, al_w1, idx_w0, idx_w1, ssem0, ssem1, gsem0, gsem1):
    wid = _wid()
    iota = _i16()
    colsel = iota % 8
    rowoff = colsel * ACCP
    pairsel = iota // 8
    lo_mask = iota < 8
    hi_mask = iota >= 8

    rows = (rows0, rows1)
    src_w = (src_w0, src_w1)
    dst_w = (dst_w0, dst_w1)
    al_w = (al_w0, al_w1)
    idx_w = (idx_w0, idx_w1)
    ssem = (ssem0, ssem1)
    gsem = (gsem0, gsem1)
    NG = W3 // 128

    for pp in range(H):
        c = wid + NW * pp

        def fire_streams(b, w):
            eb = w * W3
            pltpu.async_copy(src_hbm.at[pl.ds(eb, W3)], src_w[b], ssem[b])
            pltpu.async_copy(dst_hbm.at[pl.ds(eb, W3)], dst_w[b], ssem[b])
            pltpu.async_copy(alphat_hbm.at[pl.ds(pp * E + eb, W3)],
                             al_w[b], ssem[b])

        def wait_streams(b):
            for ref in (src_w[b], dst_w[b], al_w[b]):
                pltpu.make_async_copy(src_hbm.at[pl.ds(0, W3)], ref,
                                      ssem[b]).wait()

        def fire_gathers(b):
            @plsc.parallel_loop(0, W3 // 16)
            def _(k):
                s16 = src_w[b][pl.ds(k * 16, 16)]
                idx_w[b][pl.ds(k * 16, 16)] = s16 * NCHUNK + c
            for j in range(NG):
                pltpu.async_copy(
                    hflat_hbm.at[idx_w[b].at[pl.ds(128 * j, 128)]],
                    rows[b].at[pl.ds(128 * j, 128), :], gsem[b])

        def wait_gathers(b):
            for j in range(NG):
                pltpu.make_async_copy(
                    hflat_hbm.at[idx_w[b].at[pl.ds(128 * j, 128)]],
                    rows[b].at[pl.ds(128 * j, 128), :], gsem[b]).wait()

        def compute(b):
            @plsc.parallel_loop(0, W3 // 16)
            def _(k):
                dst16 = dst_w[b][pl.ds(k * 16, 16)]
                al16 = al_w[b][pl.ds(k * 16, 16)]
                for p in range(8):
                    cpair = pairsel + 2 * p
                    colv = jnp.take_along_axis(dst16, cpair, axis=0,
                                               mode="promise_in_bounds")
                    alb = jnp.take_along_axis(al16, cpair, axis=0,
                                              mode="promise_in_bounds")
                    rowsel = cpair + k * 16
                    r16 = plsc.load_gather(rows[b], [rowsel, colsel])
                    prod = r16 * alb
                    fidx = colv + rowoff
                    plsc.addupdate_scatter(acc, [fidx], prod, mask=lo_mask)
                    plsc.addupdate_scatter(acc, [fidx], prod, mask=hi_mask)

        @plsc.parallel_loop(0, ACCSZ, step=16)
        def _(i):
            acc[pl.ds(i, 16)] = jnp.zeros((16,), jnp.float32)

        fire_streams(0, 0)
        wait_streams(0)
        fire_gathers(0)
        fire_streams(1, 1)

        @pl.loop(0, NWIN3 + 1, step=2)
        def _(g):
            for b in (0, 1):
                ob = 1 - b
                w = g + b

                @pl.when(w + 1 < NWIN3)
                def _():
                    wait_streams(ob)
                    fire_gathers(ob)

                @pl.when(w < NWIN3)
                def _():
                    wait_gathers(b)
                    compute(b)

                @pl.when(w + 2 < NWIN3)
                def _():
                    fire_streams(b, w + 2)

        pltpu.sync_copy(acc.at[pl.ds(0, CW * ACCP)],
                        outt_hbm.at[pl.ds(c * CW * ACCP, CW * ACCP)])


def _p3(hflat, alphat, src, dst):
    k = pl.kernel(
        _p3_body,
        out_type=jax.ShapeDtypeStruct((HO * ACCP,), jnp.float32),
        mesh=_mesh(),
        compiler_params=_sc_params(tc_tiling=False),
        scratch_types=[
            pltpu.VMEM((ACCSZ,), jnp.float32),
            pltpu.VMEM((W3, CW), jnp.float32),
            pltpu.VMEM((W3, CW), jnp.float32),
            pltpu.VMEM((W3,), jnp.int32),
            pltpu.VMEM((W3,), jnp.int32),
            pltpu.VMEM((W3,), jnp.int32),
            pltpu.VMEM((W3,), jnp.int32),
            pltpu.VMEM((W3,), jnp.float32),
            pltpu.VMEM((W3,), jnp.float32),
            pltpu.VMEM((W3,), jnp.int32),
            pltpu.VMEM((W3,), jnp.int32),
            pltpu.SemaphoreType.DMA,
            pltpu.SemaphoreType.DMA,
            pltpu.SemaphoreType.DMA,
            pltpu.SemaphoreType.DMA,
        ],
    )
    return k(hflat, alphat, src, dst)



def _p1_body(x_ref, w_ref, asrc_ref, adst_ref, h_ref, as_ref, ad_ref):
    h = jnp.dot(x_ref[...], w_ref[...], preferred_element_type=jnp.float32)
    h_ref[...] = h
    hr = h.reshape(h.shape[0], H, OUT)
    as_ref[...] = jnp.sum(hr * asrc_ref[...][None], axis=-1)
    ad_ref[...] = jnp.sum(hr * adst_ref[...][None], axis=-1)


def _p1(x, w, a_src, a_dst):
    bm = 400
    return pl.pallas_call(
        _p1_body,
        grid=(N // bm,),
        in_specs=[
            pl.BlockSpec((bm, IN), lambda i: (i, 0)),
            pl.BlockSpec((IN, HO), lambda i: (0, 0)),
            pl.BlockSpec((H, OUT), lambda i: (0, 0)),
            pl.BlockSpec((H, OUT), lambda i: (0, 0)),
        ],
        out_specs=[
            pl.BlockSpec((bm, HO), lambda i: (i, 0)),
            pl.BlockSpec((bm, H), lambda i: (i, 0)),
            pl.BlockSpec((bm, H), lambda i: (i, 0)),
        ],
        out_shape=[
            jax.ShapeDtypeStruct((N, HO), jnp.float32),
            jax.ShapeDtypeStruct((N, H), jnp.float32),
            jax.ShapeDtypeStruct((N, H), jnp.float32),
        ],
    )(x, w, a_src, a_dst)


def _p1b_body(ev_ref, we_ref, ae_ref, out_ref):
    ve = jnp.sum(we_ref[...].reshape(DE_, H, OUT) * ae_ref[...][None], axis=-1)
    out_ref[...] = jnp.dot(ev_ref[...], ve, preferred_element_type=jnp.float32)


def _p1b(ev, w_e, a_edge):
    bm = 2000
    return pl.pallas_call(
        _p1b_body,
        grid=(E // bm,),
        in_specs=[
            pl.BlockSpec((bm, DE_), lambda i: (i, 0)),
            pl.BlockSpec((DE_, HO), lambda i: (0, 0)),
            pl.BlockSpec((H, OUT), lambda i: (0, 0)),
        ],
        out_specs=pl.BlockSpec((bm, H), lambda i: (i, 0)),
        out_shape=jax.ShapeDtypeStruct((E, H), jnp.float32),
    )(ev, w_e, a_edge)


def _p2b_body(p_ref, out_ref):
    out_ref[...] = jnp.sum(p_ref[...], axis=0, keepdims=True)


def _p2b(denp):
    return pl.pallas_call(
        _p2b_body,
        out_shape=jax.ShapeDtypeStruct((1, 2 * N), jnp.float32),
    )(denp)


def _p4_body(t_ref, bias_ref, gamma_ref, beta_ref, out_ref):
    t = t_ref[...]
    z = 0.5 * (t[:OUT, :] + t[OUT:, :]) + bias_ref[...].reshape(OUT, 1)
    z = jnp.maximum(z, 0.0)
    mu = jnp.mean(z, axis=0, keepdims=True)
    var = jnp.mean((z - mu) ** 2, axis=0, keepdims=True)
    y = (z - mu) / jnp.sqrt(var + 1e-5)
    y = y * gamma_ref[...].reshape(OUT, 1) + beta_ref[...].reshape(OUT, 1)
    out_ref[...] = jnp.transpose(y)[None]


def _p4(outt, bias, gamma, beta):
    bn = 256
    return pl.pallas_call(
        _p4_body,
        grid=(NP // bn,),
        in_specs=[
            pl.BlockSpec((HO, bn), lambda i: (0, i)),
            pl.BlockSpec((1, OUT), lambda i: (0, 0)),
            pl.BlockSpec((1, OUT), lambda i: (0, 0)),
            pl.BlockSpec((1, OUT), lambda i: (0, 0)),
        ],
        out_specs=pl.BlockSpec((1, bn, OUT), lambda i: (0, i, 0)),
        out_shape=jax.ShapeDtypeStruct((1, N, OUT), jnp.float32),
    )(outt, bias, gamma, beta)



def kernel(x_nodes, edge_index, edge_values, W, a_src, a_dst, W_e, a_edge,
           bias, gamma, beta):
    x = x_nodes[0]
    src = edge_index[0]
    dst = edge_index[1]

    h, as_, ad_ = _p1(x, W, a_src, a_dst)
    ae = _p1b(edge_values, W_e, a_edge)

    pad = E_PAD - E
    src_p = jnp.pad(src, (0, pad))
    dst_p = jnp.pad(dst, (0, pad))
    ae_p = jnp.pad(ae.reshape(2 * E), (0, 2 * pad))
    as_f = as_.reshape(2 * N)
    ad_f = ad_.reshape(2 * N)

    denp = _p2a(src_p, dst_p, ae_p, as_f, ad_f)
    den_f = _p2b(denp).reshape(2 * N)
    alpha_f, alphat = _p2c(src_p, dst_p, ae_p, as_f, ad_f, den_f)

    hflat = h.reshape(N * NCHUNK, CW)
    outt = _p3(hflat, alphat, src, dst)

    out = _p4(outt.reshape(HO, ACCP), bias.reshape(1, OUT),
              gamma.reshape(1, OUT), beta.reshape(1, OUT))
    alpha = alpha_f.reshape(E, H)
    return out, edge_index, alpha

# --- scband reference (transcript-rebuilt; emitter-appended) ---
"""Pipeline reference for scband-graph-attention-layer-25847113187665 (READ-ONLY COPY).

The authoritative reference and input builder live on the scoring server;
editing this copy changes nothing except your own understanding.
"""

import jax, jax.numpy as jnp
import numpy as np

N = 10000
E = 160000
IN = 256
OUT = 256
H = 2
DE = 16


def setup_inputs(seed: int = 0) -> dict:
    key = jax.random.key(seed)
    ks = jax.random.split(key, 12)
    x_nodes = jax.random.normal(ks[0], (1, N, IN), dtype=jnp.float32)
    edge_index = jax.random.randint(ks[1], (2, E), 0, N, dtype=jnp.int32)
    edge_values = jax.random.normal(ks[2], (E, DE), dtype=jnp.float32)
    W = jax.random.normal(ks[3], (IN, H * OUT), dtype=jnp.float32) * 0.05
    a_src = jax.random.normal(ks[4], (H, OUT), dtype=jnp.float32) * 0.05
    a_dst = jax.random.normal(ks[5], (H, OUT), dtype=jnp.float32) * 0.05
    W_e = jax.random.normal(ks[6], (DE, H * OUT), dtype=jnp.float32) * 0.05
    a_edge = jax.random.normal(ks[7], (H, OUT), dtype=jnp.float32) * 0.05
    bias = jnp.zeros((OUT,), dtype=jnp.float32)
    gamma = jnp.ones((OUT,), dtype=jnp.float32)
    beta = jnp.zeros((OUT,), dtype=jnp.float32)
    return {
        "x_nodes": x_nodes,
        "edge_index": edge_index,
        "edge_values": edge_values,
        "W": W,
        "a_src": a_src,
        "a_dst": a_dst,
        "W_e": W_e,
        "a_edge": a_edge,
        "bias": bias,
        "gamma": gamma,
        "beta": beta,
    }


def reference(x_nodes, edge_index, edge_values, W, a_src, a_dst, W_e, a_edge, bias, gamma, beta):
    # Single graph in the batch loop (B=1); GATConv with edge attributes,
    # heads=2, concat=False (mean over heads), return_attention_weights=True.
    x = x_nodes[0]
    src = edge_index[0]
    dst = edge_index[1]
    h = (x @ W).reshape(N, H, OUT)
    he = (edge_values @ W_e).reshape(E, H, OUT)
    alpha_src = jnp.sum(h * a_src[None, :, :], axis=-1)  # [N, H]
    alpha_dst = jnp.sum(h * a_dst[None, :, :], axis=-1)  # [N, H]
    alpha_e = jnp.sum(he * a_edge[None, :, :], axis=-1)  # [E, H]
    e = alpha_src[src] + alpha_dst[dst] + alpha_e
    e = jax.nn.leaky_relu(e, negative_slope=0.2)
    emax = jax.ops.segment_max(e, dst, num_segments=N)
    emax = jnp.where(jnp.isfinite(emax), emax, 0.0)
    a = jnp.exp(e - emax[dst])
    denom = jax.ops.segment_sum(a, dst, num_segments=N)
    alpha = a / (denom[dst] + 1e-16)  # [E, H] attention weights
    msg = alpha[:, :, None] * h[src]
    out = jax.ops.segment_sum(msg, dst, num_segments=N)  # [N, H, OUT]
    out = jnp.mean(out, axis=1) + bias  # concat=False -> mean over heads
    out = out[None, :, :]  # [1, N, OUT]
    out = jax.nn.relu(out)
    mu = jnp.mean(out, axis=-1, keepdims=True)
    var = jnp.var(out, axis=-1, keepdims=True)
    out = (out - mu) / jnp.sqrt(var + 1e-5) * gamma + beta
    # return_dense=False path: nodes + reformatted edge dict (indices, attention values)
    return out, edge_index, alpha

if __name__ == "__main__":
    import jax
    _d = setup_inputs()
    print(jax.jit(kernel)(*tuple(_d.values())))

</pallas_src>

<mosaic_0001>
#map = affine_map<(d0, d1) -> (0)>
#map1 = affine_map<(d0, d1) -> (0, 0)>
module attributes {stable_mosaic.version = 14 : i64} {
  func.func @_p2a_body(%arg0: i32, %arg1: i32, %arg2: memref<160016xi32, #tpu.memory_space<hbm>>, %arg3: memref<160016xi32, #tpu.memory_space<hbm>>, %arg4: memref<320032xf32, #tpu.memory_space<hbm>>, %arg5: memref<20000xf32, #tpu.memory_space<hbm>>, %arg6: memref<20000xf32, #tpu.memory_space<hbm>>, %arg7: memref<32x20000xf32, #tpu.memory_space<hbm>>, %arg8: memref<20000xf32, #tpu.memory_space<vmem>>, %arg9: memref<20000xf32, #tpu.memory_space<vmem>>, %arg10: memref<20000xf32, #tpu.memory_space<vmem>>, %arg11: memref<5008xi32, #tpu.memory_space<vmem>>, %arg12: memref<5008xi32, #tpu.memory_space<vmem>>, %arg13: memref<10016xf32, #tpu.memory_space<vmem>>) attributes {dimension_semantics = [#tpu.dimension_semantics<core_parallel>, #tpu.dimension_semantics<subcore_parallel>], iteration_bounds = array<i64: 2, 16>, scalar_prefetch = 0 : i64, scratch_operands = 6 : i64, tpu.core_type = #tpu.core_type<sc_vector_subcore>, window_params = [{transform_indices = #map}, {transform_indices = #map}, {transform_indices = #map}, {transform_indices = #map}, {transform_indices = #map}, {transform_indices = #map1}]} {
    %mul3A = arith.constant 2 : i32
    %mul3A_0 = arith.muli %arg1, %mul3A : i32
    %add3A = arith.addi %mul3A_0, %arg0 : i32
    %lt3A = arith.constant 16 : i32
    %lt3A_1 = arith.cmpi slt, %add3A, %lt3A : i32
    %mul3A_2 = arith.constant 5008 : i32
    %mul3A_3 = arith.muli %add3A, %mul3A_2 : i32
    %sub3A = arith.constant 16 : i32
    %sub3A_4 = arith.subi %add3A, %sub3A : i32
    %mul3A_5 = arith.constant 4992 : i32
    %mul3A_6 = arith.muli %sub3A_4, %mul3A_5 : i32
    %add3A_7 = arith.constant 80128 : i32
    %add3A_8 = arith.addi %add3A_7, %mul3A_6 : i32
    %select_n3A = arith.select %lt3A_1, %mul3A_3, %add3A_8 : i32
    %lt3A_9 = arith.constant 16 : i32
    %lt3A_10 = arith.cmpi slt, %add3A, %lt3A_9 : i32
    %jit3A = arith.constant 313 : i32
    %jit3A_11 = arith.constant 312 : i32
    %select_n3A_12 = arith.select %lt3A_10, %jit3A, %jit3A_11 : i32
    "tpu.region"() ({
      %run_scoped3A = tpu.sem_alloc : memref<!tpu.dma_semaphore, #tpu.memory_space<semaphore_mem>>
      tpu.enqueue_dma source(%arg5 : memref<20000xf32, #tpu.memory_space<hbm>>) target(%arg8 : memref<20000xf32, #tpu.memory_space<vmem>>) target_semaphore(%run_scoped3A : memref<!tpu.dma_semaphore, #tpu.memory_space<semaphore_mem>>)
      tpu.wait_dma2 semaphore(%run_scoped3A : memref<!tpu.dma_semaphore, #tpu.memory_space<semaphore_mem>>) src(%arg5 : memref<20000xf32, #tpu.memory_space<hbm>>) dst(%arg8 : memref<20000xf32, #tpu.memory_space<vmem>>)
      tpu.yield
    }) : () -> ()
    "tpu.region"() ({
      %run_scoped3A = tpu.sem_alloc : memref<!tpu.dma_semaphore, #tpu.memory_space<semaphore_mem>>
      tpu.enqueue_dma source(%arg6 : memref<20000xf32, #tpu.memory_space<hbm>>) target(%arg9 : memref<20000xf32, #tpu.memory_space<vmem>>) target_semaphore(%run_scoped3A : memref<!tpu.dma_semaphore, #tpu.memory_space<semaphore_mem>>)
      tpu.wait_dma2 semaphore(%run_scoped3A : memref<!tpu.dma_semaphore, #tpu.memory_space<semaphore_mem>>) src(%arg6 : memref<20000xf32, #tpu.memory_space<hbm>>) dst(%arg9 : memref<20000xf32, #tpu.memory_space<vmem>>)
      tpu.yield
    }) : () -> ()
    %scan3A = arith.constant 0 : i32
    %scan3A_13 = arith.constant 1250 : i32
    %scan3A_14 = arith.addi %scan3A, %scan3A_13 : i32
    %scan3A_15 = arith.constant 1 : i32
    scf.for %scan3A_36 = %scan3A to %scan3A_14 step %scan3A_15  : i32 {
      %mul3A_37 = arith.constant 16 : i32
      %mul3A_38 = arith.muli %scan3A_36, %mul3A_37 : i32
      %add3A_39 = arith.constant 0 : i32
      %add3A_40 = arith.addi %add3A_39, %mul3A_38 : i32
      %broadcast_in_dim3A = arith.constant 0.000000e+00 : f32
      %broadcast_in_dim3A_41 = vector.broadcast %broadcast_in_dim3A : f32 to vector<16xf32>
      %swap3A = arith.index_cast %add3A_40 : i32 to index
      %swap3A_42 = tpu.vector_load %arg10[%swap3A] {strides = array<i32>} : memref<20000xf32, #tpu.memory_space<vmem>>, vector<16xf32>,
      tpu.vector_store %arg10[%swap3A], %broadcast_in_dim3A_41 {strides = array<i32>} : memref<20000xf32, #tpu.memory_space<vmem>>, vector<16xf32>,
    }
    %scan3A_16 = arith.constant 1250 : i32
    "tpu.region"() ({
      %run_scoped3A = tpu.sem_alloc : memref<!tpu.dma_semaphore, #tpu.memory_space<semaphore_mem>>
      %dma_start3A = tpu.memref_slice %arg2[%select_n3A] : memref<160016xi32, #tpu.memory_space<hbm>> -> memref<5008xi32, #tpu.memory_space<hbm>>
      %dma_start3A_36 = tpu.memref_slice %arg2[%select_n3A] : memref<160016xi32, #tpu.memory_space<hbm>> -> memref<5008xi32, #tpu.memory_space<hbm>>
      tpu.enqueue_dma source(%dma_start3A_36 : memref<5008xi32, #tpu.memory_space<hbm>>) target(%arg11 : memref<5008xi32, #tpu.memory_space<vmem>>) target_semaphore(%run_scoped3A : memref<!tpu.dma_semaphore, #tpu.memory_space<semaphore_mem>>)
      %dma_wait3A = tpu.memref_slice %arg2[%select_n3A] : memref<160016xi32, #tpu.memory_space<hbm>> -> memref<5008xi32, #tpu.memory_space<hbm>>
      %dma_wait3A_37 = tpu.memref_slice %arg2[%select_n3A] : memref<160016xi32, #tpu.memory_space<hbm>> -> memref<5008xi32, #tpu.memory_space<hbm>>
      tpu.wait_dma2 semaphore(%run_scoped3A : memref<!tpu.dma_semaphore, #tpu.memory_space<semaphore_mem>>) src(%dma_wait3A_37 : memref<5008xi32, #tpu.memory_space<hbm>>) dst(%arg11 : memref<5008xi32, #tpu.memory_space<vmem>>)
      tpu.yield
    }) : () -> ()
    "tpu.region"() ({
      %run_scoped3A = tpu.sem_alloc : memref<!tpu.dma_semaphore, #tpu.memory_space<semaphore_mem>>
      %dma_start3A = tpu.memref_slice %arg3[%select_n3A] : memref<160016xi32, #tpu.memory_space<hbm>> -> memref<5008xi32, #tpu.memory_space<hbm>>
      %dma_start3A_36 = tpu.memref_slice %arg3[%select_n3A] : memref<160016xi32, #tpu.memory_space<hbm>> -> memref<5008xi32, #tpu.memory_space<hbm>>
      tpu.enqueue_dma source(%dma_start3A_36 : memref<5008xi32, #tpu.memory_space<hbm>>) target(%arg12 : memref<5008xi32, #tpu.memory_space<vmem>>) target_semaphore(%run_scoped3A : memref<!tpu.dma_semaphore, #tpu.memory_space<semaphore_mem>>)
      %dma_wait3A = tpu.memref_slice %arg3[%select_n3A] : memref<160016xi32, #tpu.memory_space<hbm>> -> memref<5008xi32, #tpu.memory_space<hbm>>
      %dma_wait3A_37 = tpu.memref_slice %arg3[%select_n3A] : memref<160016xi32, #tpu.memory_space<hbm>> -> memref<5008xi32, #tpu.memory_space<hbm>>
      tpu.wait_dma2 semaphore(%run_scoped3A : memref<!tpu.dma_semaphore, #tpu.memory_space<semaphore_mem>>) src(%dma_wait3A_37 : memref<5008xi32, #tpu.memory_space<hbm>>) dst(%arg12 : memref<5008xi32, #tpu.memory_space<vmem>>)
      tpu.yield
    }) : () -> ()
    %mul3A_17 = arith.constant 2 : i32
    %mul3A_18 = arith.muli %mul3A_17, %select_n3A : i32
    "tpu.region"() ({
      %run_scoped3A = tpu.sem_alloc : memref<!tpu.dma_semaphore, #tpu.memory_space<semaphore_mem>>
      %dma_start3A = tpu.memref_slice %arg4[%mul3A_18] : memref<320032xf32, #tpu.memory_space<hbm>> -> memref<10016xf32, #tpu.memory_space<hbm>>
      %dma_start3A_36 = tpu.memref_slice %arg4[%mul3A_18] : memref<320032xf32, #tpu.memory_space<hbm>> -> memref<10016xf32, #tpu.memory_space<hbm>>
      tpu.enqueue_dma source(%dma_start3A_36 : memref<10016xf32, #tpu.memory_space<hbm>>) target(%arg13 : memref<10016xf32, #tpu.memory_space<vmem>>) target_semaphore(%run_scoped3A : memref<!tpu.dma_semaphore, #tpu.memory_space<semaphore_mem>>)
      %dma_wait3A = tpu.memref_slice %arg4[%mul3A_18] : memref<320032xf32, #tpu.memory_space<hbm>> -> memref<10016xf32, #tpu.memory_space<hbm>>
      %dma_wait3A_37 = tpu.memref_slice %arg4[%mul3A_18] : memref<320032xf32, #tpu.memory_space<hbm>> -> memref<10016xf32, #tpu.memory_space<hbm>>
      tpu.wait_dma2 semaphore(%run_scoped3A : memref<!tpu.dma_semaphore, #tpu.memory_space<semaphore_mem>>) src(%dma_wait3A_37 : memref<10016xf32, #tpu.memory_space<hbm>>) dst(%arg13 : memref<10016xf32, #tpu.memory_space<vmem>>)
      tpu.yield
    }) : () -> ()
    %iota3A = tpu.iota {dimensions = array<i32: 0>} : vector<16xi32>
    %sub3A_19 = arith.constant 0 : i32
    %sub3A_20 = arith.subi %select_n3A_12, %sub3A_19 : i32
    %sub3A_21 = arith.constant 1 : i32
    %sub3A_22 = arith.constant 1 : i32
    %sub3A_23 = arith.subi %sub3A_21, %sub3A_22 : i32
    %add3A_24 = arith.addi %sub3A_20, %sub3A_23 : i32
    %div3A = arith.constant 1 : i32
    %div3A_25 = arith.divsi %add3A_24, %div3A : i32
    %while3A = arith.constant 1 : i32
    %while3A_26 = arith.constant 0 : i32
    %while3A_27 = arith.constant 0 : i32
    %while3A_28 = arith.subi %div3A_25, %while3A_27 : i32
    %while3A_29 = arith.addi %while3A_27, %while3A_28 : i32
    %while3A_30 = arith.constant 1 : i32
    %while3A_31 = arith.divsi %while3A_28, %while3A_30 : i32
    %while3A_32 = arith.muli %while3A_31, %while3A_30 : i32
    %while3A_33 = arith.addi %while3A_27, %while3A_32 : i32
    %while3A_34 = arith.constant 1 : i32
    scf.for %while3A_36 = %while3A_27 to %while3A_33 step %while3A_34  : i32 {
      %mul3A_37 = arith.muli %while3A_36, %while3A : i32
      %add3A_38 = arith.addi %while3A_26, %mul3A_37 : i32
      %mul3A_39 = arith.constant 16 : i32
      %mul3A_40 = arith.muli %add3A_38, %mul3A_39 : i32
      %get3A = arith.index_cast %mul3A_40 : i32 to index
      %get3A_41 = tpu.vector_load %arg11[%get3A] {strides = array<i32>} : memref<5008xi32, #tpu.memory_space<vmem>>, vector<16xi32>,
      %mul3A_42 = arith.constant 16 : i32
      %mul3A_43 = arith.muli %add3A_38, %mul3A_42 : i32
      %get3A_44 = arith.index_cast %mul3A_43 : i32 to index
      %get3A_45 = tpu.vector_load %arg12[%get3A_44] {strides = array<i32>} : memref<5008xi32, #tpu.memory_space<vmem>>, vector<16xi32>,
      %mul3A_46 = arith.constant 2 : i32
      %mul3A_47 = vector.broadcast %mul3A_46 : i32 to vector<16xi32>
      %mul3A_48 = arith.muli %get3A_41, %mul3A_47 : vector<16xi32>
      %add3A_49 = arith.constant 0 : i32
      %add3A_50 = vector.broadcast %add3A_49 : i32 to vector<16xi32>
      %add3A_51 = arith.addi %mul3A_48, %add3A_50 : vector<16xi32>
      %gather3A = tpu.vector_load_idx %arg8[%add3A_51] : memref<20000xf32, #tpu.memory_space<vmem>>[vector<16xi32>], vector<16xf32>,
      %mul3A_52 = arith.constant 2 : i32
      %mul3A_53 = vector.broadcast %mul3A_52 : i32 to vector<16xi32>
      %mul3A_54 = arith.muli %get3A_45, %mul3A_53 : vector<16xi32>
      %add3A_55 = arith.constant 0 : i32
      %add3A_56 = vector.broadcast %add3A_55 : i32 to vector<16xi32>
      %add3A_57 = arith.addi %mul3A_54, %add3A_56 : vector<16xi32>
      %gather3A_58 = tpu.vector_load_idx %arg9[%add3A_57] : memref<20000xf32, #tpu.memory_space<vmem>>[vector<16xi32>], vector<16xf32>,
      %mul3A_59 = arith.constant 16 : i32
      %mul3A_60 = arith.muli %add3A_38, %mul3A_59 : i32
      %iota3A_61 = tpu.iota {dimensions = array<i32: 0>} : vector<16xi32>
      %add3A_62 = vector.broadcast %mul3A_60 : i32 to vector<16xi32>
      %add3A_63 = arith.addi %add3A_62, %iota3A_61 : vector<16xi32>
      %mul3A_64 = arith.constant 2 : i32
      %mul3A_65 = vector.broadcast %mul3A_64 : i32 to vector<16xi32>
      %mul3A_66 = arith.muli %add3A_63, %mul3A_65 : vector<16xi32>
      %add3A_67 = arith.constant 0 : i32
      %add3A_68 = vector.broadcast %add3A_67 : i32 to vector<16xi32>
      %add3A_69 = arith.addi %mul3A_66, %add3A_68 : vector<16xi32>
      %gather3A_70 = tpu.vector_load_idx %arg13[%add3A_69] : memref<10016xf32, #tpu.memory_space<vmem>>[vector<16xi32>], vector<16xf32>,
      %add3A_71 = arith.addf %gather3A, %gather3A_58 : vector<16xf32>
      %add3A_72 = arith.addf %add3A_71, %gather3A_70 : vector<16xf32>
      %mul3A_73 = arith.constant 2.000000e-01 : f32
      %mul3A_74 = vector.broadcast %mul3A_73 : f32 to vector<16xf32>
      %mul3A_75 = arith.mulf %mul3A_74, %add3A_72 : vector<16xf32>
      %max3A = arith.maximumf %add3A_72, %mul3A_75 : vector<16xf32>
      %exp3A = math.exp %max3A : vector<16xf32>
      %mul3A_76 = arith.constant 2 : i32
      %mul3A_77 = vector.broadcast %mul3A_76 : i32 to vector<16xi32>
      %mul3A_78 = arith.muli %get3A_45, %mul3A_77 : vector<16xi32>
      %add3A_79 = arith.constant 0 : i32
      %add3A_80 = vector.broadcast %add3A_79 : i32 to vector<16xi32>
      %add3A_81 = arith.addi %mul3A_78, %add3A_80 : vector<16xi32>
      %eq3A = arith.constant 0 : i32
      %eq3A_82 = vector.broadcast %eq3A : i32 to vector<16xi32>
      %eq3A_83 = arith.cmpi eq, %iota3A, %eq3A_82 : vector<16xi32>
      tpu.vector_store_idx %arg10[%add3A_81], %exp3A masked %eq3A_83 {add = true} : memref<20000xf32, #tpu.memory_space<vmem>>[vector<16xi32>], vector<16xf32>, vector<16xi1>
      %eq3A_84 = arith.constant 1 : i32
      %eq3A_85 = vector.broadcast %eq3A_84 : i32 to vector<16xi32>
      %eq3A_86 = arith.cmpi eq, %iota3A, %eq3A_85 : vector<16xi32>
      tpu.vector_store_idx %arg10[%add3A_81], %exp3A masked %eq3A_86 {add = true} : memref<20000xf32, #tpu.memory_space<vmem>>[vector<16xi32>], vector<16xf32>, vector<16xi1>
      %eq3A_87 = arith.constant 2 : i32
      %eq3A_88 = vector.broadcast %eq3A_87 : i32 to vector<16xi32>
      %eq3A_89 = arith.cmpi eq, %iota3A, %eq3A_88 : vector<16xi32>
      tpu.vector_store_idx %arg10[%add3A_81], %exp3A masked %eq3A_89 {add = true} : memref<20000xf32, #tpu.memory_space<vmem>>[vector<16xi32>], vector<16xf32>, vector<16xi1>
      %eq3A_90 = arith.constant 3 : i32
      %eq3A_91 = vector.broadcast %eq3A_90 : i32 to vector<16xi32>
      %eq3A_92 = arith.cmpi eq, %iota3A, %eq3A_91 : vector<16xi32>
      tpu.vector_store_idx %arg10[%add3A_81], %exp3A masked %eq3A_92 {add = true} : memref<20000xf32, #tpu.memory_space<vmem>>[vector<16xi32>], vector<16xf32>, vector<16xi1>
      %eq3A_93 = arith.constant 4 : i32
      %eq3A_94 = vector.broadcast %eq3A_93 : i32 to vector<16xi32>
      %eq3A_95 = arith.cmpi eq, %iota3A, %eq3A_94 : vector<16xi32>
      tpu.vector_store_idx %arg10[%add3A_81], %exp3A masked %eq3A_95 {add = true} : memref<20000xf32, #tpu.memory_space<vmem>>[vector<16xi32>], vector<16xf32>, vector<16xi1>
      %eq3A_96 = arith.constant 5 : i32
      %eq3A_97 = vector.broadcast %eq3A_96 : i32 to vector<16xi32>
      %eq3A_98 = arith.cmpi eq, %iota3A, %eq3A_97 : vector<16xi32>
      tpu.vector_store_idx %arg10[%add3A_81], %exp3A masked %eq3A_98 {add = true} : memref<20000xf32, #tpu.memory_space<vmem>>[vector<16xi32>], vector<16xf32>, vector<16xi1>
      %eq3A_99 = arith.constant 6 : i32
      %eq3A_100 = vector.broadcast %eq3A_99 : i32 to vector<16xi32>
      %eq3A_101 = arith.cmpi eq, %iota3A, %eq3A_100 : vector<16xi32>
      tpu.vector_store_idx %arg10[%add3A_81], %exp3A masked %eq3A_101 {add = true} : memref<20000xf32, #tpu.memory_space<vmem>>[vector<16xi32>], vector<16xf32>, vector<16xi1>
      %eq3A_102 = arith.constant 7 : i32
      %eq3A_103 = vector.broadcast %eq3A_102 : i32 to vector<16xi32>
      %eq3A_104 = arith.cmpi eq, %iota3A, %eq3A_103 : vector<16xi32>
      tpu.vector_store_idx %arg10[%add3A_81], %exp3A masked %eq3A_104 {add = true} : memref<20000xf32, #tpu.memory_space<vmem>>[vector<16xi32>], vector<16xf32>, vector<16xi1>
      %eq3A_105 = arith.constant 8 : i32
      %eq3A_106 = vector.broadcast %eq3A_105 : i32 to vector<16xi32>
      %eq3A_107 = arith.cmpi eq, %iota3A, %eq3A_106 : vector<16xi32>
      tpu.vector_store_idx %arg10[%add3A_81], %exp3A masked %eq3A_107 {add = true} : memref<20000xf32, #tpu.memory_space<vmem>>[vector<16xi32>], vector<16xf32>, vector<16xi1>
      %eq3A_108 = arith.constant 9 : i32
      %eq3A_109 = vector.broadcast %eq3A_108 : i32 to vector<16xi32>
      %eq3A_110 = arith.cmpi eq, %iota3A, %eq3A_109 : vector<16xi32>
      tpu.vector_store_idx %arg10[%add3A_81], %exp3A masked %eq3A_110 {add = true} : memref<20000xf32, #tpu.memory_space<vmem>>[vector<16xi32>], vector<16xf32>, vector<16xi1>
      %eq3A_111 = arith.constant 10 : i32
      %eq3A_112 = vector.broadcast %eq3A_111 : i32 to vector<16xi32>
      %eq3A_113 = arith.cmpi eq, %iota3A, %eq3A_112 : vector<16xi32>
      tpu.vector_store_idx %arg10[%add3A_81], %exp3A masked %eq3A_113 {add = true} : memref<20000xf32, #tpu.memory_space<vmem>>[vector<16xi32>], vector<16xf32>, vector<16xi1>
      %eq3A_114 = arith.constant 11 : i32
      %eq3A_115 = vector.broadcast %eq3A_114 : i32 to vector<16xi32>
      %eq3A_116 = arith.cmpi eq, %iota3A, %eq3A_115 : vector<16xi32>
      tpu.vector_store_idx %arg10[%add3A_81], %exp3A masked %eq3A_116 {add = true} : memref<20000xf32, #tpu.memory_space<vmem>>[vector<16xi32>], vector<16xf32>, vector<16xi1>
      %eq3A_117 = arith.constant 12 : i32
      %eq3A_118 = vector.broadcast %eq3A_117 : i32 to vector<16xi32>
      %eq3A_119 = arith.cmpi eq, %iota3A, %eq3A_118 : vector<16xi32>
      tpu.vector_store_idx %arg10[%add3A_81], %exp3A masked %eq3A_119 {add = true} : memref<20000xf32, #tpu.memory_space<vmem>>[vector<16xi32>], vector<16xf32>, vector<16xi1>
      %eq3A_120 = arith.constant 13 : i32
      %eq3A_121 = vector.broadcast %eq3A_120 : i32 to vector<16xi32>
      %eq3A_122 = arith.cmpi eq, %iota3A, %eq3A_121 : vector<16xi32>
      tpu.vector_store_idx %arg10[%add3A_81], %exp3A masked %eq3A_122 {add = true} : memref<20000xf32, #tpu.memory_space<vmem>>[vector<16xi32>], vector<16xf32>, vector<16xi1>
      %eq3A_123 = arith.constant 14 : i32
      %eq3A_124 = vector.broadcast %eq3A_123 : i32 to vector<16xi32>
      %eq3A_125 = arith.cmpi eq, %iota3A, %eq3A_124 : vector<16xi32>
      tpu.vector_store_idx %arg10[%add3A_81], %exp3A masked %eq3A_125 {add = true} : memref<20000xf32, #tpu.memory_space<vmem>>[vector<16xi32>], vector<16xf32>, vector<16xi1>
      %eq3A_126 = arith.constant 15 : i32
      %eq3A_127 = vector.broadcast %eq3A_126 : i32 to vector<16xi32>
      %eq3A_128 = arith.cmpi eq, %iota3A, %eq3A_127 : vector<16xi32>
      tpu.vector_store_idx %arg10[%add3A_81], %exp3A masked %eq3A_128 {add = true} : memref<20000xf32, #tpu.memory_space<vmem>>[vector<16xi32>], vector<16xf32>, vector<16xi1>
      %mul3A_129 = arith.constant 2 : i32
      %mul3A_130 = vector.broadcast %mul3A_129 : i32 to vector<16xi32>
      %mul3A_131 = arith.muli %get3A_41, %mul3A_130 : vector<16xi32>
      %add3A_132 = arith.constant 1 : i32
      %add3A_133 = vector.broadcast %add3A_132 : i32 to vector<16xi32>
      %add3A_134 = arith.addi %mul3A_131, %add3A_133 : vector<16xi32>
      %gather3A_135 = tpu.vector_load_idx %arg8[%add3A_134] : memref<20000xf32, #tpu.memory_space<vmem>>[vector<16xi32>], vector<16xf32>,
      %mul3A_136 = arith.constant 2 : i32
      %mul3A_137 = vector.broadcast %mul3A_136 : i32 to vector<16xi32>
      %mul3A_138 = arith.muli %get3A_45, %mul3A_137 : vector<16xi32>
      %add3A_139 = arith.constant 1 : i32
      %add3A_140 = vector.broadcast %add3A_139 : i32 to vector<16xi32>
      %add3A_141 = arith.addi %mul3A_138, %add3A_140 : vector<16xi32>
      %gather3A_142 = tpu.vector_load_idx %arg9[%add3A_141] : memref<20000xf32, #tpu.memory_space<vmem>>[vector<16xi32>], vector<16xf32>,
      %mul3A_143 = arith.constant 16 : i32
      %mul3A_144 = arith.muli %add3A_38, %mul3A_143 : i32
      %iota3A_145 = tpu.iota {dimensions = array<i32: 0>} : vector<16xi32>
      %add3A_146 = vector.broadcast %mul3A_144 : i32 to vector<16xi32>
      %add3A_147 = arith.addi %add3A_146, %iota3A_145 : vector<16xi32>
      %mul3A_148 = arith.constant 2 : i32
      %mul3A_149 = vector.broadcast %mul3A_148 : i32 to vector<16xi32>
      %mul3A_150 = arith.muli %add3A_147, %mul3A_149 : vector<16xi32>
      %add3A_151 = arith.constant 1 : i32
      %add3A_152 = vector.broadcast %add3A_151 : i32 to vector<16xi32>
      %add3A_153 = arith.addi %mul3A_150, %add3A_152 : vector<16xi32>
      %gather3A_154 = tpu.vector_load_idx %arg13[%add3A_153] : memref<10016xf32, #tpu.memory_space<vmem>>[vector<16xi32>], vector<16xf32>,
      %add3A_155 = arith.addf %gather3A_135, %gather3A_142 : vector<16xf32>
      %add3A_156 = arith.addf %add3A_155, %gather3A_154 : vector<16xf32>
      %mul3A_157 = arith.constant 2.000000e-01 : f32
      %mul3A_158 = vector.broadcast %mul3A_157 : f32 to vector<16xf32>
      %mul3A_159 = arith.mulf %mul3A_158, %add3A_156 : vector<16xf32>
      %max3A_160 = arith.maximumf %add3A_156, %mul3A_159 : vector<16xf32>
      %exp3A_161 = math.exp %max3A_160 : vector<16xf32>
      %mul3A_162 = arith.constant 2 : i32
      %mul3A_163 = vector.broadcast %mul3A_162 : i32 to vector<16xi32>
      %mul3A_164 = arith.muli %get3A_45, %mul3A_163 : vector<16xi32>
      %add3A_165 = arith.constant 1 : i32
      %add3A_166 = vector.broadcast %add3A_165 : i32 to vector<16xi32>
      %add3A_167 = arith.addi %mul3A_164, %add3A_166 : vector<16xi32>
      %eq3A_168 = arith.constant 0 : i32
      %eq3A_169 = vector.broadcast %eq3A_168 : i32 to vector<16xi32>
      %eq3A_170 = arith.cmpi eq, %iota3A, %eq3A_169 : vector<16xi32>
      tpu.vector_store_idx %arg10[%add3A_167], %exp3A_161 masked %eq3A_170 {add = true} : memref<20000xf32, #tpu.memory_space<vmem>>[vector<16xi32>], vector<16xf32>, vector<16xi1>
      %eq3A_171 = arith.constant 1 : i32
      %eq3A_172 = vector.broadcast %eq3A_171 : i32 to vector<16xi32>
      %eq3A_173 = arith.cmpi eq, %iota3A, %eq3A_172 : vector<16xi32>
      tpu.vector_store_idx %arg10[%add3A_167], %exp3A_161 masked %eq3A_173 {add = true} : memref<20000xf32, #tpu.memory_space<vmem>>[vector<16xi32>], vector<16xf32>, vector<16xi1>
      %eq3A_174 = arith.constant 2 : i32
      %eq3A_175 = vector.broadcast %eq3A_174 : i32 to vector<16xi32>
      %eq3A_176 = arith.cmpi eq, %iota3A, %eq3A_175 : vector<16xi32>
      tpu.vector_store_idx %arg10[%add3A_167], %exp3A_161 masked %eq3A_176 {add = true} : memref<20000xf32, #tpu.memory_space<vmem>>[vector<16xi32>], vector<16xf32>, vector<16xi1>
      %eq3A_177 = arith.constant 3 : i32
      %eq3A_178 = vector.broadcast %eq3A_177 : i32 to vector<16xi32>
      %eq3A_179 = arith.cmpi eq, %iota3A, %eq3A_178 : vector<16xi32>
      tpu.vector_store_idx %arg10[%add3A_167], %exp3A_161 masked %eq3A_179 {add = true} : memref<20000xf32, #tpu.memory_space<vmem>>[vector<16xi32>], vector<16xf32>, vector<16xi1>
      %eq3A_180 = arith.constant 4 : i32
      %eq3A_181 = vector.broadcast %eq3A_180 : i32 to vector<16xi32>
      %eq3A_182 = arith.cmpi eq, %iota3A, %eq3A_181 : vector<16xi32>
      tpu.vector_store_idx %arg10[%add3A_167], %exp3A_161 masked %eq3A_182 {add = true} : memref<20000xf32, #tpu.memory_space<vmem>>[vector<16xi32>], vector<16xf32>, vector<16xi1>
      %eq3A_183 = arith.constant 5 : i32
      %eq3A_184 = vector.broadcast %eq3A_183 : i32 to vector<16xi32>
      %eq3A_185 = arith.cmpi eq, %iota3A, %eq3A_184 : vector<16xi32>
      tpu.vector_store_idx %arg10[%add3A_167], %exp3A_161 masked %eq3A_185 {add = true} : memref<20000xf32, #tpu.memory_space<vmem>>[vector<16xi32>], vector<16xf32>, vector<16xi1>
      %eq3A_186 = arith.constant 6 : i32
      %eq3A_187 = vector.broadcast %eq3A_186 : i32 to vector<16xi32>
      %eq3A_188 = arith.cmpi eq, %iota3A, %eq3A_187 : vector<16xi32>
      tpu.vector_store_idx %arg10[%add3A_167], %exp3A_161 masked %eq3A_188 {add = true} : memref<20000xf32, #tpu.memory_space<vmem>>[vector<16xi32>], vector<16xf32>, vector<16xi1>
      %eq3A_189 = arith.constant 7 : i32
      %eq3A_190 = vector.broadcast %eq3A_189 : i32 to vector<16xi32>
      %eq3A_191 = arith.cmpi eq, %iota3A, %eq3A_190 : vector<16xi32>
      tpu.vector_store_idx %arg10[%add3A_167], %exp3A_161 masked %eq3A_191 {add = true} : memref<20000xf32, #tpu.memory_space<vmem>>[vector<16xi32>], vector<16xf32>, vector<16xi1>
      %eq3A_192 = arith.constant 8 : i32
      %eq3A_193 = vector.broadcast %eq3A_192 : i32 to vector<16xi32>
      %eq3A_194 = arith.cmpi eq, %iota3A, %eq3A_193 : vector<16xi32>
      tpu.vector_store_idx %arg10[%add3A_167], %exp3A_161 masked %eq3A_194 {add = true} : memref<20000xf32, #tpu.memory_space<vmem>>[vector<16xi32>], vector<16xf32>, vector<16xi1>
      %eq3A_195 = arith.constant 9 : i32
      %eq3A_196 = vector.broadcast %eq3A_195 : i32 to vector<16xi32>
      %eq3A_197 = arith.cmpi eq, %iota3A, %eq3A_196 : vector<16xi32>
      tpu.vector_store_idx %arg10[%add3A_167], %exp3A_161 masked %eq3A_197 {add = true} : memref<20000xf32, #tpu.memory_space<vmem>>[vector<16xi32>], vector<16xf32>, vector<16xi1>
      %eq3A_198 = arith.constant 10 : i32
      %eq3A_199 = vector.broadcast %eq3A_198 : i32 to vector<16xi32>
      %eq3A_200 = arith.cmpi eq, %iota3A, %eq3A_199 : vector<16xi32>
      tpu.vector_store_idx %arg10[%add3A_167], %exp3A_161 masked %eq3A_200 {add = true} : memref<20000xf32, #tpu.memory_space<vmem>>[vector<16xi32>], vector<16xf32>, vector<16xi1>
      %eq3A_201 = arith.constant 11 : i32
      %eq3A_202 = vector.broadcast %eq3A_201 : i32 to vector<16xi32>
      %eq3A_203 = arith.cmpi eq, %iota3A, %eq3A_202 : vector<16xi32>
      tpu.vector_store_idx %arg10[%add3A_167], %exp3A_161 masked %eq3A_203 {add = true} : memref<20000xf32, #tpu.memory_space<vmem>>[vector<16xi32>], vector<16xf32>, vector<16xi1>
      %eq3A_204 = arith.constant 12 : i32
      %eq3A_205 = vector.broadcast %eq3A_204 : i32 to vector<16xi32>
      %eq3A_206 = arith.cmpi eq, %iota3A, %eq3A_205 : vector<16xi32>
      tpu.vector_store_idx %arg10[%add3A_167], %exp3A_161 masked %eq3A_206 {add = true} : memref<20000xf32, #tpu.memory_space<vmem>>[vector<16xi32>], vector<16xf32>, vector<16xi1>
      %eq3A_207 = arith.constant 13 : i32
      %eq3A_208 = vector.broadcast %eq3A_207 : i32 to vector<16xi32>
      %eq3A_209 = arith.cmpi eq, %iota3A, %eq3A_208 : vector<16xi32>
      tpu.vector_store_idx %arg10[%add3A_167], %exp3A_161 masked %eq3A_209 {add = true} : memref<20000xf32, #tpu.memory_space<vmem>>[vector<16xi32>], vector<16xf32>, vector<16xi1>
      %eq3A_210 = arith.constant 14 : i32
      %eq3A_211 = vector.broadcast %eq3A_210 : i32 to vector<16xi32>
      %eq3A_212 = arith.cmpi eq, %iota3A, %eq3A_211 : vector<16xi32>
      tpu.vector_store_idx %arg10[%add3A_167], %exp3A_161 masked %eq3A_212 {add = true} : memref<20000xf32, #tpu.memory_space<vmem>>[vector<16xi32>], vector<16xf32>, vector<16xi1>
      %eq3A_213 = arith.constant 15 : i32
      %eq3A_214 = vector.broadcast %eq3A_213 : i32 to vector<16xi32>
      %eq3A_215 = arith.cmpi eq, %iota3A, %eq3A_214 : vector<16xi32>
      tpu.vector_store_idx %arg10[%add3A_167], %exp3A_161 masked %eq3A_215 {add = true} : memref<20000xf32, #tpu.memory_space<vmem>>[vector<16xi32>], vector<16xf32>, vector<16xi1>
    }
    %while3A_35 = arith.constant 1 : i32
    scf.for %while3A_36 = %while3A_33 to %while3A_29 step %while3A_35  : i32 {
      %mul3A_37 = arith.muli %while3A_36, %while3A : i32
      %add3A_38 = arith.addi %while3A_26, %mul3A_37 : i32
      %mul3A_39 = arith.constant 16 : i32
      %mul3A_40 = arith.muli %add3A_38, %mul3A_39 : i32
      %get3A = arith.index_cast %mul3A_40 : i32 to index
      %get3A_41 = tpu.vector_load %arg11[%get3A] {strides = array<i32>} : memref<5008xi32, #tpu.memory_space<vmem>>, vector<16xi32>,
      %mul3A_42 = arith.constant 16 : i32
      %mul3A_43 = arith.muli %add3A_38, %mul3A_42 : i32
      %get3A_44 = arith.index_cast %mul3A_43 : i32 to index
      %get3A_45 = tpu.vector_load %arg12[%get3A_44] {strides = array<i32>} : memref<5008xi32, #tpu.memory_space<vmem>>, vector<16xi32>,
      %mul3A_46 = arith.constant 2 : i32
      %mul3A_47 = vector.broadcast %mul3A_46 : i32 to vector<16xi32>
      %mul3A_48 = arith.muli %get3A_41, %mul3A_47 : vector<16xi32>
      %add3A_49 = arith.constant 0 : i32
      %add3A_50 = vector.broadcast %add3A_49 : i32 to vector<16xi32>
      %add3A_51 = arith.addi %mul3A_48, %add3A_50 : vector<16xi32>
      %gather3A = tpu.vector_load_idx %arg8[%add3A_51] : memref<20000xf32, #tpu.memory_space<vmem>>[vector<16xi32>], vector<16xf32>,
      %mul3A_52 = arith.constant 2 : i32
      %mul3A_53 = vector.broadcast %mul3A_52 : i32 to vector<16xi32>
      %mul3A_54 = arith.muli %get3A_45, %mul3A_53 : vector<16xi32>
      %add3A_55 = arith.constant 0 : i32
      %add3A_56 = vector.broadcast %add3A_55 : i32 to vector<16xi32>
      %add3A_57 = arith.addi %mul3A_54, %add3A_56 : vector<16xi32>
      %gather3A_58 = tpu.vector_load_idx %arg9[%add3A_57] : memref<20000xf32, #tpu.memory_space<vmem>>[vector<16xi32>], vector<16xf32>,
      %mul3A_59 = arith.constant 16 : i32
      %mul3A_60 = arith.muli %add3A_38, %mul3A_59 : i32
      %iota3A_61 = tpu.iota {dimensions = array<i32: 0>} : vector<16xi32>
      %add3A_62 = vector.broadcast %mul3A_60 : i32 to vector<16xi32>
      %add3A_63 = arith.addi %add3A_62, %iota3A_61 : vector<16xi32>
      %mul3A_64 = arith.constant 2 : i32
      %mul3A_65 = vector.broadcast %mul3A_64 : i32 to vector<16xi32>
      %mul3A_66 = arith.muli %add3A_63, %mul3A_65 : vector<16xi32>
      %add3A_67 = arith.constant 0 : i32
      %add3A_68 = vector.broadcast %add3A_67 : i32 to vector<16xi32>
      %add3A_69 = arith.addi %mul3A_66, %add3A_68 : vector<16xi32>
      %gather3A_70 = tpu.vector_load_idx %arg13[%add3A_69] : memref<10016xf32, #tpu.memory_space<vmem>>[vector<16xi32>], vector<16xf32>,
      %add3A_71 = arith.addf %gather3A, %gather3A_58 : vector<16xf32>
      %add3A_72 = arith.addf %add3A_71, %gather3A_70 : vector<16xf32>
      %mul3A_73 = arith.constant 2.000000e-01 : f32
      %mul3A_74 = vector.broadcast %mul3A_73 : f32 to vector<16xf32>
      %mul3A_75 = arith.mulf %mul3A_74, %add3A_72 : vector<16xf32>
      %max3A = arith.maximumf %add3A_72, %mul3A_75 : vector<16xf32>
      %exp3A = math.exp %max3A : vector<16xf32>
      %mul3A_76 = arith.constant 2 : i32
      %mul3A_77 = vector.broadcast %mul3A_76 : i32 to vector<16xi32>
      %mul3A_78 = arith.muli %get3A_45, %mul3A_77 : vector<16xi32>
      %add3A_79 = arith.constant 0 : i32
      %add3A_80 = vector.broadcast %add3A_79 : i32 to vector<16xi32>
      %add3A_81 = arith.addi %mul3A_78, %add3A_80 : vector<16xi32>
      %eq3A = arith.constant 0 : i32
      %eq3A_82 = vector.broadcast %eq3A : i32 to vector<16xi32>
      %eq3A_83 = arith.cmpi eq, %iota3A, %eq3A_82 : vector<16xi32>
      tpu.vector_store_idx %arg10[%add3A_81], %exp3A masked %eq3A_83 {add = true} : memref<20000xf32, #tpu.memory_space<vmem>>[vector<16xi32>], vector<16xf32>, vector<16xi1>
      %eq3A_84 = arith.constant 1 : i32
      %eq3A_85 = vector.broadcast %eq3A_84 : i32 to vector<16xi32>
      %eq3A_86 = arith.cmpi eq, %iota3A, %eq3A_85 : vector<16xi32>
      tpu.vector_store_idx %arg10[%add3A_81], %exp3A masked %eq3A_86 {add = true} : memref<20000xf32, #tpu.memory_space<vmem>>[vector<16xi32>], vector<16xf32>, vector<16xi1>
      %eq3A_87 = arith.constant 2 : i32
      %eq3A_88 = vector.broadcast %eq3A_87 : i32 to vector<16xi32>
      %eq3A_89 = arith.cmpi eq, %iota3A, %eq3A_88 : vector<16xi32>
      tpu.vector_store_idx %arg10[%add3A_81], %exp3A masked %eq3A_89 {add = true} : memref<20000xf32, #tpu.memory_space<vmem>>[vector<16xi32>], vector<16xf32>, vector<16xi1>
      %eq3A_90 = arith.constant 3 : i32
      %eq3A_91 = vector.broadcast %eq3A_90 : i32 to vector<16xi32>
      %eq3A_92 = arith.cmpi eq, %iota3A, %eq3A_91 : vector<16xi32>
      tpu.vector_store_idx %arg10[%add3A_81], %exp3A masked %eq3A_92 {add = true} : memref<20000xf32, #tpu.memory_space<vmem>>[vector<16xi32>], vector<16xf32>, vector<16xi1>
      %eq3A_93 = arith.constant 4 : i32
      %eq3A_94 = vector.broadcast %eq3A_93 : i32 to vector<16xi32>
      %eq3A_95 = arith.cmpi eq, %iota3A, %eq3A_94 : vector<16xi32>
      tpu.vector_store_idx %arg10[%add3A_81], %exp3A masked %eq3A_95 {add = true} : memref<20000xf32, #tpu.memory_space<vmem>>[vector<16xi32>], vector<16xf32>, vector<16xi1>
      %eq3A_96 = arith.constant 5 : i32
      %eq3A_97 = vector.broadcast %eq3A_96 : i32 to vector<16xi32>
      %eq3A_98 = arith.cmpi eq, %iota3A, %eq3A_97 : vector<16xi32>
      tpu.vector_store_idx %arg10[%add3A_81], %exp3A masked %eq3A_98 {add = true} : memref<20000xf32, #tpu.memory_space<vmem>>[vector<16xi32>], vector<16xf32>, vector<16xi1>
      %eq3A_99 = arith.constant 6 : i32
      %eq3A_100 = vector.broadcast %eq3A_99 : i32 to vector<16xi32>
      %eq3A_101 = arith.cmpi eq, %iota3A, %eq3A_100 : vector<16xi32>
      tpu.vector_store_idx %arg10[%add3A_81], %exp3A masked %eq3A_101 {add = true} : memref<20000xf32, #tpu.memory_space<vmem>>[vector<16xi32>], vector<16xf32>, vector<16xi1>
      %eq3A_102 = arith.constant 7 : i32
      %eq3A_103 = vector.broadcast %eq3A_102 : i32 to vector<16xi32>
      %eq3A_104 = arith.cmpi eq, %iota3A, %eq3A_103 : vector<16xi32>
      tpu.vector_store_idx %arg10[%add3A_81], %exp3A masked %eq3A_104 {add = true} : memref<20000xf32, #tpu.memory_space<vmem>>[vector<16xi32>], vector<16xf32>, vector<16xi1>
      %eq3A_105 = arith.constant 8 : i32
      %eq3A_106 = vector.broadcast %eq3A_105 : i32 to vector<16xi32>
      %eq3A_107 = arith.cmpi eq, %iota3A, %eq3A_106 : vector<16xi32>
      tpu.vector_store_idx %arg10[%add3A_81], %exp3A masked %eq3A_107 {add = true} : memref<20000xf32, #tpu.memory_space<vmem>>[vector<16xi32>], vector<16xf32>, vector<16xi1>
      %eq3A_108 = arith.constant 9 : i32
      %eq3A_109 = vector.broadcast %eq3A_108 : i32 to vector<16xi32>
      %eq3A_110 = arith.cmpi eq, %iota3A, %eq3A_109 : vector<16xi32>
      tpu.vector_store_idx %arg10[%add3A_81], %exp3A masked %eq3A_110 {add = true} : memref<20000xf32, #tpu.memory_space<vmem>>[vector<16xi32>], vector<16xf32>, vector<16xi1>
      %eq3A_111 = arith.constant 10 : i32
      %eq3A_112 = vector.broadcast %eq3A_111 : i32 to vector<16xi32>
      %eq3A_113 = arith.cmpi eq, %iota3A, %eq3A_112 : vector<16xi32>
      tpu.vector_store_idx %arg10[%add3A_81], %exp3A masked %eq3A_113 {add = true} : memref<20000xf32, #tpu.memory_space<vmem>>[vector<16xi32>], vector<16xf32>, vector<16xi1>
      %eq3A_114 = arith.constant 11 : i32
      %eq3A_115 = vector.broadcast %eq3A_114 : i32 to vector<16xi32>
      %eq3A_116 = arith.cmpi eq, %iota3A, %eq3A_115 : vector<16xi32>
      tpu.vector_store_idx %arg10[%add3A_81], %exp3A masked %eq3A_116 {add = true} : memref<20000xf32, #tpu.memory_space<vmem>>[vector<16xi32>], vector<16xf32>, vector<16xi1>
      %eq3A_117 = arith.constant 12 : i32
      %eq3A_118 = vector.broadcast %eq3A_117 : i32 to vector<16xi32>
      %eq3A_119 = arith.cmpi eq, %iota3A, %eq3A_118 : vector<16xi32>
      tpu.vector_store_idx %arg10[%add3A_81], %exp3A masked %eq3A_119 {add = true} : memref<20000xf32, #tpu.memory_space<vmem>>[vector<16xi32>], vector<16xf32>, vector<16xi1>
      %eq3A_120 = arith.constant 13 : i32
      %eq3A_121 = vector.broadcast %eq3A_120 : i32 to vector<16xi32>
      %eq3A_122 = arith.cmpi eq, %iota3A, %eq3A_121 : vector<16xi32>
      tpu.vector_store_idx %arg10[%add3A_81], %exp3A masked %eq3A_122 {add = true} : memref<20000xf32, #tpu.memory_space<vmem>>[vector<16xi32>], vector<16xf32>, vector<16xi1>
      %eq3A_123 = arith.constant 14 : i32
      %eq3A_124 = vector.broadcast %eq3A_123 : i32 to vector<16xi32>
      %eq3A_125 = arith.cmpi eq, %iota3A, %eq3A_124 : vector<16xi32>
      tpu.vector_store_idx %arg10[%add3A_81], %exp3A masked %eq3A_125 {add = true} : memref<20000xf32, #tpu.memory_space<vmem>>[vector<16xi32>], vector<16xf32>, vector<16xi1>
      %eq3A_126 = arith.constant 15 : i32
      %eq3A_127 = vector.broadcast %eq3A_126 : i32 to vector<16xi32>
      %eq3A_128 = arith.cmpi eq, %iota3A, %eq3A_127 : vector<16xi32>
      tpu.vector_store_idx %arg10[%add3A_81], %exp3A masked %eq3A_128 {add = true} : memref<20000xf32, #tpu.memory_space<vmem>>[vector<16xi32>], vector<16xf32>, vector<16xi1>
      %mul3A_129 = arith.constant 2 : i32
      %mul3A_130 = vector.broadcast %mul3A_129 : i32 to vector<16xi32>
      %mul3A_131 = arith.muli %get3A_41, %mul3A_130 : vector<16xi32>
      %add3A_132 = arith.constant 1 : i32
      %add3A_133 = vector.broadcast %add3A_132 : i32 to vector<16xi32>
      %add3A_134 = arith.addi %mul3A_131, %add3A_133 : vector<16xi32>
      %gather3A_135 = tpu.vector_load_idx %arg8[%add3A_134] : memref<20000xf32, #tpu.memory_space<vmem>>[vector<16xi32>], vector<16xf32>,
      %mul3A_136 = arith.constant 2 : i32
      %mul3A_137 = vector.broadcast %mul3A_136 : i32 to vector<16xi32>
      %mul3A_138 = arith.muli %get3A_45, %mul3A_137 : vector<16xi32>
      %add3A_139 = arith.constant 1 : i32
      %add3A_140 = vector.broadcast %add3A_139 : i32 to vector<16xi32>
      %add3A_141 = arith.addi %mul3A_138, %add3A_140 : vector<16xi32>
      %gather3A_142 = tpu.vector_load_idx %arg9[%add3A_141] : memref<20000xf32, #tpu.memory_space<vmem>>[vector<16xi32>], vector<16xf32>,
      %mul3A_143 = arith.constant 16 : i32
      %mul3A_144 = arith.muli %add3A_38, %mul3A_143 : i32
      %iota3A_145 = tpu.iota {dimensions = array<i32: 0>} : vector<16xi32>
      %add3A_146 = vector.broadcast %mul3A_144 : i32 to vector<16xi32>
      %add3A_147 = arith.addi %add3A_146, %iota3A_145 : vector<16xi32>
      %mul3A_148 = arith.constant 2 : i32
      %mul3A_149 = vector.broadcast %mul3A_148 : i32 to vector<16xi32>
      %mul3A_150 = arith.muli %add3A_147, %mul3A_149 : vector<16xi32>
      %add3A_151 = arith.constant 1 : i32
      %add3A_152 = vector.broadcast %add3A_151 : i32 to vector<16xi32>
      %add3A_153 = arith.addi %mul3A_150, %add3A_152 : vector<16xi32>
      %gather3A_154 = tpu.vector_load_idx %arg13[%add3A_153] : memref<10016xf32, #tpu.memory_space<vmem>>[vector<16xi32>], vector<16xf32>,
      %add3A_155 = arith.addf %gather3A_135, %gather3A_142 : vector<16xf32>
      %add3A_156 = arith.addf %add3A_155, %gather3A_154 : vector<16xf32>
      %mul3A_157 = arith.constant 2.000000e-01 : f32
      %mul3A_158 = vector.broadcast %mul3A_157 : f32 to vector<16xf32>
      %mul3A_159 = arith.mulf %mul3A_158, %add3A_156 : vector<16xf32>
      %max3A_160 = arith.maximumf %add3A_156, %mul3A_159 : vector<16xf32>
      %exp3A_161 = math.exp %max3A_160 : vector<16xf32>
      %mul3A_162 = arith.constant 2 : i32
      %mul3A_163 = vector.broadcast %mul3A_162 : i32 to vector<16xi32>
      %mul3A_164 = arith.muli %get3A_45, %mul3A_163 : vector<16xi32>
      %add3A_165 = arith.constant 1 : i32
      %add3A_166 = vector.broadcast %add3A_165 : i32 to vector<16xi32>
      %add3A_167 = arith.addi %mul3A_164, %add3A_166 : vector<16xi32>
      %eq3A_168 = arith.constant 0 : i32
      %eq3A_169 = vector.broadcast %eq3A_168 : i32 to vector<16xi32>
      %eq3A_170 = arith.cmpi eq, %iota3A, %eq3A_169 : vector<16xi32>
      tpu.vector_store_idx %arg10[%add3A_167], %exp3A_161 masked %eq3A_170 {add = true} : memref<20000xf32, #tpu.memory_space<vmem>>[vector<16xi32>], vector<16xf32>, vector<16xi1>
      %eq3A_171 = arith.constant 1 : i32
      %eq3A_172 = vector.broadcast %eq3A_171 : i32 to vector<16xi32>
      %eq3A_173 = arith.cmpi eq, %iota3A, %eq3A_172 : vector<16xi32>
      tpu.vector_store_idx %arg10[%add3A_167], %exp3A_161 masked %eq3A_173 {add = true} : memref<20000xf32, #tpu.memory_space<vmem>>[vector<16xi32>], vector<16xf32>, vector<16xi1>
      %eq3A_174 = arith.constant 2 : i32
      %eq3A_175 = vector.broadcast %eq3A_174 : i32 to vector<16xi32>
      %eq3A_176 = arith.cmpi eq, %iota3A, %eq3A_175 : vector<16xi32>
      tpu.vector_store_idx %arg10[%add3A_167], %exp3A_161 masked %eq3A_176 {add = true} : memref<20000xf32, #tpu.memory_space<vmem>>[vector<16xi32>], vector<16xf32>, vector<16xi1>
      %eq3A_177 = arith.constant 3 : i32
      %eq3A_178 = vector.broadcast %eq3A_177 : i32 to vector<16xi32>
      %eq3A_179 = arith.cmpi eq, %iota3A, %eq3A_178 : vector<16xi32>
      tpu.vector_store_idx %arg10[%add3A_167], %exp3A_161 masked %eq3A_179 {add = true} : memref<20000xf32, #tpu.memory_space<vmem>>[vector<16xi32>], vector<16xf32>, vector<16xi1>
      %eq3A_180 = arith.constant 4 : i32
      %eq3A_181 = vector.broadcast %eq3A_180 : i32 to vector<16xi32>
      %eq3A_182 = arith.cmpi eq, %iota3A, %eq3A_181 : vector<16xi32>
      tpu.vector_store_idx %arg10[%add3A_167], %exp3A_161 masked %eq3A_182 {add = true} : memref<20000xf32, #tpu.memory_space<vmem>>[vector<16xi32>], vector<16xf32>, vector<16xi1>
      %eq3A_183 = arith.constant 5 : i32
      %eq3A_184 = vector.broadcast %eq3A_183 : i32 to vector<16xi32>
      %eq3A_185 = arith.cmpi eq, %iota3A, %eq3A_184 : vector<16xi32>
      tpu.vector_store_idx %arg10[%add3A_167], %exp3A_161 masked %eq3A_185 {add = true} : memref<20000xf32, #tpu.memory_space<vmem>>[vector<16xi32>], vector<16xf32>, vector<16xi1>
      %eq3A_186 = arith.constant 6 : i32
      %eq3A_187 = vector.broadcast %eq3A_186 : i32 to vector<16xi32>
      %eq3A_188 = arith.cmpi eq, %iota3A, %eq3A_187 : vector<16xi32>
      tpu.vector_store_idx %arg10[%add3A_167], %exp3A_161 masked %eq3A_188 {add = true} : memref<20000xf32, #tpu.memory_space<vmem>>[vector<16xi32>], vector<16xf32>, vector<16xi1>
      %eq3A_189 = arith.constant 7 : i32
      %eq3A_190 = vector.broadcast %eq3A_189 : i32 to vector<16xi32>
      %eq3A_191 = arith.cmpi eq, %iota3A, %eq3A_190 : vector<16xi32>
      tpu.vector_store_idx %arg10[%add3A_167], %exp3A_161 masked %eq3A_191 {add = true} : memref<20000xf32, #tpu.memory_space<vmem>>[vector<16xi32>], vector<16xf32>, vector<16xi1>
      %eq3A_192 = arith.constant 8 : i32
      %eq3A_193 = vector.broadcast %eq3A_192 : i32 to vector<16xi32>
      %eq3A_194 = arith.cmpi eq, %iota3A, %eq3A_193 : vector<16xi32>
      tpu.vector_store_idx %arg10[%add3A_167], %exp3A_161 masked %eq3A_194 {add = true} : memref<20000xf32, #tpu.memory_space<vmem>>[vector<16xi32>], vector<16xf32>, vector<16xi1>
      %eq3A_195 = arith.constant 9 : i32
      %eq3A_196 = vector.broadcast %eq3A_195 : i32 to vector<16xi32>
      %eq3A_197 = arith.cmpi eq, %iota3A, %eq3A_196 : vector<16xi32>
      tpu.vector_store_idx %arg10[%add3A_167], %exp3A_161 masked %eq3A_197 {add = true} : memref<20000xf32, #tpu.memory_space<vmem>>[vector<16xi32>], vector<16xf32>, vector<16xi1>
      %eq3A_198 = arith.constant 10 : i32
      %eq3A_199 = vector.broadcast %eq3A_198 : i32 to vector<16xi32>
      %eq3A_200 = arith.cmpi eq, %iota3A, %eq3A_199 : vector<16xi32>
      tpu.vector_store_idx %arg10[%add3A_167], %exp3A_161 masked %eq3A_200 {add = true} : memref<20000xf32, #tpu.memory_space<vmem>>[vector<16xi32>], vector<16xf32>, vector<16xi1>
      %eq3A_201 = arith.constant 11 : i32
      %eq3A_202 = vector.broadcast %eq3A_201 : i32 to vector<16xi32>
      %eq3A_203 = arith.cmpi eq, %iota3A, %eq3A_202 : vector<16xi32>
      tpu.vector_store_idx %arg10[%add3A_167], %exp3A_161 masked %eq3A_203 {add = true} : memref<20000xf32, #tpu.memory_space<vmem>>[vector<16xi32>], vector<16xf32>, vector<16xi1>
      %eq3A_204 = arith.constant 12 : i32
      %eq3A_205 = vector.broadcast %eq3A_204 : i32 to vector<16xi32>
      %eq3A_206 = arith.cmpi eq, %iota3A, %eq3A_205 : vector<16xi32>
      tpu.vector_store_idx %arg10[%add3A_167], %exp3A_161 masked %eq3A_206 {add = true} : memref<20000xf32, #tpu.memory_space<vmem>>[vector<16xi32>], vector<16xf32>, vector<16xi1>
      %eq3A_207 = arith.constant 13 : i32
      %eq3A_208 = vector.broadcast %eq3A_207 : i32 to vector<16xi32>
      %eq3A_209 = arith.cmpi eq, %iota3A, %eq3A_208 : vector<16xi32>
      tpu.vector_store_idx %arg10[%add3A_167], %exp3A_161 masked %eq3A_209 {add = true} : memref<20000xf32, #tpu.memory_space<vmem>>[vector<16xi32>], vector<16xf32>, vector<16xi1>
      %eq3A_210 = arith.constant 14 : i32
      %eq3A_211 = vector.broadcast %eq3A_210 : i32 to vector<16xi32>
      %eq3A_212 = arith.cmpi eq, %iota3A, %eq3A_211 : vector<16xi32>
      tpu.vector_store_idx %arg10[%add3A_167], %exp3A_161 masked %eq3A_212 {add = true} : memref<20000xf32, #tpu.memory_space<vmem>>[vector<16xi32>], vector<16xf32>, vector<16xi1>
      %eq3A_213 = arith.constant 15 : i32
      %eq3A_214 = vector.broadcast %eq3A_213 : i32 to vector<16xi32>
      %eq3A_215 = arith.cmpi eq, %iota3A, %eq3A_214 : vector<16xi32>
      tpu.vector_store_idx %arg10[%add3A_167], %exp3A_161 masked %eq3A_215 {add = true} : memref<20000xf32, #tpu.memory_space<vmem>>[vector<16xi32>], vector<16xf32>, vector<16xi1>
    }
    "tpu.region"() ({
      %run_scoped3A = tpu.sem_alloc : memref<!tpu.dma_semaphore, #tpu.memory_space<semaphore_mem>>
      %dma_start3A = arith.constant 0 : i32
      %dma_start3A_36 = tpu.memref_slice %arg7[%add3A, %dma_start3A] : memref<32x20000xf32, #tpu.memory_space<hbm>> -> memref<1x20000xf32, #tpu.memory_space<hbm>>
      %dma_start3A_37 = tpu.memref_squeeze %dma_start3A_36 : memref<1x20000xf32, #tpu.memory_space<hbm>> -> memref<20000xf32, #tpu.memory_space<hbm>>
      %dma_start3A_38 = arith.constant 0 : i32
      %dma_start3A_39 = tpu.memref_slice %arg7[%add3A, %dma_start3A_38] : memref<32x20000xf32, #tpu.memory_space<hbm>> -> memref<1x20000xf32, #tpu.memory_space<hbm>>
      %dma_start3A_40 = tpu.memref_squeeze %dma_start3A_39 : memref<1x20000xf32, #tpu.memory_space<hbm>> -> memref<20000xf32, #tpu.memory_space<hbm>>
      tpu.enqueue_dma source(%arg10 : memref<20000xf32, #tpu.memory_space<vmem>>) target(%dma_start3A_40 : memref<20000xf32, #tpu.memory_space<hbm>>) target_semaphore(%run_scoped3A : memref<!tpu.dma_semaphore, #tpu.memory_space<semaphore_mem>>)
      %dma_wait3A = arith.constant 0 : i32
      %dma_wait3A_41 = tpu.memref_slice %arg7[%add3A, %dma_wait3A] : memref<32x20000xf32, #tpu.memory_space<hbm>> -> memref<1x20000xf32, #tpu.memory_space<hbm>>
      %dma_wait3A_42 = tpu.memref_squeeze %dma_wait3A_41 : memref<1x20000xf32, #tpu.memory_space<hbm>> -> memref<20000xf32, #tpu.memory_space<hbm>>
      %dma_wait3A_43 = arith.constant 0 : i32
      %dma_wait3A_44 = tpu.memref_slice %arg7[%add3A, %dma_wait3A_43] : memref<32x20000xf32, #tpu.memory_space<hbm>> -> memref<1x20000xf32, #tpu.memory_space<hbm>>
      %dma_wait3A_45 = tpu.memref_squeeze %dma_wait3A_44 : memref<1x20000xf32, #tpu.memory_space<hbm>> -> memref<20000xf32, #tpu.memory_space<hbm>>
      tpu.wait_dma2 semaphore(%run_scoped3A : memref<!tpu.dma_semaphore, #tpu.memory_space<semaphore_mem>>) src(%arg10 : memref<20000xf32, #tpu.memory_space<vmem>>) dst(%dma_wait3A_45 : memref<20000xf32, #tpu.memory_space<hbm>>)
      tpu.yield
    }) : () -> ()
    return
  }
}

#map = affine_map<(d0, d1) -> (0, 0)>
#map1 = affine_map<(d0, d1) -> (0)>
module attributes {stable_mosaic.version = 14 : i64} {
  func.func @_p3_body(%arg0: i32, %arg1: i32, %arg2: memref<640000x8xf32, #tpu.memory_space<hbm>>, %arg3: memref<320000xf32, #tpu.memory_space<hbm>>, %arg4: memref<160000xi32, #tpu.memory_space<hbm>>, %arg5: memref<160000xi32, #tpu.memory_space<hbm>>, %arg6: memref<5243392xf32, #tpu.memory_space<hbm>>, %arg7: memref<81936xf32, #tpu.memory_space<vmem>>, %arg8: memref<1280x8xf32, #tpu.memory_space<vmem>>, %arg9: memref<1280x8xf32, #tpu.memory_space<vmem>>, %arg10: memref<1280xi32, #tpu.memory_space<vmem>>, %arg11: memref<1280xi32, #tpu.memory_space<vmem>>, %arg12: memref<1280xi32, #tpu.memory_space<vmem>>, %arg13: memref<1280xi32, #tpu.memory_space<vmem>>, %arg14: memref<1280xf32, #tpu.memory_space<vmem>>, %arg15: memref<1280xf32, #tpu.memory_space<vmem>>, %arg16: memref<1280xi32, #tpu.memory_space<vmem>>, %arg17: memref<1280xi32, #tpu.memory_space<vmem>>, %arg18: memref<!tpu.dma_semaphore, #tpu.memory_space<semaphore_mem>>, %arg19: memref<!tpu.dma_semaphore, #tpu.memory_space<semaphore_mem>>, %arg20: memref<!tpu.dma_semaphore, #tpu.memory_space<semaphore_mem>>, %arg21: memref<!tpu.dma_semaphore, #tpu.memory_space<semaphore_mem>>) attributes {dimension_semantics = [#tpu.dimension_semantics<core_parallel>, #tpu.dimension_semantics<subcore_parallel>], iteration_bounds = array<i64: 2, 16>, scalar_prefetch = 0 : i64, scratch_operands = 15 : i64, tpu.core_type = #tpu.core_type<sc_vector_subcore>, window_params = [{transform_indices = #map}, {transform_indices = #map1}, {transform_indices = #map1}, {transform_indices = #map1}, {transform_indices = #map1}]} {
    %mul3A = arith.constant 2 : i32
    %mul3A_0 = arith.muli %arg1, %mul3A : i32
    %add3A = arith.addi %mul3A_0, %arg0 : i32
    %iota3A = tpu.iota {dimensions = array<i32: 0>} : vector<16xi32>
    %jit3A = arith.constant 8 : i32
    %eq3A = arith.constant 0 : i32
    %eq3A_1 = arith.cmpi eq, %jit3A, %eq3A : i32
    %jit3A_2 = arith.constant 1 : i32
    %select_n3A = arith.select %eq3A_1, %jit3A_2, %jit3A : i32
    %rem3A = vector.broadcast %select_n3A : i32 to vector<16xi32>
    %rem3A_3 = arith.remsi %iota3A, %rem3A : vector<16xi32>
    %ne3A = arith.constant 0 : i32
    %ne3A_4 = vector.broadcast %ne3A : i32 to vector<16xi32>
    %ne3A_5 = arith.cmpi ne, %rem3A_3, %ne3A_4 : vector<16xi32>
    %lt3A = arith.constant 0 : i32
    %lt3A_6 = vector.broadcast %lt3A : i32 to vector<16xi32>
    %lt3A_7 = arith.cmpi slt, %rem3A_3, %lt3A_6 : vector<16xi32>
    %lt3A_8 = arith.constant 0 : i32
    %lt3A_9 = arith.cmpi slt, %select_n3A, %lt3A_8 : i32
    %ne3A_10 = vector.broadcast %lt3A_9 : i1 to vector<16xi1>
    %ne3A_11 = vector.broadcast %ne3A_10 : vector<16xi1> to vector<16xi1>
    %ne3A_12 = arith.xori %lt3A_7, %ne3A_11 : vector<16xi1>
    %and3A = arith.andi %ne3A_12, %ne3A_5 : vector<16xi1>
    %add3A_13 = vector.broadcast %select_n3A : i32 to vector<16xi32>
    %add3A_14 = arith.addi %rem3A_3, %add3A_13 : vector<16xi32>
    %select_n3A_15 = arith.select %and3A, %add3A_14, %rem3A_3 : vector<16xi1>, vector<16xi32>
    %mul3A_16 = arith.constant 10241 : i32
    %mul3A_17 = vector.broadcast %mul3A_16 : i32 to vector<16xi32>
    %mul3A_18 = arith.muli %select_n3A_15, %mul3A_17 : vector<16xi32>
    %jit3A_19 = arith.constant 8 : i32
    %div3A = vector.broadcast %jit3A_19 : i32 to vector<16xi32>
    %div3A_20 = arith.divsi %iota3A, %div3A : vector<16xi32>
    %sign3A = arith.constant 0 : i32
    %sign3A_21 = vector.broadcast %sign3A : i32 to vector<16xi32>
    %sign3A_22 = arith.cmpi sgt, %iota3A, %sign3A_21 : vector<16xi32>
    %sign3A_23 = arith.extui %sign3A_22 : vector<16xi1> to vector<16xi32>
    %sign3A_24 = arith.constant 0 : i32
    %sign3A_25 = vector.broadcast %sign3A_24 : i32 to vector<16xi32>
    %sign3A_26 = arith.cmpi slt, %iota3A, %sign3A_25 : vector<16xi32>
    %sign3A_27 = arith.extui %sign3A_26 : vector<16xi1> to vector<16xi32>
    %sign3A_28 = arith.subi %sign3A_23, %sign3A_27 : vector<16xi32>
    %sign3A_29 = arith.constant 0 : i32
    %sign3A_30 = arith.cmpi sgt, %jit3A_19, %sign3A_29 : i32
    %sign3A_31 = arith.extui %sign3A_30 : i1 to i32
    %sign3A_32 = arith.constant 0 : i32
    %sign3A_33 = arith.cmpi slt, %jit3A_19, %sign3A_32 : i32
    %sign3A_34 = arith.extui %sign3A_33 : i1 to i32
    %sign3A_35 = arith.subi %sign3A_31, %sign3A_34 : i32
    %ne3A_36 = vector.broadcast %sign3A_35 : i32 to vector<16xi32>
    %ne3A_37 = arith.cmpi ne, %sign3A_28, %ne3A_36 : vector<16xi32>
    %rem3A_38 = vector.broadcast %jit3A_19 : i32 to vector<16xi32>
    %rem3A_39 = arith.remsi %iota3A, %rem3A_38 : vector<16xi32>
    %ne3A_40 = arith.constant 0 : i32
    %ne3A_41 = vector.broadcast %ne3A_40 : i32 to vector<16xi32>
    %ne3A_42 = arith.cmpi ne, %rem3A_39, %ne3A_41 : vector<16xi32>
    %and3A_43 = arith.andi %ne3A_37, %ne3A_42 : vector<16xi1>
    %sub3A = arith.constant 1 : i32
    %sub3A_44 = vector.broadcast %sub3A : i32 to vector<16xi32>
    %sub3A_45 = arith.subi %div3A_20, %sub3A_44 : vector<16xi32>
    %select_n3A_46 = arith.select %and3A_43, %sub3A_45, %div3A_20 : vector<16xi1>, vector<16xi32>
    %lt3A_47 = arith.constant 8 : i32
    %lt3A_48 = vector.broadcast %lt3A_47 : i32 to vector<16xi32>
    %lt3A_49 = arith.cmpi slt, %iota3A, %lt3A_48 : vector<16xi32>
    %ge3A = arith.constant 8 : i32
    %ge3A_50 = vector.broadcast %ge3A : i32 to vector<16xi32>
    %ge3A_51 = arith.cmpi sge, %iota3A, %ge3A_50 : vector<16xi32>
    %add3A_52 = arith.constant 0 : i32
    %add3A_53 = arith.addi %add3A, %add3A_52 : i32
    %parallel_loop3A = arith.constant 0 : i32
    %parallel_loop3A_54 = arith.constant 81936 : i32
    %parallel_loop3A_55 = arith.constant 16 : i32
    scf.for %parallel_loop3A_314 = %parallel_loop3A to %parallel_loop3A_54 step %parallel_loop3A_55  : i32 {
      %parallel_loop3A_315 = arith.constant 0.000000e+00 : f32
      %parallel_loop3A_316 = vector.broadcast %parallel_loop3A_315 : f32 to vector<16xf32>
      %parallel_loop3A_317 = arith.index_cast %parallel_loop3A_314 : i32 to index
      %parallel_loop3A_318 = tpu.vector_load %arg7[%parallel_loop3A_317] {strides = array<i32>} : memref<81936xf32, #tpu.memory_space<vmem>>, vector<16xf32>,
      tpu.vector_store %arg7[%parallel_loop3A_317], %parallel_loop3A_316 {strides = array<i32>} : memref<81936xf32, #tpu.memory_space<vmem>>, vector<16xf32>,
    } {sc.loop_unroll_factor = 1 : i64, sc.parallel_access}
    %dma_start3A = arith.constant 0 : i32
    %dma_start3A_56 = tpu.memref_slice %arg4[%dma_start3A] : memref<160000xi32, #tpu.memory_space<hbm>> -> memref<1280xi32, #tpu.memory_space<hbm>>
    %dma_start3A_57 = arith.constant 0 : i32
    %dma_start3A_58 = tpu.memref_slice %arg4[%dma_start3A_57] : memref<160000xi32, #tpu.memory_space<hbm>> -> memref<1280xi32, #tpu.memory_space<hbm>>
    tpu.enqueue_dma source(%dma_start3A_58 : memref<1280xi32, #tpu.memory_space<hbm>>) target(%arg10 : memref<1280xi32, #tpu.memory_space<vmem>>) target_semaphore(%arg18 : memref<!tpu.dma_semaphore, #tpu.memory_space<semaphore_mem>>)
    %dma_start3A_59 = arith.constant 0 : i32
    %dma_start3A_60 = tpu.memref_slice %arg5[%dma_start3A_59] : memref<160000xi32, #tpu.memory_space<hbm>> -> memref<1280xi32, #tpu.memory_space<hbm>>
    %dma_start3A_61 = arith.constant 0 : i32
    %dma_start3A_62 = tpu.memref_slice %arg5[%dma_start3A_61] : memref<160000xi32, #tpu.memory_space<hbm>> -> memref<1280xi32, #tpu.memory_space<hbm>>
    tpu.enqueue_dma source(%dma_start3A_62 : memref<1280xi32, #tpu.memory_space<hbm>>) target(%arg12 : memref<1280xi32, #tpu.memory_space<vmem>>) target_semaphore(%arg18 : memref<!tpu.dma_semaphore, #tpu.memory_space<semaphore_mem>>)
    %dma_start3A_63 = arith.constant 0 : i32
    %dma_start3A_64 = tpu.memref_slice %arg3[%dma_start3A_63] : memref<320000xf32, #tpu.memory_space<hbm>> -> memref<1280xf32, #tpu.memory_space<hbm>>
    %dma_start3A_65 = arith.constant 0 : i32
    %dma_start3A_66 = tpu.memref_slice %arg3[%dma_start3A_65] : memref<320000xf32, #tpu.memory_space<hbm>> -> memref<1280xf32, #tpu.memory_space<hbm>>
    tpu.enqueue_dma source(%dma_start3A_66 : memref<1280xf32, #tpu.memory_space<hbm>>) target(%arg14 : memref<1280xf32, #tpu.memory_space<vmem>>) target_semaphore(%arg18 : memref<!tpu.dma_semaphore, #tpu.memory_space<semaphore_mem>>)
    %dma_wait3A = arith.constant 0 : i32
    %dma_wait3A_67 = tpu.memref_slice %arg4[%dma_wait3A] : memref<160000xi32, #tpu.memory_space<hbm>> -> memref<1280xi32, #tpu.memory_space<hbm>>
    %dma_wait3A_68 = arith.constant 0 : i32
    %dma_wait3A_69 = tpu.memref_slice %arg4[%dma_wait3A_68] : memref<160000xi32, #tpu.memory_space<hbm>> -> memref<1280xi32, #tpu.memory_space<hbm>>
    tpu.wait_dma2 semaphore(%arg18 : memref<!tpu.dma_semaphore, #tpu.memory_space<semaphore_mem>>) src(%dma_wait3A_69 : memref<1280xi32, #tpu.memory_space<hbm>>) dst(%arg10 : memref<1280xi32, #tpu.memory_space<vmem>>)
    %dma_wait3A_70 = arith.constant 0 : i32
    %dma_wait3A_71 = tpu.memref_slice %arg4[%dma_wait3A_70] : memref<160000xi32, #tpu.memory_space<hbm>> -> memref<1280xi32, #tpu.memory_space<hbm>>
    %dma_wait3A_72 = arith.constant 0 : i32
    %dma_wait3A_73 = tpu.memref_slice %arg4[%dma_wait3A_72] : memref<160000xi32, #tpu.memory_space<hbm>> -> memref<1280xi32, #tpu.memory_space<hbm>>
    tpu.wait_dma2 semaphore(%arg18 : memref<!tpu.dma_semaphore, #tpu.memory_space<semaphore_mem>>) src(%dma_wait3A_73 : memref<1280xi32, #tpu.memory_space<hbm>>) dst(%arg12 : memref<1280xi32, #tpu.memory_space<vmem>>)
    %dma_wait3A_74 = arith.constant 0 : i32
    %dma_wait3A_75 = tpu.memref_slice %arg4[%dma_wait3A_74] : memref<160000xi32, #tpu.memory_space<hbm>> -> memref<1280xi32, #tpu.memory_space<hbm>>
    %dma_wait3A_76 = arith.constant 0 : i32
    %dma_wait3A_77 = tpu.memref_slice %arg4[%dma_wait3A_76] : memref<160000xi32, #tpu.memory_space<hbm>> -> memref<1280xi32, #tpu.memory_space<hbm>>
    tpu.wait_dma2 semaphore(%arg18 : memref<!tpu.dma_semaphore, #tpu.memory_space<semaphore_mem>>) src(%dma_wait3A_77 : memref<1280xi32, #tpu.memory_space<hbm>>) dst(%arg14 : memref<1280xf32, #tpu.memory_space<vmem>>)
    %parallel_loop3A_78 = arith.constant 0 : i32
    %parallel_loop3A_79 = arith.constant 80 : i32
    %parallel_loop3A_80 = arith.constant 1 : i32
    scf.for %parallel_loop3A_314 = %parallel_loop3A_78 to %parallel_loop3A_79 step %parallel_loop3A_80  : i32 {
      %parallel_loop3A_315 = arith.constant 16 : i32
      %parallel_loop3A_316 = arith.muli %parallel_loop3A_314, %parallel_loop3A_315 : i32
      %parallel_loop3A_317 = arith.index_cast %parallel_loop3A_316 : i32 to index
      %parallel_loop3A_318 = tpu.vector_load %arg10[%parallel_loop3A_317] {strides = array<i32>} : memref<1280xi32, #tpu.memory_space<vmem>>, vector<16xi32>,
      %parallel_loop3A_319 = arith.constant 64 : i32
      %parallel_loop3A_320 = vector.broadcast %parallel_loop3A_319 : i32 to vector<16xi32>
      %parallel_loop3A_321 = arith.muli %parallel_loop3A_318, %parallel_loop3A_320 : vector<16xi32>
      %parallel_loop3A_322 = vector.broadcast %add3A_53 : i32 to vector<16xi32>
      %parallel_loop3A_323 = arith.addi %parallel_loop3A_321, %parallel_loop3A_322 : vector<16xi32>
      %parallel_loop3A_324 = arith.constant 16 : i32
      %parallel_loop3A_325 = arith.muli %parallel_loop3A_314, %parallel_loop3A_324 : i32
      %parallel_loop3A_326 = arith.index_cast %parallel_loop3A_325 : i32 to index
      %parallel_loop3A_327 = tpu.vector_load %arg16[%parallel_loop3A_326] {strides = array<i32>} : memref<1280xi32, #tpu.memory_space<vmem>>, vector<16xi32>,
      tpu.vector_store %arg16[%parallel_loop3A_326], %parallel_loop3A_323 {strides = array<i32>} : memref<1280xi32, #tpu.memory_space<vmem>>, vector<16xi32>,
    } {sc.loop_unroll_factor = 1 : i64, sc.parallel_access}
    %dma_start3A_81 = arith.constant 0 : i32
    %dma_start3A_82 = arith.constant 0 : i32
    %dma_start3A_83 = tpu.memref_slice %arg8[%dma_start3A_81, %dma_start3A_82] : memref<1280x8xf32, #tpu.memory_space<vmem>> -> memref<128x8xf32, #tpu.memory_space<vmem>>
    %dma_start3A_84 = arith.constant 0 : i32
    %dma_start3A_85 = tpu.memref_slice %arg16[%dma_start3A_84] : memref<1280xi32, #tpu.memory_space<vmem>> -> memref<128xi32, #tpu.memory_space<vmem>>
    %dma_start3A_86 = arith.constant 0 : i32
    %dma_start3A_87 = arith.constant 0 : i32
    %dma_start3A_88 = tpu.memref_slice %arg2[%dma_start3A_86, %dma_start3A_87] : memref<640000x8xf32, #tpu.memory_space<hbm>> -> memref<640000x8xf32, #tpu.memory_space<hbm>>
    tpu.enqueue_indirect_dma source(%dma_start3A_88 : memref<640000x8xf32, #tpu.memory_space<hbm>>) target(%dma_start3A_83 : memref<128x8xf32, #tpu.memory_space<vmem>>) offsets(%dma_start3A_85 : memref<128xi32, #tpu.memory_space<vmem>>) semaphore(%arg20 : memref<!tpu.dma_semaphore, #tpu.memory_space<semaphore_mem>>)
    %dma_start3A_89 = arith.constant 128 : i32
    %dma_start3A_90 = arith.constant 0 : i32
    %dma_start3A_91 = tpu.memref_slice %arg8[%dma_start3A_89, %dma_start3A_90] : memref<1280x8xf32, #tpu.memory_space<vmem>> -> memref<128x8xf32, #tpu.memory_space<vmem>>
    %dma_start3A_92 = arith.constant 128 : i32
    %dma_start3A_93 = tpu.memref_slice %arg16[%dma_start3A_92] : memref<1280xi32, #tpu.memory_space<vmem>> -> memref<128xi32, #tpu.memory_space<vmem>>
    %dma_start3A_94 = arith.constant 0 : i32
    %dma_start3A_95 = arith.constant 0 : i32
    %dma_start3A_96 = tpu.memref_slice %arg2[%dma_start3A_94, %dma_start3A_95] : memref<640000x8xf32, #tpu.memory_space<hbm>> -> memref<640000x8xf32, #tpu.memory_space<hbm>>
    tpu.enqueue_indirect_dma source(%dma_start3A_96 : memref<640000x8xf32, #tpu.memory_space<hbm>>) target(%dma_start3A_91 : memref<128x8xf32, #tpu.memory_space<vmem>>) offsets(%dma_start3A_93 : memref<128xi32, #tpu.memory_space<vmem>>) semaphore(%arg20 : memref<!tpu.dma_semaphore, #tpu.memory_space<semaphore_mem>>)
    %dma_start3A_97 = arith.constant 256 : i32
    %dma_start3A_98 = arith.constant 0 : i32
    %dma_start3A_99 = tpu.memref_slice %arg8[%dma_start3A_97, %dma_start3A_98] : memref<1280x8xf32, #tpu.memory_space<vmem>> -> memref<128x8xf32, #tpu.memory_space<vmem>>
    %dma_start3A_100 = arith.constant 256 : i32
    %dma_start3A_101 = tpu.memref_slice %arg16[%dma_start3A_100] : memref<1280xi32, #tpu.memory_space<vmem>> -> memref<128xi32, #tpu.memory_space<vmem>>
    %dma_start3A_102 = arith.constant 0 : i32
    %dma_start3A_103 = arith.constant 0 : i32
    %dma_start3A_104 = tpu.memref_slice %arg2[%dma_start3A_102, %dma_start3A_103] : memref<640000x8xf32, #tpu.memory_space<hbm>> -> memref<640000x8xf32, #tpu.memory_space<hbm>>
    tpu.enqueue_indirect_dma source(%dma_start3A_104 : memref<640000x8xf32, #tpu.memory_space<hbm>>) target(%dma_start3A_99 : memref<128x8xf32, #tpu.memory_space<vmem>>) offsets(%dma_start3A_101 : memref<128xi32, #tpu.memory_space<vmem>>) semaphore(%arg20 : memref<!tpu.dma_semaphore, #tpu.memory_space<semaphore_mem>>)
    %dma_start3A_105 = arith.constant 384 : i32
    %dma_start3A_106 = arith.constant 0 : i32
    %dma_start3A_107 = tpu.memref_slice %arg8[%dma_start3A_105, %dma_start3A_106] : memref<1280x8xf32, #tpu.memory_space<vmem>> -> memref<128x8xf32, #tpu.memory_space<vmem>>
    %dma_start3A_108 = arith.constant 384 : i32
    %dma_start3A_109 = tpu.memref_slice %arg16[%dma_start3A_108] : memref<1280xi32, #tpu.memory_space<vmem>> -> memref<128xi32, #tpu.memory_space<vmem>>
    %dma_start3A_110 = arith.constant 0 : i32
    %dma_start3A_111 = arith.constant 0 : i32
    %dma_start3A_112 = tpu.memref_slice %arg2[%dma_start3A_110, %dma_start3A_111] : memref<640000x8xf32, #tpu.memory_space<hbm>> -> memref<640000x8xf32, #tpu.memory_space<hbm>>
    tpu.enqueue_indirect_dma source(%dma_start3A_112 : memref<640000x8xf32, #tpu.memory_space<hbm>>) target(%dma_start3A_107 : memref<128x8xf32, #tpu.memory_space<vmem>>) offsets(%dma_start3A_109 : memref<128xi32, #tpu.memory_space<vmem>>) semaphore(%arg20 : memref<!tpu.dma_semaphore, #tpu.memory_space<semaphore_mem>>)
    %dma_start3A_113 = arith.constant 512 : i32
    %dma_start3A_114 = arith.constant 0 : i32
    %dma_start3A_115 = tpu.memref_slice %arg8[%dma_start3A_113, %dma_start3A_114] : memref<1280x8xf32, #tpu.memory_space<vmem>> -> memref<128x8xf32, #tpu.memory_space<vmem>>
    %dma_start3A_116 = arith.constant 512 : i32
    %dma_start3A_117 = tpu.memref_slice %arg16[%dma_start3A_116] : memref<1280xi32, #tpu.memory_space<vmem>> -> memref<128xi32, #tpu.memory_space<vmem>>
    %dma_start3A_118 = arith.constant 0 : i32
    %dma_start3A_119 = arith.constant 0 : i32
    %dma_start3A_120 = tpu.memref_slice %arg2[%dma_start3A_118, %dma_start3A_119] : memref<640000x8xf32, #tpu.memory_space<hbm>> -> memref<640000x8xf32, #tpu.memory_space<hbm>>
    tpu.enqueue_indirect_dma source(%dma_start3A_120 : memref<640000x8xf32, #tpu.memory_space<hbm>>) target(%dma_start3A_115 : memref<128x8xf32, #tpu.memory_space<vmem>>) offsets(%dma_start3A_117 : memref<128xi32, #tpu.memory_space<vmem>>) semaphore(%arg20 : memref<!tpu.dma_semaphore, #tpu.memory_space<semaphore_mem>>)
    %dma_start3A_121 = arith.constant 640 : i32
    %dma_start3A_122 = arith.constant 0 : i32
    %dma_start3A_123 = tpu.memref_slice %arg8[%dma_start3A_121, %dma_start3A_122] : memref<1280x8xf32, #tpu.memory_space<vmem>> -> memref<128x8xf32, #tpu.memory_space<vmem>>
    %dma_start3A_124 = arith.constant 640 : i32
    %dma_start3A_125 = tpu.memref_slice %arg16[%dma_start3A_124] : memref<1280xi32, #tpu.memory_space<vmem>> -> memref<128xi32, #tpu.memory_space<vmem>>
    %dma_start3A_126 = arith.constant 0 : i32
    %dma_start3A_127 = arith.constant 0 : i32
    %dma_start3A_128 = tpu.memref_slice %arg2[%dma_start3A_126, %dma_start3A_127] : memref<640000x8xf32, #tpu.memory_space<hbm>> -> memref<640000x8xf32, #tpu.memory_space<hbm>>
    tpu.enqueue_indirect_dma source(%dma_start3A_128 : memref<640000x8xf32, #tpu.memory_space<hbm>>) target(%dma_start3A_123 : memref<128x8xf32, #tpu.memory_space<vmem>>) offsets(%dma_start3A_125 : memref<128xi32, #tpu.memory_space<vmem>>) semaphore(%arg20 : memref<!tpu.dma_semaphore, #tpu.memory_space<semaphore_mem>>)
    %dma_start3A_129 = arith.constant 768 : i32
    %dma_start3A_130 = arith.constant 0 : i32
    %dma_start3A_131 = tpu.memref_slice %arg8[%dma_start3A_129, %dma_start3A_130] : memref<1280x8xf32, #tpu.memory_space<vmem>> -> memref<128x8xf32, #tpu.memory_space<vmem>>
    %dma_start3A_132 = arith.constant 768 : i32
    %dma_start3A_133 = tpu.memref_slice %arg16[%dma_start3A_132] : memref<1280xi32, #tpu.memory_space<vmem>> -> memref<128xi32, #tpu.memory_space<vmem>>
    %dma_start3A_134 = arith.constant 0 : i32
    %dma_start3A_135 = arith.constant 0 : i32
    %dma_start3A_136 = tpu.memref_slice %arg2[%dma_start3A_134, %dma_start3A_135] : memref<640000x8xf32, #tpu.memory_space<hbm>> -> memref<640000x8xf32, #tpu.memory_space<hbm>>
    tpu.enqueue_indirect_dma source(%dma_start3A_136 : memref<640000x8xf32, #tpu.memory_space<hbm>>) target(%dma_start3A_131 : memref<128x8xf32, #tpu.memory_space<vmem>>) offsets(%dma_start3A_133 : memref<128xi32, #tpu.memory_space<vmem>>) semaphore(%arg20 : memref<!tpu.dma_semaphore, #tpu.memory_space<semaphore_mem>>)
    %dma_start3A_137 = arith.constant 896 : i32
    %dma_start3A_138 = arith.constant 0 : i32
    %dma_start3A_139 = tpu.memref_slice %arg8[%dma_start3A_137, %dma_start3A_138] : memref<1280x8xf32, #tpu.memory_space<vmem>> -> memref<128x8xf32, #tpu.memory_space<vmem>>
    %dma_start3A_140 = arith.constant 896 : i32
    %dma_start3A_141 = tpu.memref_slice %arg16[%dma_start3A_140] : memref<1280xi32, #tpu.memory_space<vmem>> -> memref<128xi32, #tpu.memory_space<vmem>>
    %dma_start3A_142 = arith.constant 0 : i32
    %dma_start3A_143 = arith.constant 0 : i32
    %dma_start3A_144 = tpu.memref_slice %arg2[%dma_start3A_142, %dma_start3A_143] : memref<640000x8xf32, #tpu.memory_space<hbm>> -> memref<640000x8xf32, #tpu.memory_space<hbm>>
    tpu.enqueue_indirect_dma source(%dma_start3A_144 : memref<640000x8xf32, #tpu.memory_space<hbm>>) target(%dma_start3A_139 : memref<128x8xf32, #tpu.memory_space<vmem>>) offsets(%dma_start3A_141 : memref<128xi32, #tpu.memory_space<vmem>>) semaphore(%arg20 : memref<!tpu.dma_semaphore, #tpu.memory_space<semaphore_mem>>)
    %dma_start3A_145 = arith.constant 1024 : i32
    %dma_start3A_146 = arith.constant 0 : i32
    %dma_start3A_147 = tpu.memref_slice %arg8[%dma_start3A_145, %dma_start3A_146] : memref<1280x8xf32, #tpu.memory_space<vmem>> -> memref<128x8xf32, #tpu.memory_space<vmem>>
    %dma_start3A_148 = arith.constant 1024 : i32
    %dma_start3A_149 = tpu.memref_slice %arg16[%dma_start3A_148] : memref<1280xi32, #tpu.memory_space<vmem>> -> memref<128xi32, #tpu.memory_space<vmem>>
    %dma_start3A_150 = arith.constant 0 : i32
    %dma_start3A_151 = arith.constant 0 : i32
    %dma_start3A_152 = tpu.memref_slice %arg2[%dma_start3A_150, %dma_start3A_151] : memref<640000x8xf32, #tpu.memory_space<hbm>> -> memref<640000x8xf32, #tpu.memory_space<hbm>>
    tpu.enqueue_indirect_dma source(%dma_start3A_152 : memref<640000x8xf32, #tpu.memory_space<hbm>>) target(%dma_start3A_147 : memref<128x8xf32, #tpu.memory_space<vmem>>) offsets(%dma_start3A_149 : memref<128xi32, #tpu.memory_space<vmem>>) semaphore(%arg20 : memref<!tpu.dma_semaphore, #tpu.memory_space<semaphore_mem>>)
    %dma_start3A_153 = arith.constant 1152 : i32
    %dma_start3A_154 = arith.constant 0 : i32
    %dma_start3A_155 = tpu.memref_slice %arg8[%dma_start3A_153, %dma_start3A_154] : memref<1280x8xf32, #tpu.memory_space<vmem>> -> memref<128x8xf32, #tpu.memory_space<vmem>>
    %dma_start3A_156 = arith.constant 1152 : i32
    %dma_start3A_157 = tpu.memref_slice %arg16[%dma_start3A_156] : memref<1280xi32, #tpu.memory_space<vmem>> -> memref<128xi32, #tpu.memory_space<vmem>>
    %dma_start3A_158 = arith.constant 0 : i32
    %dma_start3A_159 = arith.constant 0 : i32
    %dma_start3A_160 = tpu.memref_slice %arg2[%dma_start3A_158, %dma_start3A_159] : memref<640000x8xf32, #tpu.memory_space<hbm>> -> memref<640000x8xf32, #tpu.memory_space<hbm>>
    tpu.enqueue_indirect_dma source(%dma_start3A_160 : memref<640000x8xf32, #tpu.memory_space<hbm>>) target(%dma_start3A_155 : memref<128x8xf32, #tpu.memory_space<vmem>>) offsets(%dma_start3A_157 : memref<128xi32, #tpu.memory_space<vmem>>) semaphore(%arg20 : memref<!tpu.dma_semaphore, #tpu.memory_space<semaphore_mem>>)
    %dma_start3A_161 = arith.constant 1280 : i32
    %dma_start3A_162 = tpu.memref_slice %arg4[%dma_start3A_161] : memref<160000xi32, #tpu.memory_space<hbm>> -> memref<1280xi32, #tpu.memory_space<hbm>>
    %dma_start3A_163 = arith.constant 1280 : i32
    %dma_start3A_164 = tpu.memref_slice %arg4[%dma_start3A_163] : memref<160000xi32, #tpu.memory_space<hbm>> -> memref<1280xi32, #tpu.memory_space<hbm>>
    tpu.enqueue_dma source(%dma_start3A_164 : memref<1280xi32, #tpu.memory_space<hbm>>) target(%arg11 : memref<1280xi32, #tpu.memory_space<vmem>>) target_semaphore(%arg19 : memref<!tpu.dma_semaphore, #tpu.memory_space<semaphore_mem>>)
    %dma_start3A_165 = arith.constant 1280 : i32
    %dma_start3A_166 = tpu.memref_slice %arg5[%dma_start3A_165] : memref<160000xi32, #tpu.memory_space<hbm>> -> memref<1280xi32, #tpu.memory_space<hbm>>
    %dma_start3A_167 = arith.constant 1280 : i32
    %dma_start3A_168 = tpu.memref_slice %arg5[%dma_start3A_167] : memref<160000xi32, #tpu.memory_space<hbm>> -> memref<1280xi32, #tpu.memory_space<hbm>>
    tpu.enqueue_dma source(%dma_start3A_168 : memref<1280xi32, #tpu.memory_space<hbm>>) target(%arg13 : memref<1280xi32, #tpu.memory_space<vmem>>) target_semaphore(%arg19 : memref<!tpu.dma_semaphore, #tpu.memory_space<semaphore_mem>>)
    %dma_start3A_169 = arith.constant 1280 : i32
    %dma_start3A_170 = tpu.memref_slice %arg3[%dma_start3A_169] : memref<320000xf32, #tpu.memory_space<hbm>> -> memref<1280xf32, #tpu.memory_space<hbm>>
    %dma_start3A_171 = arith.constant 1280 : i32
    %dma_start3A_172 = tpu.memref_slice %arg3[%dma_start3A_171] : memref<320000xf32, #tpu.memory_space<hbm>> -> memref<1280xf32, #tpu.memory_space<hbm>>
    tpu.enqueue_dma source(%dma_start3A_172 : memref<1280xf32, #tpu.memory_space<hbm>>) target(%arg15 : memref<1280xf32, #tpu.memory_space<vmem>>) target_semaphore(%arg19 : memref<!tpu.dma_semaphore, #tpu.memory_space<semaphore_mem>>)
    %scan3A = arith.constant 0 : i32
    %scan3A_173 = arith.constant 63 : i32
    %scan3A_174 = arith.addi %scan3A, %scan3A_173 : i32
    %scan3A_175 = arith.constant 1 : i32
    scf.for %scan3A_314 = %scan3A to %scan3A_174 step %scan3A_175  : i32 {
      %mul3A_315 = arith.constant 2 : i32
      %mul3A_316 = arith.muli %scan3A_314, %mul3A_315 : i32
      %add3A_317 = arith.constant 0 : i32
      %add3A_318 = arith.addi %add3A_317, %mul3A_316 : i32
      %add3A_319 = arith.constant 0 : i32
      %add3A_320 = arith.addi %add3A_318, %add3A_319 : i32
      %add3A_321 = arith.constant 1 : i32
      %add3A_322 = arith.addi %add3A_320, %add3A_321 : i32
      %lt3A_323 = arith.constant 125 : i32
      %lt3A_324 = arith.cmpi slt, %add3A_322, %lt3A_323 : i32
      %convert_element_type3A = arith.extui %lt3A_324 : i1 to i32
      %cond3A = arith.constant 0 : i32
      %cond3A_325 = arith.cmpi ne, %convert_element_type3A, %cond3A : i32
      scf.if %cond3A_325 {
        %dma_wait3A_359 = arith.constant 0 : i32
        %dma_wait3A_360 = tpu.memref_slice %arg4[%dma_wait3A_359] : memref<160000xi32, #tpu.memory_space<hbm>> -> memref<1280xi32, #tpu.memory_space<hbm>>
        %dma_wait3A_361 = arith.constant 0 : i32
        %dma_wait3A_362 = tpu.memref_slice %arg4[%dma_wait3A_361] : memref<160000xi32, #tpu.memory_space<hbm>> -> memref<1280xi32, #tpu.memory_space<hbm>>
        tpu.wait_dma2 semaphore(%arg19 : memref<!tpu.dma_semaphore, #tpu.memory_space<semaphore_mem>>) src(%dma_wait3A_362 : memref<1280xi32, #tpu.memory_space<hbm>>) dst(%arg11 : memref<1280xi32, #tpu.memory_space<vmem>>)
        %dma_wait3A_363 = arith.constant 0 : i32
        %dma_wait3A_364 = tpu.memref_slice %arg4[%dma_wait3A_363] : memref<160000xi32, #tpu.memory_space<hbm>> -> memref<1280xi32, #tpu.memory_space<hbm>>
        %dma_wait3A_365 = arith.constant 0 : i32
        %dma_wait3A_366 = tpu.memref_slice %arg4[%dma_wait3A_365] : memref<160000xi32, #tpu.memory_space<hbm>> -> memref<1280xi32, #tpu.memory_space<hbm>>
        tpu.wait_dma2 semaphore(%arg19 : memref<!tpu.dma_semaphore, #tpu.memory_space<semaphore_mem>>) src(%dma_wait3A_366 : memref<1280xi32, #tpu.memory_space<hbm>>) dst(%arg13 : memref<1280xi32, #tpu.memory_space<vmem>>)
        %dma_wait3A_367 = arith.constant 0 : i32
        %dma_wait3A_368 = tpu.memref_slice %arg4[%dma_wait3A_367] : memref<160000xi32, #tpu.memory_space<hbm>> -> memref<1280xi32, #tpu.memory_space<hbm>>
        %dma_wait3A_369 = arith.constant 0 : i32
        %dma_wait3A_370 = tpu.memref_slice %arg4[%dma_wait3A_369] : memref<160000xi32, #tpu.memory_space<hbm>> -> memref<1280xi32, #tpu.memory_space<hbm>>
        tpu.wait_dma2 semaphore(%arg19 : memref<!tpu.dma_semaphore, #tpu.memory_space<semaphore_mem>>) src(%dma_wait3A_370 : memref<1280xi32, #tpu.memory_space<hbm>>) dst(%arg15 : memref<1280xf32, #tpu.memory_space<vmem>>)
        %parallel_loop3A_371 = arith.constant 0 : i32
        %parallel_loop3A_372 = arith.constant 80 : i32
        %parallel_loop3A_373 = arith.constant 1 : i32
        scf.for %parallel_loop3A_454 = %parallel_loop3A_371 to %parallel_loop3A_372 step %parallel_loop3A_373  : i32 {
          %parallel_loop3A_455 = arith.constant 16 : i32
          %parallel_loop3A_456 = arith.muli %parallel_loop3A_454, %parallel_loop3A_455 : i32
          %parallel_loop3A_457 = arith.index_cast %parallel_loop3A_456 : i32 to index
          %parallel_loop3A_458 = tpu.vector_load %arg11[%parallel_loop3A_457] {strides = array<i32>} : memref<1280xi32, #tpu.memory_space<vmem>>, vector<16xi32>,
          %parallel_loop3A_459 = arith.constant 64 : i32
          %parallel_loop3A_460 = vector.broadcast %parallel_loop3A_459 : i32 to vector<16xi32>
          %parallel_loop3A_461 = arith.muli %parallel_loop3A_458, %parallel_loop3A_460 : vector<16xi32>
          %parallel_loop3A_462 = vector.broadcast %add3A_53 : i32 to vector<16xi32>
          %parallel_loop3A_463 = arith.addi %parallel_loop3A_461, %parallel_loop3A_462 : vector<16xi32>
          %parallel_loop3A_464 = arith.constant 16 : i32
          %parallel_loop3A_465 = arith.muli %parallel_loop3A_454, %parallel_loop3A_464 : i32
          %parallel_loop3A_466 = arith.index_cast %parallel_loop3A_465 : i32 to index
          %parallel_loop3A_467 = tpu.vector_load %arg17[%parallel_loop3A_466] {strides = array<i32>} : memref<1280xi32, #tpu.memory_space<vmem>>, vector<16xi32>,
          tpu.vector_store %arg17[%parallel_loop3A_466], %parallel_loop3A_463 {strides = array<i32>} : memref<1280xi32, #tpu.memory_space<vmem>>, vector<16xi32>,
        } {sc.loop_unroll_factor = 1 : i64, sc.parallel_access}
        %dma_start3A_374 = arith.constant 0 : i32
        %dma_start3A_375 = arith.constant 0 : i32
        %dma_start3A_376 = tpu.memref_slice %arg9[%dma_start3A_374, %dma_start3A_375] : memref<1280x8xf32, #tpu.memory_space<vmem>> -> memref<128x8xf32, #tpu.memory_space<vmem>>
        %dma_start3A_377 = arith.constant 0 : i32
        %dma_start3A_378 = tpu.memref_slice %arg17[%dma_start3A_377] : memref<1280xi32, #tpu.memory_space<vmem>> -> memref<128xi32, #tpu.memory_space<vmem>>
        %dma_start3A_379 = arith.constant 0 : i32
        %dma_start3A_380 = arith.constant 0 : i32
        %dma_start3A_381 = tpu.memref_slice %arg2[%dma_start3A_379, %dma_start3A_380] : memref<640000x8xf32, #tpu.memory_space<hbm>> -> memref<640000x8xf32, #tpu.memory_space<hbm>>
        tpu.enqueue_indirect_dma source(%dma_start3A_381 : memref<640000x8xf32, #tpu.memory_space<hbm>>) target(%dma_start3A_376 : memref<128x8xf32, #tpu.memory_space<vmem>>) offsets(%dma_start3A_378 : memref<128xi32, #tpu.memory_space<vmem>>) semaphore(%arg21 : memref<!tpu.dma_semaphore, #tpu.memory_space<semaphore_mem>>)
        %dma_start3A_382 = arith.constant 128 : i32
        %dma_start3A_383 = arith.constant 0 : i32
        %dma_start3A_384 = tpu.memref_slice %arg9[%dma_start3A_382, %dma_start3A_383] : memref<1280x8xf32, #tpu.memory_space<vmem>> -> memref<128x8xf32, #tpu.memory_space<vmem>>
        %dma_start3A_385 = arith.constant 128 : i32
        %dma_start3A_386 = tpu.memref_slice %arg17[%dma_start3A_385] : memref<1280xi32, #tpu.memory_space<vmem>> -> memref<128xi32, #tpu.memory_space<vmem>>
        %dma_start3A_387 = arith.constant 0 : i32
        %dma_start3A_388 = arith.constant 0 : i32
        %dma_start3A_389 = tpu.memref_slice %arg2[%dma_start3A_387, %dma_start3A_388] : memref<640000x8xf32, #tpu.memory_space<hbm>> -> memref<640000x8xf32, #tpu.memory_space<hbm>>
        tpu.enqueue_indirect_dma source(%dma_start3A_389 : memref<640000x8xf32, #tpu.memory_space<hbm>>) target(%dma_start3A_384 : memref<128x8xf32, #tpu.memory_space<vmem>>) offsets(%dma_start3A_386 : memref<128xi32, #tpu.memory_space<vmem>>) semaphore(%arg21 : memref<!tpu.dma_semaphore, #tpu.memory_space<semaphore_mem>>)
        %dma_start3A_390 = arith.constant 256 : i32
        %dma_start3A_391 = arith.constant 0 : i32
        %dma_start3A_392 = tpu.memref_slice %arg9[%dma_start3A_390, %dma_start3A_391] : memref<1280x8xf32, #tpu.memory_space<vmem>> -> memref<128x8xf32, #tpu.memory_space<vmem>>
        %dma_start3A_393 = arith.constant 256 : i32
        %dma_start3A_394 = tpu.memref_slice %arg17[%dma_start3A_393] : memref<1280xi32, #tpu.memory_space<vmem>> -> memref<128xi32, #tpu.memory_space<vmem>>
        %dma_start3A_395 = arith.constant 0 : i32
        %dma_start3A_396 = arith.constant 0 : i32
        %dma_start3A_397 = tpu.memref_slice %arg2[%dma_start3A_395, %dma_start3A_396] : memref<640000x8xf32, #tpu.memory_space<hbm>> -> memref<640000x8xf32, #tpu.memory_space<hbm>>
        tpu.enqueue_indirect_dma source(%dma_start3A_397 : memref<640000x8xf32, #tpu.memory_space<hbm>>) target(%dma_start3A_392 : memref<128x8xf32, #tpu.memory_space<vmem>>) offsets(%dma_start3A_394 : memref<128xi32, #tpu.memory_space<vmem>>) semaphore(%arg21 : memref<!tpu.dma_semaphore, #tpu.memory_space<semaphore_mem>>)
        %dma_start3A_398 = arith.constant 384 : i32
        %dma_start3A_399 = arith.constant 0 : i32
        %dma_start3A_400 = tpu.memref_slice %arg9[%dma_start3A_398, %dma_start3A_399] : memref<1280x8xf32, #tpu.memory_space<vmem>> -> memref<128x8xf32, #tpu.memory_space<vmem>>
        %dma_start3A_401 = arith.constant 384 : i32
        %dma_start3A_402 = tpu.memref_slice %arg17[%dma_start3A_401] : memref<1280xi32, #tpu.memory_space<vmem>> -> memref<128xi32, #tpu.memory_space<vmem>>
        %dma_start3A_403 = arith.constant 0 : i32
        %dma_start3A_404 = arith.constant 0 : i32
        %dma_start3A_405 = tpu.memref_slice %arg2[%dma_start3A_403, %dma_start3A_404] : memref<640000x8xf32, #tpu.memory_space<hbm>> -> memref<640000x8xf32, #tpu.memory_space<hbm>>
        tpu.enqueue_indirect_dma source(%dma_start3A_405 : memref<640000x8xf32, #tpu.memory_space<hbm>>) target(%dma_start3A_400 : memref<128x8xf32, #tpu.memory_space<vmem>>) offsets(%dma_start3A_402 : memref<128xi32, #tpu.memory_space<vmem>>) semaphore(%arg21 : memref<!tpu.dma_semaphore, #tpu.memory_space<semaphore_mem>>)
        %dma_start3A_406 = arith.constant 512 : i32
        %dma_start3A_407 = arith.constant 0 : i32
        %dma_start3A_408 = tpu.memref_slice %arg9[%dma_start3A_406, %dma_start3A_407] : memref<1280x8xf32, #tpu.memory_space<vmem>> -> memref<128x8xf32, #tpu.memory_space<vmem>>
        %dma_start3A_409 = arith.constant 512 : i32
        %dma_start3A_410 = tpu.memref_slice %arg17[%dma_start3A_409] : memref<1280xi32, #tpu.memory_space<vmem>> -> memref<128xi32, #tpu.memory_space<vmem>>
        %dma_start3A_411 = arith.constant 0 : i32
        %dma_start3A_412 = arith.constant 0 : i32
        %dma_start3A_413 = tpu.memref_slice %arg2[%dma_start3A_411, %dma_start3A_412] : memref<640000x8xf32, #tpu.memory_space<hbm>> -> memref<640000x8xf32, #tpu.memory_space<hbm>>
        tpu.enqueue_indirect_dma source(%dma_start3A_413 : memref<640000x8xf32, #tpu.memory_space<hbm>>) target(%dma_start3A_408 : memref<128x8xf32, #tpu.memory_space<vmem>>) offsets(%dma_start3A_410 : memref<128xi32, #tpu.memory_space<vmem>>) semaphore(%arg21 : memref<!tpu.dma_semaphore, #tpu.memory_space<semaphore_mem>>)
        %dma_start3A_414 = arith.constant 640 : i32
        %dma_start3A_415 = arith.constant 0 : i32
        %dma_start3A_416 = tpu.memref_slice %arg9[%dma_start3A_414, %dma_start3A_415] : memref<1280x8xf32, #tpu.memory_space<vmem>> -> memref<128x8xf32, #tpu.memory_space<vmem>>
        %dma_start3A_417 = arith.constant 640 : i32
        %dma_start3A_418 = tpu.memref_slice %arg17[%dma_start3A_417] : memref<1280xi32, #tpu.memory_space<vmem>> -> memref<128xi32, #tpu.memory_space<vmem>>
        %dma_start3A_419 = arith.constant 0 : i32
        %dma_start3A_420 = arith.constant 0 : i32
        %dma_start3A_421 = tpu.memref_slice %arg2[%dma_start3A_419, %dma_start3A_420] : memref<640000x8xf32, #tpu.memory_space<hbm>> -> memref<640000x8xf32, #tpu.memory_space<hbm>>
        tpu.enqueue_indirect_dma source(%dma_start3A_421 : memref<640000x8xf32, #tpu.memory_space<hbm>>) target(%dma_start3A_416 : memref<128x8xf32, #tpu.memory_space<vmem>>) offsets(%dma_start3A_418 : memref<128xi32, #tpu.memory_space<vmem>>) semaphore(%arg21 : memref<!tpu.dma_semaphore, #tpu.memory_space<semaphore_mem>>)
        %dma_start3A_422 = arith.constant 768 : i32
        %dma_start3A_423 = arith.constant 0 : i32
        %dma_start3A_424 = tpu.memref_slice %arg9[%dma_start3A_422, %dma_start3A_423] : memref<1280x8xf32, #tpu.memory_space<vmem>> -> memref<128x8xf32, #tpu.memory_space<vmem>>
        %dma_start3A_425 = arith.constant 768 : i32
        %dma_start3A_426 = tpu.memref_slice %arg17[%dma_start3A_425] : memref<1280xi32, #tpu.memory_space<vmem>> -> memref<128xi32, #tpu.memory_space<vmem>>
        %dma_start3A_427 = arith.constant 0 : i32
        %dma_start3A_428 = arith.constant 0 : i32
        %dma_start3A_429 = tpu.memref_slice %arg2[%dma_start3A_427, %dma_start3A_428] : memref<640000x8xf32, #tpu.memory_space<hbm>> -> memref<640000x8xf32, #tpu.memory_space<hbm>>
        tpu.enqueue_indirect_dma source(%dma_start3A_429 : memref<640000x8xf32, #tpu.memory_space<hbm>>) target(%dma_start3A_424 : memref<128x8xf32, #tpu.memory_space<vmem>>) offsets(%dma_start3A_426 : memref<128xi32, #tpu.memory_space<vmem>>) semaphore(%arg21 : memref<!tpu.dma_semaphore, #tpu.memory_space<semaphore_mem>>)
        %dma_start3A_430 = arith.constant 896 : i32
        %dma_start3A_431 = arith.constant 0 : i32
        %dma_start3A_432 = tpu.memref_slice %arg9[%dma_start3A_430, %dma_start3A_431] : memref<1280x8xf32, #tpu.memory_space<vmem>> -> memref<128x8xf32, #tpu.memory_space<vmem>>
        %dma_start3A_433 = arith.constant 896 : i32
        %dma_start3A_434 = tpu.memref_slice %arg17[%dma_start3A_433] : memref<1280xi32, #tpu.memory_space<vmem>> -> memref<128xi32, #tpu.memory_space<vmem>>
        %dma_start3A_435 = arith.constant 0 : i32
        %dma_start3A_436 = arith.constant 0 : i32
        %dma_start3A_437 = tpu.memref_slice %arg2[%dma_start3A_435, %dma_start3A_436] : memref<640000x8xf32, #tpu.memory_space<hbm>> -> memref<640000x8xf32, #tpu.memory_space<hbm>>
        tpu.enqueue_indirect_dma source(%dma_start3A_437 : memref<640000x8xf32, #tpu.memory_space<hbm>>) target(%dma_start3A_432 : memref<128x8xf32, #tpu.memory_space<vmem>>) offsets(%dma_start3A_434 : memref<128xi32, #tpu.memory_space<vmem>>) semaphore(%arg21 : memref<!tpu.dma_semaphore, #tpu.memory_space<semaphore_mem>>)
        %dma_start3A_438 = arith.constant 1024 : i32
        %dma_start3A_439 = arith.constant 0 : i32
        %dma_start3A_440 = tpu.memref_slice %arg9[%dma_start3A_438, %dma_start3A_439] : memref<1280x8xf32, #tpu.memory_space<vmem>> -> memref<128x8xf32, #tpu.memory_space<vmem>>
        %dma_start3A_441 = arith.constant 1024 : i32
        %dma_start3A_442 = tpu.memref_slice %arg17[%dma_start3A_441] : memref<1280xi32, #tpu.memory_space<vmem>> -> memref<128xi32, #tpu.memory_space<vmem>>
        %dma_start3A_443 = arith.constant 0 : i32
        %dma_start3A_444 = arith.constant 0 : i32
        %dma_start3A_445 = tpu.memref_slice %arg2[%dma_start3A_443, %dma_start3A_444] : memref<640000x8xf32, #tpu.memory_space<hbm>> -> memref<640000x8xf32, #tpu.memory_space<hbm>>
        tpu.enqueue_indirect_dma source(%dma_start3A_445 : memref<640000x8xf32, #tpu.memory_space<hbm>>) target(%dma_start3A_440 : memref<128x8xf32, #tpu.memory_space<vmem>>) offsets(%dma_start3A_442 : memref<128xi32, #tpu.memory_space<vmem>>) semaphore(%arg21 : memref<!tpu.dma_semaphore, #tpu.memory_space<semaphore_mem>>)
        %dma_start3A_446 = arith.constant 1152 : i32
        %dma_start3A_447 = arith.constant 0 : i32
        %dma_start3A_448 = tpu.memref_slice %arg9[%dma_start3A_446, %dma_start3A_447] : memref<1280x8xf32, #tpu.memory_space<vmem>> -> memref<128x8xf32, #tpu.memory_space<vmem>>
        %dma_start3A_449 = arith.constant 1152 : i32
        %dma_start3A_450 = tpu.memref_slice %arg17[%dma_start3A_449] : memref<1280xi32, #tpu.memory_space<vmem>> -> memref<128xi32, #tpu.memory_space<vmem>>
        %dma_start3A_451 = arith.constant 0 : i32
        %dma_start3A_452 = arith.constant 0 : i32
        %dma_start3A_453 = tpu.memref_slice %arg2[%dma_start3A_451, %dma_start3A_452] : memref<640000x8xf32, #tpu.memory_space<hbm>> -> memref<640000x8xf32, #tpu.memory_space<hbm>>
        tpu.enqueue_indirect_dma source(%dma_start3A_453 : memref<640000x8xf32, #tpu.memory_space<hbm>>) target(%dma_start3A_448 : memref<128x8xf32, #tpu.memory_space<vmem>>) offsets(%dma_start3A_450 : memref<128xi32, #tpu.memory_space<vmem>>) semaphore(%arg21 : memref<!tpu.dma_semaphore, #tpu.memory_space<semaphore_mem>>)
      } else {
      }
      %lt3A_326 = arith.constant 125 : i32
      %lt3A_327 = arith.cmpi slt, %add3A_320, %lt3A_326 : i32
      %convert_element_type3A_328 = arith.extui %lt3A_327 : i1 to i32
      %cond3A_329 = arith.constant 0 : i32
      %cond3A_330 = arith.cmpi ne, %convert_element_type3A_328, %cond3A_329 : i32
      scf.if %cond3A_330 {
        %dma_wait3A_359 = arith.constant 0 : i32
        %dma_wait3A_360 = arith.constant 0 : i32
        %dma_wait3A_361 = tpu.memref_slice %arg8[%dma_wait3A_359, %dma_wait3A_360] : memref<1280x8xf32, #tpu.memory_space<vmem>> -> memref<128x8xf32, #tpu.memory_space<vmem>>
        %dma_wait3A_362 = arith.constant 0 : i32
        %dma_wait3A_363 = tpu.memref_slice %arg16[%dma_wait3A_362] : memref<1280xi32, #tpu.memory_space<vmem>> -> memref<128xi32, #tpu.memory_space<vmem>>
        %dma_wait3A_364 = arith.constant 0 : i32
        %dma_wait3A_365 = arith.constant 0 : i32
        %dma_wait3A_366 = tpu.memref_slice %arg2[%dma_wait3A_364, %dma_wait3A_365] : memref<640000x8xf32, #tpu.memory_space<hbm>> -> memref<640000x8xf32, #tpu.memory_space<hbm>>
        tpu.wait_indirect_dma semaphore(%arg20 : memref<!tpu.dma_semaphore, #tpu.memory_space<semaphore_mem>>) src(%dma_wait3A_366 : memref<640000x8xf32, #tpu.memory_space<hbm>>) dst(%dma_wait3A_361 : memref<128x8xf32, #tpu.memory_space<vmem>>)
        %dma_wait3A_367 = arith.constant 128 : i32
        %dma_wait3A_368 = arith.constant 0 : i32
        %dma_wait3A_369 = tpu.memref_slice %arg8[%dma_wait3A_367, %dma_wait3A_368] : memref<1280x8xf32, #tpu.memory_space<vmem>> -> memref<128x8xf32, #tpu.memory_space<vmem>>
        %dma_wait3A_370 = arith.constant 128 : i32
        %dma_wait3A_371 = tpu.memref_slice %arg16[%dma_wait3A_370] : memref<1280xi32, #tpu.memory_space<vmem>> -> memref<128xi32, #tpu.memory_space<vmem>>
        %dma_wait3A_372 = arith.constant 0 : i32
        %dma_wait3A_373 = arith.constant 0 : i32
        %dma_wait3A_374 = tpu.memref_slice %arg2[%dma_wait3A_372, %dma_wait3A_373] : memref<640000x8xf32, #tpu.memory_space<hbm>> -> memref<640000x8xf32, #tpu.memory_space<hbm>>
        tpu.wait_indirect_dma semaphore(%arg20 : memref<!tpu.dma_semaphore, #tpu.memory_space<semaphore_mem>>) src(%dma_wait3A_374 : memref<640000x8xf32, #tpu.memory_space<hbm>>) dst(%dma_wait3A_369 : memref<128x8xf32, #tpu.memory_space<vmem>>)
        %dma_wait3A_375 = arith.constant 256 : i32
        %dma_wait3A_376 = arith.constant 0 : i32
        %dma_wait3A_377 = tpu.memref_slice %arg8[%dma_wait3A_375, %dma_wait3A_376] : memref<1280x8xf32, #tpu.memory_space<vmem>> -> memref<128x8xf32, #tpu.memory_space<vmem>>
        %dma_wait3A_378 = arith.constant 256 : i32
        %dma_wait3A_379 = tpu.memref_slice %arg16[%dma_wait3A_378] : memref<1280xi32, #tpu.memory_space<vmem>> -> memref<128xi32, #tpu.memory_space<vmem>>
        %dma_wait3A_380 = arith.constant 0 : i32
        %dma_wait3A_381 = arith.constant 0 : i32
        %dma_wait3A_382 = tpu.memref_slice %arg2[%dma_wait3A_380, %dma_wait3A_381] : memref<640000x8xf32, #tpu.memory_space<hbm>> -> memref<640000x8xf32, #tpu.memory_space<hbm>>
        tpu.wait_indirect_dma semaphore(%arg20 : memref<!tpu.dma_semaphore, #tpu.memory_space<semaphore_mem>>) src(%dma_wait3A_382 : memref<640000x8xf32, #tpu.memory_space<hbm>>) dst(%dma_wait3A_377 : memref<128x8xf32, #tpu.memory_space<vmem>>)
        %dma_wait3A_383 = arith.constant 384 : i32
        %dma_wait3A_384 = arith.constant 0 : i32
        %dma_wait3A_385 = tpu.memref_slice %arg8[%dma_wait3A_383, %dma_wait3A_384] : memref<1280x8xf32, #tpu.memory_space<vmem>> -> memref<128x8xf32, #tpu.memory_space<vmem>>
        %dma_wait3A_386 = arith.constant 384 : i32
        %dma_wait3A_387 = tpu.memref_slice %arg16[%dma_wait3A_386] : memref<1280xi32, #tpu.memory_space<vmem>> -> memref<128xi32, #tpu.memory_space<vmem>>
        %dma_wait3A_388 = arith.constant 0 : i32
        %dma_wait3A_389 = arith.constant 0 : i32
        %dma_wait3A_390 = tpu.memref_slice %arg2[%dma_wait3A_388, %dma_wait3A_389] : memref<640000x8xf32, #tpu.memory_space<hbm>> -> memref<640000x8xf32, #tpu.memory_space<hbm>>
        tpu.wait_indirect_dma semaphore(%arg20 : memref<!tpu.dma_semaphore, #tpu.memory_space<semaphore_mem>>) src(%dma_wait3A_390 : memref<640000x8xf32, #tpu.memory_space<hbm>>) dst(%dma_wait3A_385 : memref<128x8xf32, #tpu.memory_space<vmem>>)
        %dma_wait3A_391 = arith.constant 512 : i32
        %dma_wait3A_392 = arith.constant 0 : i32
        %dma_wait3A_393 = tpu.memref_slice %arg8[%dma_wait3A_391, %dma_wait3A_392] : memref<1280x8xf32, #tpu.memory_space<vmem>> -> memref<128x8xf32, #tpu.memory_space<vmem>>
        %dma_wait3A_394 = arith.constant 512 : i32
        %dma_wait3A_395 = tpu.memref_slice %arg16[%dma_wait3A_394] : memref<1280xi32, #tpu.memory_space<vmem>> -> memref<128xi32, #tpu.memory_space<vmem>>
        %dma_wait3A_396 = arith.constant 0 : i32
        %dma_wait3A_397 = arith.constant 0 : i32
        %dma_wait3A_398 = tpu.memref_slice %arg2[%dma_wait3A_396, %dma_wait3A_397] : memref<640000x8xf32, #tpu.memory_space<hbm>> -> memref<640000x8xf32, #tpu.memory_space<hbm>>
        tpu.wait_indirect_dma semaphore(%arg20 : memref<!tpu.dma_semaphore, #tpu.memory_space<semaphore_mem>>) src(%dma_wait3A_398 : memref<640000x8xf32, #tpu.memory_space<hbm>>) dst(%dma_wait3A_393 : memref<128x8xf32, #tpu.memory_space<vmem>>)
        %dma_wait3A_399 = arith.constant 640 : i32
        %dma_wait3A_400 = arith.constant 0 : i32
        %dma_wait3A_401 = tpu.memref_slice %arg8[%dma_wait3A_399, %dma_wait3A_400] : memref<1280x8xf32, #tpu.memory_space<vmem>> -> memref<128x8xf32, #tpu.memory_space<vmem>>
        %dma_wait3A_402 = arith.constant 640 : i32
        %dma_wait3A_403 = tpu.memref_slice %arg16[%dma_wait3A_402] : memref<1280xi32, #tpu.memory_space<vmem>> -> memref<128xi32, #tpu.memory_space<vmem>>
        %dma_wait3A_404 = arith.constant 0 : i32
        %dma_wait3A_405 = arith.constant 0 : i32
        %dma_wait3A_406 = tpu.memref_slice %arg2[%dma_wait3A_404, %dma_wait3A_405] : memref<640000x8xf32, #tpu.memory_space<hbm>> -> memref<640000x8xf32, #tpu.memory_space<hbm>>
        tpu.wait_indirect_dma semaphore(%arg20 : memref<!tpu.dma_semaphore, #tpu.memory_space<semaphore_mem>>) src(%dma_wait3A_406 : memref<640000x8xf32, #tpu.memory_space<hbm>>) dst(%dma_wait3A_401 : memref<128x8xf32, #tpu.memory_space<vmem>>)
        %dma_wait3A_407 = arith.constant 768 : i32
        %dma_wait3A_408 = arith.constant 0 : i32
        %dma_wait3A_409 = tpu.memref_slice %arg8[%dma_wait3A_407, %dma_wait3A_408] : memref<1280x8xf32, #tpu.memory_space<vmem>> -> memref<128x8xf32, #tpu.memory_space<vmem>>
        %dma_wait3A_410 = arith.constant 768 : i32
        %dma_wait3A_411 = tpu.memref_slice %arg16[%dma_wait3A_410] : memref<1280xi32, #tpu.memory_space<vmem>> -> memref<128xi32, #tpu.memory_space<vmem>>
        %dma_wait3A_412 = arith.constant 0 : i32
        %dma_wait3A_413 = arith.constant 0 : i32
        %dma_wait3A_414 = tpu.memref_slice %arg2[%dma_wait3A_412, %dma_wait3A_413] : memref<640000x8xf32, #tpu.memory_space<hbm>> -> memref<640000x8xf32, #tpu.memory_space<hbm>>
        tpu.wait_indirect_dma semaphore(%arg20 : memref<!tpu.dma_semaphore, #tpu.memory_space<semaphore_mem>>) src(%dma_wait3A_414 : memref<640000x8xf32, #tpu.memory_space<hbm>>) dst(%dma_wait3A_409 : memref<128x8xf32, #tpu.memory_space<vmem>>)
        %dma_wait3A_415 = arith.constant 896 : i32
        %dma_wait3A_416 = arith.constant 0 : i32
        %dma_wait3A_417 = tpu.memref_slice %arg8[%dma_wait3A_415, %dma_wait3A_416] : memref<1280x8xf32, #tpu.memory_space<vmem>> -> memref<128x8xf32, #tpu.memory_space<vmem>>
        %dma_wait3A_418 = arith.constant 896 : i32
        %dma_wait3A_419 = tpu.memref_slice %arg16[%dma_wait3A_418] : memref<1280xi32, #tpu.memory_space<vmem>> -> memref<128xi32, #tpu.memory_space<vmem>>
        %dma_wait3A_420 = arith.constant 0 : i32
        %dma_wait3A_421 = arith.constant 0 : i32
        %dma_wait3A_422 = tpu.memref_slice %arg2[%dma_wait3A_420, %dma_wait3A_421] : memref<640000x8xf32, #tpu.memory_space<hbm>> -> memref<640000x8xf32, #tpu.memory_space<hbm>>
        tpu.wait_indirect_dma semaphore(%arg20 : memref<!tpu.dma_semaphore, #tpu.memory_space<semaphore_mem>>) src(%dma_wait3A_422 : memref<640000x8xf32, #tpu.memory_space<hbm>>) dst(%dma_wait3A_417 : memref<128x8xf32, #tpu.memory_space<vmem>>)
        %dma_wait3A_423 = arith.constant 1024 : i32
        %dma_wait3A_424 = arith.constant 0 : i32
        %dma_wait3A_425 = tpu.memref_slice %arg8[%dma_wait3A_423, %dma_wait3A_424] : memref<1280x8xf32, #tpu.memory_space<vmem>> -> memref<128x8xf32, #tpu.memory_space<vmem>>
        %dma_wait3A_426 = arith.constant 1024 : i32
        %dma_wait3A_427 = tpu.memref_slice %arg16[%dma_wait3A_426] : memref<1280xi32, #tpu.memory_space<vmem>> -> memref<128xi32, #tpu.memory_space<vmem>>
        %dma_wait3A_428 = arith.constant 0 : i32
        %dma_wait3A_429 = arith.constant 0 : i32
        %dma_wait3A_430 = tpu.memref_slice %arg2[%dma_wait3A_428, %dma_wait3A_429] : memref<640000x8xf32, #tpu.memory_space<hbm>> -> memref<640000x8xf32, #tpu.memory_space<hbm>>
        tpu.wait_indirect_dma semaphore(%arg20 : memref<!tpu.dma_semaphore, #tpu.memory_space<semaphore_mem>>) src(%dma_wait3A_430 : memref<640000x8xf32, #tpu.memory_space<hbm>>) dst(%dma_wait3A_425 : memref<128x8xf32, #tpu.memory_space<vmem>>)
        %dma_wait3A_431 = arith.constant 1152 : i32
        %dma_wait3A_432 = arith.constant 0 : i32
        %dma_wait3A_433 = tpu.memref_slice %arg8[%dma_wait3A_431, %dma_wait3A_432] : memref<1280x8xf32, #tpu.memory_space<vmem>> -> memref<128x8xf32, #tpu.memory_space<vmem>>
        %dma_wait3A_434 = arith.constant 1152 : i32
        %dma_wait3A_435 = tpu.memref_slice %arg16[%dma_wait3A_434] : memref<1280xi32, #tpu.memory_space<vmem>> -> memref<128xi32, #tpu.memory_space<vmem>>
        %dma_wait3A_436 = arith.constant 0 : i32
        %dma_wait3A_437 = arith.constant 0 : i32
        %dma_wait3A_438 = tpu.memref_slice %arg2[%dma_wait3A_436, %dma_wait3A_437] : memref<640000x8xf32, #tpu.memory_space<hbm>> -> memref<640000x8xf32, #tpu.memory_space<hbm>>
        tpu.wait_indirect_dma semaphore(%arg20 : memref<!tpu.dma_semaphore, #tpu.memory_space<semaphore_mem>>) src(%dma_wait3A_438 : memref<640000x8xf32, #tpu.memory_space<hbm>>) dst(%dma_wait3A_433 : memref<128x8xf32, #tpu.memory_space<vmem>>)
        %parallel_loop3A_439 = arith.constant 0 : i32
        %parallel_loop3A_440 = arith.constant 80 : i32
        %parallel_loop3A_441 = arith.constant 1 : i32
        scf.for %parallel_loop3A_442 = %parallel_loop3A_439 to %parallel_loop3A_440 step %parallel_loop3A_441  : i32 {
          %parallel_loop3A_443 = arith.constant 16 : i32
          %parallel_loop3A_444 = arith.muli %parallel_loop3A_442, %parallel_loop3A_443 : i32
          %parallel_loop3A_445 = arith.index_cast %parallel_loop3A_444 : i32 to index
          %parallel_loop3A_446 = tpu.vector_load %arg12[%parallel_loop3A_445] {strides = array<i32>} : memref<1280xi32, #tpu.memory_space<vmem>>, vector<16xi32>,
          %parallel_loop3A_447 = arith.constant 16 : i32
          %parallel_loop3A_448 = arith.muli %parallel_loop3A_442, %parallel_loop3A_447 : i32
          %parallel_loop3A_449 = arith.index_cast %parallel_loop3A_448 : i32 to index
          %parallel_loop3A_450 = tpu.vector_load %arg14[%parallel_loop3A_449] {strides = array<i32>} : memref<1280xf32, #tpu.memory_space<vmem>>, vector<16xf32>,
          %parallel_loop3A_451 = arith.constant 0 : i32
          %parallel_loop3A_452 = vector.broadcast %parallel_loop3A_451 : i32 to vector<16xi32>
          %parallel_loop3A_453 = arith.addi %select_n3A_46, %parallel_loop3A_452 : vector<16xi32>
          %parallel_loop3A_454 = vector.shape_cast %parallel_loop3A_453 : vector<16xi32> to vector<16x1xi32>
          %parallel_loop3A_455 = vector.shape_cast %parallel_loop3A_454 : vector<16x1xi32> to vector<16xi32>
          %parallel_loop3A_456 = tpu.dynamic_gather %parallel_loop3A_446[%parallel_loop3A_455] in [0] : vector<16xi32>, vector<16xi32> -> vector<16xi32>
          %parallel_loop3A_457 = vector.shape_cast %parallel_loop3A_453 : vector<16xi32> to vector<16x1xi32>
          %parallel_loop3A_458 = vector.shape_cast %parallel_loop3A_457 : vector<16x1xi32> to vector<16xi32>
          %parallel_loop3A_459 = tpu.dynamic_gather %parallel_loop3A_450[%parallel_loop3A_458] in [0] : vector<16xf32>, vector<16xi32> -> vector<16xf32>
          %parallel_loop3A_460 = arith.constant 16 : i32
          %parallel_loop3A_461 = arith.muli %parallel_loop3A_442, %parallel_loop3A_460 : i32
          %parallel_loop3A_462 = vector.broadcast %parallel_loop3A_461 : i32 to vector<16xi32>
          %parallel_loop3A_463 = arith.addi %parallel_loop3A_453, %parallel_loop3A_462 : vector<16xi32>
          %parallel_loop3A_464 = tpu.vector_load_idx %arg8[%parallel_loop3A_463, %select_n3A_15] : memref<1280x8xf32, #tpu.memory_space<vmem>>[vector<16xi32>, vector<16xi32>], vector<16xf32>,
          %parallel_loop3A_465 = arith.mulf %parallel_loop3A_464, %parallel_loop3A_459 : vector<16xf32>
          %parallel_loop3A_466 = arith.addi %parallel_loop3A_456, %mul3A_18 : vector<16xi32>
          tpu.vector_store_idx %arg7[%parallel_loop3A_466], %parallel_loop3A_465 masked %lt3A_49 {add = true} : memref<81936xf32, #tpu.memory_space<vmem>>[vector<16xi32>], vector<16xf32>, vector<16xi1>
          tpu.vector_store_idx %arg7[%parallel_loop3A_466], %parallel_loop3A_465 masked %ge3A_51 {add = true} : memref<81936xf32, #tpu.memory_space<vmem>>[vector<16xi32>], vector<16xf32>, vector<16xi1>
          %parallel_loop3A_467 = arith.constant 2 : i32
          %parallel_loop3A_468 = vector.broadcast %parallel_loop3A_467 : i32 to vector<16xi32>
          %parallel_loop3A_469 = arith.addi %select_n3A_46, %parallel_loop3A_468 : vector<16xi32>
          %parallel_loop3A_470 = vector.shape_cast %parallel_loop3A_469 : vector<16xi32> to vector<16x1xi32>
          %parallel_loop3A_471 = vector.shape_cast %parallel_loop3A_470 : vector<16x1xi32> to vector<16xi32>
          %parallel_loop3A_472 = tpu.dynamic_gather %parallel_loop3A_446[%parallel_loop3A_471] in [0] : vector<16xi32>, vector<16xi32> -> vector<16xi32>
          %parallel_loop3A_473 = vector.shape_cast %parallel_loop3A_469 : vector<16xi32> to vector<16x1xi32>
          %parallel_loop3A_474 = vector.shape_cast %parallel_loop3A_473 : vector<16x1xi32> to vector<16xi32>
          %parallel_loop3A_475 = tpu.dynamic_gather %parallel_loop3A_450[%parallel_loop3A_474] in [0] : vector<16xf32>, vector<16xi32> -> vector<16xf32>
          %parallel_loop3A_476 = arith.constant 16 : i32
          %parallel_loop3A_477 = arith.muli %parallel_loop3A_442, %parallel_loop3A_476 : i32
          %parallel_loop3A_478 = vector.broadcast %parallel_loop3A_477 : i32 to vector<16xi32>
          %parallel_loop3A_479 = arith.addi %parallel_loop3A_469, %parallel_loop3A_478 : vector<16xi32>
          %parallel_loop3A_480 = tpu.vector_load_idx %arg8[%parallel_loop3A_479, %select_n3A_15] : memref<1280x8xf32, #tpu.memory_space<vmem>>[vector<16xi32>, vector<16xi32>], vector<16xf32>,
          %parallel_loop3A_481 = arith.mulf %parallel_loop3A_480, %parallel_loop3A_475 : vector<16xf32>
          %parallel_loop3A_482 = arith.addi %parallel_loop3A_472, %mul3A_18 : vector<16xi32>
          tpu.vector_store_idx %arg7[%parallel_loop3A_482], %parallel_loop3A_481 masked %lt3A_49 {add = true} : memref<81936xf32, #tpu.memory_space<vmem>>[vector<16xi32>], vector<16xf32>, vector<16xi1>
          tpu.vector_store_idx %arg7[%parallel_loop3A_482], %parallel_loop3A_481 masked %ge3A_51 {add = true} : memref<81936xf32, #tpu.memory_space<vmem>>[vector<16xi32>], vector<16xf32>, vector<16xi1>
          %parallel_loop3A_483 = arith.constant 4 : i32
          %parallel_loop3A_484 = vector.broadcast %parallel_loop3A_483 : i32 to vector<16xi32>
          %parallel_loop3A_485 = arith.addi %select_n3A_46, %parallel_loop3A_484 : vector<16xi32>
          %parallel_loop3A_486 = vector.shape_cast %parallel_loop3A_485 : vector<16xi32> to vector<16x1xi32>
          %parallel_loop3A_487 = vector.shape_cast %parallel_loop3A_486 : vector<16x1xi32> to vector<16xi32>
          %parallel_loop3A_488 = tpu.dynamic_gather %parallel_loop3A_446[%parallel_loop3A_487] in [0] : vector<16xi32>, vector<16xi32> -> vector<16xi32>
          %parallel_loop3A_489 = vector.shape_cast %parallel_loop3A_485 : vector<16xi32> to vector<16x1xi32>
          %parallel_loop3A_490 = vector.shape_cast %parallel_loop3A_489 : vector<16x1xi32> to vector<16xi32>
          %parallel_loop3A_491 = tpu.dynamic_gather %parallel_loop3A_450[%parallel_loop3A_490] in [0] : vector<16xf32>, vector<16xi32> -> vector<16xf32>
          %parallel_loop3A_492 = arith.constant 16 : i32
          %parallel_loop3A_493 = arith.muli %parallel_loop3A_442, %parallel_loop3A_492 : i32
          %parallel_loop3A_494 = vector.broadcast %parallel_loop3A_493 : i32 to vector<16xi32>
          %parallel_loop3A_495 = arith.addi %parallel_loop3A_485, %parallel_loop3A_494 : vector<16xi32>
          %parallel_loop3A_496 = tpu.vector_load_idx %arg8[%parallel_loop3A_495, %select_n3A_15] : memref<1280x8xf32, #tpu.memory_space<vmem>>[vector<16xi32>, vector<16xi32>], vector<16xf32>,
          %parallel_loop3A_497 = arith.mulf %parallel_loop3A_496, %parallel_loop3A_491 : vector<16xf32>
          %parallel_loop3A_498 = arith.addi %parallel_loop3A_488, %mul3A_18 : vector<16xi32>
          tpu.vector_store_idx %arg7[%parallel_loop3A_498], %parallel_loop3A_497 masked %lt3A_49 {add = true} : memref<81936xf32, #tpu.memory_space<vmem>>[vector<16xi32>], vector<16xf32>, vector<16xi1>
          tpu.vector_store_idx %arg7[%parallel_loop3A_498], %parallel_loop3A_497 masked %ge3A_51 {add = true} : memref<81936xf32, #tpu.memory_space<vmem>>[vector<16xi32>], vector<16xf32>, vector<16xi1>
          %parallel_loop3A_499 = arith.constant 6 : i32
          %parallel_loop3A_500 = vector.broadcast %parallel_loop3A_499 : i32 to vector<16xi32>
          %parallel_loop3A_501 = arith.addi %select_n3A_46, %parallel_loop3A_500 : vector<16xi32>
          %parallel_loop3A_502 = vector.shape_cast %parallel_loop3A_501 : vector<16xi32> to vector<16x1xi32>
          %parallel_loop3A_503 = vector.shape_cast %parallel_loop3A_502 : vector<16x1xi32> to vector<16xi32>
          %parallel_loop3A_504 = tpu.dynamic_gather %parallel_loop3A_446[%parallel_loop3A_503] in [0] : vector<16xi32>, vector<16xi32> -> vector<16xi32>
          %parallel_loop3A_505 = vector.shape_cast %parallel_loop3A_501 : vector<16xi32> to vector<16x1xi32>
          %parallel_loop3A_506 = vector.shape_cast %parallel_loop3A_505 : vector<16x1xi32> to vector<16xi32>
          %parallel_loop3A_507 = tpu.dynamic_gather %parallel_loop3A_450[%parallel_loop3A_506] in [0] : vector<16xf32>, vector<16xi32> -> vector<16xf32>
          %parallel_loop3A_508 = arith.constant 16 : i32
          %parallel_loop3A_509 = arith.muli %parallel_loop3A_442, %parallel_loop3A_508 : i32
          %parallel_loop3A_510 = vector.broadcast %parallel_loop3A_509 : i32 to vector<16xi32>
          %parallel_loop3A_511 = arith.addi %parallel_loop3A_501, %parallel_loop3A_510 : vector<16xi32>
          %parallel_loop3A_512 = tpu.vector_load_idx %arg8[%parallel_loop3A_511, %select_n3A_15] : memref<1280x8xf32, #tpu.memory_space<vmem>>[vector<16xi32>, vector<16xi32>], vector<16xf32>,
          %parallel_loop3A_513 = arith.mulf %parallel_loop3A_512, %parallel_loop3A_507 : vector<16xf32>
          %parallel_loop3A_514 = arith.addi %parallel_loop3A_504, %mul3A_18 : vector<16xi32>
          tpu.vector_store_idx %arg7[%parallel_loop3A_514], %parallel_loop3A_513 masked %lt3A_49 {add = true} : memref<81936xf32, #tpu.memory_space<vmem>>[vector<16xi32>], vector<16xf32>, vector<16xi1>
          tpu.vector_store_idx %arg7[%parallel_loop3A_514], %parallel_loop3A_513 masked %ge3A_51 {add = true} : memref<81936xf32, #tpu.memory_space<vmem>>[vector<16xi32>], vector<16xf32>, vector<16xi1>
          %parallel_loop3A_515 = arith.constant 8 : i32
          %parallel_loop3A_516 = vector.broadcast %parallel_loop3A_515 : i32 to vector<16xi32>
          %parallel_loop3A_517 = arith.addi %select_n3A_46, %parallel_loop3A_516 : vector<16xi32>
          %parallel_loop3A_518 = vector.shape_cast %parallel_loop3A_517 : vector<16xi32> to vector<16x1xi32>
          %parallel_loop3A_519 = vector.shape_cast %parallel_loop3A_518 : vector<16x1xi32> to vector<16xi32>
          %parallel_loop3A_520 = tpu.dynamic_gather %parallel_loop3A_446[%parallel_loop3A_519] in [0] : vector<16xi32>, vector<16xi32> -> vector<16xi32>
          %parallel_loop3A_521 = vector.shape_cast %parallel_loop3A_517 : vector<16xi32> to vector<16x1xi32>
          %parallel_loop3A_522 = vector.shape_cast %parallel_loop3A_521 : vector<16x1xi32> to vector<16xi32>
          %parallel_loop3A_523 = tpu.dynamic_gather %parallel_loop3A_450[%parallel_loop3A_522] in [0] : vector<16xf32>, vector<16xi32> -> vector<16xf32>
          %parallel_loop3A_524 = arith.constant 16 : i32
          %parallel_loop3A_525 = arith.muli %parallel_loop3A_442, %parallel_loop3A_524 : i32
          %parallel_loop3A_526 = vector.broadcast %parallel_loop3A_525 : i32 to vector<16xi32>
          %parallel_loop3A_527 = arith.addi %parallel_loop3A_517, %parallel_loop3A_526 : vector<16xi32>
          %parallel_loop3A_528 = tpu.vector_load_idx %arg8[%parallel_loop3A_527, %select_n3A_15] : memref<1280x8xf32, #tpu.memory_space<vmem>>[vector<16xi32>, vector<16xi32>], vector<16xf32>,
          %parallel_loop3A_529 = arith.mulf %parallel_loop3A_528, %parallel_loop3A_523 : vector<16xf32>
          %parallel_loop3A_530 = arith.addi %parallel_loop3A_520, %mul3A_18 : vector<16xi32>
          tpu.vector_store_idx %arg7[%parallel_loop3A_530], %parallel_loop3A_529 masked %lt3A_49 {add = true} : memref<81936xf32, #tpu.memory_space<vmem>>[vector<16xi32>], vector<16xf32>, vector<16xi1>
          tpu.vector_store_idx %arg7[%parallel_loop3A_530], %parallel_loop3A_529 masked %ge3A_51 {add = true} : memref<81936xf32, #tpu.memory_space<vmem>>[vector<16xi32>], vector<16xf32>, vector<16xi1>
          %parallel_loop3A_531 = arith.constant 10 : i32
          %parallel_loop3A_532 = vector.broadcast %parallel_loop3A_531 : i32 to vector<16xi32>
          %parallel_loop3A_533 = arith.addi %select_n3A_46, %parallel_loop3A_532 : vector<16xi32>
          %parallel_loop3A_534 = vector.shape_cast %parallel_loop3A_533 : vector<16xi32> to vector<16x1xi32>
          %parallel_loop3A_535 = vector.shape_cast %parallel_loop3A_534 : vector<16x1xi32> to vector<16xi32>
          %parallel_loop3A_536 = tpu.dynamic_gather %parallel_loop3A_446[%parallel_loop3A_535] in [0] : vector<16xi32>, vector<16xi32> -> vector<16xi32>
          %parallel_loop3A_537 = vector.shape_cast %parallel_loop3A_533 : vector<16xi32> to vector<16x1xi32>
          %parallel_loop3A_538 = vector.shape_cast %parallel_loop3A_537 : vector<16x1xi32> to vector<16xi32>
          %parallel_loop3A_539 = tpu.dynamic_gather %parallel_loop3A_450[%parallel_loop3A_538] in [0] : vector<16xf32>, vector<16xi32> -> vector<16xf32>
          %parallel_loop3A_540 = arith.constant 16 : i32
          %parallel_loop3A_541 = arith.muli %parallel_loop3A_442, %parallel_loop3A_540 : i32
          %parallel_loop3A_542 = vector.broadcast %parallel_loop3A_541 : i32 to vector<16xi32>
          %parallel_loop3A_543 = arith.addi %parallel_loop3A_533, %parallel_loop3A_542 : vector<16xi32>
          %parallel_loop3A_544 = tpu.vector_load_idx %arg8[%parallel_loop3A_543, %select_n3A_15] : memref<1280x8xf32, #tpu.memory_space<vmem>>[vector<16xi32>, vector<16xi32>], vector<16xf32>,
          %parallel_loop3A_545 = arith.mulf %parallel_loop3A_544, %parallel_loop3A_539 : vector<16xf32>
          %parallel_loop3A_546 = arith.addi %parallel_loop3A_536, %mul3A_18 : vector<16xi32>
          tpu.vector_store_idx %arg7[%parallel_loop3A_546], %parallel_loop3A_545 masked %lt3A_49 {add = true} : memref<81936xf32, #tpu.memory_space<vmem>>[vector<16xi32>], vector<16xf32>, vector<16xi1>
          tpu.vector_store_idx %arg7[%parallel_loop3A_546], %parallel_loop3A_545 masked %ge3A_51 {add = true} : memref<81936xf32, #tpu.memory_space<vmem>>[vector<16xi32>], vector<16xf32>, vector<16xi1>
          %parallel_loop3A_547 = arith.constant 12 : i32
          %parallel_loop3A_548 = vector.broadcast %parallel_loop3A_547 : i32 to vector<16xi32>
          %parallel_loop3A_549 = arith.addi %select_n3A_46, %parallel_loop3A_548 : vector<16xi32>
          %parallel_loop3A_550 = vector.shape_cast %parallel_loop3A_549 : vector<16xi32> to vector<16x1xi32>
          %parallel_loop3A_551 = vector.shape_cast %parallel_loop3A_550 : vector<16x1xi32> to vector<16xi32>
          %parallel_loop3A_552 = tpu.dynamic_gather %parallel_loop3A_446[%parallel_loop3A_551] in [0] : vector<16xi32>, vector<16xi32> -> vector<16xi32>
          %parallel_loop3A_553 = vector.shape_cast %parallel_loop3A_549 : vector<16xi32> to vector<16x1xi32>
          %parallel_loop3A_554 = vector.shape_cast %parallel_loop3A_553 : vector<16x1xi32> to vector<16xi32>
          %parallel_loop3A_555 = tpu.dynamic_gather %parallel_loop3A_450[%parallel_loop3A_554] in [0] : vector<16xf32>, vector<16xi32> -> vector<16xf32>
          %parallel_loop3A_556 = arith.constant 16 : i32
          %parallel_loop3A_557 = arith.muli %parallel_loop3A_442, %parallel_loop3A_556 : i32
          %parallel_loop3A_558 = vector.broadcast %parallel_loop3A_557 : i32 to vector<16xi32>
          %parallel_loop3A_559 = arith.addi %parallel_loop3A_549, %parallel_loop3A_558 : vector<16xi32>
          %parallel_loop3A_560 = tpu.vector_load_idx %arg8[%parallel_loop3A_559, %select_n3A_15] : memref<1280x8xf32, #tpu.memory_space<vmem>>[vector<16xi32>, vector<16xi32>], vector<16xf32>,
          %parallel_loop3A_561 = arith.mulf %parallel_loop3A_560, %parallel_loop3A_555 : vector<16xf32>
          %parallel_loop3A_562 = arith.addi %parallel_loop3A_552, %mul3A_18 : vector<16xi32>
          tpu.vector_store_idx %arg7[%parallel_loop3A_562], %parallel_loop3A_561 masked %lt3A_49 {add = true} : memref<81936xf32, #tpu.memory_space<vmem>>[vector<16xi32>], vector<16xf32>, vector<16xi1>
          tpu.vector_store_idx %arg7[%parallel_loop3A_562], %parallel_loop3A_561 masked %ge3A_51 {add = true} : memref<81936xf32, #tpu.memory_space<vmem>>[vector<16xi32>], vector<16xf32>, vector<16xi1>
          %parallel_loop3A_563 = arith.constant 14 : i32
          %parallel_loop3A_564 = vector.broadcast %parallel_loop3A_563 : i32 to vector<16xi32>
          %parallel_loop3A_565 = arith.addi %select_n3A_46, %parallel_loop3A_564 : vector<16xi32>
          %parallel_loop3A_566 = vector.shape_cast %parallel_loop3A_565 : vector<16xi32> to vector<16x1xi32>
          %parallel_loop3A_567 = vector.shape_cast %parallel_loop3A_566 : vector<16x1xi32> to vector<16xi32>
          %parallel_loop3A_568 = tpu.dynamic_gather %parallel_loop3A_446[%parallel_loop3A_567] in [0] : vector<16xi32>, vector<16xi32> -> vector<16xi32>
          %parallel_loop3A_569 = vector.shape_cast %parallel_loop3A_565 : vector<16xi32> to vector<16x1xi32>
          %parallel_loop3A_570 = vector.shape_cast %parallel_loop3A_569 : vector<16x1xi32> to vector<16xi32>
          %parallel_loop3A_571 = tpu.dynamic_gather %parallel_loop3A_450[%parallel_loop3A_570] in [0] : vector<16xf32>, vector<16xi32> -> vector<16xf32>
          %parallel_loop3A_572 = arith.constant 16 : i32
          %parallel_loop3A_573 = arith.muli %parallel_loop3A_442, %parallel_loop3A_572 : i32
          %parallel_loop3A_574 = vector.broadcast %parallel_loop3A_573 : i32 to vector<16xi32>
          %parallel_loop3A_575 = arith.addi %parallel_loop3A_565, %parallel_loop3A_574 : vector<16xi32>
          %parallel_loop3A_576 = tpu.vector_load_idx %arg8[%parallel_loop3A_575, %select_n3A_15] : memref<1280x8xf32, #tpu.memory_space<vmem>>[vector<16xi32>, vector<16xi32>], vector<16xf32>,
          %parallel_loop3A_577 = arith.mulf %parallel_loop3A_576, %parallel_loop3A_571 : vector<16xf32>
          %parallel_loop3A_578 = arith.addi %parallel_loop3A_568, %mul3A_18 : vector<16xi32>
          tpu.vector_store_idx %arg7[%parallel_loop3A_578], %parallel_loop3A_577 masked %lt3A_49 {add = true} : memref<81936xf32, #tpu.memory_space<vmem>>[vector<16xi32>], vector<16xf32>, vector<16xi1>
          tpu.vector_store_idx %arg7[%parallel_loop3A_578], %parallel_loop3A_577 masked %ge3A_51 {add = true} : memref<81936xf32, #tpu.memory_space<vmem>>[vector<16xi32>], vector<16xf32>, vector<16xi1>
        } {sc.loop_unroll_factor = 1 : i64, sc.parallel_access}
      } else {
      }
      %add3A_331 = arith.constant 2 : i32
      %add3A_332 = arith.addi %add3A_320, %add3A_331 : i32
      %lt3A_333 = arith.constant 125 : i32
      %lt3A_334 = arith.cmpi slt, %add3A_332, %lt3A_333 : i32
      %convert_element_type3A_335 = arith.extui %lt3A_334 : i1 to i32
      %cond3A_336 = arith.constant 0 : i32
      %cond3A_337 = arith.cmpi ne, %convert_element_type3A_335, %cond3A_336 : i32
      scf.if %cond3A_337 {
        %add3A_359 = arith.constant 2 : i32
        %add3A_360 = arith.addi %add3A_320, %add3A_359 : i32
        %mul3A_361 = arith.constant 1280 : i32
        %mul3A_362 = arith.muli %add3A_360, %mul3A_361 : i32
        %dma_start3A_363 = tpu.memref_slice %arg4[%mul3A_362] : memref<160000xi32, #tpu.memory_space<hbm>> -> memref<1280xi32, #tpu.memory_space<hbm>>
        %dma_start3A_364 = tpu.memref_slice %arg4[%mul3A_362] : memref<160000xi32, #tpu.memory_space<hbm>> -> memref<1280xi32, #tpu.memory_space<hbm>>
        tpu.enqueue_dma source(%dma_start3A_364 : memref<1280xi32, #tpu.memory_space<hbm>>) target(%arg10 : memref<1280xi32, #tpu.memory_space<vmem>>) target_semaphore(%arg18 : memref<!tpu.dma_semaphore, #tpu.memory_space<semaphore_mem>>)
        %dma_start3A_365 = tpu.memref_slice %arg5[%mul3A_362] : memref<160000xi32, #tpu.memory_space<hbm>> -> memref<1280xi32, #tpu.memory_space<hbm>>
        %dma_start3A_366 = tpu.memref_slice %arg5[%mul3A_362] : memref<160000xi32, #tpu.memory_space<hbm>> -> memref<1280xi32, #tpu.memory_space<hbm>>
        tpu.enqueue_dma source(%dma_start3A_366 : memref<1280xi32, #tpu.memory_space<hbm>>) target(%arg12 : memref<1280xi32, #tpu.memory_space<vmem>>) target_semaphore(%arg18 : memref<!tpu.dma_semaphore, #tpu.memory_space<semaphore_mem>>)
        %add3A_367 = arith.constant 0 : i32
        %add3A_368 = arith.addi %add3A_367, %mul3A_362 : i32
        %dma_start3A_369 = tpu.memref_slice %arg3[%add3A_368] : memref<320000xf32, #tpu.memory_space<hbm>> -> memref<1280xf32, #tpu.memory_space<hbm>>
        %dma_start3A_370 = tpu.memref_slice %arg3[%add3A_368] : memref<320000xf32, #tpu.memory_space<hbm>> -> memref<1280xf32, #tpu.memory_space<hbm>>
        tpu.enqueue_dma source(%dma_start3A_370 : memref<1280xf32, #tpu.memory_space<hbm>>) target(%arg14 : memref<1280xf32, #tpu.memory_space<vmem>>) target_semaphore(%arg18 : memref<!tpu.dma_semaphore, #tpu.memory_space<semaphore_mem>>)
      } else {
      }
      %add3A_338 = arith.constant 1 : i32
      %add3A_339 = arith.addi %add3A_318, %add3A_338 : i32
      %add3A_340 = arith.constant 1 : i32
      %add3A_341 = arith.addi %add3A_339, %add3A_340 : i32
      %lt3A_342 = arith.constant 125 : i32
      %lt3A_343 = arith.cmpi slt, %add3A_341, %lt3A_342 : i32
      %convert_element_type3A_344 = arith.extui %lt3A_343 : i1 to i32
      %cond3A_345 = arith.constant 0 : i32
      %cond3A_346 = arith.cmpi ne, %convert_element_type3A_344, %cond3A_345 : i32
      scf.if %cond3A_346 {
        %dma_wait3A_359 = arith.constant 0 : i32
        %dma_wait3A_360 = tpu.memref_slice %arg4[%dma_wait3A_359] : memref<160000xi32, #tpu.memory_space<hbm>> -> memref<1280xi32, #tpu.memory_space<hbm>>
        %dma_wait3A_361 = arith.constant 0 : i32
        %dma_wait3A_362 = tpu.memref_slice %arg4[%dma_wait3A_361] : memref<160000xi32, #tpu.memory_space<hbm>> -> memref<1280xi32, #tpu.memory_space<hbm>>
        tpu.wait_dma2 semaphore(%arg18 : memref<!tpu.dma_semaphore, #tpu.memory_space<semaphore_mem>>) src(%dma_wait3A_362 : memref<1280xi32, #tpu.memory_space<hbm>>) dst(%arg10 : memref<1280xi32, #tpu.memory_space<vmem>>)
        %dma_wait3A_363 = arith.constant 0 : i32
        %dma_wait3A_364 = tpu.memref_slice %arg4[%dma_wait3A_363] : memref<160000xi32, #tpu.memory_space<hbm>> -> memref<1280xi32, #tpu.memory_space<hbm>>
        %dma_wait3A_365 = arith.constant 0 : i32
        %dma_wait3A_366 = tpu.memref_slice %arg4[%dma_wait3A_365] : memref<160000xi32, #tpu.memory_space<hbm>> -> memref<1280xi32, #tpu.memory_space<hbm>>
        tpu.wait_dma2 semaphore(%arg18 : memref<!tpu.dma_semaphore, #tpu.memory_space<semaphore_mem>>) src(%dma_wait3A_366 : memref<1280xi32, #tpu.memory_space<hbm>>) dst(%arg12 : memref<1280xi32, #tpu.memory_space<vmem>>)
        %dma_wait3A_367 = arith.constant 0 : i32
        %dma_wait3A_368 = tpu.memref_slice %arg4[%dma_wait3A_367] : memref<160000xi32, #tpu.memory_space<hbm>> -> memref<1280xi32, #tpu.memory_space<hbm>>
        %dma_wait3A_369 = arith.constant 0 : i32
        %dma_wait3A_370 = tpu.memref_slice %arg4[%dma_wait3A_369] : memref<160000xi32, #tpu.memory_space<hbm>> -> memref<1280xi32, #tpu.memory_space<hbm>>
        tpu.wait_dma2 semaphore(%arg18 : memref<!tpu.dma_semaphore, #tpu.memory_space<semaphore_mem>>) src(%dma_wait3A_370 : memref<1280xi32, #tpu.memory_space<hbm>>) dst(%arg14 : memref<1280xf32, #tpu.memory_space<vmem>>)
        %parallel_loop3A_371 = arith.constant 0 : i32
        %parallel_loop3A_372 = arith.constant 80 : i32
        %parallel_loop3A_373 = arith.constant 1 : i32
        scf.for %parallel_loop3A_454 = %parallel_loop3A_371 to %parallel_loop3A_372 step %parallel_loop3A_373  : i32 {
          %parallel_loop3A_455 = arith.constant 16 : i32
          %parallel_loop3A_456 = arith.muli %parallel_loop3A_454, %parallel_loop3A_455 : i32
          %parallel_loop3A_457 = arith.index_cast %parallel_loop3A_456 : i32 to index
          %parallel_loop3A_458 = tpu.vector_load %arg10[%parallel_loop3A_457] {strides = array<i32>} : memref<1280xi32, #tpu.memory_space<vmem>>, vector<16xi32>,
          %parallel_loop3A_459 = arith.constant 64 : i32
          %parallel_loop3A_460 = vector.broadcast %parallel_loop3A_459 : i32 to vector<16xi32>
          %parallel_loop3A_461 = arith.muli %parallel_loop3A_458, %parallel_loop3A_460 : vector<16xi32>
          %parallel_loop3A_462 = vector.broadcast %add3A_53 : i32 to vector<16xi32>
          %parallel_loop3A_463 = arith.addi %parallel_loop3A_461, %parallel_loop3A_462 : vector<16xi32>
          %parallel_loop3A_464 = arith.constant 16 : i32
          %parallel_loop3A_465 = arith.muli %parallel_loop3A_454, %parallel_loop3A_464 : i32
          %parallel_loop3A_466 = arith.index_cast %parallel_loop3A_465 : i32 to index
          %parallel_loop3A_467 = tpu.vector_load %arg16[%parallel_loop3A_466] {strides = array<i32>} : memref<1280xi32, #tpu.memory_space<vmem>>, vector<16xi32>,
          tpu.vector_store %arg16[%parallel_loop3A_466], %parallel_loop3A_463 {strides = array<i32>} : memref<1280xi32, #tpu.memory_space<vmem>>, vector<16xi32>,
        } {sc.loop_unroll_factor = 1 : i64, sc.parallel_access}
        %dma_start3A_374 = arith.constant 0 : i32
        %dma_start3A_375 = arith.constant 0 : i32
        %dma_start3A_376 = tpu.memref_slice %arg8[%dma_start3A_374, %dma_start3A_375] : memref<1280x8xf32, #tpu.memory_space<vmem>> -> memref<128x8xf32, #tpu.memory_space<vmem>>
        %dma_start3A_377 = arith.constant 0 : i32
        %dma_start3A_378 = tpu.memref_slice %arg16[%dma_start3A_377] : memref<1280xi32, #tpu.memory_space<vmem>> -> memref<128xi32, #tpu.memory_space<vmem>>
        %dma_start3A_379 = arith.constant 0 : i32
        %dma_start3A_380 = arith.constant 0 : i32
        %dma_start3A_381 = tpu.memref_slice %arg2[%dma_start3A_379, %dma_start3A_380] : memref<640000x8xf32, #tpu.memory_space<hbm>> -> memref<640000x8xf32, #tpu.memory_space<hbm>>
        tpu.enqueue_indirect_dma source(%dma_start3A_381 : memref<640000x8xf32, #tpu.memory_space<hbm>>) target(%dma_start3A_376 : memref<128x8xf32, #tpu.memory_space<vmem>>) offsets(%dma_start3A_378 : memref<128xi32, #tpu.memory_space<vmem>>) semaphore(%arg20 : memref<!tpu.dma_semaphore, #tpu.memory_space<semaphore_mem>>)
        %dma_start3A_382 = arith.constant 128 : i32
        %dma_start3A_383 = arith.constant 0 : i32
        %dma_start3A_384 = tpu.memref_slice %arg8[%dma_start3A_382, %dma_start3A_383] : memref<1280x8xf32, #tpu.memory_space<vmem>> -> memref<128x8xf32, #tpu.memory_space<vmem>>
        %dma_start3A_385 = arith.constant 128 : i32
        %dma_start3A_386 = tpu.memref_slice %arg16[%dma_start3A_385] : memref<1280xi32, #tpu.memory_space<vmem>> -> memref<128xi32, #tpu.memory_space<vmem>>
        %dma_start3A_387 = arith.constant 0 : i32
        %dma_start3A_388 = arith.constant 0 : i32
        %dma_start3A_389 = tpu.memref_slice %arg2[%dma_start3A_387, %dma_start3A_388] : memref<640000x8xf32, #tpu.memory_space<hbm>> -> memref<640000x8xf32, #tpu.memory_space<hbm>>
        tpu.enqueue_indirect_dma source(%dma_start3A_389 : memref<640000x8xf32, #tpu.memory_space<hbm>>) target(%dma_start3A_384 : memref<128x8xf32, #tpu.memory_space<vmem>>) offsets(%dma_start3A_386 : memref<128xi32, #tpu.memory_space<vmem>>) semaphore(%arg20 : memref<!tpu.dma_semaphore, #tpu.memory_space<semaphore_mem>>)
        %dma_start3A_390 = arith.constant 256 : i32
        %dma_start3A_391 = arith.constant 0 : i32
        %dma_start3A_392 = tpu.memref_slice %arg8[%dma_start3A_390, %dma_start3A_391] : memref<1280x8xf32, #tpu.memory_space<vmem>> -> memref<128x8xf32, #tpu.memory_space<vmem>>
        %dma_start3A_393 = arith.constant 256 : i32
        %dma_start3A_394 = tpu.memref_slice %arg16[%dma_start3A_393] : memref<1280xi32, #tpu.memory_space<vmem>> -> memref<128xi32, #tpu.memory_space<vmem>>
        %dma_start3A_395 = arith.constant 0 : i32
        %dma_start3A_396 = arith.constant 0 : i32
        %dma_start3A_397 = tpu.memref_slice %arg2[%dma_start3A_395, %dma_start3A_396] : memref<640000x8xf32, #tpu.memory_space<hbm>> -> memref<640000x8xf32, #tpu.memory_space<hbm>>
        tpu.enqueue_indirect_dma source(%dma_start3A_397 : memref<640000x8xf32, #tpu.memory_space<hbm>>) target(%dma_start3A_392 : memref<128x8xf32, #tpu.memory_space<vmem>>) offsets(%dma_start3A_394 : memref<128xi32, #tpu.memory_space<vmem>>) semaphore(%arg20 : memref<!tpu.dma_semaphore, #tpu.memory_space<semaphore_mem>>)
        %dma_start3A_398 = arith.constant 384 : i32
        %dma_start3A_399 = arith.constant 0 : i32
        %dma_start3A_400 = tpu.memref_slice %arg8[%dma_start3A_398, %dma_start3A_399] : memref<1280x8xf32, #tpu.memory_space<vmem>> -> memref<128x8xf32, #tpu.memory_space<vmem>>
        %dma_start3A_401 = arith.constant 384 : i32
        %dma_start3A_402 = tpu.memref_slice %arg16[%dma_start3A_401] : memref<1280xi32, #tpu.memory_space<vmem>> -> memref<128xi32, #tpu.memory_space<vmem>>
        %dma_start3A_403 = arith.constant 0 : i32
        %dma_start3A_404 = arith.constant 0 : i32
        %dma_start3A_405 = tpu.memref_slice %arg2[%dma_start3A_403, %dma_start3A_404] : memref<640000x8xf32, #tpu.memory_space<hbm>> -> memref<640000x8xf32, #tpu.memory_space<hbm>>
        tpu.enqueue_indirect_dma source(%dma_start3A_405 : memref<640000x8xf32, #tpu.memory_space<hbm>>) target(%dma_start3A_400 : memref<128x8xf32, #tpu.memory_space<vmem>>) offsets(%dma_start3A_402 : memref<128xi32, #tpu.memory_space<vmem>>) semaphore(%arg20 : memref<!tpu.dma_semaphore, #tpu.memory_space<semaphore_mem>>)
        %dma_start3A_406 = arith.constant 512 : i32
        %dma_start3A_407 = arith.constant 0 : i32
        %dma_start3A_408 = tpu.memref_slice %arg8[%dma_start3A_406, %dma_start3A_407] : memref<1280x8xf32, #tpu.memory_space<vmem>> -> memref<128x8xf32, #tpu.memory_space<vmem>>
        %dma_start3A_409 = arith.constant 512 : i32
        %dma_start3A_410 = tpu.memref_slice %arg16[%dma_start3A_409] : memref<1280xi32, #tpu.memory_space<vmem>> -> memref<128xi32, #tpu.memory_space<vmem>>
        %dma_start3A_411 = arith.constant 0 : i32
        %dma_start3A_412 = arith.constant 0 : i32
        %dma_start3A_413 = tpu.memref_slice %arg2[%dma_start3A_411, %dma_start3A_412] : memref<640000x8xf32, #tpu.memory_space<hbm>> -> memref<640000x8xf32, #tpu.memory_space<hbm>>
        tpu.enqueue_indirect_dma source(%dma_start3A_413 : memref<640000x8xf32, #tpu.memory_space<hbm>>) target(%dma_start3A_408 : memref<128x8xf32, #tpu.memory_space<vmem>>) offsets(%dma_start3A_410 : memref<128xi32, #tpu.memory_space<vmem>>) semaphore(%arg20 : memref<!tpu.dma_semaphore, #tpu.memory_space<semaphore_mem>>)
        %dma_start3A_414 = arith.constant 640 : i32
        %dma_start3A_415 = arith.constant 0 : i32
        %dma_start3A_416 = tpu.memref_slice %arg8[%dma_start3A_414, %dma_start3A_415] : memref<1280x8xf32, #tpu.memory_space<vmem>> -> memref<128x8xf32, #tpu.memory_space<vmem>>
        %dma_start3A_417 = arith.constant 640 : i32
        %dma_start3A_418 = tpu.memref_slice %arg16[%dma_start3A_417] : memref<1280xi32, #tpu.memory_space<vmem>> -> memref<128xi32, #tpu.memory_space<vmem>>
        %dma_start3A_419 = arith.constant 0 : i32
        %dma_start3A_420 = arith.constant 0 : i32
        %dma_start3A_421 = tpu.memref_slice %arg2[%dma_start3A_419, %dma_start3A_420] : memref<640000x8xf32, #tpu.memory_space<hbm>> -> memref<640000x8xf32, #tpu.memory_space<hbm>>
        tpu.enqueue_indirect_dma source(%dma_start3A_421 : memref<640000x8xf32, #tpu.memory_space<hbm>>) target(%dma_start3A_416 : memref<128x8xf32, #tpu.memory_space<vmem>>) offsets(%dma_start3A_418 : memref<128xi32, #tpu.memory_space<vmem>>) semaphore(%arg20 : memref<!tpu.dma_semaphore, #tpu.memory_space<semaphore_mem>>)
        %dma_start3A_422 = arith.constant 768 : i32
        %dma_start3A_423 = arith.constant 0 : i32
        %dma_start3A_424 = tpu.memref_slice %arg8[%dma_start3A_422, %dma_start3A_423] : memref<1280x8xf32, #tpu.memory_space<vmem>> -> memref<128x8xf32, #tpu.memory_space<vmem>>
        %dma_start3A_425 = arith.constant 768 : i32
        %dma_start3A_426 = tpu.memref_slice %arg16[%dma_start3A_425] : memref<1280xi32, #tpu.memory_space<vmem>> -> memref<128xi32, #tpu.memory_space<vmem>>
        %dma_start3A_427 = arith.constant 0 : i32
        %dma_start3A_428 = arith.constant 0 : i32
        %dma_start3A_429 = tpu.memref_slice %arg2[%dma_start3A_427, %dma_start3A_428] : memref<640000x8xf32, #tpu.memory_space<hbm>> -> memref<640000x8xf32, #tpu.memory_space<hbm>>
        tpu.enqueue_indirect_dma source(%dma_start3A_429 : memref<640000x8xf32, #tpu.memory_space<hbm>>) target(%dma_start3A_424 : memref<128x8xf32, #tpu.memory_space<vmem>>) offsets(%dma_start3A_426 : memref<128xi32, #tpu.memory_space<vmem>>) semaphore(%arg20 : memref<!tpu.dma_semaphore, #tpu.memory_space<semaphore_mem>>)
        %dma_start3A_430 = arith.constant 896 : i32
        %dma_start3A_431 = arith.constant 0 : i32
        %dma_start3A_432 = tpu.memref_slice %arg8[%dma_start3A_430, %dma_start3A_431] : memref<1280x8xf32, #tpu.memory_space<vmem>> -> memref<128x8xf32, #tpu.memory_space<vmem>>
        %dma_start3A_433 = arith.constant 896 : i32
        %dma_start3A_434 = tpu.memref_slice %arg16[%dma_start3A_433] : memref<1280xi32, #tpu.memory_space<vmem>> -> memref<128xi32, #tpu.memory_space<vmem>>
        %dma_start3A_435 = arith.constant 0 : i32
        %dma_start3A_436 = arith.constant 0 : i32
        %dma_start3A_437 = tpu.memref_slice %arg2[%dma_start3A_435, %dma_start3A_436] : memref<640000x8xf32, #tpu.memory_space<hbm>> -> memref<640000x8xf32, #tpu.memory_space<hbm>>
        tpu.enqueue_indirect_dma source(%dma_start3A_437 : memref<640000x8xf32, #tpu.memory_space<hbm>>) target(%dma_start3A_432 : memref<128x8xf32, #tpu.memory_space<vmem>>) offsets(%dma_start3A_434 : memref<128xi32, #tpu.memory_space<vmem>>) semaphore(%arg20 : memref<!tpu.dma_semaphore, #tpu.memory_space<semaphore_mem>>)
        %dma_start3A_438 = arith.constant 1024 : i32
        %dma_start3A_439 = arith.constant 0 : i32
        %dma_start3A_440 = tpu.memref_slice %arg8[%dma_start3A_438, %dma_start3A_439] : memref<1280x8xf32, #tpu.memory_space<vmem>> -> memref<128x8xf32, #tpu.memory_space<vmem>>
        %dma_start3A_441 = arith.constant 1024 : i32
        %dma_start3A_442 = tpu.memref_slice %arg16[%dma_start3A_441] : memref<1280xi32, #tpu.memory_space<vmem>> -> memref<128xi32, #tpu.memory_space<vmem>>
        %dma_start3A_443 = arith.constant 0 : i32
        %dma_start3A_444 = arith.constant 0 : i32
        %dma_start3A_445 = tpu.memref_slice %arg2[%dma_start3A_443, %dma_start3A_444] : memref<640000x8xf32, #tpu.memory_space<hbm>> -> memref<640000x8xf32, #tpu.memory_space<hbm>>
        tpu.enqueue_indirect_dma source(%dma_start3A_445 : memref<640000x8xf32, #tpu.memory_space<hbm>>) target(%dma_start3A_440 : memref<128x8xf32, #tpu.memory_space<vmem>>) offsets(%dma_start3A_442 : memref<128xi32, #tpu.memory_space<vmem>>) semaphore(%arg20 : memref<!tpu.dma_semaphore, #tpu.memory_space<semaphore_mem>>)
        %dma_start3A_446 = arith.constant 1152 : i32
        %dma_start3A_447 = arith.constant 0 : i32
        %dma_start3A_448 = tpu.memref_slice %arg8[%dma_start3A_446, %dma_start3A_447] : memref<1280x8xf32, #tpu.memory_space<vmem>> -> memref<128x8xf32, #tpu.memory_space<vmem>>
        %dma_start3A_449 = arith.constant 1152 : i32
        %dma_start3A_450 = tpu.memref_slice %arg16[%dma_start3A_449] : memref<1280xi32, #tpu.memory_space<vmem>> -> memref<128xi32, #tpu.memory_space<vmem>>
        %dma_start3A_451 = arith.constant 0 : i32
        %dma_start3A_452 = arith.constant 0 : i32
        %dma_start3A_453 = tpu.memref_slice %arg2[%dma_start3A_451, %dma_start3A_452] : memref<640000x8xf32, #tpu.memory_space<hbm>> -> memref<640000x8xf32, #tpu.memory_space<hbm>>
        tpu.enqueue_indirect_dma source(%dma_start3A_453 : memref<640000x8xf32, #tpu.memory_space<hbm>>) target(%dma_start3A_448 : memref<128x8xf32, #tpu.memory_space<vmem>>) offsets(%dma_start3A_450 : memref<128xi32, #tpu.memory_space<vmem>>) semaphore(%arg20 : memref<!tpu.dma_semaphore, #tpu.memory_space<semaphore_mem>>)
      } else {
      }
      %lt3A_347 = arith.constant 125 : i32
      %lt3A_348 = arith.cmpi slt, %add3A_339, %lt3A_347 : i32
      %convert_element_type3A_349 = arith.extui %lt3A_348 : i1 to i32
      %cond3A_350 = arith.constant 0 : i32
      %cond3A_351 = arith.cmpi ne, %convert_element_type3A_349, %cond3A_350 : i32
      scf.if %cond3A_351 {
        %dma_wait3A_359 = arith.constant 0 : i32
        %dma_wait3A_360 = arith.constant 0 : i32
        %dma_wait3A_361 = tpu.memref_slice %arg9[%dma_wait3A_359, %dma_wait3A_360] : memref<1280x8xf32, #tpu.memory_space<vmem>> -> memref<128x8xf32, #tpu.memory_space<vmem>>
        %dma_wait3A_362 = arith.constant 0 : i32
        %dma_wait3A_363 = tpu.memref_slice %arg17[%dma_wait3A_362] : memref<1280xi32, #tpu.memory_space<vmem>> -> memref<128xi32, #tpu.memory_space<vmem>>
        %dma_wait3A_364 = arith.constant 0 : i32
        %dma_wait3A_365 = arith.constant 0 : i32
        %dma_wait3A_366 = tpu.memref_slice %arg2[%dma_wait3A_364, %dma_wait3A_365] : memref<640000x8xf32, #tpu.memory_space<hbm>> -> memref<640000x8xf32, #tpu.memory_space<hbm>>
        tpu.wait_indirect_dma semaphore(%arg21 : memref<!tpu.dma_semaphore, #tpu.memory_space<semaphore_mem>>) src(%dma_wait3A_366 : memref<640000x8xf32, #tpu.memory_space<hbm>>) dst(%dma_wait3A_361 : memref<128x8xf32, #tpu.memory_space<vmem>>)
        %dma_wait3A_367 = arith.constant 128 : i32
        %dma_wait3A_368 = arith.constant 0 : i32
        %dma_wait3A_369 = tpu.memref_slice %arg9[%dma_wait3A_367, %dma_wait3A_368] : memref<1280x8xf32, #tpu.memory_space<vmem>> -> memref<128x8xf32, #tpu.memory_space<vmem>>
        %dma_wait3A_370 = arith.constant 128 : i32
        %dma_wait3A_371 = tpu.memref_slice %arg17[%dma_wait3A_370] : memref<1280xi32, #tpu.memory_space<vmem>> -> memref<128xi32, #tpu.memory_space<vmem>>
        %dma_wait3A_372 = arith.constant 0 : i32
        %dma_wait3A_373 = arith.constant 0 : i32
        %dma_wait3A_374 = tpu.memref_slice %arg2[%dma_wait3A_372, %dma_wait3A_373] : memref<640000x8xf32, #tpu.memory_space<hbm>> -> memref<640000x8xf32, #tpu.memory_space<hbm>>
        tpu.wait_indirect_dma semaphore(%arg21 : memref<!tpu.dma_semaphore, #tpu.memory_space<semaphore_mem>>) src(%dma_wait3A_374 : memref<640000x8xf32, #tpu.memory_space<hbm>>) dst(%dma_wait3A_369 : memref<128x8xf32, #tpu.memory_space<vmem>>)
        %dma_wait3A_375 = arith.constant 256 : i32
        %dma_wait3A_376 = arith.constant 0 : i32
        %dma_wait3A_377 = tpu.memref_slice %arg9[%dma_wait3A_375, %dma_wait3A_376] : memref<1280x8xf32, #tpu.memory_space<vmem>> -> memref<128x8xf32, #tpu.memory_space<vmem>>
        %dma_wait3A_378 = arith.constant 256 : i32
        %dma_wait3A_379 = tpu.memref_slice %arg17[%dma_wait3A_378] : memref<1280xi32, #tpu.memory_space<vmem>> -> memref<128xi32, #tpu.memory_space<vmem>>
        %dma_wait3A_380 = arith.constant 0 : i32
        %dma_wait3A_381 = arith.constant 0 : i32
        %dma_wait3A_382 = tpu.memref_slice %arg2[%dma_wait3A_380, %dma_wait3A_381] : memref<640000x8xf32, #tpu.memory_space<hbm>> -> memref<640000x8xf32, #tpu.memory_space<hbm>>
        tpu.wait_indirect_dma semaphore(%arg21 : memref<!tpu.dma_semaphore, #tpu.memory_space<semaphore_mem>>) src(%dma_wait3A_382 : memref<640000x8xf32, #tpu.memory_space<hbm>>) dst(%dma_wait3A_377 : memref<128x8xf32, #tpu.memory_space<vmem>>)
        %dma_wait3A_383 = arith.constant 384 : i32
        %dma_wait3A_384 = arith.constant 0 : i32
        %dma_wait3A_385 = tpu.memref_slice %arg9[%dma_wait3A_383, %dma_wait3A_384] : memref<1280x8xf32, #tpu.memory_space<vmem>> -> memref<128x8xf32, #tpu.memory_space<vmem>>
        %dma_wait3A_386 = arith.constant 384 : i32
        %dma_wait3A_387 = tpu.memref_slice %arg17[%dma_wait3A_386] : memref<1280xi32, #tpu.memory_space<vmem>> -> memref<128xi32, #tpu.memory_space<vmem>>
        %dma_wait3A_388 = arith.constant 0 : i32
        %dma_wait3A_389 = arith.constant 0 : i32
        %dma_wait3A_390 = tpu.memref_slice %arg2[%dma_wait3A_388, %dma_wait3A_389] : memref<640000x8xf32, #tpu.memory_space<hbm>> -> memref<640000x8xf32, #tpu.memory_space<hbm>>
        tpu.wait_indirect_dma semaphore(%arg21 : memref<!tpu.dma_semaphore, #tpu.memory_space<semaphore_mem>>) src(%dma_wait3A_390 : memref<640000x8xf32, #tpu.memory_space<hbm>>) dst(%dma_wait3A_385 : memref<128x8xf32, #tpu.memory_space<vmem>>)
        %dma_wait3A_391 = arith.constant 512 : i32
        %dma_wait3A_392 = arith.constant 0 : i32
        %dma_wait3A_393 = tpu.memref_slice %arg9[%dma_wait3A_391, %dma_wait3A_392] : memref<1280x8xf32, #tpu.memory_space<vmem>> -> memref<128x8xf32, #tpu.memory_space<vmem>>
        %dma_wait3A_394 = arith.constant 512 : i32
        %dma_wait3A_395 = tpu.memref_slice %arg17[%dma_wait3A_394] : memref<1280xi32, #tpu.memory_space<vmem>> -> memref<128xi32, #tpu.memory_space<vmem>>
        %dma_wait3A_396 = arith.constant 0 : i32
        %dma_wait3A_397 = arith.constant 0 : i32
        %dma_wait3A_398 = tpu.memref_slice %arg2[%dma_wait3A_396, %dma_wait3A_397] : memref<640000x8xf32, #tpu.memory_space<hbm>> -> memref<640000x8xf32, #tpu.memory_space<hbm>>
        tpu.wait_indirect_dma semaphore(%arg21 : memref<!tpu.dma_semaphore, #tpu.memory_space<semaphore_mem>>) src(%dma_wait3A_398 : memref<640000x8xf32, #tpu.memory_space<hbm>>) dst(%dma_wait3A_393 : memref<128x8xf32, #tpu.memory_space<vmem>>)
        %dma_wait3A_399 = arith.constant 640 : i32
        %dma_wait3A_400 = arith.constant 0 : i32
        %dma_wait3A_401 = tpu.memref_slice %arg9[%dma_wait3A_399, %dma_wait3A_400] : memref<1280x8xf32, #tpu.memory_space<vmem>> -> memref<128x8xf32, #tpu.memory_space<vmem>>
        %dma_wait3A_402 = arith.constant 640 : i32
        %dma_wait3A_403 = tpu.memref_slice %arg17[%dma_wait3A_402] : memref<1280xi32, #tpu.memory_space<vmem>> -> memref<128xi32, #tpu.memory_space<vmem>>
        %dma_wait3A_404 = arith.constant 0 : i32
        %dma_wait3A_405 = arith.constant 0 : i32
        %dma_wait3A_406 = tpu.memref_slice %arg2[%dma_wait3A_404, %dma_wait3A_405] : memref<640000x8xf32, #tpu.memory_space<hbm>> -> memref<640000x8xf32, #tpu.memory_space<hbm>>
        tpu.wait_indirect_dma semaphore(%arg21 : memref<!tpu.dma_semaphore, #tpu.memory_space<semaphore_mem>>) src(%dma_wait3A_406 : memref<640000x8xf32, #tpu.memory_space<hbm>>) dst(%dma_wait3A_401 : memref<128x8xf32, #tpu.memory_space<vmem>>)
        %dma_wait3A_407 = arith.constant 768 : i32
        %dma_wait3A_408 = arith.constant 0 : i32
        %dma_wait3A_409 = tpu.memref_slice %arg9[%dma_wait3A_407, %dma_wait3A_408] : memref<1280x8xf32, #tpu.memory_space<vmem>> -> memref<128x8xf32, #tpu.memory_space<vmem>>
        %dma_wait3A_410 = arith.constant 768 : i32
        %dma_wait3A_411 = tpu.memref_slice %arg17[%dma_wait3A_410] : memref<1280xi32, #tpu.memory_space<vmem>> -> memref<128xi32, #tpu.memory_space<vmem>>
        %dma_wait3A_412 = arith.constant 0 : i32
        %dma_wait3A_413 = arith.constant 0 : i32
        %dma_wait3A_414 = tpu.memref_slice %arg2[%dma_wait3A_412, %dma_wait3A_413] : memref<640000x8xf32, #tpu.memory_space<hbm>> -> memref<640000x8xf32, #tpu.memory_space<hbm>>
        tpu.wait_indirect_dma semaphore(%arg21 : memref<!tpu.dma_semaphore, #tpu.memory_space<semaphore_mem>>) src(%dma_wait3A_414 : memref<640000x8xf32, #tpu.memory_space<hbm>>) dst(%dma_wait3A_409 : memref<128x8xf32, #tpu.memory_space<vmem>>)
        %dma_wait3A_415 = arith.constant 896 : i32
        %dma_wait3A_416 = arith.constant 0 : i32
        %dma_wait3A_417 = tpu.memref_slice %arg9[%dma_wait3A_415, %dma_wait3A_416] : memref<1280x8xf32, #tpu.memory_space<vmem>> -> memref<128x8xf32, #tpu.memory_space<vmem>>
        %dma_wait3A_418 = arith.constant 896 : i32
        %dma_wait3A_419 = tpu.memref_slice %arg17[%dma_wait3A_418] : memref<1280xi32, #tpu.memory_space<vmem>> -> memref<128xi32, #tpu.memory_space<vmem>>
        %dma_wait3A_420 = arith.constant 0 : i32
        %dma_wait3A_421 = arith.constant 0 : i32
        %dma_wait3A_422 = tpu.memref_slice %arg2[%dma_wait3A_420, %dma_wait3A_421] : memref<640000x8xf32, #tpu.memory_space<hbm>> -> memref<640000x8xf32, #tpu.memory_space<hbm>>
        tpu.wait_indirect_dma semaphore(%arg21 : memref<!tpu.dma_semaphore, #tpu.memory_space<semaphore_mem>>) src(%dma_wait3A_422 : memref<640000x8xf32, #tpu.memory_space<hbm>>) dst(%dma_wait3A_417 : memref<128x8xf32, #tpu.memory_space<vmem>>)
        %dma_wait3A_423 = arith.constant 1024 : i32
        %dma_wait3A_424 = arith.constant 0 : i32
        %dma_wait3A_425 = tpu.memref_slice %arg9[%dma_wait3A_423, %dma_wait3A_424] : memref<1280x8xf32, #tpu.memory_space<vmem>> -> memref<128x8xf32, #tpu.memory_space<vmem>>
        %dma_wait3A_426 = arith.constant 1024 : i32
        %dma_wait3A_427 = tpu.memref_slice %arg17[%dma_wait3A_426] : memref<1280xi32, #tpu.memory_space<vmem>> -> memref<128xi32, #tpu.memory_space<vmem>>
        %dma_wait3A_428 = arith.constant 0 : i32
        %dma_wait3A_429 = arith.constant 0 : i32
        %dma_wait3A_430 = tpu.memref_slice %arg2[%dma_wait3A_428, %dma_wait3A_429] : memref<640000x8xf32, #tpu.memory_space<hbm>> -> memref<640000x8xf32, #tpu.memory_space<hbm>>
        tpu.wait_indirect_dma semaphore(%arg21 : memref<!tpu.dma_semaphore, #tpu.memory_space<semaphore_mem>>) src(%dma_wait3A_430 : memref<640000x8xf32, #tpu.memory_space<hbm>>) dst(%dma_wait3A_425 : memref<128x8xf32, #tpu.memory_space<vmem>>)
        %dma_wait3A_431 = arith.constant 1152 : i32
        %dma_wait3A_432 = arith.constant 0 : i32
        %dma_wait3A_433 = tpu.memref_slice %arg9[%dma_wait3A_431, %dma_wait3A_432] : memref<1280x8xf32, #tpu.memory_space<vmem>> -> memref<128x8xf32, #tpu.memory_space<vmem>>
        %dma_wait3A_434 = arith.constant 1152 : i32
        %dma_wait3A_435 = tpu.memref_slice %arg17[%dma_wait3A_434] : memref<1280xi32, #tpu.memory_space<vmem>> -> memref<128xi32, #tpu.memory_space<vmem>>
        %dma_wait3A_436 = arith.constant 0 : i32
        %dma_wait3A_437 = arith.constant 0 : i32
        %dma_wait3A_438 = tpu.memref_slice %arg2[%dma_wait3A_436, %dma_wait3A_437] : memref<640000x8xf32, #tpu.memory_space<hbm>> -> memref<640000x8xf32, #tpu.memory_space<hbm>>
        tpu.wait_indirect_dma semaphore(%arg21 : memref<!tpu.dma_semaphore, #tpu.memory_space<semaphore_mem>>) src(%dma_wait3A_438 : memref<640000x8xf32, #tpu.memory_space<hbm>>) dst(%dma_wait3A_433 : memref<128x8xf32, #tpu.memory_space<vmem>>)
        %parallel_loop3A_439 = arith.constant 0 : i32
        %parallel_loop3A_440 = arith.constant 80 : i32
        %parallel_loop3A_441 = arith.constant 1 : i32
        scf.for %parallel_loop3A_442 = %parallel_loop3A_439 to %parallel_loop3A_440 step %parallel_loop3A_441  : i32 {
          %parallel_loop3A_443 = arith.constant 16 : i32
          %parallel_loop3A_444 = arith.muli %parallel_loop3A_442, %parallel_loop3A_443 : i32
          %parallel_loop3A_445 = arith.index_cast %parallel_loop3A_444 : i32 to index
          %parallel_loop3A_446 = tpu.vector_load %arg13[%parallel_loop3A_445] {strides = array<i32>} : memref<1280xi32, #tpu.memory_space<vmem>>, vector<16xi32>,
          %parallel_loop3A_447 = arith.constant 16 : i32
          %parallel_loop3A_448 = arith.muli %parallel_loop3A_442, %parallel_loop3A_447 : i32
          %parallel_loop3A_449 = arith.index_cast %parallel_loop3A_448 : i32 to index
          %parallel_loop3A_450 = tpu.vector_load %arg15[%parallel_loop3A_449] {strides = array<i32>} : memref<1280xf32, #tpu.memory_space<vmem>>, vector<16xf32>,
          %parallel_loop3A_451 = arith.constant 0 : i32
          %parallel_loop3A_452 = vector.broadcast %parallel_loop3A_451 : i32 to vector<16xi32>
          %parallel_loop3A_453 = arith.addi %select_n3A_46, %parallel_loop3A_452 : vector<16xi32>
          %parallel_loop3A_454 = vector.shape_cast %parallel_loop3A_453 : vector<16xi32> to vector<16x1xi32>
          %parallel_loop3A_455 = vector.shape_cast %parallel_loop3A_454 : vector<16x1xi32> to vector<16xi32>
          %parallel_loop3A_456 = tpu.dynamic_gather %parallel_loop3A_446[%parallel_loop3A_455] in [0] : vector<16xi32>, vector<16xi32> -> vector<16xi32>
          %parallel_loop3A_457 = vector.shape_cast %parallel_loop3A_453 : vector<16xi32> to vector<16x1xi32>
          %parallel_loop3A_458 = vector.shape_cast %parallel_loop3A_457 : vector<16x1xi32> to vector<16xi32>
          %parallel_loop3A_459 = tpu.dynamic_gather %parallel_loop3A_450[%parallel_loop3A_458] in [0] : vector<16xf32>, vector<16xi32> -> vector<16xf32>
          %parallel_loop3A_460 = arith.constant 16 : i32
          %parallel_loop3A_461 = arith.muli %parallel_loop3A_442, %parallel_loop3A_460 : i32
          %parallel_loop3A_462 = vector.broadcast %parallel_loop3A_461 : i32 to vector<16xi32>
          %parallel_loop3A_463 = arith.addi %parallel_loop3A_453, %parallel_loop3A_462 : vector<16xi32>
          %parallel_loop3A_464 = tpu.vector_load_idx %arg9[%parallel_loop3A_463, %select_n3A_15] : memref<1280x8xf32, #tpu.memory_space<vmem>>[vector<16xi32>, vector<16xi32>], vector<16xf32>,
          %parallel_loop3A_465 = arith.mulf %parallel_loop3A_464, %parallel_loop3A_459 : vector<16xf32>
          %parallel_loop3A_466 = arith.addi %parallel_loop3A_456, %mul3A_18 : vector<16xi32>
          tpu.vector_store_idx %arg7[%parallel_loop3A_466], %parallel_loop3A_465 masked %lt3A_49 {add = true} : memref<81936xf32, #tpu.memory_space<vmem>>[vector<16xi32>], vector<16xf32>, vector<16xi1>
          tpu.vector_store_idx %arg7[%parallel_loop3A_466], %parallel_loop3A_465 masked %ge3A_51 {add = true} : memref<81936xf32, #tpu.memory_space<vmem>>[vector<16xi32>], vector<16xf32>, vector<16xi1>
          %parallel_loop3A_467 = arith.constant 2 : i32
          %parallel_loop3A_468 = vector.broadcast %parallel_loop3A_467 : i32 to vector<16xi32>
          %parallel_loop3A_469 = arith.addi %select_n3A_46, %parallel_loop3A_468 : vector<16xi32>
          %parallel_loop3A_470 = vector.shape_cast %parallel_loop3A_469 : vector<16xi32> to vector<16x1xi32>
          %parallel_loop3A_471 = vector.shape_cast %parallel_loop3A_470 : vector<16x1xi32> to vector<16xi32>
          %parallel_loop3A_472 = tpu.dynamic_gather %parallel_loop3A_446[%parallel_loop3A_471] in [0] : vector<16xi32>, vector<16xi32> -> vector<16xi32>
          %parallel_loop3A_473 = vector.shape_cast %parallel_loop3A_469 : vector<16xi32> to vector<16x1xi32>
          %parallel_loop3A_474 = vector.shape_cast %parallel_loop3A_473 : vector<16x1xi32> to vector<16xi32>
          %parallel_loop3A_475 = tpu.dynamic_gather %parallel_loop3A_450[%parallel_loop3A_474] in [0] : vector<16xf32>, vector<16xi32> -> vector<16xf32>
          %parallel_loop3A_476 = arith.constant 16 : i32
          %parallel_loop3A_477 = arith.muli %parallel_loop3A_442, %parallel_loop3A_476 : i32
          %parallel_loop3A_478 = vector.broadcast %parallel_loop3A_477 : i32 to vector<16xi32>
          %parallel_loop3A_479 = arith.addi %parallel_loop3A_469, %parallel_loop3A_478 : vector<16xi32>
          %parallel_loop3A_480 = tpu.vector_load_idx %arg9[%parallel_loop3A_479, %select_n3A_15] : memref<1280x8xf32, #tpu.memory_space<vmem>>[vector<16xi32>, vector<16xi32>], vector<16xf32>,
          %parallel_loop3A_481 = arith.mulf %parallel_loop3A_480, %parallel_loop3A_475 : vector<16xf32>
          %parallel_loop3A_482 = arith.addi %parallel_loop3A_472, %mul3A_18 : vector<16xi32>
          tpu.vector_store_idx %arg7[%parallel_loop3A_482], %parallel_loop3A_481 masked %lt3A_49 {add = true} : memref<81936xf32, #tpu.memory_space<vmem>>[vector<16xi32>], vector<16xf32>, vector<16xi1>
          tpu.vector_store_idx %arg7[%parallel_loop3A_482], %parallel_loop3A_481 masked %ge3A_51 {add = true} : memref<81936xf32, #tpu.memory_space<vmem>>[vector<16xi32>], vector<16xf32>, vector<16xi1>
          %parallel_loop3A_483 = arith.constant 4 : i32
          %parallel_loop3A_484 = vector.broadcast %parallel_loop3A_483 : i32 to vector<16xi32>
          %parallel_loop3A_485 = arith.addi %select_n3A_46, %parallel_loop3A_484 : vector<16xi32>
          %parallel_loop3A_486 = vector.shape_cast %parallel_loop3A_485 : vector<16xi32> to vector<16x1xi32>
          %parallel_loop3A_487 = vector.shape_cast %parallel_loop3A_486 : vector<16x1xi32> to vector<16xi32>
          %parallel_loop3A_488 = tpu.dynamic_gather %parallel_loop3A_446[%parallel_loop3A_487] in [0] : vector<16xi32>, vector<16xi32> -> vector<16xi32>
          %parallel_loop3A_489 = vector.shape_cast %parallel_loop3A_485 : vector<16xi32> to vector<16x1xi32>
          %parallel_loop3A_490 = vector.shape_cast %parallel_loop3A_489 : vector<16x1xi32> to vector<16xi32>
          %parallel_loop3A_491 = tpu.dynamic_gather %parallel_loop3A_450[%parallel_loop3A_490] in [0] : vector<16xf32>, vector<16xi32> -> vector<16xf32>
          %parallel_loop3A_492 = arith.constant 16 : i32
          %parallel_loop3A_493 = arith.muli %parallel_loop3A_442, %parallel_loop3A_492 : i32
          %parallel_loop3A_494 = vector.broadcast %parallel_loop3A_493 : i32 to vector<16xi32>
          %parallel_loop3A_495 = arith.addi %parallel_loop3A_485, %parallel_loop3A_494 : vector<16xi32>
          %parallel_loop3A_496 = tpu.vector_load_idx %arg9[%parallel_loop3A_495, %select_n3A_15] : memref<1280x8xf32, #tpu.memory_space<vmem>>[vector<16xi32>, vector<16xi32>], vector<16xf32>,
          %parallel_loop3A_497 = arith.mulf %parallel_loop3A_496, %parallel_loop3A_491 : vector<16xf32>
          %parallel_loop3A_498 = arith.addi %parallel_loop3A_488, %mul3A_18 : vector<16xi32>
          tpu.vector_store_idx %arg7[%parallel_loop3A_498], %parallel_loop3A_497 masked %lt3A_49 {add = true} : memref<81936xf32, #tpu.memory_space<vmem>>[vector<16xi32>], vector<16xf32>, vector<16xi1>
          tpu.vector_store_idx %arg7[%parallel_loop3A_498], %parallel_loop3A_497 masked %ge3A_51 {add = true} : memref<81936xf32, #tpu.memory_space<vmem>>[vector<16xi32>], vector<16xf32>, vector<16xi1>
          %parallel_loop3A_499 = arith.constant 6 : i32
          %parallel_loop3A_500 = vector.broadcast %parallel_loop3A_499 : i32 to vector<16xi32>
          %parallel_loop3A_501 = arith.addi %select_n3A_46, %parallel_loop3A_500 : vector<16xi32>
          %parallel_loop3A_502 = vector.shape_cast %parallel_loop3A_501 : vector<16xi32> to vector<16x1xi32>
          %parallel_loop3A_503 = vector.shape_cast %parallel_loop3A_502 : vector<16x1xi32> to vector<16xi32>
          %parallel_loop3A_504 = tpu.dynamic_gather %parallel_loop3A_446[%parallel_loop3A_503] in [0] : vector<16xi32>, vector<16xi32> -> vector<16xi32>
          %parallel_loop3A_505 = vector.shape_cast %parallel_loop3A_501 : vector<16xi32> to vector<16x1xi32>
          %parallel_loop3A_506 = vector.shape_cast %parallel_loop3A_505 : vector<16x1xi32> to vector<16xi32>
          %parallel_loop3A_507 = tpu.dynamic_gather %parallel_loop3A_450[%parallel_loop3A_506] in [0] : vector<16xf32>, vector<16xi32> -> vector<16xf32>
          %parallel_loop3A_508 = arith.constant 16 : i32
          %parallel_loop3A_509 = arith.muli %parallel_loop3A_442, %parallel_loop3A_508 : i32
          %parallel_loop3A_510 = vector.broadcast %parallel_loop3A_509 : i32 to vector<16xi32>
          %parallel_loop3A_511 = arith.addi %parallel_loop3A_501, %parallel_loop3A_510 : vector<16xi32>
          %parallel_loop3A_512 = tpu.vector_load_idx %arg9[%parallel_loop3A_511, %select_n3A_15] : memref<1280x8xf32, #tpu.memory_space<vmem>>[vector<16xi32>, vector<16xi32>], vector<16xf32>,
          %parallel_loop3A_513 = arith.mulf %parallel_loop3A_512, %parallel_loop3A_507 : vector<16xf32>
          %parallel_loop3A_514 = arith.addi %parallel_loop3A_504, %mul3A_18 : vector<16xi32>
          tpu.vector_store_idx %arg7[%parallel_loop3A_514], %parallel_loop3A_513 masked %lt3A_49 {add = true} : memref<81936xf32, #tpu.memory_space<vmem>>[vector<16xi32>], vector<16xf32>, vector<16xi1>
          tpu.vector_store_idx %arg7[%parallel_loop3A_514], %parallel_loop3A_513 masked %ge3A_51 {add = true} : memref<81936xf32, #tpu.memory_space<vmem>>[vector<16xi32>], vector<16xf32>, vector<16xi1>
          %parallel_loop3A_515 = arith.constant 8 : i32
          %parallel_loop3A_516 = vector.broadcast %parallel_loop3A_515 : i32 to vector<16xi32>
          %parallel_loop3A_517 = arith.addi %select_n3A_46, %parallel_loop3A_516 : vector<16xi32>
          %parallel_loop3A_518 = vector.shape_cast %parallel_loop3A_517 : vector<16xi32> to vector<16x1xi32>
          %parallel_loop3A_519 = vector.shape_cast %parallel_loop3A_518 : vector<16x1xi32> to vector<16xi32>
          %parallel_loop3A_520 = tpu.dynamic_gather %parallel_loop3A_446[%parallel_loop3A_519] in [0] : vector<16xi32>, vector<16xi32> -> vector<16xi32>
          %parallel_loop3A_521 = vector.shape_cast %parallel_loop3A_517 : vector<16xi32> to vector<16x1xi32>
          %parallel_loop3A_522 = vector.shape_cast %parallel_loop3A_521 : vector<16x1xi32> to vector<16xi32>
          %parallel_loop3A_523 = tpu.dynamic_gather %parallel_loop3A_450[%parallel_loop3A_522] in [0] : vector<16xf32>, vector<16xi32> -> vector<16xf32>
          %parallel_loop3A_524 = arith.constant 16 : i32
          %parallel_loop3A_525 = arith.muli %parallel_loop3A_442, %parallel_loop3A_524 : i32
          %parallel_loop3A_526 = vector.broadcast %parallel_loop3A_525 : i32 to vector<16xi32>
          %parallel_loop3A_527 = arith.addi %parallel_loop3A_517, %parallel_loop3A_526 : vector<16xi32>
          %parallel_loop3A_528 = tpu.vector_load_idx %arg9[%parallel_loop3A_527, %select_n3A_15] : memref<1280x8xf32, #tpu.memory_space<vmem>>[vector<16xi32>, vector<16xi32>], vector<16xf32>,
          %parallel_loop3A_529 = arith.mulf %parallel_loop3A_528, %parallel_loop3A_523 : vector<16xf32>
          %parallel_loop3A_530 = arith.addi %parallel_loop3A_520, %mul3A_18 : vector<16xi32>
          tpu.vector_store_idx %arg7[%parallel_loop3A_530], %parallel_loop3A_529 masked %lt3A_49 {add = true} : memref<81936xf32, #tpu.memory_space<vmem>>[vector<16xi32>], vector<16xf32>, vector<16xi1>
          tpu.vector_store_idx %arg7[%parallel_loop3A_530], %parallel_loop3A_529 masked %ge3A_51 {add = true} : memref<81936xf32, #tpu.memory_space<vmem>>[vector<16xi32>], vector<16xf32>, vector<16xi1>
          %parallel_loop3A_531 = arith.constant 10 : i32
          %parallel_loop3A_532 = vector.broadcast %parallel_loop3A_531 : i32 to vector<16xi32>
          %parallel_loop3A_533 = arith.addi %select_n3A_46, %parallel_loop3A_532 : vector<16xi32>
          %parallel_loop3A_534 = vector.shape_cast %parallel_loop3A_533 : vector<16xi32> to vector<16x1xi32>
          %parallel_loop3A_535 = vector.shape_cast %parallel_loop3A_534 : vector<16x1xi32> to vector<16xi32>
          %parallel_loop3A_536 = tpu.dynamic_gather %parallel_loop3A_446[%parallel_loop3A_535] in [0] : vector<16xi32>, vector<16xi32> -> vector<16xi32>
          %parallel_loop3A_537 = vector.shape_cast %parallel_loop3A_533 : vector<16xi32> to vector<16x1xi32>
          %parallel_loop3A_538 = vector.shape_cast %parallel_loop3A_537 : vector<16x1xi32> to vector<16xi32>
          %parallel_loop3A_539 = tpu.dynamic_gather %parallel_loop3A_450[%parallel_loop3A_538] in [0] : vector<16xf32>, vector<16xi32> -> vector<16xf32>
          %parallel_loop3A_540 = arith.constant 16 : i32
          %parallel_loop3A_541 = arith.muli %parallel_loop3A_442, %parallel_loop3A_540 : i32
          %parallel_loop3A_542 = vector.broadcast %parallel_loop3A_541 : i32 to vector<16xi32>
          %parallel_loop3A_543 = arith.addi %parallel_loop3A_533, %parallel_loop3A_542 : vector<16xi32>
          %parallel_loop3A_544 = tpu.vector_load_idx %arg9[%parallel_loop3A_543, %select_n3A_15] : memref<1280x8xf32, #tpu.memory_space<vmem>>[vector<16xi32>, vector<16xi32>], vector<16xf32>,
          %parallel_loop3A_545 = arith.mulf %parallel_loop3A_544, %parallel_loop3A_539 : vector<16xf32>
          %parallel_loop3A_546 = arith.addi %parallel_loop3A_536, %mul3A_18 : vector<16xi32>
          tpu.vector_store_idx %arg7[%parallel_loop3A_546], %parallel_loop3A_545 masked %lt3A_49 {add = true} : memref<81936xf32, #tpu.memory_space<vmem>>[vector<16xi32>], vector<16xf32>, vector<16xi1>
          tpu.vector_store_idx %arg7[%parallel_loop3A_546], %parallel_loop3A_545 masked %ge3A_51 {add = true} : memref<81936xf32, #tpu.memory_space<vmem>>[vector<16xi32>], vector<16xf32>, vector<16xi1>
          %parallel_loop3A_547 = arith.constant 12 : i32
          %parallel_loop3A_548 = vector.broadcast %parallel_loop3A_547 : i32 to vector<16xi32>
          %parallel_loop3A_549 = arith.addi %select_n3A_46, %parallel_loop3A_548 : vector<16xi32>
          %parallel_loop3A_550 = vector.shape_cast %parallel_loop3A_549 : vector<16xi32> to vector<16x1xi32>
          %parallel_loop3A_551 = vector.shape_cast %parallel_loop3A_550 : vector<16x1xi32> to vector<16xi32>
          %parallel_loop3A_552 = tpu.dynamic_gather %parallel_loop3A_446[%parallel_loop3A_551] in [0] : vector<16xi32>, vector<16xi32> -> vector<16xi32>
          %parallel_loop3A_553 = vector.shape_cast %parallel_loop3A_549 : vector<16xi32> to vector<16x1xi32>
          %parallel_loop3A_554 = vector.shape_cast %parallel_loop3A_553 : vector<16x1xi32> to vector<16xi32>
          %parallel_loop3A_555 = tpu.dynamic_gather %parallel_loop3A_450[%parallel_loop3A_554] in [0] : vector<16xf32>, vector<16xi32> -> vector<16xf32>
          %parallel_loop3A_556 = arith.constant 16 : i32
          %parallel_loop3A_557 = arith.muli %parallel_loop3A_442, %parallel_loop3A_556 : i32
          %parallel_loop3A_558 = vector.broadcast %parallel_loop3A_557 : i32 to vector<16xi32>
          %parallel_loop3A_559 = arith.addi %parallel_loop3A_549, %parallel_loop3A_558 : vector<16xi32>
          %parallel_loop3A_560 = tpu.vector_load_idx %arg9[%parallel_loop3A_559, %select_n3A_15] : memref<1280x8xf32, #tpu.memory_space<vmem>>[vector<16xi32>, vector<16xi32>], vector<16xf32>,
          %parallel_loop3A_561 = arith.mulf %parallel_loop3A_560, %parallel_loop3A_555 : vector<16xf32>
          %parallel_loop3A_562 = arith.addi %parallel_loop3A_552, %mul3A_18 : vector<16xi32>
          tpu.vector_store_idx %arg7[%parallel_loop3A_562], %parallel_loop3A_561 masked %lt3A_49 {add = true} : memref<81936xf32, #tpu.memory_space<vmem>>[vector<16xi32>], vector<16xf32>, vector<16xi1>
          tpu.vector_store_idx %arg7[%parallel_loop3A_562], %parallel_loop3A_561 masked %ge3A_51 {add = true} : memref<81936xf32, #tpu.memory_space<vmem>>[vector<16xi32>], vector<16xf32>, vector<16xi1>
          %parallel_loop3A_563 = arith.constant 14 : i32
          %parallel_loop3A_564 = vector.broadcast %parallel_loop3A_563 : i32 to vector<16xi32>
          %parallel_loop3A_565 = arith.addi %select_n3A_46, %parallel_loop3A_564 : vector<16xi32>
          %parallel_loop3A_566 = vector.shape_cast %parallel_loop3A_565 : vector<16xi32> to vector<16x1xi32>
          %parallel_loop3A_567 = vector.shape_cast %parallel_loop3A_566 : vector<16x1xi32> to vector<16xi32>
          %parallel_loop3A_568 = tpu.dynamic_gather %parallel_loop3A_446[%parallel_loop3A_567] in [0] : vector<16xi32>, vector<16xi32> -> vector<16xi32>
          %parallel_loop3A_569 = vector.shape_cast %parallel_loop3A_565 : vector<16xi32> to vector<16x1xi32>
          %parallel_loop3A_570 = vector.shape_cast %parallel_loop3A_569 : vector<16x1xi32> to vector<16xi32>
          %parallel_loop3A_571 = tpu.dynamic_gather %parallel_loop3A_450[%parallel_loop3A_570] in [0] : vector<16xf32>, vector<16xi32> -> vector<16xf32>
          %parallel_loop3A_572 = arith.constant 16 : i32
          %parallel_loop3A_573 = arith.muli %parallel_loop3A_442, %parallel_loop3A_572 : i32
          %parallel_loop3A_574 = vector.broadcast %parallel_loop3A_573 : i32 to vector<16xi32>
          %parallel_loop3A_575 = arith.addi %parallel_loop3A_565, %parallel_loop3A_574 : vector<16xi32>
          %parallel_loop3A_576 = tpu.vector_load_idx %arg9[%parallel_loop3A_575, %select_n3A_15] : memref<1280x8xf32, #tpu.memory_space<vmem>>[vector<16xi32>, vector<16xi32>], vector<16xf32>,
          %parallel_loop3A_577 = arith.mulf %parallel_loop3A_576, %parallel_loop3A_571 : vector<16xf32>
          %parallel_loop3A_578 = arith.addi %parallel_loop3A_568, %mul3A_18 : vector<16xi32>
          tpu.vector_store_idx %arg7[%parallel_loop3A_578], %parallel_loop3A_577 masked %lt3A_49 {add = true} : memref<81936xf32, #tpu.memory_space<vmem>>[vector<16xi32>], vector<16xf32>, vector<16xi1>
          tpu.vector_store_idx %arg7[%parallel_loop3A_578], %parallel_loop3A_577 masked %ge3A_51 {add = true} : memref<81936xf32, #tpu.memory_space<vmem>>[vector<16xi32>], vector<16xf32>, vector<16xi1>
        } {sc.loop_unroll_factor = 1 : i64, sc.parallel_access}
      } else {
      }
      %add3A_352 = arith.constant 2 : i32
      %add3A_353 = arith.addi %add3A_339, %add3A_352 : i32
      %lt3A_354 = arith.constant 125 : i32
      %lt3A_355 = arith.cmpi slt, %add3A_353, %lt3A_354 : i32
      %convert_element_type3A_356 = arith.extui %lt3A_355 : i1 to i32
      %cond3A_357 = arith.constant 0 : i32
      %cond3A_358 = arith.cmpi ne, %convert_element_type3A_356, %cond3A_357 : i32
      scf.if %cond3A_358 {
        %add3A_359 = arith.constant 2 : i32
        %add3A_360 = arith.addi %add3A_339, %add3A_359 : i32
        %mul3A_361 = arith.constant 1280 : i32
        %mul3A_362 = arith.muli %add3A_360, %mul3A_361 : i32
        %dma_start3A_363 = tpu.memref_slice %arg4[%mul3A_362] : memref<160000xi32, #tpu.memory_space<hbm>> -> memref<1280xi32, #tpu.memory_space<hbm>>
        %dma_start3A_364 = tpu.memref_slice %arg4[%mul3A_362] : memref<160000xi32, #tpu.memory_space<hbm>> -> memref<1280xi32, #tpu.memory_space<hbm>>
        tpu.enqueue_dma source(%dma_start3A_364 : memref<1280xi32, #tpu.memory_space<hbm>>) target(%arg11 : memref<1280xi32, #tpu.memory_space<vmem>>) target_semaphore(%arg19 : memref<!tpu.dma_semaphore, #tpu.memory_space<semaphore_mem>>)
        %dma_start3A_365 = tpu.memref_slice %arg5[%mul3A_362] : memref<160000xi32, #tpu.memory_space<hbm>> -> memref<1280xi32, #tpu.memory_space<hbm>>
        %dma_start3A_366 = tpu.memref_slice %arg5[%mul3A_362] : memref<160000xi32, #tpu.memory_space<hbm>> -> memref<1280xi32, #tpu.memory_space<hbm>>
        tpu.enqueue_dma source(%dma_start3A_366 : memref<1280xi32, #tpu.memory_space<hbm>>) target(%arg13 : memref<1280xi32, #tpu.memory_space<vmem>>) target_semaphore(%arg19 : memref<!tpu.dma_semaphore, #tpu.memory_space<semaphore_mem>>)
        %add3A_367 = arith.constant 0 : i32
        %add3A_368 = arith.addi %add3A_367, %mul3A_362 : i32
        %dma_start3A_369 = tpu.memref_slice %arg3[%add3A_368] : memref<320000xf32, #tpu.memory_space<hbm>> -> memref<1280xf32, #tpu.memory_space<hbm>>
        %dma_start3A_370 = tpu.memref_slice %arg3[%add3A_368] : memref<320000xf32, #tpu.memory_space<hbm>> -> memref<1280xf32, #tpu.memory_space<hbm>>
        tpu.enqueue_dma source(%dma_start3A_370 : memref<1280xf32, #tpu.memory_space<hbm>>) target(%arg15 : memref<1280xf32, #tpu.memory_space<vmem>>) target_semaphore(%arg19 : memref<!tpu.dma_semaphore, #tpu.memory_space<semaphore_mem>>)
      } else {
      }
    }
    %scan3A_176 = arith.constant 63 : i32
    %mul3A_177 = arith.constant 8 : i32
    %mul3A_178 = arith.muli %add3A_53, %mul3A_177 : i32
    %mul3A_179 = arith.constant 10241 : i32
    %mul3A_180 = arith.muli %mul3A_178, %mul3A_179 : i32
    "tpu.region"() ({
      %run_scoped3A = tpu.sem_alloc : memref<!tpu.dma_semaphore, #tpu.memory_space<semaphore_mem>>
      %dma_start3A_314 = arith.constant 0 : i32
      %dma_start3A_315 = tpu.memref_slice %arg7[%dma_start3A_314] : memref<81936xf32, #tpu.memory_space<vmem>> -> memref<81928xf32, #tpu.memory_space<vmem>>
      %dma_start3A_316 = tpu.memref_slice %arg6[%mul3A_180] : memref<5243392xf32, #tpu.memory_space<hbm>> -> memref<81928xf32, #tpu.memory_space<hbm>>
      %dma_start3A_317 = tpu.memref_slice %arg6[%mul3A_180] : memref<5243392xf32, #tpu.memory_space<hbm>> -> memref<81928xf32, #tpu.memory_space<hbm>>
      %dma_start3A_318 = arith.constant 0 : i32
      %dma_start3A_319 = tpu.memref_slice %arg7[%dma_start3A_318] : memref<81936xf32, #tpu.memory_space<vmem>> -> memref<81928xf32, #tpu.memory_space<vmem>>
      tpu.enqueue_dma source(%dma_start3A_319 : memref<81928xf32, #tpu.memory_space<vmem>>) target(%dma_start3A_317 : memref<81928xf32, #tpu.memory_space<hbm>>) target_semaphore(%run_scoped3A : memref<!tpu.dma_semaphore, #tpu.memory_space<semaphore_mem>>)
      %dma_wait3A_320 = arith.constant 0 : i32
      %dma_wait3A_321 = tpu.memref_slice %arg7[%dma_wait3A_320] : memref<81936xf32, #tpu.memory_space<vmem>> -> memref<81928xf32, #tpu.memory_space<vmem>>
      %dma_wait3A_322 = tpu.memref_slice %arg6[%mul3A_180] : memref<5243392xf32, #tpu.memory_space<hbm>> -> memref<81928xf32, #tpu.memory_space<hbm>>
      %dma_wait3A_323 = tpu.memref_slice %arg6[%mul3A_180] : memref<5243392xf32, #tpu.memory_space<hbm>> -> memref<81928xf32, #tpu.memory_space<hbm>>
      %dma_wait3A_324 = arith.constant 0 : i32
      %dma_wait3A_325 = tpu.memref_slice %arg7[%dma_wait3A_324] : memref<81936xf32, #tpu.memory_space<vmem>> -> memref<81928xf32, #tpu.memory_space<vmem>>
      tpu.wait_dma2 semaphore(%run_scoped3A : memref<!tpu.dma_semaphore, #tpu.memory_space<semaphore_mem>>) src(%dma_wait3A_325 : memref<81928xf32, #tpu.memory_space<vmem>>) dst(%dma_wait3A_323 : memref<81928xf32, #tpu.memory_space<hbm>>)
      tpu.yield
    }) : () -> ()
    %add3A_181 = arith.constant 32 : i32
    %add3A_182 = arith.addi %add3A, %add3A_181 : i32
    %parallel_loop3A_183 = arith.constant 0 : i32
    %parallel_loop3A_184 = arith.constant 81936 : i32
    %parallel_loop3A_185 = arith.constant 16 : i32
    scf.for %parallel_loop3A_314 = %parallel_loop3A_183 to %parallel_loop3A_184 step %parallel_loop3A_185  : i32 {
      %parallel_loop3A_315 = arith.constant 0.000000e+00 : f32
      %parallel_loop3A_316 = vector.broadcast %parallel_loop3A_315 : f32 to vector<16xf32>
      %parallel_loop3A_317 = arith.index_cast %parallel_loop3A_314 : i32 to index
      %parallel_loop3A_318 = tpu.vector_load %arg7[%parallel_loop3A_317] {strides = array<i32>} : memref<81936xf32, #tpu.memory_space<vmem>>, vector<16xf32>,
      tpu.vector_store %arg7[%parallel_loop3A_317], %parallel_loop3A_316 {strides = array<i32>} : memref<81936xf32, #tpu.memory_space<vmem>>, vector<16xf32>,
    } {sc.loop_unroll_factor = 1 : i64, sc.parallel_access}
    %dma_start3A_186 = arith.constant 0 : i32
    %dma_start3A_187 = tpu.memref_slice %arg4[%dma_start3A_186] : memref<160000xi32, #tpu.memory_space<hbm>> -> memref<1280xi32, #tpu.memory_space<hbm>>
    %dma_start3A_188 = arith.constant 0 : i32
    %dma_start3A_189 = tpu.memref_slice %arg4[%dma_start3A_188] : memref<160000xi32, #tpu.memory_space<hbm>> -> memref<1280xi32, #tpu.memory_space<hbm>>
    tpu.enqueue_dma source(%dma_start3A_189 : memref<1280xi32, #tpu.memory_space<hbm>>) target(%arg10 : memref<1280xi32, #tpu.memory_space<vmem>>) target_semaphore(%arg18 : memref<!tpu.dma_semaphore, #tpu.memory_space<semaphore_mem>>)
    %dma_start3A_190 = arith.constant 0 : i32
    %dma_start3A_191 = tpu.memref_slice %arg5[%dma_start3A_190] : memref<160000xi32, #tpu.memory_space<hbm>> -> memref<1280xi32, #tpu.memory_space<hbm>>
    %dma_start3A_192 = arith.constant 0 : i32
    %dma_start3A_193 = tpu.memref_slice %arg5[%dma_start3A_192] : memref<160000xi32, #tpu.memory_space<hbm>> -> memref<1280xi32, #tpu.memory_space<hbm>>
    tpu.enqueue_dma source(%dma_start3A_193 : memref<1280xi32, #tpu.memory_space<hbm>>) target(%arg12 : memref<1280xi32, #tpu.memory_space<vmem>>) target_semaphore(%arg18 : memref<!tpu.dma_semaphore, #tpu.memory_space<semaphore_mem>>)
    %dma_start3A_194 = arith.constant 160000 : i32
    %dma_start3A_195 = tpu.memref_slice %arg3[%dma_start3A_194] : memref<320000xf32, #tpu.memory_space<hbm>> -> memref<1280xf32, #tpu.memory_space<hbm>>
    %dma_start3A_196 = arith.constant 160000 : i32
    %dma_start3A_197 = tpu.memref_slice %arg3[%dma_start3A_196] : memref<320000xf32, #tpu.memory_space<hbm>> -> memref<1280xf32, #tpu.memory_space<hbm>>
    tpu.enqueue_dma source(%dma_start3A_197 : memref<1280xf32, #tpu.memory_space<hbm>>) target(%arg14 : memref<1280xf32, #tpu.memory_space<vmem>>) target_semaphore(%arg18 : memref<!tpu.dma_semaphore, #tpu.memory_space<semaphore_mem>>)
    %dma_wait3A_198 = arith.constant 0 : i32
    %dma_wait3A_199 = tpu.memref_slice %arg4[%dma_wait3A_198] : memref<160000xi32, #tpu.memory_space<hbm>> -> memref<1280xi32, #tpu.memory_space<hbm>>
    %dma_wait3A_200 = arith.constant 0 : i32
    %dma_wait3A_201 = tpu.memref_slice %arg4[%dma_wait3A_200] : memref<160000xi32, #tpu.memory_space<hbm>> -> memref<1280xi32, #tpu.memory_space<hbm>>
    tpu.wait_dma2 semaphore(%arg18 : memref<!tpu.dma_semaphore, #tpu.memory_space<semaphore_mem>>) src(%dma_wait3A_201 : memref<1280xi32, #tpu.memory_space<hbm>>) dst(%arg10 : memref<1280xi32, #tpu.memory_space<vmem>>)
    %dma_wait3A_202 = arith.constant 0 : i32
    %dma_wait3A_203 = tpu.memref_slice %arg4[%dma_wait3A_202] : memref<160000xi32, #tpu.memory_space<hbm>> -> memref<1280xi32, #tpu.memory_space<hbm>>
    %dma_wait3A_204 = arith.constant 0 : i32
    %dma_wait3A_205 = tpu.memref_slice %arg4[%dma_wait3A_204] : memref<160000xi32, #tpu.memory_space<hbm>> -> memref<1280xi32, #tpu.memory_space<hbm>>
    tpu.wait_dma2 semaphore(%arg18 : memref<!tpu.dma_semaphore, #tpu.memory_space<semaphore_mem>>) src(%dma_wait3A_205 : memref<1280xi32, #tpu.memory_space<hbm>>) dst(%arg12 : memref<1280xi32, #tpu.memory_space<vmem>>)
    %dma_wait3A_206 = arith.constant 0 : i32
    %dma_wait3A_207 = tpu.memref_slice %arg4[%dma_wait3A_206] : memref<160000xi32, #tpu.memory_space<hbm>> -> memref<1280xi32, #tpu.memory_space<hbm>>
    %dma_wait3A_208 = arith.constant 0 : i32
    %dma_wait3A_209 = tpu.memref_slice %arg4[%dma_wait3A_208] : memref<160000xi32, #tpu.memory_space<hbm>> -> memref<1280xi32, #tpu.memory_space<hbm>>
    tpu.wait_dma2 semaphore(%arg18 : memref<!tpu.dma_semaphore, #tpu.memory_space<semaphore_mem>>) src(%dma_wait3A_209 : memref<1280xi32, #tpu.memory_space<hbm>>) dst(%arg14 : memref<1280xf32, #tpu.memory_space<vmem>>)
    %parallel_loop3A_210 = arith.constant 0 : i32
    %parallel_loop3A_211 = arith.constant 80 : i32
    %parallel_loop3A_212 = arith.constant 1 : i32
    scf.for %parallel_loop3A_314 = %parallel_loop3A_210 to %parallel_loop3A_211 step %parallel_loop3A_212  : i32 {
      %parallel_loop3A_315 = arith.constant 16 : i32
      %parallel_loop3A_316 = arith.muli %parallel_loop3A_314, %parallel_loop3A_315 : i32
      %parallel_loop3A_317 = arith.index_cast %parallel_loop3A_316 : i32 to index
      %parallel_loop3A_318 = tpu.vector_load %arg10[%parallel_loop3A_317] {strides = array<i32>} : memref<1280xi32, #tpu.memory_space<vmem>>, vector<16xi32>,
      %parallel_loop3A_319 = arith.constant 64 : i32
      %parallel_loop3A_320 = vector.broadcast %parallel_loop3A_319 : i32 to vector<16xi32>
      %parallel_loop3A_321 = arith.muli %parallel_loop3A_318, %parallel_loop3A_320 : vector<16xi32>
      %parallel_loop3A_322 = vector.broadcast %add3A_182 : i32 to vector<16xi32>
      %parallel_loop3A_323 = arith.addi %parallel_loop3A_321, %parallel_loop3A_322 : vector<16xi32>
      %parallel_loop3A_324 = arith.constant 16 : i32
      %parallel_loop3A_325 = arith.muli %parallel_loop3A_314, %parallel_loop3A_324 : i32
      %parallel_loop3A_326 = arith.index_cast %parallel_loop3A_325 : i32 to index
      %parallel_loop3A_327 = tpu.vector_load %arg16[%parallel_loop3A_326] {strides = array<i32>} : memref<1280xi32, #tpu.memory_space<vmem>>, vector<16xi32>,
      tpu.vector_store %arg16[%parallel_loop3A_326], %parallel_loop3A_323 {strides = array<i32>} : memref<1280xi32, #tpu.memory_space<vmem>>, vector<16xi32>,
    } {sc.loop_unroll_factor = 1 : i64, sc.parallel_access}
    %dma_start3A_213 = arith.constant 0 : i32
    %dma_start3A_214 = arith.constant 0 : i32
    %dma_start3A_215 = tpu.memref_slice %arg8[%dma_start3A_213, %dma_start3A_214] : memref<1280x8xf32, #tpu.memory_space<vmem>> -> memref<128x8xf32, #tpu.memory_space<vmem>>
    %dma_start3A_216 = arith.constant 0 : i32
    %dma_start3A_217 = tpu.memref_slice %arg16[%dma_start3A_216] : memref<1280xi32, #tpu.memory_space<vmem>> -> memref<128xi32, #tpu.memory_space<vmem>>
    %dma_start3A_218 = arith.constant 0 : i32
    %dma_start3A_219 = arith.constant 0 : i32
    %dma_start3A_220 = tpu.memref_slice %arg2[%dma_start3A_218, %dma_start3A_219] : memref<640000x8xf32, #tpu.memory_space<hbm>> -> memref<640000x8xf32, #tpu.memory_space<hbm>>
    tpu.enqueue_indirect_dma source(%dma_start3A_220 : memref<640000x8xf32, #tpu.memory_space<hbm>>) target(%dma_start3A_215 : memref<128x8xf32, #tpu.memory_space<vmem>>) offsets(%dma_start3A_217 : memref<128xi32, #tpu.memory_space<vmem>>) semaphore(%arg20 : memref<!tpu.dma_semaphore, #tpu.memory_space<semaphore_mem>>)
    %dma_start3A_221 = arith.constant 128 : i32
    %dma_start3A_222 = arith.constant 0 : i32
    %dma_start3A_223 = tpu.memref_slice %arg8[%dma_start3A_221, %dma_start3A_222] : memref<1280x8xf32, #tpu.memory_space<vmem>> -> memref<128x8xf32, #tpu.memory_space<vmem>>
    %dma_start3A_224 = arith.constant 128 : i32
    %dma_start3A_225 = tpu.memref_slice %arg16[%dma_start3A_224] : memref<1280xi32, #tpu.memory_space<vmem>> -> memref<128xi32, #tpu.memory_space<vmem>>
    %dma_start3A_226 = arith.constant 0 : i32
    %dma_start3A_227 = arith.constant 0 : i32
    %dma_start3A_228 = tpu.memref_slice %arg2[%dma_start3A_226, %dma_start3A_227] : memref<640000x8xf32, #tpu.memory_space<hbm>> -> memref<640000x8xf32, #tpu.memory_space<hbm>>
    tpu.enqueue_indirect_dma source(%dma_start3A_228 : memref<640000x8xf32, #tpu.memory_space<hbm>>) target(%dma_start3A_223 : memref<128x8xf32, #tpu.memory_space<vmem>>) offsets(%dma_start3A_225 : memref<128xi32, #tpu.memory_space<vmem>>) semaphore(%arg20 : memref<!tpu.dma_semaphore, #tpu.memory_space<semaphore_mem>>)
    %dma_start3A_229 = arith.constant 256 : i32
    %dma_start3A_230 = arith.constant 0 : i32
    %dma_start3A_231 = tpu.memref_slice %arg8[%dma_start3A_229, %dma_start3A_230] : memref<1280x8xf32, #tpu.memory_space<vmem>> -> memref<128x8xf32, #tpu.memory_space<vmem>>
    %dma_start3A_232 = arith.constant 256 : i32
    %dma_start3A_233 = tpu.memref_slice %arg16[%dma_start3A_232] : memref<1280xi32, #tpu.memory_space<vmem>> -> memref<128xi32, #tpu.memory_space<vmem>>
    %dma_start3A_234 = arith.constant 0 : i32
    %dma_start3A_235 = arith.constant 0 : i32
    %dma_start3A_236 = tpu.memref_slice %arg2[%dma_start3A_234, %dma_start3A_235] : memref<640000x8xf32, #tpu.memory_space<hbm>> -> memref<640000x8xf32, #tpu.memory_space<hbm>>
    tpu.enqueue_indirect_dma source(%dma_start3A_236 : memref<640000x8xf32, #tpu.memory_space<hbm>>) target(%dma_start3A_231 : memref<128x8xf32, #tpu.memory_space<vmem>>) offsets(%dma_start3A_233 : memref<128xi32, #tpu.memory_space<vmem>>) semaphore(%arg20 : memref<!tpu.dma_semaphore, #tpu.memory_space<semaphore_mem>>)
    %dma_start3A_237 = arith.constant 384 : i32
    %dma_start3A_238 = arith.constant 0 : i32
    %dma_start3A_239 = tpu.memref_slice %arg8[%dma_start3A_237, %dma_start3A_238] : memref<1280x8xf32, #tpu.memory_space<vmem>> -> memref<128x8xf32, #tpu.memory_space<vmem>>
    %dma_start3A_240 = arith.constant 384 : i32
    %dma_start3A_241 = tpu.memref_slice %arg16[%dma_start3A_240] : memref<1280xi32, #tpu.memory_space<vmem>> -> memref<128xi32, #tpu.memory_space<vmem>>
    %dma_start3A_242 = arith.constant 0 : i32
    %dma_start3A_243 = arith.constant 0 : i32
    %dma_start3A_244 = tpu.memref_slice %arg2[%dma_start3A_242, %dma_start3A_243] : memref<640000x8xf32, #tpu.memory_space<hbm>> -> memref<640000x8xf32, #tpu.memory_space<hbm>>
    tpu.enqueue_indirect_dma source(%dma_start3A_244 : memref<640000x8xf32, #tpu.memory_space<hbm>>) target(%dma_start3A_239 : memref<128x8xf32, #tpu.memory_space<vmem>>) offsets(%dma_start3A_241 : memref<128xi32, #tpu.memory_space<vmem>>) semaphore(%arg20 : memref<!tpu.dma_semaphore, #tpu.memory_space<semaphore_mem>>)
    %dma_start3A_245 = arith.constant 512 : i32
    %dma_start3A_246 = arith.constant 0 : i32
    %dma_start3A_247 = tpu.memref_slice %arg8[%dma_start3A_245, %dma_start3A_246] : memref<1280x8xf32, #tpu.memory_space<vmem>> -> memref<128x8xf32, #tpu.memory_space<vmem>>
    %dma_start3A_248 = arith.constant 512 : i32
    %dma_start3A_249 = tpu.memref_slice %arg16[%dma_start3A_248] : memref<1280xi32, #tpu.memory_space<vmem>> -> memref<128xi32, #tpu.memory_space<vmem>>
    %dma_start3A_250 = arith.constant 0 : i32
    %dma_start3A_251 = arith.constant 0 : i32
    %dma_start3A_252 = tpu.memref_slice %arg2[%dma_start3A_250, %dma_start3A_251] : memref<640000x8xf32, #tpu.memory_space<hbm>> -> memref<640000x8xf32, #tpu.memory_space<hbm>>
    tpu.enqueue_indirect_dma source(%dma_start3A_252 : memref<640000x8xf32, #tpu.memory_space<hbm>>) target(%dma_start3A_247 : memref<128x8xf32, #tpu.memory_space<vmem>>) offsets(%dma_start3A_249 : memref<128xi32, #tpu.memory_space<vmem>>) semaphore(%arg20 : memref<!tpu.dma_semaphore, #tpu.memory_space<semaphore_mem>>)
    %dma_start3A_253 = arith.constant 640 : i32
    %dma_start3A_254 = arith.constant 0 : i32
    %dma_start3A_255 = tpu.memref_slice %arg8[%dma_start3A_253, %dma_start3A_254] : memref<1280x8xf32, #tpu.memory_space<vmem>> -> memref<128x8xf32, #tpu.memory_space<vmem>>
    %dma_start3A_256 = arith.constant 640 : i32
    %dma_start3A_257 = tpu.memref_slice %arg16[%dma_start3A_256] : memref<1280xi32, #tpu.memory_space<vmem>> -> memref<128xi32, #tpu.memory_space<vmem>>
    %dma_start3A_258 = arith.constant 0 : i32
    %dma_start3A_259 = arith.constant 0 : i32
    %dma_start3A_260 = tpu.memref_slice %arg2[%dma_start3A_258, %dma_start3A_259] : memref<640000x8xf32, #tpu.memory_space<hbm>> -> memref<640000x8xf32, #tpu.memory_space<hbm>>
    tpu.enqueue_indirect_dma source(%dma_start3A_260 : memref<640000x8xf32, #tpu.memory_space<hbm>>) target(%dma_start3A_255 : memref<128x8xf32, #tpu.memory_space<vmem>>) offsets(%dma_start3A_257 : memref<128xi32, #tpu.memory_space<vmem>>) semaphore(%arg20 : memref<!tpu.dma_semaphore, #tpu.memory_space<semaphore_mem>>)
    %dma_start3A_261 = arith.constant 768 : i32
    %dma_start3A_262 = arith.constant 0 : i32
    %dma_start3A_263 = tpu.memref_slice %arg8[%dma_start3A_261, %dma_start3A_262] : memref<1280x8xf32, #tpu.memory_space<vmem>> -> memref<128x8xf32, #tpu.memory_space<vmem>>
    %dma_start3A_264 = arith.constant 768 : i32
    %dma_start3A_265 = tpu.memref_slice %arg16[%dma_start3A_264] : memref<1280xi32, #tpu.memory_space<vmem>> -> memref<128xi32, #tpu.memory_space<vmem>>
    %dma_start3A_266 = arith.constant 0 : i32
    %dma_start3A_267 = arith.constant 0 : i32
    %dma_start3A_268 = tpu.memref_slice %arg2[%dma_start3A_266, %dma_start3A_267] : memref<640000x8xf32, #tpu.memory_space<hbm>> -> memref<640000x8xf32, #tpu.memory_space<hbm>>
    tpu.enqueue_indirect_dma source(%dma_start3A_268 : memref<640000x8xf32, #tpu.memory_space<hbm>>) target(%dma_start3A_263 : memref<128x8xf32, #tpu.memory_space<vmem>>) offsets(%dma_start3A_265 : memref<128xi32, #tpu.memory_space<vmem>>) semaphore(%arg20 : memref<!tpu.dma_semaphore, #tpu.memory_space<semaphore_mem>>)
    %dma_start3A_269 = arith.constant 896 : i32
    %dma_start3A_270 = arith.constant 0 : i32
    %dma_start3A_271 = tpu.memref_slice %arg8[%dma_start3A_269, %dma_start3A_270] : memref<1280x8xf32, #tpu.memory_space<vmem>> -> memref<128x8xf32, #tpu.memory_space<vmem>>
    %dma_start3A_272 = arith.constant 896 : i32
    %dma_start3A_273 = tpu.memref_slice %arg16[%dma_start3A_272] : memref<1280xi32, #tpu.memory_space<vmem>> -> memref<128xi32, #tpu.memory_space<vmem>>
    %dma_start3A_274 = arith.constant 0 : i32
    %dma_start3A_275 = arith.constant 0 : i32
    %dma_start3A_276 = tpu.memref_slice %arg2[%dma_start3A_274, %dma_start3A_275] : memref<640000x8xf32, #tpu.memory_space<hbm>> -> memref<640000x8xf32, #tpu.memory_space<hbm>>
    tpu.enqueue_indirect_dma source(%dma_start3A_276 : memref<640000x8xf32, #tpu.memory_space<hbm>>) target(%dma_start3A_271 : memref<128x8xf32, #tpu.memory_space<vmem>>) offsets(%dma_start3A_273 : memref<128xi32, #tpu.memory_space<vmem>>) semaphore(%arg20 : memref<!tpu.dma_semaphore, #tpu.memory_space<semaphore_mem>>)
    %dma_start3A_277 = arith.constant 1024 : i32
    %dma_start3A_278 = arith.constant 0 : i32
    %dma_start3A_279 = tpu.memref_slice %arg8[%dma_start3A_277, %dma_start3A_278] : memref<1280x8xf32, #tpu.memory_space<vmem>> -> memref<128x8xf32, #tpu.memory_space<vmem>>
    %dma_start3A_280 = arith.constant 1024 : i32
    %dma_start3A_281 = tpu.memref_slice %arg16[%dma_start3A_280] : memref<1280xi32, #tpu.memory_space<vmem>> -> memref<128xi32, #tpu.memory_space<vmem>>
    %dma_start3A_282 = arith.constant 0 : i32
    %dma_start3A_283 = arith.constant 0 : i32
    %dma_start3A_284 = tpu.memref_slice %arg2[%dma_start3A_282, %dma_start3A_283] : memref<640000x8xf32, #tpu.memory_space<hbm>> -> memref<640000x8xf32, #tpu.memory_space<hbm>>
    tpu.enqueue_indirect_dma source(%dma_start3A_284 : memref<640000x8xf32, #tpu.memory_space<hbm>>) target(%dma_start3A_279 : memref<128x8xf32, #tpu.memory_space<vmem>>) offsets(%dma_start3A_281 : memref<128xi32, #tpu.memory_space<vmem>>) semaphore(%arg20 : memref<!tpu.dma_semaphore, #tpu.memory_space<semaphore_mem>>)
    %dma_start3A_285 = arith.constant 1152 : i32
    %dma_start3A_286 = arith.constant 0 : i32
    %dma_start3A_287 = tpu.memref_slice %arg8[%dma_start3A_285, %dma_start3A_286] : memref<1280x8xf32, #tpu.memory_space<vmem>> -> memref<128x8xf32, #tpu.memory_space<vmem>>
    %dma_start3A_288 = arith.constant 1152 : i32
    %dma_start3A_289 = tpu.memref_slice %arg16[%dma_start3A_288] : memref<1280xi32, #tpu.memory_space<vmem>> -> memref<128xi32, #tpu.memory_space<vmem>>
    %dma_start3A_290 = arith.constant 0 : i32
    %dma_start3A_291 = arith.constant 0 : i32
    %dma_start3A_292 = tpu.memref_slice %arg2[%dma_start3A_290, %dma_start3A_291] : memref<640000x8xf32, #tpu.memory_space<hbm>> -> memref<640000x8xf32, #tpu.memory_space<hbm>>
    tpu.enqueue_indirect_dma source(%dma_start3A_292 : memref<640000x8xf32, #tpu.memory_space<hbm>>) target(%dma_start3A_287 : memref<128x8xf32, #tpu.memory_space<vmem>>) offsets(%dma_start3A_289 : memref<128xi32, #tpu.memory_space<vmem>>) semaphore(%arg20 : memref<!tpu.dma_semaphore, #tpu.memory_space<semaphore_mem>>)
    %dma_start3A_293 = arith.constant 1280 : i32
    %dma_start3A_294 = tpu.memref_slice %arg4[%dma_start3A_293] : memref<160000xi32, #tpu.memory_space<hbm>> -> memref<1280xi32, #tpu.memory_space<hbm>>
    %dma_start3A_295 = arith.constant 1280 : i32
    %dma_start3A_296 = tpu.memref_slice %arg4[%dma_start3A_295] : memref<160000xi32, #tpu.memory_space<hbm>> -> memref<1280xi32, #tpu.memory_space<hbm>>
    tpu.enqueue_dma source(%dma_start3A_296 : memref<1280xi32, #tpu.memory_space<hbm>>) target(%arg11 : memref<1280xi32, #tpu.memory_space<vmem>>) target_semaphore(%arg19 : memref<!tpu.dma_semaphore, #tpu.memory_space<semaphore_mem>>)
    %dma_start3A_297 = arith.constant 1280 : i32
    %dma_start3A_298 = tpu.memref_slice %arg5[%dma_start3A_297] : memref<160000xi32, #tpu.memory_space<hbm>> -> memref<1280xi32, #tpu.memory_space<hbm>>
    %dma_start3A_299 = arith.constant 1280 : i32
    %dma_start3A_300 = tpu.memref_slice %arg5[%dma_start3A_299] : memref<160000xi32, #tpu.memory_space<hbm>> -> memref<1280xi32, #tpu.memory_space<hbm>>
    tpu.enqueue_dma source(%dma_start3A_300 : memref<1280xi32, #tpu.memory_space<hbm>>) target(%arg13 : memref<1280xi32, #tpu.memory_space<vmem>>) target_semaphore(%arg19 : memref<!tpu.dma_semaphore, #tpu.memory_space<semaphore_mem>>)
    %dma_start3A_301 = arith.constant 161280 : i32
    %dma_start3A_302 = tpu.memref_slice %arg3[%dma_start3A_301] : memref<320000xf32, #tpu.memory_space<hbm>> -> memref<1280xf32, #tpu.memory_space<hbm>>
    %dma_start3A_303 = arith.constant 161280 : i32
    %dma_start3A_304 = tpu.memref_slice %arg3[%dma_start3A_303] : memref<320000xf32, #tpu.memory_space<hbm>> -> memref<1280xf32, #tpu.memory_space<hbm>>
    tpu.enqueue_dma source(%dma_start3A_304 : memref<1280xf32, #tpu.memory_space<hbm>>) target(%arg15 : memref<1280xf32, #tpu.memory_space<vmem>>) target_semaphore(%arg19 : memref<!tpu.dma_semaphore, #tpu.memory_space<semaphore_mem>>)
    %scan3A_305 = arith.constant 0 : i32
    %scan3A_306 = arith.constant 63 : i32
    %scan3A_307 = arith.addi %scan3A_305, %scan3A_306 : i32
    %scan3A_308 = arith.constant 1 : i32
    scf.for %scan3A_314 = %scan3A_305 to %scan3A_307 step %scan3A_308  : i32 {
      %mul3A_315 = arith.constant 2 : i32
      %mul3A_316 = arith.muli %scan3A_314, %mul3A_315 : i32
      %add3A_317 = arith.constant 0 : i32
      %add3A_318 = arith.addi %add3A_317, %mul3A_316 : i32
      %add3A_319 = arith.constant 0 : i32
      %add3A_320 = arith.addi %add3A_318, %add3A_319 : i32
      %add3A_321 = arith.constant 1 : i32
      %add3A_322 = arith.addi %add3A_320, %add3A_321 : i32
      %lt3A_323 = arith.constant 125 : i32
      %lt3A_324 = arith.cmpi slt, %add3A_322, %lt3A_323 : i32
      %convert_element_type3A = arith.extui %lt3A_324 : i1 to i32
      %cond3A = arith.constant 0 : i32
      %cond3A_325 = arith.cmpi ne, %convert_element_type3A, %cond3A : i32
      scf.if %cond3A_325 {
        %dma_wait3A_359 = arith.constant 0 : i32
        %dma_wait3A_360 = tpu.memref_slice %arg4[%dma_wait3A_359] : memref<160000xi32, #tpu.memory_space<hbm>> -> memref<1280xi32, #tpu.memory_space<hbm>>
        %dma_wait3A_361 = arith.constant 0 : i32
        %dma_wait3A_362 = tpu.memref_slice %arg4[%dma_wait3A_361] : memref<160000xi32, #tpu.memory_space<hbm>> -> memref<1280xi32, #tpu.memory_space<hbm>>
        tpu.wait_dma2 semaphore(%arg19 : memref<!tpu.dma_semaphore, #tpu.memory_space<semaphore_mem>>) src(%dma_wait3A_362 : memref<1280xi32, #tpu.memory_space<hbm>>) dst(%arg11 : memref<1280xi32, #tpu.memory_space<vmem>>)
        %dma_wait3A_363 = arith.constant 0 : i32
        %dma_wait3A_364 = tpu.memref_slice %arg4[%dma_wait3A_363] : memref<160000xi32, #tpu.memory_space<hbm>> -> memref<1280xi32, #tpu.memory_space<hbm>>
        %dma_wait3A_365 = arith.constant 0 : i32
        %dma_wait3A_366 = tpu.memref_slice %arg4[%dma_wait3A_365] : memref<160000xi32, #tpu.memory_space<hbm>> -> memref<1280xi32, #tpu.memory_space<hbm>>
        tpu.wait_dma2 semaphore(%arg19 : memref<!tpu.dma_semaphore, #tpu.memory_space<semaphore_mem>>) src(%dma_wait3A_366 : memref<1280xi32, #tpu.memory_space<hbm>>) dst(%arg13 : memref<1280xi32, #tpu.memory_space<vmem>>)
        %dma_wait3A_367 = arith.constant 0 : i32
        %dma_wait3A_368 = tpu.memref_slice %arg4[%dma_wait3A_367] : memref<160000xi32, #tpu.memory_space<hbm>> -> memref<1280xi32, #tpu.memory_space<hbm>>
        %dma_wait3A_369 = arith.constant 0 : i32
        %dma_wait3A_370 = tpu.memref_slice %arg4[%dma_wait3A_369] : memref<160000xi32, #tpu.memory_space<hbm>> -> memref<1280xi32, #tpu.memory_space<hbm>>
        tpu.wait_dma2 semaphore(%arg19 : memref<!tpu.dma_semaphore, #tpu.memory_space<semaphore_mem>>) src(%dma_wait3A_370 : memref<1280xi32, #tpu.memory_space<hbm>>) dst(%arg15 : memref<1280xf32, #tpu.memory_space<vmem>>)
        %parallel_loop3A_371 = arith.constant 0 : i32
        %parallel_loop3A_372 = arith.constant 80 : i32
        %parallel_loop3A_373 = arith.constant 1 : i32
        scf.for %parallel_loop3A_454 = %parallel_loop3A_371 to %parallel_loop3A_372 step %parallel_loop3A_373  : i32 {
          %parallel_loop3A_455 = arith.constant 16 : i32
          %parallel_loop3A_456 = arith.muli %parallel_loop3A_454, %parallel_loop3A_455 : i32
          %parallel_loop3A_457 = arith.index_cast %parallel_loop3A_456 : i32 to index
          %parallel_loop3A_458 = tpu.vector_load %arg11[%parallel_loop3A_457] {strides = array<i32>} : memref<1280xi32, #tpu.memory_space<vmem>>, vector<16xi32>,
          %parallel_loop3A_459 = arith.constant 64 : i32
          %parallel_loop3A_460 = vector.broadcast %parallel_loop3A_459 : i32 to vector<16xi32>
          %parallel_loop3A_461 = arith.muli %parallel_loop3A_458, %parallel_loop3A_460 : vector<16xi32>
          %parallel_loop3A_462 = vector.broadcast %add3A_182 : i32 to vector<16xi32>
          %parallel_loop3A_463 = arith.addi %parallel_loop3A_461, %parallel_loop3A_462 : vector<16xi32>
          %parallel_loop3A_464 = arith.constant 16 : i32
          %parallel_loop3A_465 = arith.muli %parallel_loop3A_454, %parallel_loop3A_464 : i32
          %parallel_loop3A_466 = arith.index_cast %parallel_loop3A_465 : i32 to index
          %parallel_loop3A_467 = tpu.vector_load %arg17[%parallel_loop3A_466] {strides = array<i32>} : memref<1280xi32, #tpu.memory_space<vmem>>, vector<16xi32>,
          tpu.vector_store %arg17[%parallel_loop3A_466], %parallel_loop3A_463 {strides = array<i32>} : memref<1280xi32, #tpu.memory_space<vmem>>, vector<16xi32>,
        } {sc.loop_unroll_factor = 1 : i64, sc.parallel_access}
        %dma_start3A_374 = arith.constant 0 : i32
        %dma_start3A_375 = arith.constant 0 : i32
        %dma_start3A_376 = tpu.memref_slice %arg9[%dma_start3A_374, %dma_start3A_375] : memref<1280x8xf32, #tpu.memory_space<vmem>> -> memref<128x8xf32, #tpu.memory_space<vmem>>
        %dma_start3A_377 = arith.constant 0 : i32
        %dma_start3A_378 = tpu.memref_slice %arg17[%dma_start3A_377] : memref<1280xi32, #tpu.memory_space<vmem>> -> memref<128xi32, #tpu.memory_space<vmem>>
        %dma_start3A_379 = arith.constant 0 : i32
        %dma_start3A_380 = arith.constant 0 : i32
        %dma_start3A_381 = tpu.memref_slice %arg2[%dma_start3A_379, %dma_start3A_380] : memref<640000x8xf32, #tpu.memory_space<hbm>> -> memref<640000x8xf32, #tpu.memory_space<hbm>>
        tpu.enqueue_indirect_dma source(%dma_start3A_381 : memref<640000x8xf32, #tpu.memory_space<hbm>>) target(%dma_start3A_376 : memref<128x8xf32, #tpu.memory_space<vmem>>) offsets(%dma_start3A_378 : memref<128xi32, #tpu.memory_space<vmem>>) semaphore(%arg21 : memref<!tpu.dma_semaphore, #tpu.memory_space<semaphore_mem>>)
        %dma_start3A_382 = arith.constant 128 : i32
        %dma_start3A_383 = arith.constant 0 : i32
        %dma_start3A_384 = tpu.memref_slice %arg9[%dma_start3A_382, %dma_start3A_383] : memref<1280x8xf32, #tpu.memory_space<vmem>> -> memref<128x8xf32, #tpu.memory_space<vmem>>
        %dma_start3A_385 = arith.constant 128 : i32
        %dma_start3A_386 = tpu.memref_slice %arg17[%dma_start3A_385] : memref<1280xi32, #tpu.memory_space<vmem>> -> memref<128xi32, #tpu.memory_space<vmem>>
        %dma_start3A_387 = arith.constant 0 : i32
        %dma_start3A_388 = arith.constant 0 : i32
        %dma_start3A_389 = tpu.memref_slice %arg2[%dma_start3A_387, %dma_start3A_388] : memref<640000x8xf32, #tpu.memory_space<hbm>> -> memref<640000x8xf32, #tpu.memory_space<hbm>>
        tpu.enqueue_indirect_dma source(%dma_start3A_389 : memref<640000x8xf32, #tpu.memory_space<hbm>>) target(%dma_start3A_384 : memref<128x8xf32, #tpu.memory_space<vmem>>) offsets(%dma_start3A_386 : memref<128xi32, #tpu.memory_space<vmem>>) semaphore(%arg21 : memref<!tpu.dma_semaphore, #tpu.memory_space<semaphore_mem>>)
        %dma_start3A_390 = arith.constant 256 : i32
        %dma_start3A_391 = arith.constant 0 : i32
        %dma_start3A_392 = tpu.memref_slice %arg9[%dma_start3A_390, %dma_start3A_391] : memref<1280x8xf32, #tpu.memory_space<vmem>> -> memref<128x8xf32, #tpu.memory_space<vmem>>
        %dma_start3A_393 = arith.constant 256 : i32
        %dma_start3A_394 = tpu.memref_slice %arg17[%dma_start3A_393] : memref<1280xi32, #tpu.memory_space<vmem>> -> memref<128xi32, #tpu.memory_space<vmem>>
        %dma_start3A_395 = arith.constant 0 : i32
        %dma_start3A_396 = arith.constant 0 : i32
        %dma_start3A_397 = tpu.memref_slice %arg2[%dma_start3A_395, %dma_start3A_396] : memref<640000x8xf32, #tpu.memory_space<hbm>> -> memref<640000x8xf32, #tpu.memory_space<hbm>>
        tpu.enqueue_indirect_dma source(%dma_start3A_397 : memref<640000x8xf32, #tpu.memory_space<hbm>>) target(%dma_start3A_392 : memref<128x8xf32, #tpu.memory_space<vmem>>) offsets(%dma_start3A_394 : memref<128xi32, #tpu.memory_space<vmem>>) semaphore(%arg21 : memref<!tpu.dma_semaphore, #tpu.memory_space<semaphore_mem>>)
        %dma_start3A_398 = arith.constant 384 : i32
        %dma_start3A_399 = arith.constant 0 : i32
        %dma_start3A_400 = tpu.memref_slice %arg9[%dma_start3A_398, %dma_start3A_399] : memref<1280x8xf32, #tpu.memory_space<vmem>> -> memref<128x8xf32, #tpu.memory_space<vmem>>
        %dma_start3A_401 = arith.constant 384 : i32
        %dma_start3A_402 = tpu.memref_slice %arg17[%dma_start3A_401] : memref<1280xi32, #tpu.memory_space<vmem>> -> memref<128xi32, #tpu.memory_space<vmem>>
        %dma_start3A_403 = arith.constant 0 : i32
        %dma_start3A_404 = arith.constant 0 : i32
        %dma_start3A_405 = tpu.memref_slice %arg2[%dma_start3A_403, %dma_start3A_404] : memref<640000x8xf32, #tpu.memory_space<hbm>> -> memref<640000x8xf32, #tpu.memory_space<hbm>>
        tpu.enqueue_indirect_dma source(%dma_start3A_405 : memref<640000x8xf32, #tpu.memory_space<hbm>>) target(%dma_start3A_400 : memref<128x8xf32, #tpu.memory_space<vmem>>) offsets(%dma_start3A_402 : memref<128xi32, #tpu.memory_space<vmem>>) semaphore(%arg21 : memref<!tpu.dma_semaphore, #tpu.memory_space<semaphore_mem>>)
        %dma_start3A_406 = arith.constant 512 : i32
        %dma_start3A_407 = arith.constant 0 : i32
        %dma_start3A_408 = tpu.memref_slice %arg9[%dma_start3A_406, %dma_start3A_407] : memref<1280x8xf32, #tpu.memory_space<vmem>> -> memref<128x8xf32, #tpu.memory_space<vmem>>
        %dma_start3A_409 = arith.constant 512 : i32
        %dma_start3A_410 = tpu.memref_slice %arg17[%dma_start3A_409] : memref<1280xi32, #tpu.memory_space<vmem>> -> memref<128xi32, #tpu.memory_space<vmem>>
        %dma_start3A_411 = arith.constant 0 : i32
        %dma_start3A_412 = arith.constant 0 : i32
        %dma_start3A_413 = tpu.memref_slice %arg2[%dma_start3A_411, %dma_start3A_412] : memref<640000x8xf32, #tpu.memory_space<hbm>> -> memref<640000x8xf32, #tpu.memory_space<hbm>>
        tpu.enqueue_indirect_dma source(%dma_start3A_413 : memref<640000x8xf32, #tpu.memory_space<hbm>>) target(%dma_start3A_408 : memref<128x8xf32, #tpu.memory_space<vmem>>) offsets(%dma_start3A_410 : memref<128xi32, #tpu.memory_space<vmem>>) semaphore(%arg21 : memref<!tpu.dma_semaphore, #tpu.memory_space<semaphore_mem>>)
        %dma_start3A_414 = arith.constant 640 : i32
        %dma_start3A_415 = arith.constant 0 : i32
        %dma_start3A_416 = tpu.memref_slice %arg9[%dma_start3A_414, %dma_start3A_415] : memref<1280x8xf32, #tpu.memory_space<vmem>> -> memref<128x8xf32, #tpu.memory_space<vmem>>
        %dma_start3A_417 = arith.constant 640 : i32
        %dma_start3A_418 = tpu.memref_slice %arg17[%dma_start3A_417] : memref<1280xi32, #tpu.memory_space<vmem>> -> memref<128xi32, #tpu.memory_space<vmem>>
        %dma_start3A_419 = arith.constant 0 : i32
        %dma_start3A_420 = arith.constant 0 : i32
        %dma_start3A_421 = tpu.memref_slice %arg2[%dma_start3A_419, %dma_start3A_420] : memref<640000x8xf32, #tpu.memory_space<hbm>> -> memref<640000x8xf32, #tpu.memory_space<hbm>>
        tpu.enqueue_indirect_dma source(%dma_start3A_421 : memref<640000x8xf32, #tpu.memory_space<hbm>>) target(%dma_start3A_416 : memref<128x8xf32, #tpu.memory_space<vmem>>) offsets(%dma_start3A_418 : memref<128xi32, #tpu.memory_space<vmem>>) semaphore(%arg21 : memref<!tpu.dma_semaphore, #tpu.memory_space<semaphore_mem>>)
        %dma_start3A_422 = arith.constant 768 : i32
        %dma_start3A_423 = arith.constant 0 : i32
        %dma_start3A_424 = tpu.memref_slice %arg9[%dma_start3A_422, %dma_start3A_423] : memref<1280x8xf32, #tpu.memory_space<vmem>> -> memref<128x8xf32, #tpu.memory_space<vmem>>
        %dma_start3A_425 = arith.constant 768 : i32
        %dma_start3A_426 = tpu.memref_slice %arg17[%dma_start3A_425] : memref<1280xi32, #tpu.memory_space<vmem>> -> memref<128xi32, #tpu.memory_space<vmem>>
        %dma_start3A_427 = arith.constant 0 : i32
        %dma_start3A_428 = arith.constant 0 : i32
        %dma_start3A_429 = tpu.memref_slice %arg2[%dma_start3A_427, %dma_start3A_428] : memref<640000x8xf32, #tpu.memory_space<hbm>> -> memref<640000x8xf32, #tpu.memory_space<hbm>>
        tpu.enqueue_indirect_dma source(%dma_start3A_429 : memref<640000x8xf32, #tpu.memory_space<hbm>>) target(%dma_start3A_424 : memref<128x8xf32, #tpu.memory_space<vmem>>) offsets(%dma_start3A_426 : memref<128xi32, #tpu.memory_space<vmem>>) semaphore(%arg21 : memref<!tpu.dma_semaphore, #tpu.memory_space<semaphore_mem>>)
        %dma_start3A_430 = arith.constant 896 : i32
        %dma_start3A_431 = arith.constant 0 : i32
        %dma_start3A_432 = tpu.memref_slice %arg9[%dma_start3A_430, %dma_start3A_431] : memref<1280x8xf32, #tpu.memory_space<vmem>> -> memref<128x8xf32, #tpu.memory_space<vmem>>
        %dma_start3A_433 = arith.constant 896 : i32
        %dma_start3A_434 = tpu.memref_slice %arg17[%dma_start3A_433] : memref<1280xi32, #tpu.memory_space<vmem>> -> memref<128xi32, #tpu.memory_space<vmem>>
        %dma_start3A_435 = arith.constant 0 : i32
        %dma_start3A_436 = arith.constant 0 : i32
        %dma_start3A_437 = tpu.memref_slice %arg2[%dma_start3A_435, %dma_start3A_436] : memref<640000x8xf32, #tpu.memory_space<hbm>> -> memref<640000x8xf32, #tpu.memory_space<hbm>>
        tpu.enqueue_indirect_dma source(%dma_start3A_437 : memref<640000x8xf32, #tpu.memory_space<hbm>>) target(%dma_start3A_432 : memref<128x8xf32, #tpu.memory_space<vmem>>) offsets(%dma_start3A_434 : memref<128xi32, #tpu.memory_space<vmem>>) semaphore(%arg21 : memref<!tpu.dma_semaphore, #tpu.memory_space<semaphore_mem>>)
        %dma_start3A_438 = arith.constant 1024 : i32
        %dma_start3A_439 = arith.constant 0 : i32
        %dma_start3A_440 = tpu.memref_slice %arg9[%dma_start3A_438, %dma_start3A_439] : memref<1280x8xf32, #tpu.memory_space<vmem>> -> memref<128x8xf32, #tpu.memory_space<vmem>>
        %dma_start3A_441 = arith.constant 1024 : i32
        %dma_start3A_442 = tpu.memref_slice %arg17[%dma_start3A_441] : memref<1280xi32, #tpu.memory_space<vmem>> -> memref<128xi32, #tpu.memory_space<vmem>>
        %dma_start3A_443 = arith.constant 0 : i32
        %dma_start3A_444 = arith.constant 0 : i32
        %dma_start3A_445 = tpu.memref_slice %arg2[%dma_start3A_443, %dma_start3A_444] : memref<640000x8xf32, #tpu.memory_space<hbm>> -> memref<640000x8xf32, #tpu.memory_space<hbm>>
        tpu.enqueue_indirect_dma source(%dma_start3A_445 : memref<640000x8xf32, #tpu.memory_space<hbm>>) target(%dma_start3A_440 : memref<128x8xf32, #tpu.memory_space<vmem>>) offsets(%dma_start3A_442 : memref<128xi32, #tpu.memory_space<vmem>>) semaphore(%arg21 : memref<!tpu.dma_semaphore, #tpu.memory_space<semaphore_mem>>)
        %dma_start3A_446 = arith.constant 1152 : i32
        %dma_start3A_447 = arith.constant 0 : i32
        %dma_start3A_448 = tpu.memref_slice %arg9[%dma_start3A_446, %dma_start3A_447] : memref<1280x8xf32, #tpu.memory_space<vmem>> -> memref<128x8xf32, #tpu.memory_space<vmem>>
        %dma_start3A_449 = arith.constant 1152 : i32
        %dma_start3A_450 = tpu.memref_slice %arg17[%dma_start3A_449] : memref<1280xi32, #tpu.memory_space<vmem>> -> memref<128xi32, #tpu.memory_space<vmem>>
        %dma_start3A_451 = arith.constant 0 : i32
        %dma_start3A_452 = arith.constant 0 : i32
        %dma_start3A_453 = tpu.memref_slice %arg2[%dma_start3A_451, %dma_start3A_452] : memref<640000x8xf32, #tpu.memory_space<hbm>> -> memref<640000x8xf32, #tpu.memory_space<hbm>>
        tpu.enqueue_indirect_dma source(%dma_start3A_453 : memref<640000x8xf32, #tpu.memory_space<hbm>>) target(%dma_start3A_448 : memref<128x8xf32, #tpu.memory_space<vmem>>) offsets(%dma_start3A_450 : memref<128xi32, #tpu.memory_space<vmem>>) semaphore(%arg21 : memref<!tpu.dma_semaphore, #tpu.memory_space<semaphore_mem>>)
      } else {
      }
      %lt3A_326 = arith.constant 125 : i32
      %lt3A_327 = arith.cmpi slt, %add3A_320, %lt3A_326 : i32
      %convert_element_type3A_328 = arith.extui %lt3A_327 : i1 to i32
      %cond3A_329 = arith.constant 0 : i32
      %cond3A_330 = arith.cmpi ne, %convert_element_type3A_328, %cond3A_329 : i32
      scf.if %cond3A_330 {
        %dma_wait3A_359 = arith.constant 0 : i32
        %dma_wait3A_360 = arith.constant 0 : i32
        %dma_wait3A_361 = tpu.memref_slice %arg8[%dma_wait3A_359, %dma_wait3A_360] : memref<1280x8xf32, #tpu.memory_space<vmem>> -> memref<128x8xf32, #tpu.memory_space<vmem>>
        %dma_wait3A_362 = arith.constant 0 : i32
        %dma_wait3A_363 = tpu.memref_slice %arg16[%dma_wait3A_362] : memref<1280xi32, #tpu.memory_space<vmem>> -> memref<128xi32, #tpu.memory_space<vmem>>
        %dma_wait3A_364 = arith.constant 0 : i32
        %dma_wait3A_365 = arith.constant 0 : i32
        %dma_wait3A_366 = tpu.memref_slice %arg2[%dma_wait3A_364, %dma_wait3A_365] : memref<640000x8xf32, #tpu.memory_space<hbm>> -> memref<640000x8xf32, #tpu.memory_space<hbm>>
        tpu.wait_indirect_dma semaphore(%arg20 : memref<!tpu.dma_semaphore, #tpu.memory_space<semaphore_mem>>) src(%dma_wait3A_366 : memref<640000x8xf32, #tpu.memory_space<hbm>>) dst(%dma_wait3A_361 : memref<128x8xf32, #tpu.memory_space<vmem>>)
        %dma_wait3A_367 = arith.constant 128 : i32
        %dma_wait3A_368 = arith.constant 0 : i32
        %dma_wait3A_369 = tpu.memref_slice %arg8[%dma_wait3A_367, %dma_wait3A_368] : memref<1280x8xf32, #tpu.memory_space<vmem>> -> memref<128x8xf32, #tpu.memory_space<vmem>>
        %dma_wait3A_370 = arith.constant 128 : i32
        %dma_wait3A_371 = tpu.memref_slice %arg16[%dma_wait3A_370] : memref<1280xi32, #tpu.memory_space<vmem>> -> memref<128xi32, #tpu.memory_space<vmem>>
        %dma_wait3A_372 = arith.constant 0 : i32
        %dma_wait3A_373 = arith.constant 0 : i32
        %dma_wait3A_374 = tpu.memref_slice %arg2[%dma_wait3A_372, %dma_wait3A_373] : memref<640000x8xf32, #tpu.memory_space<hbm>> -> memref<640000x8xf32, #tpu.memory_space<hbm>>
        tpu.wait_indirect_dma semaphore(%arg20 : memref<!tpu.dma_semaphore, #tpu.memory_space<semaphore_mem>>) src(%dma_wait3A_374 : memref<640000x8xf32, #tpu.memory_space<hbm>>) dst(%dma_wait3A_369 : memref<128x8xf32, #tpu.memory_space<vmem>>)
        %dma_wait3A_375 = arith.constant 256 : i32
        %dma_wait3A_376 = arith.constant 0 : i32
        %dma_wait3A_377 = tpu.memref_slice %arg8[%dma_wait3A_375, %dma_wait3A_376] : memref<1280x8xf32, #tpu.memory_space<vmem>> -> memref<128x8xf32, #tpu.memory_space<vmem>>
        %dma_wait3A_378 = arith.constant 256 : i32
        %dma_wait3A_379 = tpu.memref_slice %arg16[%dma_wait3A_378] : memref<1280xi32, #tpu.memory_space<vmem>> -> memref<128xi32, #tpu.memory_space<vmem>>
        %dma_wait3A_380 = arith.constant 0 : i32
        %dma_wait3A_381 = arith.constant 0 : i32
        %dma_wait3A_382 = tpu.memref_slice %arg2[%dma_wait3A_380, %dma_wait3A_381] : memref<640000x8xf32, #tpu.memory_space<hbm>> -> memref<640000x8xf32, #tpu.memory_space<hbm>>
        tpu.wait_indirect_dma semaphore(%arg20 : memref<!tpu.dma_semaphore, #tpu.memory_space<semaphore_mem>>) src(%dma_wait3A_382 : memref<640000x8xf32, #tpu.memory_space<hbm>>) dst(%dma_wait3A_377 : memref<128x8xf32, #tpu.memory_space<vmem>>)
        %dma_wait3A_383 = arith.constant 384 : i32
        %dma_wait3A_384 = arith.constant 0 : i32
        %dma_wait3A_385 = tpu.memref_slice %arg8[%dma_wait3A_383, %dma_wait3A_384] : memref<1280x8xf32, #tpu.memory_space<vmem>> -> memref<128x8xf32, #tpu.memory_space<vmem>>
        %dma_wait3A_386 = arith.constant 384 : i32
        %dma_wait3A_387 = tpu.memref_slice %arg16[%dma_wait3A_386] : memref<1280xi32, #tpu.memory_space<vmem>> -> memref<128xi32, #tpu.memory_space<vmem>>
        %dma_wait3A_388 = arith.constant 0 : i32
        %dma_wait3A_389 = arith.constant 0 : i32
        %dma_wait3A_390 = tpu.memref_slice %arg2[%dma_wait3A_388, %dma_wait3A_389] : memref<640000x8xf32, #tpu.memory_space<hbm>> -> memref<640000x8xf32, #tpu.memory_space<hbm>>
        tpu.wait_indirect_dma semaphore(%arg20 : memref<!tpu.dma_semaphore, #tpu.memory_space<semaphore_mem>>) src(%dma_wait3A_390 : memref<640000x8xf32, #tpu.memory_space<hbm>>) dst(%dma_wait3A_385 : memref<128x8xf32, #tpu.memory_space<vmem>>)
        %dma_wait3A_391 = arith.constant 512 : i32
        %dma_wait3A_392 = arith.constant 0 : i32
        %dma_wait3A_393 = tpu.memref_slice %arg8[%dma_wait3A_391, %dma_wait3A_392] : memref<1280x8xf32, #tpu.memory_space<vmem>> -> memref<128x8xf32, #tpu.memory_space<vmem>>
        %dma_wait3A_394 = arith.constant 512 : i32
        %dma_wait3A_395 = tpu.memref_slice %arg16[%dma_wait3A_394] : memref<1280xi32, #tpu.memory_space<vmem>> -> memref<128xi32, #tpu.memory_space<vmem>>
        %dma_wait3A_396 = arith.constant 0 : i32
        %dma_wait3A_397 = arith.constant 0 : i32
        %dma_wait3A_398 = tpu.memref_slice %arg2[%dma_wait3A_396, %dma_wait3A_397] : memref<640000x8xf32, #tpu.memory_space<hbm>> -> memref<640000x8xf32, #tpu.memory_space<hbm>>
        tpu.wait_indirect_dma semaphore(%arg20 : memref<!tpu.dma_semaphore, #tpu.memory_space<semaphore_mem>>) src(%dma_wait3A_398 : memref<640000x8xf32, #tpu.memory_space<hbm>>) dst(%dma_wait3A_393 : memref<128x8xf32, #tpu.memory_space<vmem>>)
        %dma_wait3A_399 = arith.constant 640 : i32
        %dma_wait3A_400 = arith.constant 0 : i32
        %dma_wait3A_401 = tpu.memref_slice %arg8[%dma_wait3A_399, %dma_wait3A_400] : memref<1280x8xf32, #tpu.memory_space<vmem>> -> memref<128x8xf32, #tpu.memory_space<vmem>>
        %dma_wait3A_402 = arith.constant 640 : i32
        %dma_wait3A_403 = tpu.memref_slice %arg16[%dma_wait3A_402] : memref<1280xi32, #tpu.memory_space<vmem>> -> memref<128xi32, #tpu.memory_space<vmem>>
        %dma_wait3A_404 = arith.constant 0 : i32
        %dma_wait3A_405 = arith.constant 0 : i32
        %dma_wait3A_406 = tpu.memref_slice %arg2[%dma_wait3A_404, %dma_wait3A_405] : memref<640000x8xf32, #tpu.memory_space<hbm>> -> memref<640000x8xf32, #tpu.memory_space<hbm>>
        tpu.wait_indirect_dma semaphore(%arg20 : memref<!tpu.dma_semaphore, #tpu.memory_space<semaphore_mem>>) src(%dma_wait3A_406 : memref<640000x8xf32, #tpu.memory_space<hbm>>) dst(%dma_wait3A_401 : memref<128x8xf32, #tpu.memory_space<vmem>>)
        %dma_wait3A_407 = arith.constant 768 : i32
        %dma_wait3A_408 = arith.constant 0 : i32
        %dma_wait3A_409 = tpu.memref_slice %arg8[%dma_wait3A_407, %dma_wait3A_408] : memref<1280x8xf32, #tpu.memory_space<vmem>> -> memref<128x8xf32, #tpu.memory_space<vmem>>
        %dma_wait3A_410 = arith.constant 768 : i32
        %dma_wait3A_411 = tpu.memref_slice %arg16[%dma_wait3A_410] : memref<1280xi32, #tpu.memory_space<vmem>> -> memref<128xi32, #tpu.memory_space<vmem>>
        %dma_wait3A_412 = arith.constant 0 : i32
        %dma_wait3A_413 = arith.constant 0 : i32
        %dma_wait3A_414 = tpu.memref_slice %arg2[%dma_wait3A_412, %dma_wait3A_413] : memref<640000x8xf32, #tpu.memory_space<hbm>> -> memref<640000x8xf32, #tpu.memory_space<hbm>>
        tpu.wait_indirect_dma semaphore(%arg20 : memref<!tpu.dma_semaphore, #tpu.memory_space<semaphore_mem>>) src(%dma_wait3A_414 : memref<640000x8xf32, #tpu.memory_space<hbm>>) dst(%dma_wait3A_409 : memref<128x8xf32, #tpu.memory_space<vmem>>)
        %dma_wait3A_415 = arith.constant 896 : i32
        %dma_wait3A_416 = arith.constant 0 : i32
        %dma_wait3A_417 = tpu.memref_slice %arg8[%dma_wait3A_415, %dma_wait3A_416] : memref<1280x8xf32, #tpu.memory_space<vmem>> -> memref<128x8xf32, #tpu.memory_space<vmem>>
        %dma_wait3A_418 = arith.constant 896 : i32
        %dma_wait3A_419 = tpu.memref_slice %arg16[%dma_wait3A_418] : memref<1280xi32, #tpu.memory_space<vmem>> -> memref<128xi32, #tpu.memory_space<vmem>>
        %dma_wait3A_420 = arith.constant 0 : i32
        %dma_wait3A_421 = arith.constant 0 : i32
        %dma_wait3A_422 = tpu.memref_slice %arg2[%dma_wait3A_420, %dma_wait3A_421] : memref<640000x8xf32, #tpu.memory_space<hbm>> -> memref<640000x8xf32, #tpu.memory_space<hbm>>
        tpu.wait_indirect_dma semaphore(%arg20 : memref<!tpu.dma_semaphore, #tpu.memory_space<semaphore_mem>>) src(%dma_wait3A_422 : memref<640000x8xf32, #tpu.memory_space<hbm>>) dst(%dma_wait3A_417 : memref<128x8xf32, #tpu.memory_space<vmem>>)
        %dma_wait3A_423 = arith.constant 1024 : i32
        %dma_wait3A_424 = arith.constant 0 : i32
        %dma_wait3A_425 = tpu.memref_slice %arg8[%dma_wait3A_423, %dma_wait3A_424] : memref<1280x8xf32, #tpu.memory_space<vmem>> -> memref<128x8xf32, #tpu.memory_space<vmem>>
        %dma_wait3A_426 = arith.constant 1024 : i32
        %dma_wait3A_427 = tpu.memref_slice %arg16[%dma_wait3A_426] : memref<1280xi32, #tpu.memory_space<vmem>> -> memref<128xi32, #tpu.memory_space<vmem>>
        %dma_wait3A_428 = arith.constant 0 : i32
        %dma_wait3A_429 = arith.constant 0 : i32
        %dma_wait3A_430 = tpu.memref_slice %arg2[%dma_wait3A_428, %dma_wait3A_429] : memref<640000x8xf32, #tpu.memory_space<hbm>> -> memref<640000x8xf32, #tpu.memory_space<hbm>>
        tpu.wait_indirect_dma semaphore(%arg20 : memref<!tpu.dma_semaphore, #tpu.memory_space<semaphore_mem>>) src(%dma_wait3A_430 : memref<640000x8xf32, #tpu.memory_space<hbm>>) dst(%dma_wait3A_425 : memref<128x8xf32, #tpu.memory_space<vmem>>)
        %dma_wait3A_431 = arith.constant 1152 : i32
        %dma_wait3A_432 = arith.constant 0 : i32
        %dma_wait3A_433 = tpu.memref_slice %arg8[%dma_wait3A_431, %dma_wait3A_432] : memref<1280x8xf32, #tpu.memory_space<vmem>> -> memref<128x8xf32, #tpu.memory_space<vmem>>
        %dma_wait3A_434 = arith.constant 1152 : i32
        %dma_wait3A_435 = tpu.memref_slice %arg16[%dma_wait3A_434] : memref<1280xi32, #tpu.memory_space<vmem>> -> memref<128xi32, #tpu.memory_space<vmem>>
        %dma_wait3A_436 = arith.constant 0 : i32
        %dma_wait3A_437 = arith.constant 0 : i32
        %dma_wait3A_438 = tpu.memref_slice %arg2[%dma_wait3A_436, %dma_wait3A_437] : memref<640000x8xf32, #tpu.memory_space<hbm>> -> memref<640000x8xf32, #tpu.memory_space<hbm>>
        tpu.wait_indirect_dma semaphore(%arg20 : memref<!tpu.dma_semaphore, #tpu.memory_space<semaphore_mem>>) src(%dma_wait3A_438 : memref<640000x8xf32, #tpu.memory_space<hbm>>) dst(%dma_wait3A_433 : memref<128x8xf32, #tpu.memory_space<vmem>>)
        %parallel_loop3A_439 = arith.constant 0 : i32
        %parallel_loop3A_440 = arith.constant 80 : i32
        %parallel_loop3A_441 = arith.constant 1 : i32
        scf.for %parallel_loop3A_442 = %parallel_loop3A_439 to %parallel_loop3A_440 step %parallel_loop3A_441  : i32 {
          %parallel_loop3A_443 = arith.constant 16 : i32
          %parallel_loop3A_444 = arith.muli %parallel_loop3A_442, %parallel_loop3A_443 : i32
          %parallel_loop3A_445 = arith.index_cast %parallel_loop3A_444 : i32 to index
          %parallel_loop3A_446 = tpu.vector_load %arg12[%parallel_loop3A_445] {strides = array<i32>} : memref<1280xi32, #tpu.memory_space<vmem>>, vector<16xi32>,
          %parallel_loop3A_447 = arith.constant 16 : i32
          %parallel_loop3A_448 = arith.muli %parallel_loop3A_442, %parallel_loop3A_447 : i32
          %parallel_loop3A_449 = arith.index_cast %parallel_loop3A_448 : i32 to index
          %parallel_loop3A_450 = tpu.vector_load %arg14[%parallel_loop3A_449] {strides = array<i32>} : memref<1280xf32, #tpu.memory_space<vmem>>, vector<16xf32>,
          %parallel_loop3A_451 = arith.constant 0 : i32
          %parallel_loop3A_452 = vector.broadcast %parallel_loop3A_451 : i32 to vector<16xi32>
          %parallel_loop3A_453 = arith.addi %select_n3A_46, %parallel_loop3A_452 : vector<16xi32>
          %parallel_loop3A_454 = vector.shape_cast %parallel_loop3A_453 : vector<16xi32> to vector<16x1xi32>
          %parallel_loop3A_455 = vector.shape_cast %parallel_loop3A_454 : vector<16x1xi32> to vector<16xi32>
          %parallel_loop3A_456 = tpu.dynamic_gather %parallel_loop3A_446[%parallel_loop3A_455] in [0] : vector<16xi32>, vector<16xi32> -> vector<16xi32>
          %parallel_loop3A_457 = vector.shape_cast %parallel_loop3A_453 : vector<16xi32> to vector<16x1xi32>
          %parallel_loop3A_458 = vector.shape_cast %parallel_loop3A_457 : vector<16x1xi32> to vector<16xi32>
          %parallel_loop3A_459 = tpu.dynamic_gather %parallel_loop3A_450[%parallel_loop3A_458] in [0] : vector<16xf32>, vector<16xi32> -> vector<16xf32>
          %parallel_loop3A_460 = arith.constant 16 : i32
          %parallel_loop3A_461 = arith.muli %parallel_loop3A_442, %parallel_loop3A_460 : i32
          %parallel_loop3A_462 = vector.broadcast %parallel_loop3A_461 : i32 to vector<16xi32>
          %parallel_loop3A_463 = arith.addi %parallel_loop3A_453, %parallel_loop3A_462 : vector<16xi32>
          %parallel_loop3A_464 = tpu.vector_load_idx %arg8[%parallel_loop3A_463, %select_n3A_15] : memref<1280x8xf32, #tpu.memory_space<vmem>>[vector<16xi32>, vector<16xi32>], vector<16xf32>,
          %parallel_loop3A_465 = arith.mulf %parallel_loop3A_464, %parallel_loop3A_459 : vector<16xf32>
          %parallel_loop3A_466 = arith.addi %parallel_loop3A_456, %mul3A_18 : vector<16xi32>
          tpu.vector_store_idx %arg7[%parallel_loop3A_466], %parallel_loop3A_465 masked %lt3A_49 {add = true} : memref<81936xf32, #tpu.memory_space<vmem>>[vector<16xi32>], vector<16xf32>, vector<16xi1>
          tpu.vector_store_idx %arg7[%parallel_loop3A_466], %parallel_loop3A_465 masked %ge3A_51 {add = true} : memref<81936xf32, #tpu.memory_space<vmem>>[vector<16xi32>], vector<16xf32>, vector<16xi1>
          %parallel_loop3A_467 = arith.constant 2 : i32
          %parallel_loop3A_468 = vector.broadcast %parallel_loop3A_467 : i32 to vector<16xi32>
          %parallel_loop3A_469 = arith.addi %select_n3A_46, %parallel_loop3A_468 : vector<16xi32>
          %parallel_loop3A_470 = vector.shape_cast %parallel_loop3A_469 : vector<16xi32> to vector<16x1xi32>
          %parallel_loop3A_471 = vector.shape_cast %parallel_loop3A_470 : vector<16x1xi32> to vector<16xi32>
          %parallel_loop3A_472 = tpu.dynamic_gather %parallel_loop3A_446[%parallel_loop3A_471] in [0] : vector<16xi32>, vector<16xi32> -> vector<16xi32>
          %parallel_loop3A_473 = vector.shape_cast %parallel_loop3A_469 : vector<16xi32> to vector<16x1xi32>
          %parallel_loop3A_474 = vector.shape_cast %parallel_loop3A_473 : vector<16x1xi32> to vector<16xi32>
          %parallel_loop3A_475 = tpu.dynamic_gather %parallel_loop3A_450[%parallel_loop3A_474] in [0] : vector<16xf32>, vector<16xi32> -> vector<16xf32>
          %parallel_loop3A_476 = arith.constant 16 : i32
          %parallel_loop3A_477 = arith.muli %parallel_loop3A_442, %parallel_loop3A_476 : i32
          %parallel_loop3A_478 = vector.broadcast %parallel_loop3A_477 : i32 to vector<16xi32>
          %parallel_loop3A_479 = arith.addi %parallel_loop3A_469, %parallel_loop3A_478 : vector<16xi32>
          %parallel_loop3A_480 = tpu.vector_load_idx %arg8[%parallel_loop3A_479, %select_n3A_15] : memref<1280x8xf32, #tpu.memory_space<vmem>>[vector<16xi32>, vector<16xi32>], vector<16xf32>,
          %parallel_loop3A_481 = arith.mulf %parallel_loop3A_480, %parallel_loop3A_475 : vector<16xf32>
          %parallel_loop3A_482 = arith.addi %parallel_loop3A_472, %mul3A_18 : vector<16xi32>
          tpu.vector_store_idx %arg7[%parallel_loop3A_482], %parallel_loop3A_481 masked %lt3A_49 {add = true} : memref<81936xf32, #tpu.memory_space<vmem>>[vector<16xi32>], vector<16xf32>, vector<16xi1>
          tpu.vector_store_idx %arg7[%parallel_loop3A_482], %parallel_loop3A_481 masked %ge3A_51 {add = true} : memref<81936xf32, #tpu.memory_space<vmem>>[vector<16xi32>], vector<16xf32>, vector<16xi1>
          %parallel_loop3A_483 = arith.constant 4 : i32
          %parallel_loop3A_484 = vector.broadcast %parallel_loop3A_483 : i32 to vector<16xi32>
          %parallel_loop3A_485 = arith.addi %select_n3A_46, %parallel_loop3A_484 : vector<16xi32>
          %parallel_loop3A_486 = vector.shape_cast %parallel_loop3A_485 : vector<16xi32> to vector<16x1xi32>
          %parallel_loop3A_487 = vector.shape_cast %parallel_loop3A_486 : vector<16x1xi32> to vector<16xi32>
          %parallel_loop3A_488 = tpu.dynamic_gather %parallel_loop3A_446[%parallel_loop3A_487] in [0] : vector<16xi32>, vector<16xi32> -> vector<16xi32>
          %parallel_loop3A_489 = vector.shape_cast %parallel_loop3A_485 : vector<16xi32> to vector<16x1xi32>
          %parallel_loop3A_490 = vector.shape_cast %parallel_loop3A_489 : vector<16x1xi32> to vector<16xi32>
          %parallel_loop3A_491 = tpu.dynamic_gather %parallel_loop3A_450[%parallel_loop3A_490] in [0] : vector<16xf32>, vector<16xi32> -> vector<16xf32>
          %parallel_loop3A_492 = arith.constant 16 : i32
          %parallel_loop3A_493 = arith.muli %parallel_loop3A_442, %parallel_loop3A_492 : i32
          %parallel_loop3A_494 = vector.broadcast %parallel_loop3A_493 : i32 to vector<16xi32>
          %parallel_loop3A_495 = arith.addi %parallel_loop3A_485, %parallel_loop3A_494 : vector<16xi32>
          %parallel_loop3A_496 = tpu.vector_load_idx %arg8[%parallel_loop3A_495, %select_n3A_15] : memref<1280x8xf32, #tpu.memory_space<vmem>>[vector<16xi32>, vector<16xi32>], vector<16xf32>,
          %parallel_loop3A_497 = arith.mulf %parallel_loop3A_496, %parallel_loop3A_491 : vector<16xf32>
          %parallel_loop3A_498 = arith.addi %parallel_loop3A_488, %mul3A_18 : vector<16xi32>
          tpu.vector_store_idx %arg7[%parallel_loop3A_498], %parallel_loop3A_497 masked %lt3A_49 {add = true} : memref<81936xf32, #tpu.memory_space<vmem>>[vector<16xi32>], vector<16xf32>, vector<16xi1>
          tpu.vector_store_idx %arg7[%parallel_loop3A_498], %parallel_loop3A_497 masked %ge3A_51 {add = true} : memref<81936xf32, #tpu.memory_space<vmem>>[vector<16xi32>], vector<16xf32>, vector<16xi1>
          %parallel_loop3A_499 = arith.constant 6 : i32
          %parallel_loop3A_500 = vector.broadcast %parallel_loop3A_499 : i32 to vector<16xi32>
          %parallel_loop3A_501 = arith.addi %select_n3A_46, %parallel_loop3A_500 : vector<16xi32>
          %parallel_loop3A_502 = vector.shape_cast %parallel_loop3A_501 : vector<16xi32> to vector<16x1xi32>
          %parallel_loop3A_503 = vector.shape_cast %parallel_loop3A_502 : vector<16x1xi32> to vector<16xi32>
          %parallel_loop3A_504 = tpu.dynamic_gather %parallel_loop3A_446[%parallel_loop3A_503] in [0] : vector<16xi32>, vector<16xi32> -> vector<16xi32>
          %parallel_loop3A_505 = vector.shape_cast %parallel_loop3A_501 : vector<16xi32> to vector<16x1xi32>
          %parallel_loop3A_506 = vector.shape_cast %parallel_loop3A_505 : vector<16x1xi32> to vector<16xi32>
          %parallel_loop3A_507 = tpu.dynamic_gather %parallel_loop3A_450[%parallel_loop3A_506] in [0] : vector<16xf32>, vector<16xi32> -> vector<16xf32>
          %parallel_loop3A_508 = arith.constant 16 : i32
          %parallel_loop3A_509 = arith.muli %parallel_loop3A_442, %parallel_loop3A_508 : i32
          %parallel_loop3A_510 = vector.broadcast %parallel_loop3A_509 : i32 to vector<16xi32>
          %parallel_loop3A_511 = arith.addi %parallel_loop3A_501, %parallel_loop3A_510 : vector<16xi32>
          %parallel_loop3A_512 = tpu.vector_load_idx %arg8[%parallel_loop3A_511, %select_n3A_15] : memref<1280x8xf32, #tpu.memory_space<vmem>>[vector<16xi32>, vector<16xi32>], vector<16xf32>,
          %parallel_loop3A_513 = arith.mulf %parallel_loop3A_512, %parallel_loop3A_507 : vector<16xf32>
          %parallel_loop3A_514 = arith.addi %parallel_loop3A_504, %mul3A_18 : vector<16xi32>
          tpu.vector_store_idx %arg7[%parallel_loop3A_514], %parallel_loop3A_513 masked %lt3A_49 {add = true} : memref<81936xf32, #tpu.memory_space<vmem>>[vector<16xi32>], vector<16xf32>, vector<16xi1>
          tpu.vector_store_idx %arg7[%parallel_loop3A_514], %parallel_loop3A_513 masked %ge3A_51 {add = true} : memref<81936xf32, #tpu.memory_space<vmem>>[vector<16xi32>], vector<16xf32>, vector<16xi1>
          %parallel_loop3A_515 = arith.constant 8 : i32
          %parallel_loop3A_516 = vector.broadcast %parallel_loop3A_515 : i32 to vector<16xi32>
          %parallel_loop3A_517 = arith.addi %select_n3A_46, %parallel_loop3A_516 : vector<16xi32>
          %parallel_loop3A_518 = vector.shape_cast %parallel_loop3A_517 : vector<16xi32> to vector<16x1xi32>
          %parallel_loop3A_519 = vector.shape_cast %parallel_loop3A_518 : vector<16x1xi32> to vector<16xi32>
          %parallel_loop3A_520 = tpu.dynamic_gather %parallel_loop3A_446[%parallel_loop3A_519] in [0] : vector<16xi32>, vector<16xi32> -> vector<16xi32>
          %parallel_loop3A_521 = vector.shape_cast %parallel_loop3A_517 : vector<16xi32> to vector<16x1xi32>
          %parallel_loop3A_522 = vector.shape_cast %parallel_loop3A_521 : vector<16x1xi32> to vector<16xi32>
          %parallel_loop3A_523 = tpu.dynamic_gather %parallel_loop3A_450[%parallel_loop3A_522] in [0] : vector<16xf32>, vector<16xi32> -> vector<16xf32>
          %parallel_loop3A_524 = arith.constant 16 : i32
          %parallel_loop3A_525 = arith.muli %parallel_loop3A_442, %parallel_loop3A_524 : i32
          %parallel_loop3A_526 = vector.broadcast %parallel_loop3A_525 : i32 to vector<16xi32>
          %parallel_loop3A_527 = arith.addi %parallel_loop3A_517, %parallel_loop3A_526 : vector<16xi32>
          %parallel_loop3A_528 = tpu.vector_load_idx %arg8[%parallel_loop3A_527, %select_n3A_15] : memref<1280x8xf32, #tpu.memory_space<vmem>>[vector<16xi32>, vector<16xi32>], vector<16xf32>,
          %parallel_loop3A_529 = arith.mulf %parallel_loop3A_528, %parallel_loop3A_523 : vector<16xf32>
          %parallel_loop3A_530 = arith.addi %parallel_loop3A_520, %mul3A_18 : vector<16xi32>
          tpu.vector_store_idx %arg7[%parallel_loop3A_530], %parallel_loop3A_529 masked %lt3A_49 {add = true} : memref<81936xf32, #tpu.memory_space<vmem>>[vector<16xi32>], vector<16xf32>, vector<16xi1>
          tpu.vector_store_idx %arg7[%parallel_loop3A_530], %parallel_loop3A_529 masked %ge3A_51 {add = true} : memref<81936xf32, #tpu.memory_space<vmem>>[vector<16xi32>], vector<16xf32>, vector<16xi1>
          %parallel_loop3A_531 = arith.constant 10 : i32
          %parallel_loop3A_532 = vector.broadcast %parallel_loop3A_531 : i32 to vector<16xi32>
          %parallel_loop3A_533 = arith.addi %select_n3A_46, %parallel_loop3A_532 : vector<16xi32>
          %parallel_loop3A_534 = vector.shape_cast %parallel_loop3A_533 : vector<16xi32> to vector<16x1xi32>
          %parallel_loop3A_535 = vector.shape_cast %parallel_loop3A_534 : vector<16x1xi32> to vector<16xi32>
          %parallel_loop3A_536 = tpu.dynamic_gather %parallel_loop3A_446[%parallel_loop3A_535] in [0] : vector<16xi32>, vector<16xi32> -> vector<16xi32>
          %parallel_loop3A_537 = vector.shape_cast %parallel_loop3A_533 : vector<16xi32> to vector<16x1xi32>
          %parallel_loop3A_538 = vector.shape_cast %parallel_loop3A_537 : vector<16x1xi32> to vector<16xi32>
          %parallel_loop3A_539 = tpu.dynamic_gather %parallel_loop3A_450[%parallel_loop3A_538] in [0] : vector<16xf32>, vector<16xi32> -> vector<16xf32>
          %parallel_loop3A_540 = arith.constant 16 : i32
          %parallel_loop3A_541 = arith.muli %parallel_loop3A_442, %parallel_loop3A_540 : i32
          %parallel_loop3A_542 = vector.broadcast %parallel_loop3A_541 : i32 to vector<16xi32>
          %parallel_loop3A_543 = arith.addi %parallel_loop3A_533, %parallel_loop3A_542 : vector<16xi32>
          %parallel_loop3A_544 = tpu.vector_load_idx %arg8[%parallel_loop3A_543, %select_n3A_15] : memref<1280x8xf32, #tpu.memory_space<vmem>>[vector<16xi32>, vector<16xi32>], vector<16xf32>,
          %parallel_loop3A_545 = arith.mulf %parallel_loop3A_544, %parallel_loop3A_539 : vector<16xf32>
          %parallel_loop3A_546 = arith.addi %parallel_loop3A_536, %mul3A_18 : vector<16xi32>
          tpu.vector_store_idx %arg7[%parallel_loop3A_546], %parallel_loop3A_545 masked %lt3A_49 {add = true} : memref<81936xf32, #tpu.memory_space<vmem>>[vector<16xi32>], vector<16xf32>, vector<16xi1>
          tpu.vector_store_idx %arg7[%parallel_loop3A_546], %parallel_loop3A_545 masked %ge3A_51 {add = true} : memref<81936xf32, #tpu.memory_space<vmem>>[vector<16xi32>], vector<16xf32>, vector<16xi1>
          %parallel_loop3A_547 = arith.constant 12 : i32
          %parallel_loop3A_548 = vector.broadcast %parallel_loop3A_547 : i32 to vector<16xi32>
          %parallel_loop3A_549 = arith.addi %select_n3A_46, %parallel_loop3A_548 : vector<16xi32>
          %parallel_loop3A_550 = vector.shape_cast %parallel_loop3A_549 : vector<16xi32> to vector<16x1xi32>
          %parallel_loop3A_551 = vector.shape_cast %parallel_loop3A_550 : vector<16x1xi32> to vector<16xi32>
          %parallel_loop3A_552 = tpu.dynamic_gather %parallel_loop3A_446[%parallel_loop3A_551] in [0] : vector<16xi32>, vector<16xi32> -> vector<16xi32>
          %parallel_loop3A_553 = vector.shape_cast %parallel_loop3A_549 : vector<16xi32> to vector<16x1xi32>
          %parallel_loop3A_554 = vector.shape_cast %parallel_loop3A_553 : vector<16x1xi32> to vector<16xi32>
          %parallel_loop3A_555 = tpu.dynamic_gather %parallel_loop3A_450[%parallel_loop3A_554] in [0] : vector<16xf32>, vector<16xi32> -> vector<16xf32>
          %parallel_loop3A_556 = arith.constant 16 : i32
          %parallel_loop3A_557 = arith.muli %parallel_loop3A_442, %parallel_loop3A_556 : i32
          %parallel_loop3A_558 = vector.broadcast %parallel_loop3A_557 : i32 to vector<16xi32>
          %parallel_loop3A_559 = arith.addi %parallel_loop3A_549, %parallel_loop3A_558 : vector<16xi32>
          %parallel_loop3A_560 = tpu.vector_load_idx %arg8[%parallel_loop3A_559, %select_n3A_15] : memref<1280x8xf32, #tpu.memory_space<vmem>>[vector<16xi32>, vector<16xi32>], vector<16xf32>,
          %parallel_loop3A_561 = arith.mulf %parallel_loop3A_560, %parallel_loop3A_555 : vector<16xf32>
          %parallel_loop3A_562 = arith.addi %parallel_loop3A_552, %mul3A_18 : vector<16xi32>
          tpu.vector_store_idx %arg7[%parallel_loop3A_562], %parallel_loop3A_561 masked %lt3A_49 {add = true} : memref<81936xf32, #tpu.memory_space<vmem>>[vector<16xi32>], vector<16xf32>, vector<16xi1>
          tpu.vector_store_idx %arg7[%parallel_loop3A_562], %parallel_loop3A_561 masked %ge3A_51 {add = true} : memref<81936xf32, #tpu.memory_space<vmem>>[vector<16xi32>], vector<16xf32>, vector<16xi1>
          %parallel_loop3A_563 = arith.constant 14 : i32
          %parallel_loop3A_564 = vector.broadcast %parallel_loop3A_563 : i32 to vector<16xi32>
          %parallel_loop3A_565 = arith.addi %select_n3A_46, %parallel_loop3A_564 : vector<16xi32>
          %parallel_loop3A_566 = vector.shape_cast %parallel_loop3A_565 : vector<16xi32> to vector<16x1xi32>
          %parallel_loop3A_567 = vector.shape_cast %parallel_loop3A_566 : vector<16x1xi32> to vector<16xi32>
          %parallel_loop3A_568 = tpu.dynamic_gather %parallel_loop3A_446[%parallel_loop3A_567] in [0] : vector<16xi32>, vector<16xi32> -> vector<16xi32>
          %parallel_loop3A_569 = vector.shape_cast %parallel_loop3A_565 : vector<16xi32> to vector<16x1xi32>
          %parallel_loop3A_570 = vector.shape_cast %parallel_loop3A_569 : vector<16x1xi32> to vector<16xi32>
          %parallel_loop3A_571 = tpu.dynamic_gather %parallel_loop3A_450[%parallel_loop3A_570] in [0] : vector<16xf32>, vector<16xi32> -> vector<16xf32>
          %parallel_loop3A_572 = arith.constant 16 : i32
          %parallel_loop3A_573 = arith.muli %parallel_loop3A_442, %parallel_loop3A_572 : i32
          %parallel_loop3A_574 = vector.broadcast %parallel_loop3A_573 : i32 to vector<16xi32>
          %parallel_loop3A_575 = arith.addi %parallel_loop3A_565, %parallel_loop3A_574 : vector<16xi32>
          %parallel_loop3A_576 = tpu.vector_load_idx %arg8[%parallel_loop3A_575, %select_n3A_15] : memref<1280x8xf32, #tpu.memory_space<vmem>>[vector<16xi32>, vector<16xi32>], vector<16xf32>,
          %parallel_loop3A_577 = arith.mulf %parallel_loop3A_576, %parallel_loop3A_571 : vector<16xf32>
          %parallel_loop3A_578 = arith.addi %parallel_loop3A_568, %mul3A_18 : vector<16xi32>
          tpu.vector_store_idx %arg7[%parallel_loop3A_578], %parallel_loop3A_577 masked %lt3A_49 {add = true} : memref<81936xf32, #tpu.memory_space<vmem>>[vector<16xi32>], vector<16xf32>, vector<16xi1>
          tpu.vector_store_idx %arg7[%parallel_loop3A_578], %parallel_loop3A_577 masked %ge3A_51 {add = true} : memref<81936xf32, #tpu.memory_space<vmem>>[vector<16xi32>], vector<16xf32>, vector<16xi1>
        } {sc.loop_unroll_factor = 1 : i64, sc.parallel_access}
      } else {
      }
      %add3A_331 = arith.constant 2 : i32
      %add3A_332 = arith.addi %add3A_320, %add3A_331 : i32
      %lt3A_333 = arith.constant 125 : i32
      %lt3A_334 = arith.cmpi slt, %add3A_332, %lt3A_333 : i32
      %convert_element_type3A_335 = arith.extui %lt3A_334 : i1 to i32
      %cond3A_336 = arith.constant 0 : i32
      %cond3A_337 = arith.cmpi ne, %convert_element_type3A_335, %cond3A_336 : i32
      scf.if %cond3A_337 {
        %add3A_359 = arith.constant 2 : i32
        %add3A_360 = arith.addi %add3A_320, %add3A_359 : i32
        %mul3A_361 = arith.constant 1280 : i32
        %mul3A_362 = arith.muli %add3A_360, %mul3A_361 : i32
        %dma_start3A_363 = tpu.memref_slice %arg4[%mul3A_362] : memref<160000xi32, #tpu.memory_space<hbm>> -> memref<1280xi32, #tpu.memory_space<hbm>>
        %dma_start3A_364 = tpu.memref_slice %arg4[%mul3A_362] : memref<160000xi32, #tpu.memory_space<hbm>> -> memref<1280xi32, #tpu.memory_space<hbm>>
        tpu.enqueue_dma source(%dma_start3A_364 : memref<1280xi32, #tpu.memory_space<hbm>>) target(%arg10 : memref<1280xi32, #tpu.memory_space<vmem>>) target_semaphore(%arg18 : memref<!tpu.dma_semaphore, #tpu.memory_space<semaphore_mem>>)
        %dma_start3A_365 = tpu.memref_slice %arg5[%mul3A_362] : memref<160000xi32, #tpu.memory_space<hbm>> -> memref<1280xi32, #tpu.memory_space<hbm>>
        %dma_start3A_366 = tpu.memref_slice %arg5[%mul3A_362] : memref<160000xi32, #tpu.memory_space<hbm>> -> memref<1280xi32, #tpu.memory_space<hbm>>
        tpu.enqueue_dma source(%dma_start3A_366 : memref<1280xi32, #tpu.memory_space<hbm>>) target(%arg12 : memref<1280xi32, #tpu.memory_space<vmem>>) target_semaphore(%arg18 : memref<!tpu.dma_semaphore, #tpu.memory_space<semaphore_mem>>)
        %add3A_367 = arith.constant 160000 : i32
        %add3A_368 = arith.addi %add3A_367, %mul3A_362 : i32
        %dma_start3A_369 = tpu.memref_slice %arg3[%add3A_368] : memref<320000xf32, #tpu.memory_space<hbm>> -> memref<1280xf32, #tpu.memory_space<hbm>>
        %dma_start3A_370 = tpu.memref_slice %arg3[%add3A_368] : memref<320000xf32, #tpu.memory_space<hbm>> -> memref<1280xf32, #tpu.memory_space<hbm>>
        tpu.enqueue_dma source(%dma_start3A_370 : memref<1280xf32, #tpu.memory_space<hbm>>) target(%arg14 : memref<1280xf32, #tpu.memory_space<vmem>>) target_semaphore(%arg18 : memref<!tpu.dma_semaphore, #tpu.memory_space<semaphore_mem>>)
      } else {
      }
      %add3A_338 = arith.constant 1 : i32
      %add3A_339 = arith.addi %add3A_318, %add3A_338 : i32
      %add3A_340 = arith.constant 1 : i32
      %add3A_341 = arith.addi %add3A_339, %add3A_340 : i32
      %lt3A_342 = arith.constant 125 : i32
      %lt3A_343 = arith.cmpi slt, %add3A_341, %lt3A_342 : i32
      %convert_element_type3A_344 = arith.extui %lt3A_343 : i1 to i32
      %cond3A_345 = arith.constant 0 : i32
      %cond3A_346 = arith.cmpi ne, %convert_element_type3A_344, %cond3A_345 : i32
      scf.if %cond3A_346 {
        %dma_wait3A_359 = arith.constant 0 : i32
        %dma_wait3A_360 = tpu.memref_slice %arg4[%dma_wait3A_359] : memref<160000xi32, #tpu.memory_space<hbm>> -> memref<1280xi32, #tpu.memory_space<hbm>>
        %dma_wait3A_361 = arith.constant 0 : i32
        %dma_wait3A_362 = tpu.memref_slice %arg4[%dma_wait3A_361] : memref<160000xi32, #tpu.memory_space<hbm>> -> memref<1280xi32, #tpu.memory_space<hbm>>
        tpu.wait_dma2 semaphore(%arg18 : memref<!tpu.dma_semaphore, #tpu.memory_space<semaphore_mem>>) src(%dma_wait3A_362 : memref<1280xi32, #tpu.memory_space<hbm>>) dst(%arg10 : memref<1280xi32, #tpu.memory_space<vmem>>)
        %dma_wait3A_363 = arith.constant 0 : i32
        %dma_wait3A_364 = tpu.memref_slice %arg4[%dma_wait3A_363] : memref<160000xi32, #tpu.memory_space<hbm>> -> memref<1280xi32, #tpu.memory_space<hbm>>
        %dma_wait3A_365 = arith.constant 0 : i32
        %dma_wait3A_366 = tpu.memref_slice %arg4[%dma_wait3A_365] : memref<160000xi32, #tpu.memory_space<hbm>> -> memref<1280xi32, #tpu.memory_space<hbm>>
        tpu.wait_dma2 semaphore(%arg18 : memref<!tpu.dma_semaphore, #tpu.memory_space<semaphore_mem>>) src(%dma_wait3A_366 : memref<1280xi32, #tpu.memory_space<hbm>>) dst(%arg12 : memref<1280xi32, #tpu.memory_space<vmem>>)
        %dma_wait3A_367 = arith.constant 0 : i32
        %dma_wait3A_368 = tpu.memref_slice %arg4[%dma_wait3A_367] : memref<160000xi32, #tpu.memory_space<hbm>> -> memref<1280xi32, #tpu.memory_space<hbm>>
        %dma_wait3A_369 = arith.constant 0 : i32
        %dma_wait3A_370 = tpu.memref_slice %arg4[%dma_wait3A_369] : memref<160000xi32, #tpu.memory_space<hbm>> -> memref<1280xi32, #tpu.memory_space<hbm>>
        tpu.wait_dma2 semaphore(%arg18 : memref<!tpu.dma_semaphore, #tpu.memory_space<semaphore_mem>>) src(%dma_wait3A_370 : memref<1280xi32, #tpu.memory_space<hbm>>) dst(%arg14 : memref<1280xf32, #tpu.memory_space<vmem>>)
        %parallel_loop3A_371 = arith.constant 0 : i32
        %parallel_loop3A_372 = arith.constant 80 : i32
        %parallel_loop3A_373 = arith.constant 1 : i32
        scf.for %parallel_loop3A_454 = %parallel_loop3A_371 to %parallel_loop3A_372 step %parallel_loop3A_373  : i32 {
          %parallel_loop3A_455 = arith.constant 16 : i32
          %parallel_loop3A_456 = arith.muli %parallel_loop3A_454, %parallel_loop3A_455 : i32
          %parallel_loop3A_457 = arith.index_cast %parallel_loop3A_456 : i32 to index
          %parallel_loop3A_458 = tpu.vector_load %arg10[%parallel_loop3A_457] {strides = array<i32>} : memref<1280xi32, #tpu.memory_space<vmem>>, vector<16xi32>,
          %parallel_loop3A_459 = arith.constant 64 : i32
          %parallel_loop3A_460 = vector.broadcast %parallel_loop3A_459 : i32 to vector<16xi32>
          %parallel_loop3A_461 = arith.muli %parallel_loop3A_458, %parallel_loop3A_460 : vector<16xi32>
          %parallel_loop3A_462 = vector.broadcast %add3A_182 : i32 to vector<16xi32>
          %parallel_loop3A_463 = arith.addi %parallel_loop3A_461, %parallel_loop3A_462 : vector<16xi32>
          %parallel_loop3A_464 = arith.constant 16 : i32
          %parallel_loop3A_465 = arith.muli %parallel_loop3A_454, %parallel_loop3A_464 : i32
          %parallel_loop3A_466 = arith.index_cast %parallel_loop3A_465 : i32 to index
          %parallel_loop3A_467 = tpu.vector_load %arg16[%parallel_loop3A_466] {strides = array<i32>} : memref<1280xi32, #tpu.memory_space<vmem>>, vector<16xi32>,
          tpu.vector_store %arg16[%parallel_loop3A_466], %parallel_loop3A_463 {strides = array<i32>} : memref<1280xi32, #tpu.memory_space<vmem>>, vector<16xi32>,
        } {sc.loop_unroll_factor = 1 : i64, sc.parallel_access}
        %dma_start3A_374 = arith.constant 0 : i32
        %dma_start3A_375 = arith.constant 0 : i32
        %dma_start3A_376 = tpu.memref_slice %arg8[%dma_start3A_374, %dma_start3A_375] : memref<1280x8xf32, #tpu.memory_space<vmem>> -> memref<128x8xf32, #tpu.memory_space<vmem>>
        %dma_start3A_377 = arith.constant 0 : i32
        %dma_start3A_378 = tpu.memref_slice %arg16[%dma_start3A_377] : memref<1280xi32, #tpu.memory_space<vmem>> -> memref<128xi32, #tpu.memory_space<vmem>>
        %dma_start3A_379 = arith.constant 0 : i32
        %dma_start3A_380 = arith.constant 0 : i32
        %dma_start3A_381 = tpu.memref_slice %arg2[%dma_start3A_379, %dma_start3A_380] : memref<640000x8xf32, #tpu.memory_space<hbm>> -> memref<640000x8xf32, #tpu.memory_space<hbm>>
        tpu.enqueue_indirect_dma source(%dma_start3A_381 : memref<640000x8xf32, #tpu.memory_space<hbm>>) target(%dma_start3A_376 : memref<128x8xf32, #tpu.memory_space<vmem>>) offsets(%dma_start3A_378 : memref<128xi32, #tpu.memory_space<vmem>>) semaphore(%arg20 : memref<!tpu.dma_semaphore, #tpu.memory_space<semaphore_mem>>)
        %dma_start3A_382 = arith.constant 128 : i32
        %dma_start3A_383 = arith.constant 0 : i32
        %dma_start3A_384 = tpu.memref_slice %arg8[%dma_start3A_382, %dma_start3A_383] : memref<1280x8xf32, #tpu.memory_space<vmem>> -> memref<128x8xf32, #tpu.memory_space<vmem>>
        %dma_start3A_385 = arith.constant 128 : i32
        %dma_start3A_386 = tpu.memref_slice %arg16[%dma_start3A_385] : memref<1280xi32, #tpu.memory_space<vmem>> -> memref<128xi32, #tpu.memory_space<vmem>>
        %dma_start3A_387 = arith.constant 0 : i32
        %dma_start3A_388 = arith.constant 0 : i32
        %dma_start3A_389 = tpu.memref_slice %arg2[%dma_start3A_387, %dma_start3A_388] : memref<640000x8xf32, #tpu.memory_space<hbm>> -> memref<640000x8xf32, #tpu.memory_space<hbm>>
        tpu.enqueue_indirect_dma source(%dma_start3A_389 : memref<640000x8xf32, #tpu.memory_space<hbm>>) target(%dma_start3A_384 : memref<128x8xf32, #tpu.memory_space<vmem>>) offsets(%dma_start3A_386 : memref<128xi32, #tpu.memory_space<vmem>>) semaphore(%arg20 : memref<!tpu.dma_semaphore, #tpu.memory_space<semaphore_mem>>)
        %dma_start3A_390 = arith.constant 256 : i32
        %dma_start3A_391 = arith.constant 0 : i32
        %dma_start3A_392 = tpu.memref_slice %arg8[%dma_start3A_390, %dma_start3A_391] : memref<1280x8xf32, #tpu.memory_space<vmem>> -> memref<128x8xf32, #tpu.memory_space<vmem>>
        %dma_start3A_393 = arith.constant 256 : i32
        %dma_start3A_394 = tpu.memref_slice %arg16[%dma_start3A_393] : memref<1280xi32, #tpu.memory_space<vmem>> -> memref<128xi32, #tpu.memory_space<vmem>>
        %dma_start3A_395 = arith.constant 0 : i32
        %dma_start3A_396 = arith.constant 0 : i32
        %dma_start3A_397 = tpu.memref_slice %arg2[%dma_start3A_395, %dma_start3A_396] : memref<640000x8xf32, #tpu.memory_space<hbm>> -> memref<640000x8xf32, #tpu.memory_space<hbm>>
        tpu.enqueue_indirect_dma source(%dma_start3A_397 : memref<640000x8xf32, #tpu.memory_space<hbm>>) target(%dma_start3A_392 : memref<128x8xf32, #tpu.memory_space<vmem>>) offsets(%dma_start3A_394 : memref<128xi32, #tpu.memory_space<vmem>>) semaphore(%arg20 : memref<!tpu.dma_semaphore, #tpu.memory_space<semaphore_mem>>)
        %dma_start3A_398 = arith.constant 384 : i32
        %dma_start3A_399 = arith.constant 0 : i32
        %dma_start3A_400 = tpu.memref_slice %arg8[%dma_start3A_398, %dma_start3A_399] : memref<1280x8xf32, #tpu.memory_space<vmem>> -> memref<128x8xf32, #tpu.memory_space<vmem>>
        %dma_start3A_401 = arith.constant 384 : i32
        %dma_start3A_402 = tpu.memref_slice %arg16[%dma_start3A_401] : memref<1280xi32, #tpu.memory_space<vmem>> -> memref<128xi32, #tpu.memory_space<vmem>>
        %dma_start3A_403 = arith.constant 0 : i32
        %dma_start3A_404 = arith.constant 0 : i32
        %dma_start3A_405 = tpu.memref_slice %arg2[%dma_start3A_403, %dma_start3A_404] : memref<640000x8xf32, #tpu.memory_space<hbm>> -> memref<640000x8xf32, #tpu.memory_space<hbm>>
        tpu.enqueue_indirect_dma source(%dma_start3A_405 : memref<640000x8xf32, #tpu.memory_space<hbm>>) target(%dma_start3A_400 : memref<128x8xf32, #tpu.memory_space<vmem>>) offsets(%dma_start3A_402 : memref<128xi32, #tpu.memory_space<vmem>>) semaphore(%arg20 : memref<!tpu.dma_semaphore, #tpu.memory_space<semaphore_mem>>)
        %dma_start3A_406 = arith.constant 512 : i32
        %dma_start3A_407 = arith.constant 0 : i32
        %dma_start3A_408 = tpu.memref_slice %arg8[%dma_start3A_406, %dma_start3A_407] : memref<1280x8xf32, #tpu.memory_space<vmem>> -> memref<128x8xf32, #tpu.memory_space<vmem>>
        %dma_start3A_409 = arith.constant 512 : i32
        %dma_start3A_410 = tpu.memref_slice %arg16[%dma_start3A_409] : memref<1280xi32, #tpu.memory_space<vmem>> -> memref<128xi32, #tpu.memory_space<vmem>>
        %dma_start3A_411 = arith.constant 0 : i32
        %dma_start3A_412 = arith.constant 0 : i32
        %dma_start3A_413 = tpu.memref_slice %arg2[%dma_start3A_411, %dma_start3A_412] : memref<640000x8xf32, #tpu.memory_space<hbm>> -> memref<640000x8xf32, #tpu.memory_space<hbm>>
        tpu.enqueue_indirect_dma source(%dma_start3A_413 : memref<640000x8xf32, #tpu.memory_space<hbm>>) target(%dma_start3A_408 : memref<128x8xf32, #tpu.memory_space<vmem>>) offsets(%dma_start3A_410 : memref<128xi32, #tpu.memory_space<vmem>>) semaphore(%arg20 : memref<!tpu.dma_semaphore, #tpu.memory_space<semaphore_mem>>)
        %dma_start3A_414 = arith.constant 640 : i32
        %dma_start3A_415 = arith.constant 0 : i32
        %dma_start3A_416 = tpu.memref_slice %arg8[%dma_start3A_414, %dma_start3A_415] : memref<1280x8xf32, #tpu.memory_space<vmem>> -> memref<128x8xf32, #tpu.memory_space<vmem>>
        %dma_start3A_417 = arith.constant 640 : i32
        %dma_start3A_418 = tpu.memref_slice %arg16[%dma_start3A_417] : memref<1280xi32, #tpu.memory_space<vmem>> -> memref<128xi32, #tpu.memory_space<vmem>>
        %dma_start3A_419 = arith.constant 0 : i32
        %dma_start3A_420 = arith.constant 0 : i32
        %dma_start3A_421 = tpu.memref_slice %arg2[%dma_start3A_419, %dma_start3A_420] : memref<640000x8xf32, #tpu.memory_space<hbm>> -> memref<640000x8xf32, #tpu.memory_space<hbm>>
        tpu.enqueue_indirect_dma source(%dma_start3A_421 : memref<640000x8xf32, #tpu.memory_space<hbm>>) target(%dma_start3A_416 : memref<128x8xf32, #tpu.memory_space<vmem>>) offsets(%dma_start3A_418 : memref<128xi32, #tpu.memory_space<vmem>>) semaphore(%arg20 : memref<!tpu.dma_semaphore, #tpu.memory_space<semaphore_mem>>)
        %dma_start3A_422 = arith.constant 768 : i32
        %dma_start3A_423 = arith.constant 0 : i32
        %dma_start3A_424 = tpu.memref_slice %arg8[%dma_start3A_422, %dma_start3A_423] : memref<1280x8xf32, #tpu.memory_space<vmem>> -> memref<128x8xf32, #tpu.memory_space<vmem>>
        %dma_start3A_425 = arith.constant 768 : i32
        %dma_start3A_426 = tpu.memref_slice %arg16[%dma_start3A_425] : memref<1280xi32, #tpu.memory_space<vmem>> -> memref<128xi32, #tpu.memory_space<vmem>>
        %dma_start3A_427 = arith.constant 0 : i32
        %dma_start3A_428 = arith.constant 0 : i32
        %dma_start3A_429 = tpu.memref_slice %arg2[%dma_start3A_427, %dma_start3A_428] : memref<640000x8xf32, #tpu.memory_space<hbm>> -> memref<640000x8xf32, #tpu.memory_space<hbm>>
        tpu.enqueue_indirect_dma source(%dma_start3A_429 : memref<640000x8xf32, #tpu.memory_space<hbm>>) target(%dma_start3A_424 : memref<128x8xf32, #tpu.memory_space<vmem>>) offsets(%dma_start3A_426 : memref<128xi32, #tpu.memory_space<vmem>>) semaphore(%arg20 : memref<!tpu.dma_semaphore, #tpu.memory_space<semaphore_mem>>)
        %dma_start3A_430 = arith.constant 896 : i32
        %dma_start3A_431 = arith.constant 0 : i32
        %dma_start3A_432 = tpu.memref_slice %arg8[%dma_start3A_430, %dma_start3A_431] : memref<1280x8xf32, #tpu.memory_space<vmem>> -> memref<128x8xf32, #tpu.memory_space<vmem>>
        %dma_start3A_433 = arith.constant 896 : i32
        %dma_start3A_434 = tpu.memref_slice %arg16[%dma_start3A_433] : memref<1280xi32, #tpu.memory_space<vmem>> -> memref<128xi32, #tpu.memory_space<vmem>>
        %dma_start3A_435 = arith.constant 0 : i32
        %dma_start3A_436 = arith.constant 0 : i32
        %dma_start3A_437 = tpu.memref_slice %arg2[%dma_start3A_435, %dma_start3A_436] : memref<640000x8xf32, #tpu.memory_space<hbm>> -> memref<640000x8xf32, #tpu.memory_space<hbm>>
        tpu.enqueue_indirect_dma source(%dma_start3A_437 : memref<640000x8xf32, #tpu.memory_space<hbm>>) target(%dma_start3A_432 : memref<128x8xf32, #tpu.memory_space<vmem>>) offsets(%dma_start3A_434 : memref<128xi32, #tpu.memory_space<vmem>>) semaphore(%arg20 : memref<!tpu.dma_semaphore, #tpu.memory_space<semaphore_mem>>)
        %dma_start3A_438 = arith.constant 1024 : i32
        %dma_start3A_439 = arith.constant 0 : i32
        %dma_start3A_440 = tpu.memref_slice %arg8[%dma_start3A_438, %dma_start3A_439] : memref<1280x8xf32, #tpu.memory_space<vmem>> -> memref<128x8xf32, #tpu.memory_space<vmem>>
        %dma_start3A_441 = arith.constant 1024 : i32
        %dma_start3A_442 = tpu.memref_slice %arg16[%dma_start3A_441] : memref<1280xi32, #tpu.memory_space<vmem>> -> memref<128xi32, #tpu.memory_space<vmem>>
        %dma_start3A_443 = arith.constant 0 : i32
        %dma_start3A_444 = arith.constant 0 : i32
        %dma_start3A_445 = tpu.memref_slice %arg2[%dma_start3A_443, %dma_start3A_444] : memref<640000x8xf32, #tpu.memory_space<hbm>> -> memref<640000x8xf32, #tpu.memory_space<hbm>>
        tpu.enqueue_indirect_dma source(%dma_start3A_445 : memref<640000x8xf32, #tpu.memory_space<hbm>>) target(%dma_start3A_440 : memref<128x8xf32, #tpu.memory_space<vmem>>) offsets(%dma_start3A_442 : memref<128xi32, #tpu.memory_space<vmem>>) semaphore(%arg20 : memref<!tpu.dma_semaphore, #tpu.memory_space<semaphore_mem>>)
        %dma_start3A_446 = arith.constant 1152 : i32
        %dma_start3A_447 = arith.constant 0 : i32
        %dma_start3A_448 = tpu.memref_slice %arg8[%dma_start3A_446, %dma_start3A_447] : memref<1280x8xf32, #tpu.memory_space<vmem>> -> memref<128x8xf32, #tpu.memory_space<vmem>>
        %dma_start3A_449 = arith.constant 1152 : i32
        %dma_start3A_450 = tpu.memref_slice %arg16[%dma_start3A_449] : memref<1280xi32, #tpu.memory_space<vmem>> -> memref<128xi32, #tpu.memory_space<vmem>>
        %dma_start3A_451 = arith.constant 0 : i32
        %dma_start3A_452 = arith.constant 0 : i32
        %dma_start3A_453 = tpu.memref_slice %arg2[%dma_start3A_451, %dma_start3A_452] : memref<640000x8xf32, #tpu.memory_space<hbm>> -> memref<640000x8xf32, #tpu.memory_space<hbm>>
        tpu.enqueue_indirect_dma source(%dma_start3A_453 : memref<640000x8xf32, #tpu.memory_space<hbm>>) target(%dma_start3A_448 : memref<128x8xf32, #tpu.memory_space<vmem>>) offsets(%dma_start3A_450 : memref<128xi32, #tpu.memory_space<vmem>>) semaphore(%arg20 : memref<!tpu.dma_semaphore, #tpu.memory_space<semaphore_mem>>)
      } else {
      }
      %lt3A_347 = arith.constant 125 : i32
      %lt3A_348 = arith.cmpi slt, %add3A_339, %lt3A_347 : i32
      %convert_element_type3A_349 = arith.extui %lt3A_348 : i1 to i32
      %cond3A_350 = arith.constant 0 : i32
      %cond3A_351 = arith.cmpi ne, %convert_element_type3A_349, %cond3A_350 : i32
      scf.if %cond3A_351 {
        %dma_wait3A_359 = arith.constant 0 : i32
        %dma_wait3A_360 = arith.constant 0 : i32
        %dma_wait3A_361 = tpu.memref_slice %arg9[%dma_wait3A_359, %dma_wait3A_360] : memref<1280x8xf32, #tpu.memory_space<vmem>> -> memref<128x8xf32, #tpu.memory_space<vmem>>
        %dma_wait3A_362 = arith.constant 0 : i32
        %dma_wait3A_363 = tpu.memref_slice %arg17[%dma_wait3A_362] : memref<1280xi32, #tpu.memory_space<vmem>> -> memref<128xi32, #tpu.memory_space<vmem>>
        %dma_wait3A_364 = arith.constant 0 : i32
        %dma_wait3A_365 = arith.constant 0 : i32
        %dma_wait3A_366 = tpu.memref_slice %arg2[%dma_wait3A_364, %dma_wait3A_365] : memref<640000x8xf32, #tpu.memory_space<hbm>> -> memref<640000x8xf32, #tpu.memory_space<hbm>>
        tpu.wait_indirect_dma semaphore(%arg21 : memref<!tpu.dma_semaphore, #tpu.memory_space<semaphore_mem>>) src(%dma_wait3A_366 : memref<640000x8xf32, #tpu.memory_space<hbm>>) dst(%dma_wait3A_361 : memref<128x8xf32, #tpu.memory_space<vmem>>)
        %dma_wait3A_367 = arith.constant 128 : i32
        %dma_wait3A_368 = arith.constant 0 : i32
        %dma_wait3A_369 = tpu.memref_slice %arg9[%dma_wait3A_367, %dma_wait3A_368] : memref<1280x8xf32, #tpu.memory_space<vmem>> -> memref<128x8xf32, #tpu.memory_space<vmem>>
        %dma_wait3A_370 = arith.constant 128 : i32
        %dma_wait3A_371 = tpu.memref_slice %arg17[%dma_wait3A_370] : memref<1280xi32, #tpu.memory_space<vmem>> -> memref<128xi32, #tpu.memory_space<vmem>>
        %dma_wait3A_372 = arith.constant 0 : i32
        %dma_wait3A_373 = arith.constant 0 : i32
        %dma_wait3A_374 = tpu.memref_slice %arg2[%dma_wait3A_372, %dma_wait3A_373] : memref<640000x8xf32, #tpu.memory_space<hbm>> -> memref<640000x8xf32, #tpu.memory_space<hbm>>
        tpu.wait_indirect_dma semaphore(%arg21 : memref<!tpu.dma_semaphore, #tpu.memory_space<semaphore_mem>>) src(%dma_wait3A_374 : memref<640000x8xf32, #tpu.memory_space<hbm>>) dst(%dma_wait3A_369 : memref<128x8xf32, #tpu.memory_space<vmem>>)
        %dma_wait3A_375 = arith.constant 256 : i32
        %dma_wait3A_376 = arith.constant 0 : i32
        %dma_wait3A_377 = tpu.memref_slice %arg9[%dma_wait3A_375, %dma_wait3A_376] : memref<1280x8xf32, #tpu.memory_space<vmem>> -> memref<128x8xf32, #tpu.memory_space<vmem>>
        %dma_wait3A_378 = arith.constant 256 : i32
        %dma_wait3A_379 = tpu.memref_slice %arg17[%dma_wait3A_378] : memref<1280xi32, #tpu.memory_space<vmem>> -> memref<128xi32, #tpu.memory_space<vmem>>
        %dma_wait3A_380 = arith.constant 0 : i32
        %dma_wait3A_381 = arith.constant 0 : i32
        %dma_wait3A_382 = tpu.memref_slice %arg2[%dma_wait3A_380, %dma_wait3A_381] : memref<640000x8xf32, #tpu.memory_space<hbm>> -> memref<640000x8xf32, #tpu.memory_space<hbm>>
        tpu.wait_indirect_dma semaphore(%arg21 : memref<!tpu.dma_semaphore, #tpu.memory_space<semaphore_mem>>) src(%dma_wait3A_382 : memref<640000x8xf32, #tpu.memory_space<hbm>>) dst(%dma_wait3A_377 : memref<128x8xf32, #tpu.memory_space<vmem>>)
        %dma_wait3A_383 = arith.constant 384 : i32
        %dma_wait3A_384 = arith.constant 0 : i32
        %dma_wait3A_385 = tpu.memref_slice %arg9[%dma_wait3A_383, %dma_wait3A_384] : memref<1280x8xf32, #tpu.memory_space<vmem>> -> memref<128x8xf32, #tpu.memory_space<vmem>>
        %dma_wait3A_386 = arith.constant 384 : i32
        %dma_wait3A_387 = tpu.memref_slice %arg17[%dma_wait3A_386] : memref<1280xi32, #tpu.memory_space<vmem>> -> memref<128xi32, #tpu.memory_space<vmem>>
        %dma_wait3A_388 = arith.constant 0 : i32
        %dma_wait3A_389 = arith.constant 0 : i32
        %dma_wait3A_390 = tpu.memref_slice %arg2[%dma_wait3A_388, %dma_wait3A_389] : memref<640000x8xf32, #tpu.memory_space<hbm>> -> memref<640000x8xf32, #tpu.memory_space<hbm>>
        tpu.wait_indirect_dma semaphore(%arg21 : memref<!tpu.dma_semaphore, #tpu.memory_space<semaphore_mem>>) src(%dma_wait3A_390 : memref<640000x8xf32, #tpu.memory_space<hbm>>) dst(%dma_wait3A_385 : memref<128x8xf32, #tpu.memory_space<vmem>>)
        %dma_wait3A_391 = arith.constant 512 : i32
        %dma_wait3A_392 = arith.constant 0 : i32
        %dma_wait3A_393 = tpu.memref_slice %arg9[%dma_wait3A_391, %dma_wait3A_392] : memref<1280x8xf32, #tpu.memory_space<vmem>> -> memref<128x8xf32, #tpu.memory_space<vmem>>
        %dma_wait3A_394 = arith.constant 512 : i32
        %dma_wait3A_395 = tpu.memref_slice %arg17[%dma_wait3A_394] : memref<1280xi32, #tpu.memory_space<vmem>> -> memref<128xi32, #tpu.memory_space<vmem>>
        %dma_wait3A_396 = arith.constant 0 : i32
        %dma_wait3A_397 = arith.constant 0 : i32
        %dma_wait3A_398 = tpu.memref_slice %arg2[%dma_wait3A_396, %dma_wait3A_397] : memref<640000x8xf32, #tpu.memory_space<hbm>> -> memref<640000x8xf32, #tpu.memory_space<hbm>>
        tpu.wait_indirect_dma semaphore(%arg21 : memref<!tpu.dma_semaphore, #tpu.memory_space<semaphore_mem>>) src(%dma_wait3A_398 : memref<640000x8xf32, #tpu.memory_space<hbm>>) dst(%dma_wait3A_393 : memref<128x8xf32, #tpu.memory_space<vmem>>)
        %dma_wait3A_399 = arith.constant 640 : i32
        %dma_wait3A_400 = arith.constant 0 : i32
        %dma_wait3A_401 = tpu.memref_slice %arg9[%dma_wait3A_399, %dma_wait3A_400] : memref<1280x8xf32, #tpu.memory_space<vmem>> -> memref<128x8xf32, #tpu.memory_space<vmem>>
        %dma_wait3A_402 = arith.constant 640 : i32
        %dma_wait3A_403 = tpu.memref_slice %arg17[%dma_wait3A_402] : memref<1280xi32, #tpu.memory_space<vmem>> -> memref<128xi32, #tpu.memory_space<vmem>>
        %dma_wait3A_404 = arith.constant 0 : i32
        %dma_wait3A_405 = arith.constant 0 : i32
        %dma_wait3A_406 = tpu.memref_slice %arg2[%dma_wait3A_404, %dma_wait3A_405] : memref<640000x8xf32, #tpu.memory_space<hbm>> -> memref<640000x8xf32, #tpu.memory_space<hbm>>
        tpu.wait_indirect_dma semaphore(%arg21 : memref<!tpu.dma_semaphore, #tpu.memory_space<semaphore_mem>>) src(%dma_wait3A_406 : memref<640000x8xf32, #tpu.memory_space<hbm>>) dst(%dma_wait3A_401 : memref<128x8xf32, #tpu.memory_space<vmem>>)
        %dma_wait3A_407 = arith.constant 768 : i32
        %dma_wait3A_408 = arith.constant 0 : i32
        %dma_wait3A_409 = tpu.memref_slice %arg9[%dma_wait3A_407, %dma_wait3A_408] : memref<1280x8xf32, #tpu.memory_space<vmem>> -> memref<128x8xf32, #tpu.memory_space<vmem>>
        %dma_wait3A_410 = arith.constant 768 : i32
        %dma_wait3A_411 = tpu.memref_slice %arg17[%dma_wait3A_410] : memref<1280xi32, #tpu.memory_space<vmem>> -> memref<128xi32, #tpu.memory_space<vmem>>
        %dma_wait3A_412 = arith.constant 0 : i32
        %dma_wait3A_413 = arith.constant 0 : i32
        %dma_wait3A_414 = tpu.memref_slice %arg2[%dma_wait3A_412, %dma_wait3A_413] : memref<640000x8xf32, #tpu.memory_space<hbm>> -> memref<640000x8xf32, #tpu.memory_space<hbm>>
        tpu.wait_indirect_dma semaphore(%arg21 : memref<!tpu.dma_semaphore, #tpu.memory_space<semaphore_mem>>) src(%dma_wait3A_414 : memref<640000x8xf32, #tpu.memory_space<hbm>>) dst(%dma_wait3A_409 : memref<128x8xf32, #tpu.memory_space<vmem>>)
        %dma_wait3A_415 = arith.constant 896 : i32
        %dma_wait3A_416 = arith.constant 0 : i32
        %dma_wait3A_417 = tpu.memref_slice %arg9[%dma_wait3A_415, %dma_wait3A_416] : memref<1280x8xf32, #tpu.memory_space<vmem>> -> memref<128x8xf32, #tpu.memory_space<vmem>>
        %dma_wait3A_418 = arith.constant 896 : i32
        %dma_wait3A_419 = tpu.memref_slice %arg17[%dma_wait3A_418] : memref<1280xi32, #tpu.memory_space<vmem>> -> memref<128xi32, #tpu.memory_space<vmem>>
        %dma_wait3A_420 = arith.constant 0 : i32
        %dma_wait3A_421 = arith.constant 0 : i32
        %dma_wait3A_422 = tpu.memref_slice %arg2[%dma_wait3A_420, %dma_wait3A_421] : memref<640000x8xf32, #tpu.memory_space<hbm>> -> memref<640000x8xf32, #tpu.memory_space<hbm>>
        tpu.wait_indirect_dma semaphore(%arg21 : memref<!tpu.dma_semaphore, #tpu.memory_space<semaphore_mem>>) src(%dma_wait3A_422 : memref<640000x8xf32, #tpu.memory_space<hbm>>) dst(%dma_wait3A_417 : memref<128x8xf32, #tpu.memory_space<vmem>>)
        %dma_wait3A_423 = arith.constant 1024 : i32
        %dma_wait3A_424 = arith.constant 0 : i32
        %dma_wait3A_425 = tpu.memref_slice %arg9[%dma_wait3A_423, %dma_wait3A_424] : memref<1280x8xf32, #tpu.memory_space<vmem>> -> memref<128x8xf32, #tpu.memory_space<vmem>>
        %dma_wait3A_426 = arith.constant 1024 : i32
        %dma_wait3A_427 = tpu.memref_slice %arg17[%dma_wait3A_426] : memref<1280xi32, #tpu.memory_space<vmem>> -> memref<128xi32, #tpu.memory_space<vmem>>
        %dma_wait3A_428 = arith.constant 0 : i32
        %dma_wait3A_429 = arith.constant 0 : i32
        %dma_wait3A_430 = tpu.memref_slice %arg2[%dma_wait3A_428, %dma_wait3A_429] : memref<640000x8xf32, #tpu.memory_space<hbm>> -> memref<640000x8xf32, #tpu.memory_space<hbm>>
        tpu.wait_indirect_dma semaphore(%arg21 : memref<!tpu.dma_semaphore, #tpu.memory_space<semaphore_mem>>) src(%dma_wait3A_430 : memref<640000x8xf32, #tpu.memory_space<hbm>>) dst(%dma_wait3A_425 : memref<128x8xf32, #tpu.memory_space<vmem>>)
        %dma_wait3A_431 = arith.constant 1152 : i32
        %dma_wait3A_432 = arith.constant 0 : i32
        %dma_wait3A_433 = tpu.memref_slice %arg9[%dma_wait3A_431, %dma_wait3A_432] : memref<1280x8xf32, #tpu.memory_space<vmem>> -> memref<128x8xf32, #tpu.memory_space<vmem>>
        %dma_wait3A_434 = arith.constant 1152 : i32
        %dma_wait3A_435 = tpu.memref_slice %arg17[%dma_wait3A_434] : memref<1280xi32, #tpu.memory_space<vmem>> -> memref<128xi32, #tpu.memory_space<vmem>>
        %dma_wait3A_436 = arith.constant 0 : i32
        %dma_wait3A_437 = arith.constant 0 : i32
        %dma_wait3A_438 = tpu.memref_slice %arg2[%dma_wait3A_436, %dma_wait3A_437] : memref<640000x8xf32, #tpu.memory_space<hbm>> -> memref<640000x8xf32, #tpu.memory_space<hbm>>
        tpu.wait_indirect_dma semaphore(%arg21 : memref<!tpu.dma_semaphore, #tpu.memory_space<semaphore_mem>>) src(%dma_wait3A_438 : memref<640000x8xf32, #tpu.memory_space<hbm>>) dst(%dma_wait3A_433 : memref<128x8xf32, #tpu.memory_space<vmem>>)
        %parallel_loop3A_439 = arith.constant 0 : i32
        %parallel_loop3A_440 = arith.constant 80 : i32
        %parallel_loop3A_441 = arith.constant 1 : i32
        scf.for %parallel_loop3A_442 = %parallel_loop3A_439 to %parallel_loop3A_440 step %parallel_loop3A_441  : i32 {
          %parallel_loop3A_443 = arith.constant 16 : i32
          %parallel_loop3A_444 = arith.muli %parallel_loop3A_442, %parallel_loop3A_443 : i32
          %parallel_loop3A_445 = arith.index_cast %parallel_loop3A_444 : i32 to index
          %parallel_loop3A_446 = tpu.vector_load %arg13[%parallel_loop3A_445] {strides = array<i32>} : memref<1280xi32, #tpu.memory_space<vmem>>, vector<16xi32>,
          %parallel_loop3A_447 = arith.constant 16 : i32
          %parallel_loop3A_448 = arith.muli %parallel_loop3A_442, %parallel_loop3A_447 : i32
          %parallel_loop3A_449 = arith.index_cast %parallel_loop3A_448 : i32 to index
          %parallel_loop3A_450 = tpu.vector_load %arg15[%parallel_loop3A_449] {strides = array<i32>} : memref<1280xf32, #tpu.memory_space<vmem>>, vector<16xf32>,
          %parallel_loop3A_451 = arith.constant 0 : i32
          %parallel_loop3A_452 = vector.broadcast %parallel_loop3A_451 : i32 to vector<16xi32>
          %parallel_loop3A_453 = arith.addi %select_n3A_46, %parallel_loop3A_452 : vector<16xi32>
          %parallel_loop3A_454 = vector.shape_cast %parallel_loop3A_453 : vector<16xi32> to vector<16x1xi32>
          %parallel_loop3A_455 = vector.shape_cast %parallel_loop3A_454 : vector<16x1xi32> to vector<16xi32>
          %parallel_loop3A_456 = tpu.dynamic_gather %parallel_loop3A_446[%parallel_loop3A_455] in [0] : vector<16xi32>, vector<16xi32> -> vector<16xi32>
          %parallel_loop3A_457 = vector.shape_cast %parallel_loop3A_453 : vector<16xi32> to vector<16x1xi32>
          %parallel_loop3A_458 = vector.shape_cast %parallel_loop3A_457 : vector<16x1xi32> to vector<16xi32>
          %parallel_loop3A_459 = tpu.dynamic_gather %parallel_loop3A_450[%parallel_loop3A_458] in [0] : vector<16xf32>, vector<16xi32> -> vector<16xf32>
          %parallel_loop3A_460 = arith.constant 16 : i32
          %parallel_loop3A_461 = arith.muli %parallel_loop3A_442, %parallel_loop3A_460 : i32
          %parallel_loop3A_462 = vector.broadcast %parallel_loop3A_461 : i32 to vector<16xi32>
          %parallel_loop3A_463 = arith.addi %parallel_loop3A_453, %parallel_loop3A_462 : vector<16xi32>
          %parallel_loop3A_464 = tpu.vector_load_idx %arg9[%parallel_loop3A_463, %select_n3A_15] : memref<1280x8xf32, #tpu.memory_space<vmem>>[vector<16xi32>, vector<16xi32>], vector<16xf32>,
          %parallel_loop3A_465 = arith.mulf %parallel_loop3A_464, %parallel_loop3A_459 : vector<16xf32>
          %parallel_loop3A_466 = arith.addi %parallel_loop3A_456, %mul3A_18 : vector<16xi32>
          tpu.vector_store_idx %arg7[%parallel_loop3A_466], %parallel_loop3A_465 masked %lt3A_49 {add = true} : memref<81936xf32, #tpu.memory_space<vmem>>[vector<16xi32>], vector<16xf32>, vector<16xi1>
          tpu.vector_store_idx %arg7[%parallel_loop3A_466], %parallel_loop3A_465 masked %ge3A_51 {add = true} : memref<81936xf32, #tpu.memory_space<vmem>>[vector<16xi32>], vector<16xf32>, vector<16xi1>
          %parallel_loop3A_467 = arith.constant 2 : i32
          %parallel_loop3A_468 = vector.broadcast %parallel_loop3A_467 : i32 to vector<16xi32>
          %parallel_loop3A_469 = arith.addi %select_n3A_46, %parallel_loop3A_468 : vector<16xi32>
          %parallel_loop3A_470 = vector.shape_cast %parallel_loop3A_469 : vector<16xi32> to vector<16x1xi32>
          %parallel_loop3A_471 = vector.shape_cast %parallel_loop3A_470 : vector<16x1xi32> to vector<16xi32>
          %parallel_loop3A_472 = tpu.dynamic_gather %parallel_loop3A_446[%parallel_loop3A_471] in [0] : vector<16xi32>, vector<16xi32> -> vector<16xi32>
          %parallel_loop3A_473 = vector.shape_cast %parallel_loop3A_469 : vector<16xi32> to vector<16x1xi32>
          %parallel_loop3A_474 = vector.shape_cast %parallel_loop3A_473 : vector<16x1xi32> to vector<16xi32>
          %parallel_loop3A_475 = tpu.dynamic_gather %parallel_loop3A_450[%parallel_loop3A_474] in [0] : vector<16xf32>, vector<16xi32> -> vector<16xf32>
          %parallel_loop3A_476 = arith.constant 16 : i32
          %parallel_loop3A_477 = arith.muli %parallel_loop3A_442, %parallel_loop3A_476 : i32
          %parallel_loop3A_478 = vector.broadcast %parallel_loop3A_477 : i32 to vector<16xi32>
          %parallel_loop3A_479 = arith.addi %parallel_loop3A_469, %parallel_loop3A_478 : vector<16xi32>
          %parallel_loop3A_480 = tpu.vector_load_idx %arg9[%parallel_loop3A_479, %select_n3A_15] : memref<1280x8xf32, #tpu.memory_space<vmem>>[vector<16xi32>, vector<16xi32>], vector<16xf32>,
          %parallel_loop3A_481 = arith.mulf %parallel_loop3A_480, %parallel_loop3A_475 : vector<16xf32>
          %parallel_loop3A_482 = arith.addi %parallel_loop3A_472, %mul3A_18 : vector<16xi32>
          tpu.vector_store_idx %arg7[%parallel_loop3A_482], %parallel_loop3A_481 masked %lt3A_49 {add = true} : memref<81936xf32, #tpu.memory_space<vmem>>[vector<16xi32>], vector<16xf32>, vector<16xi1>
          tpu.vector_store_idx %arg7[%parallel_loop3A_482], %parallel_loop3A_481 masked %ge3A_51 {add = true} : memref<81936xf32, #tpu.memory_space<vmem>>[vector<16xi32>], vector<16xf32>, vector<16xi1>
          %parallel_loop3A_483 = arith.constant 4 : i32
          %parallel_loop3A_484 = vector.broadcast %parallel_loop3A_483 : i32 to vector<16xi32>
          %parallel_loop3A_485 = arith.addi %select_n3A_46, %parallel_loop3A_484 : vector<16xi32>
          %parallel_loop3A_486 = vector.shape_cast %parallel_loop3A_485 : vector<16xi32> to vector<16x1xi32>
          %parallel_loop3A_487 = vector.shape_cast %parallel_loop3A_486 : vector<16x1xi32> to vector<16xi32>
          %parallel_loop3A_488 = tpu.dynamic_gather %parallel_loop3A_446[%parallel_loop3A_487] in [0] : vector<16xi32>, vector<16xi32> -> vector<16xi32>
          %parallel_loop3A_489 = vector.shape_cast %parallel_loop3A_485 : vector<16xi32> to vector<16x1xi32>
          %parallel_loop3A_490 = vector.shape_cast %parallel_loop3A_489 : vector<16x1xi32> to vector<16xi32>
          %parallel_loop3A_491 = tpu.dynamic_gather %parallel_loop3A_450[%parallel_loop3A_490] in [0] : vector<16xf32>, vector<16xi32> -> vector<16xf32>
          %parallel_loop3A_492 = arith.constant 16 : i32
          %parallel_loop3A_493 = arith.muli %parallel_loop3A_442, %parallel_loop3A_492 : i32
          %parallel_loop3A_494 = vector.broadcast %parallel_loop3A_493 : i32 to vector<16xi32>
          %parallel_loop3A_495 = arith.addi %parallel_loop3A_485, %parallel_loop3A_494 : vector<16xi32>
          %parallel_loop3A_496 = tpu.vector_load_idx %arg9[%parallel_loop3A_495, %select_n3A_15] : memref<1280x8xf32, #tpu.memory_space<vmem>>[vector<16xi32>, vector<16xi32>], vector<16xf32>,
          %parallel_loop3A_497 = arith.mulf %parallel_loop3A_496, %parallel_loop3A_491 : vector<16xf32>
          %parallel_loop3A_498 = arith.addi %parallel_loop3A_488, %mul3A_18 : vector<16xi32>
          tpu.vector_store_idx %arg7[%parallel_loop3A_498], %parallel_loop3A_497 masked %lt3A_49 {add = true} : memref<81936xf32, #tpu.memory_space<vmem>>[vector<16xi32>], vector<16xf32>, vector<16xi1>
          tpu.vector_store_idx %arg7[%parallel_loop3A_498], %parallel_loop3A_497 masked %ge3A_51 {add = true} : memref<81936xf32, #tpu.memory_space<vmem>>[vector<16xi32>], vector<16xf32>, vector<16xi1>
          %parallel_loop3A_499 = arith.constant 6 : i32
          %parallel_loop3A_500 = vector.broadcast %parallel_loop3A_499 : i32 to vector<16xi32>
          %parallel_loop3A_501 = arith.addi %select_n3A_46, %parallel_loop3A_500 : vector<16xi32>
          %parallel_loop3A_502 = vector.shape_cast %parallel_loop3A_501 : vector<16xi32> to vector<16x1xi32>
          %parallel_loop3A_503 = vector.shape_cast %parallel_loop3A_502 : vector<16x1xi32> to vector<16xi32>
          %parallel_loop3A_504 = tpu.dynamic_gather %parallel_loop3A_446[%parallel_loop3A_503] in [0] : vector<16xi32>, vector<16xi32> -> vector<16xi32>
          %parallel_loop3A_505 = vector.shape_cast %parallel_loop3A_501 : vector<16xi32> to vector<16x1xi32>
          %parallel_loop3A_506 = vector.shape_cast %parallel_loop3A_505 : vector<16x1xi32> to vector<16xi32>
          %parallel_loop3A_507 = tpu.dynamic_gather %parallel_loop3A_450[%parallel_loop3A_506] in [0] : vector<16xf32>, vector<16xi32> -> vector<16xf32>
          %parallel_loop3A_508 = arith.constant 16 : i32
          %parallel_loop3A_509 = arith.muli %parallel_loop3A_442, %parallel_loop3A_508 : i32
          %parallel_loop3A_510 = vector.broadcast %parallel_loop3A_509 : i32 to vector<16xi32>
          %parallel_loop3A_511 = arith.addi %parallel_loop3A_501, %parallel_loop3A_510 : vector<16xi32>
          %parallel_loop3A_512 = tpu.vector_load_idx %arg9[%parallel_loop3A_511, %select_n3A_15] : memref<1280x8xf32, #tpu.memory_space<vmem>>[vector<16xi32>, vector<16xi32>], vector<16xf32>,
          %parallel_loop3A_513 = arith.mulf %parallel_loop3A_512, %parallel_loop3A_507 : vector<16xf32>
          %parallel_loop3A_514 = arith.addi %parallel_loop3A_504, %mul3A_18 : vector<16xi32>
          tpu.vector_store_idx %arg7[%parallel_loop3A_514], %parallel_loop3A_513 masked %lt3A_49 {add = true} : memref<81936xf32, #tpu.memory_space<vmem>>[vector<16xi32>], vector<16xf32>, vector<16xi1>
          tpu.vector_store_idx %arg7[%parallel_loop3A_514], %parallel_loop3A_513 masked %ge3A_51 {add = true} : memref<81936xf32, #tpu.memory_space<vmem>>[vector<16xi32>], vector<16xf32>, vector<16xi1>
          %parallel_loop3A_515 = arith.constant 8 : i32
          %parallel_loop3A_516 = vector.broadcast %parallel_loop3A_515 : i32 to vector<16xi32>
          %parallel_loop3A_517 = arith.addi %select_n3A_46, %parallel_loop3A_516 : vector<16xi32>
          %parallel_loop3A_518 = vector.shape_cast %parallel_loop3A_517 : vector<16xi32> to vector<16x1xi32>
          %parallel_loop3A_519 = vector.shape_cast %parallel_loop3A_518 : vector<16x1xi32> to vector<16xi32>
          %parallel_loop3A_520 = tpu.dynamic_gather %parallel_loop3A_446[%parallel_loop3A_519] in [0] : vector<16xi32>, vector<16xi32> -> vector<16xi32>
          %parallel_loop3A_521 = vector.shape_cast %parallel_loop3A_517 : vector<16xi32> to vector<16x1xi32>
          %parallel_loop3A_522 = vector.shape_cast %parallel_loop3A_521 : vector<16x1xi32> to vector<16xi32>
          %parallel_loop3A_523 = tpu.dynamic_gather %parallel_loop3A_450[%parallel_loop3A_522] in [0] : vector<16xf32>, vector<16xi32> -> vector<16xf32>
          %parallel_loop3A_524 = arith.constant 16 : i32
          %parallel_loop3A_525 = arith.muli %parallel_loop3A_442, %parallel_loop3A_524 : i32
          %parallel_loop3A_526 = vector.broadcast %parallel_loop3A_525 : i32 to vector<16xi32>
          %parallel_loop3A_527 = arith.addi %parallel_loop3A_517, %parallel_loop3A_526 : vector<16xi32>
          %parallel_loop3A_528 = tpu.vector_load_idx %arg9[%parallel_loop3A_527, %select_n3A_15] : memref<1280x8xf32, #tpu.memory_space<vmem>>[vector<16xi32>, vector<16xi32>], vector<16xf32>,
          %parallel_loop3A_529 = arith.mulf %parallel_loop3A_528, %parallel_loop3A_523 : vector<16xf32>
          %parallel_loop3A_530 = arith.addi %parallel_loop3A_520, %mul3A_18 : vector<16xi32>
          tpu.vector_store_idx %arg7[%parallel_loop3A_530], %parallel_loop3A_529 masked %lt3A_49 {add = true} : memref<81936xf32, #tpu.memory_space<vmem>>[vector<16xi32>], vector<16xf32>, vector<16xi1>
          tpu.vector_store_idx %arg7[%parallel_loop3A_530], %parallel_loop3A_529 masked %ge3A_51 {add = true} : memref<81936xf32, #tpu.memory_space<vmem>>[vector<16xi32>], vector<16xf32>, vector<16xi1>
          %parallel_loop3A_531 = arith.constant 10 : i32
          %parallel_loop3A_532 = vector.broadcast %parallel_loop3A_531 : i32 to vector<16xi32>
          %parallel_loop3A_533 = arith.addi %select_n3A_46, %parallel_loop3A_532 : vector<16xi32>
          %parallel_loop3A_534 = vector.shape_cast %parallel_loop3A_533 : vector<16xi32> to vector<16x1xi32>
          %parallel_loop3A_535 = vector.shape_cast %parallel_loop3A_534 : vector<16x1xi32> to vector<16xi32>
          %parallel_loop3A_536 = tpu.dynamic_gather %parallel_loop3A_446[%parallel_loop3A_535] in [0] : vector<16xi32>, vector<16xi32> -> vector<16xi32>
          %parallel_loop3A_537 = vector.shape_cast %parallel_loop3A_533 : vector<16xi32> to vector<16x1xi32>
          %parallel_loop3A_538 = vector.shape_cast %parallel_loop3A_537 : vector<16x1xi32> to vector<16xi32>
          %parallel_loop3A_539 = tpu.dynamic_gather %parallel_loop3A_450[%parallel_loop3A_538] in [0] : vector<16xf32>, vector<16xi32> -> vector<16xf32>
          %parallel_loop3A_540 = arith.constant 16 : i32
          %parallel_loop3A_541 = arith.muli %parallel_loop3A_442, %parallel_loop3A_540 : i32
          %parallel_loop3A_542 = vector.broadcast %parallel_loop3A_541 : i32 to vector<16xi32>
          %parallel_loop3A_543 = arith.addi %parallel_loop3A_533, %parallel_loop3A_542 : vector<16xi32>
          %parallel_loop3A_544 = tpu.vector_load_idx %arg9[%parallel_loop3A_543, %select_n3A_15] : memref<1280x8xf32, #tpu.memory_space<vmem>>[vector<16xi32>, vector<16xi32>], vector<16xf32>,
          %parallel_loop3A_545 = arith.mulf %parallel_loop3A_544, %parallel_loop3A_539 : vector<16xf32>
          %parallel_loop3A_546 = arith.addi %parallel_loop3A_536, %mul3A_18 : vector<16xi32>
          tpu.vector_store_idx %arg7[%parallel_loop3A_546], %parallel_loop3A_545 masked %lt3A_49 {add = true} : memref<81936xf32, #tpu.memory_space<vmem>>[vector<16xi32>], vector<16xf32>, vector<16xi1>
          tpu.vector_store_idx %arg7[%parallel_loop3A_546], %parallel_loop3A_545 masked %ge3A_51 {add = true} : memref<81936xf32, #tpu.memory_space<vmem>>[vector<16xi32>], vector<16xf32>, vector<16xi1>
          %parallel_loop3A_547 = arith.constant 12 : i32
          %parallel_loop3A_548 = vector.broadcast %parallel_loop3A_547 : i32 to vector<16xi32>
          %parallel_loop3A_549 = arith.addi %select_n3A_46, %parallel_loop3A_548 : vector<16xi32>
          %parallel_loop3A_550 = vector.shape_cast %parallel_loop3A_549 : vector<16xi32> to vector<16x1xi32>
          %parallel_loop3A_551 = vector.shape_cast %parallel_loop3A_550 : vector<16x1xi32> to vector<16xi32>
          %parallel_loop3A_552 = tpu.dynamic_gather %parallel_loop3A_446[%parallel_loop3A_551] in [0] : vector<16xi32>, vector<16xi32> -> vector<16xi32>
          %parallel_loop3A_553 = vector.shape_cast %parallel_loop3A_549 : vector<16xi32> to vector<16x1xi32>
          %parallel_loop3A_554 = vector.shape_cast %parallel_loop3A_553 : vector<16x1xi32> to vector<16xi32>
          %parallel_loop3A_555 = tpu.dynamic_gather %parallel_loop3A_450[%parallel_loop3A_554] in [0] : vector<16xf32>, vector<16xi32> -> vector<16xf32>
          %parallel_loop3A_556 = arith.constant 16 : i32
          %parallel_loop3A_557 = arith.muli %parallel_loop3A_442, %parallel_loop3A_556 : i32
          %parallel_loop3A_558 = vector.broadcast %parallel_loop3A_557 : i32 to vector<16xi32>
          %parallel_loop3A_559 = arith.addi %parallel_loop3A_549, %parallel_loop3A_558 : vector<16xi32>
          %parallel_loop3A_560 = tpu.vector_load_idx %arg9[%parallel_loop3A_559, %select_n3A_15] : memref<1280x8xf32, #tpu.memory_space<vmem>>[vector<16xi32>, vector<16xi32>], vector<16xf32>,
          %parallel_loop3A_561 = arith.mulf %parallel_loop3A_560, %parallel_loop3A_555 : vector<16xf32>
          %parallel_loop3A_562 = arith.addi %parallel_loop3A_552, %mul3A_18 : vector<16xi32>
          tpu.vector_store_idx %arg7[%parallel_loop3A_562], %parallel_loop3A_561 masked %lt3A_49 {add = true} : memref<81936xf32, #tpu.memory_space<vmem>>[vector<16xi32>], vector<16xf32>, vector<16xi1>
          tpu.vector_store_idx %arg7[%parallel_loop3A_562], %parallel_loop3A_561 masked %ge3A_51 {add = true} : memref<81936xf32, #tpu.memory_space<vmem>>[vector<16xi32>], vector<16xf32>, vector<16xi1>
          %parallel_loop3A_563 = arith.constant 14 : i32
          %parallel_loop3A_564 = vector.broadcast %parallel_loop3A_563 : i32 to vector<16xi32>
          %parallel_loop3A_565 = arith.addi %select_n3A_46, %parallel_loop3A_564 : vector<16xi32>
          %parallel_loop3A_566 = vector.shape_cast %parallel_loop3A_565 : vector<16xi32> to vector<16x1xi32>
          %parallel_loop3A_567 = vector.shape_cast %parallel_loop3A_566 : vector<16x1xi32> to vector<16xi32>
          %parallel_loop3A_568 = tpu.dynamic_gather %parallel_loop3A_446[%parallel_loop3A_567] in [0] : vector<16xi32>, vector<16xi32> -> vector<16xi32>
          %parallel_loop3A_569 = vector.shape_cast %parallel_loop3A_565 : vector<16xi32> to vector<16x1xi32>
          %parallel_loop3A_570 = vector.shape_cast %parallel_loop3A_569 : vector<16x1xi32> to vector<16xi32>
          %parallel_loop3A_571 = tpu.dynamic_gather %parallel_loop3A_450[%parallel_loop3A_570] in [0] : vector<16xf32>, vector<16xi32> -> vector<16xf32>
          %parallel_loop3A_572 = arith.constant 16 : i32
          %parallel_loop3A_573 = arith.muli %parallel_loop3A_442, %parallel_loop3A_572 : i32
          %parallel_loop3A_574 = vector.broadcast %parallel_loop3A_573 : i32 to vector<16xi32>
          %parallel_loop3A_575 = arith.addi %parallel_loop3A_565, %parallel_loop3A_574 : vector<16xi32>
          %parallel_loop3A_576 = tpu.vector_load_idx %arg9[%parallel_loop3A_575, %select_n3A_15] : memref<1280x8xf32, #tpu.memory_space<vmem>>[vector<16xi32>, vector<16xi32>], vector<16xf32>,
          %parallel_loop3A_577 = arith.mulf %parallel_loop3A_576, %parallel_loop3A_571 : vector<16xf32>
          %parallel_loop3A_578 = arith.addi %parallel_loop3A_568, %mul3A_18 : vector<16xi32>
          tpu.vector_store_idx %arg7[%parallel_loop3A_578], %parallel_loop3A_577 masked %lt3A_49 {add = true} : memref<81936xf32, #tpu.memory_space<vmem>>[vector<16xi32>], vector<16xf32>, vector<16xi1>
          tpu.vector_store_idx %arg7[%parallel_loop3A_578], %parallel_loop3A_577 masked %ge3A_51 {add = true} : memref<81936xf32, #tpu.memory_space<vmem>>[vector<16xi32>], vector<16xf32>, vector<16xi1>
        } {sc.loop_unroll_factor = 1 : i64, sc.parallel_access}
      } else {
      }
      %add3A_352 = arith.constant 2 : i32
      %add3A_353 = arith.addi %add3A_339, %add3A_352 : i32
      %lt3A_354 = arith.constant 125 : i32
      %lt3A_355 = arith.cmpi slt, %add3A_353, %lt3A_354 : i32
      %convert_element_type3A_356 = arith.extui %lt3A_355 : i1 to i32
      %cond3A_357 = arith.constant 0 : i32
      %cond3A_358 = arith.cmpi ne, %convert_element_type3A_356, %cond3A_357 : i32
      scf.if %cond3A_358 {
        %add3A_359 = arith.constant 2 : i32
        %add3A_360 = arith.addi %add3A_339, %add3A_359 : i32
        %mul3A_361 = arith.constant 1280 : i32
        %mul3A_362 = arith.muli %add3A_360, %mul3A_361 : i32
        %dma_start3A_363 = tpu.memref_slice %arg4[%mul3A_362] : memref<160000xi32, #tpu.memory_space<hbm>> -> memref<1280xi32, #tpu.memory_space<hbm>>
        %dma_start3A_364 = tpu.memref_slice %arg4[%mul3A_362] : memref<160000xi32, #tpu.memory_space<hbm>> -> memref<1280xi32, #tpu.memory_space<hbm>>
        tpu.enqueue_dma source(%dma_start3A_364 : memref<1280xi32, #tpu.memory_space<hbm>>) target(%arg11 : memref<1280xi32, #tpu.memory_space<vmem>>) target_semaphore(%arg19 : memref<!tpu.dma_semaphore, #tpu.memory_space<semaphore_mem>>)
        %dma_start3A_365 = tpu.memref_slice %arg5[%mul3A_362] : memref<160000xi32, #tpu.memory_space<hbm>> -> memref<1280xi32, #tpu.memory_space<hbm>>
        %dma_start3A_366 = tpu.memref_slice %arg5[%mul3A_362] : memref<160000xi32, #tpu.memory_space<hbm>> -> memref<1280xi32, #tpu.memory_space<hbm>>
        tpu.enqueue_dma source(%dma_start3A_366 : memref<1280xi32, #tpu.memory_space<hbm>>) target(%arg13 : memref<1280xi32, #tpu.memory_space<vmem>>) target_semaphore(%arg19 : memref<!tpu.dma_semaphore, #tpu.memory_space<semaphore_mem>>)
        %add3A_367 = arith.constant 160000 : i32
        %add3A_368 = arith.addi %add3A_367, %mul3A_362 : i32
        %dma_start3A_369 = tpu.memref_slice %arg3[%add3A_368] : memref<320000xf32, #tpu.memory_space<hbm>> -> memref<1280xf32, #tpu.memory_space<hbm>>
        %dma_start3A_370 = tpu.memref_slice %arg3[%add3A_368] : memref<320000xf32, #tpu.memory_space<hbm>> -> memref<1280xf32, #tpu.memory_space<hbm>>
        tpu.enqueue_dma source(%dma_start3A_370 : memref<1280xf32, #tpu.memory_space<hbm>>) target(%arg15 : memref<1280xf32, #tpu.memory_space<vmem>>) target_semaphore(%arg19 : memref<!tpu.dma_semaphore, #tpu.memory_space<semaphore_mem>>)
      } else {
      }
    }
    %scan3A_309 = arith.constant 63 : i32
    %mul3A_310 = arith.constant 8 : i32
    %mul3A_311 = arith.muli %add3A_182, %mul3A_310 : i32
    %mul3A_312 = arith.constant 10241 : i32
    %mul3A_313 = arith.muli %mul3A_311, %mul3A_312 : i32
    "tpu.region"() ({
      %run_scoped3A = tpu.sem_alloc : memref<!tpu.dma_semaphore, #tpu.memory_space<semaphore_mem>>
      %dma_start3A_314 = arith.constant 0 : i32
      %dma_start3A_315 = tpu.memref_slice %arg7[%dma_start3A_314] : memref<81936xf32, #tpu.memory_space<vmem>> -> memref<81928xf32, #tpu.memory_space<vmem>>
      %dma_start3A_316 = tpu.memref_slice %arg6[%mul3A_313] : memref<5243392xf32, #tpu.memory_space<hbm>> -> memref<81928xf32, #tpu.memory_space<hbm>>
      %dma_start3A_317 = tpu.memref_slice %arg6[%mul3A_313] : memref<5243392xf32, #tpu.memory_space<hbm>> -> memref<81928xf32, #tpu.memory_space<hbm>>
      %dma_start3A_318 = arith.constant 0 : i32
      %dma_start3A_319 = tpu.memref_slice %arg7[%dma_start3A_318] : memref<81936xf32, #tpu.memory_space<vmem>> -> memref<81928xf32, #tpu.memory_space<vmem>>
      tpu.enqueue_dma source(%dma_start3A_319 : memref<81928xf32, #tpu.memory_space<vmem>>) target(%dma_start3A_317 : memref<81928xf32, #tpu.memory_space<hbm>>) target_semaphore(%run_scoped3A : memref<!tpu.dma_semaphore, #tpu.memory_space<semaphore_mem>>)
      %dma_wait3A_320 = arith.constant 0 : i32
      %dma_wait3A_321 = tpu.memref_slice %arg7[%dma_wait3A_320] : memref<81936xf32, #tpu.memory_space<vmem>> -> memref<81928xf32, #tpu.memory_space<vmem>>
      %dma_wait3A_322 = tpu.memref_slice %arg6[%mul3A_313] : memref<5243392xf32, #tpu.memory_space<hbm>> -> memref<81928xf32, #tpu.memory_space<hbm>>
      %dma_wait3A_323 = tpu.memref_slice %arg6[%mul3A_313] : memref<5243392xf32, #tpu.memory_space<hbm>> -> memref<81928xf32, #tpu.memory_space<hbm>>
      %dma_wait3A_324 = arith.constant 0 : i32
      %dma_wait3A_325 = tpu.memref_slice %arg7[%dma_wait3A_324] : memref<81936xf32, #tpu.memory_space<vmem>> -> memref<81928xf32, #tpu.memory_space<vmem>>
      tpu.wait_dma2 semaphore(%run_scoped3A : memref<!tpu.dma_semaphore, #tpu.memory_space<semaphore_mem>>) src(%dma_wait3A_325 : memref<81928xf32, #tpu.memory_space<vmem>>) dst(%dma_wait3A_323 : memref<81928xf32, #tpu.memory_space<hbm>>)
      tpu.yield
    }) : () -> ()
    return
  }
}

#map = affine_map<(d0, d1) -> (0)>
module attributes {stable_mosaic.version = 14 : i64} {
  func.func @_p2c_body(%arg0: i32, %arg1: i32, %arg2: memref<160016xi32, #tpu.memory_space<hbm>>, %arg3: memref<160016xi32, #tpu.memory_space<hbm>>, %arg4: memref<320032xf32, #tpu.memory_space<hbm>>, %arg5: memref<20000xf32, #tpu.memory_space<hbm>>, %arg6: memref<20000xf32, #tpu.memory_space<hbm>>, %arg7: memref<20000xf32, #tpu.memory_space<hbm>>, %arg8: memref<320000xf32, #tpu.memory_space<hbm>>, %arg9: memref<320000xf32, #tpu.memory_space<hbm>>, %arg10: memref<20000xf32, #tpu.memory_space<vmem>>, %arg11: memref<20000xf32, #tpu.memory_space<vmem>>, %arg12: memref<20000xf32, #tpu.memory_space<vmem>>, %arg13: memref<5008xi32, #tpu.memory_space<vmem>>, %arg14: memref<5008xi32, #tpu.memory_space<vmem>>, %arg15: memref<10016xf32, #tpu.memory_space<vmem>>, %arg16: memref<10016xf32, #tpu.memory_space<vmem>>, %arg17: memref<5008xf32, #tpu.memory_space<vmem>>, %arg18: memref<5008xf32, #tpu.memory_space<vmem>>) attributes {dimension_semantics = [#tpu.dimension_semantics<core_parallel>, #tpu.dimension_semantics<subcore_parallel>], iteration_bounds = array<i64: 2, 16>, scalar_prefetch = 0 : i64, scratch_operands = 9 : i64, tpu.core_type = #tpu.core_type<sc_vector_subcore>, window_params = [{transform_indices = #map}, {transform_indices = #map}, {transform_indices = #map}, {transform_indices = #map}, {transform_indices = #map}, {transform_indices = #map}, {transform_indices = #map}, {transform_indices = #map}]} {
    %mul3A = arith.constant 2 : i32
    %mul3A_0 = arith.muli %arg1, %mul3A : i32
    %add3A = arith.addi %mul3A_0, %arg0 : i32
    %lt3A = arith.constant 16 : i32
    %lt3A_1 = arith.cmpi slt, %add3A, %lt3A : i32
    %mul3A_2 = arith.constant 5008 : i32
    %mul3A_3 = arith.muli %add3A, %mul3A_2 : i32
    %sub3A = arith.constant 16 : i32
    %sub3A_4 = arith.subi %add3A, %sub3A : i32
    %mul3A_5 = arith.constant 4992 : i32
    %mul3A_6 = arith.muli %sub3A_4, %mul3A_5 : i32
    %add3A_7 = arith.constant 80128 : i32
    %add3A_8 = arith.addi %add3A_7, %mul3A_6 : i32
    %select_n3A = arith.select %lt3A_1, %mul3A_3, %add3A_8 : i32
    %lt3A_9 = arith.constant 16 : i32
    %lt3A_10 = arith.cmpi slt, %add3A, %lt3A_9 : i32
    %jit3A = arith.constant 313 : i32
    %jit3A_11 = arith.constant 312 : i32
    %select_n3A_12 = arith.select %lt3A_10, %jit3A, %jit3A_11 : i32
    "tpu.region"() ({
      %run_scoped3A = tpu.sem_alloc : memref<!tpu.dma_semaphore, #tpu.memory_space<semaphore_mem>>
      tpu.enqueue_dma source(%arg5 : memref<20000xf32, #tpu.memory_space<hbm>>) target(%arg10 : memref<20000xf32, #tpu.memory_space<vmem>>) target_semaphore(%run_scoped3A : memref<!tpu.dma_semaphore, #tpu.memory_space<semaphore_mem>>)
      tpu.wait_dma2 semaphore(%run_scoped3A : memref<!tpu.dma_semaphore, #tpu.memory_space<semaphore_mem>>) src(%arg5 : memref<20000xf32, #tpu.memory_space<hbm>>) dst(%arg10 : memref<20000xf32, #tpu.memory_space<vmem>>)
      tpu.yield
    }) : () -> ()
    "tpu.region"() ({
      %run_scoped3A = tpu.sem_alloc : memref<!tpu.dma_semaphore, #tpu.memory_space<semaphore_mem>>
      tpu.enqueue_dma source(%arg6 : memref<20000xf32, #tpu.memory_space<hbm>>) target(%arg11 : memref<20000xf32, #tpu.memory_space<vmem>>) target_semaphore(%run_scoped3A : memref<!tpu.dma_semaphore, #tpu.memory_space<semaphore_mem>>)
      tpu.wait_dma2 semaphore(%run_scoped3A : memref<!tpu.dma_semaphore, #tpu.memory_space<semaphore_mem>>) src(%arg6 : memref<20000xf32, #tpu.memory_space<hbm>>) dst(%arg11 : memref<20000xf32, #tpu.memory_space<vmem>>)
      tpu.yield
    }) : () -> ()
    "tpu.region"() ({
      %run_scoped3A = tpu.sem_alloc : memref<!tpu.dma_semaphore, #tpu.memory_space<semaphore_mem>>
      tpu.enqueue_dma source(%arg7 : memref<20000xf32, #tpu.memory_space<hbm>>) target(%arg12 : memref<20000xf32, #tpu.memory_space<vmem>>) target_semaphore(%run_scoped3A : memref<!tpu.dma_semaphore, #tpu.memory_space<semaphore_mem>>)
      tpu.wait_dma2 semaphore(%run_scoped3A : memref<!tpu.dma_semaphore, #tpu.memory_space<semaphore_mem>>) src(%arg7 : memref<20000xf32, #tpu.memory_space<hbm>>) dst(%arg12 : memref<20000xf32, #tpu.memory_space<vmem>>)
      tpu.yield
    }) : () -> ()
    "tpu.region"() ({
      %run_scoped3A = tpu.sem_alloc : memref<!tpu.dma_semaphore, #tpu.memory_space<semaphore_mem>>
      %dma_start3A = tpu.memref_slice %arg2[%select_n3A] : memref<160016xi32, #tpu.memory_space<hbm>> -> memref<5008xi32, #tpu.memory_space<hbm>>
      %dma_start3A_39 = tpu.memref_slice %arg2[%select_n3A] : memref<160016xi32, #tpu.memory_space<hbm>> -> memref<5008xi32, #tpu.memory_space<hbm>>
      tpu.enqueue_dma source(%dma_start3A_39 : memref<5008xi32, #tpu.memory_space<hbm>>) target(%arg13 : memref<5008xi32, #tpu.memory_space<vmem>>) target_semaphore(%run_scoped3A : memref<!tpu.dma_semaphore, #tpu.memory_space<semaphore_mem>>)
      %dma_wait3A = tpu.memref_slice %arg2[%select_n3A] : memref<160016xi32, #tpu.memory_space<hbm>> -> memref<5008xi32, #tpu.memory_space<hbm>>
      %dma_wait3A_40 = tpu.memref_slice %arg2[%select_n3A] : memref<160016xi32, #tpu.memory_space<hbm>> -> memref<5008xi32, #tpu.memory_space<hbm>>
      tpu.wait_dma2 semaphore(%run_scoped3A : memref<!tpu.dma_semaphore, #tpu.memory_space<semaphore_mem>>) src(%dma_wait3A_40 : memref<5008xi32, #tpu.memory_space<hbm>>) dst(%arg13 : memref<5008xi32, #tpu.memory_space<vmem>>)
      tpu.yield
    }) : () -> ()
    "tpu.region"() ({
      %run_scoped3A = tpu.sem_alloc : memref<!tpu.dma_semaphore, #tpu.memory_space<semaphore_mem>>
      %dma_start3A = tpu.memref_slice %arg3[%select_n3A] : memref<160016xi32, #tpu.memory_space<hbm>> -> memref<5008xi32, #tpu.memory_space<hbm>>
      %dma_start3A_39 = tpu.memref_slice %arg3[%select_n3A] : memref<160016xi32, #tpu.memory_space<hbm>> -> memref<5008xi32, #tpu.memory_space<hbm>>
      tpu.enqueue_dma source(%dma_start3A_39 : memref<5008xi32, #tpu.memory_space<hbm>>) target(%arg14 : memref<5008xi32, #tpu.memory_space<vmem>>) target_semaphore(%run_scoped3A : memref<!tpu.dma_semaphore, #tpu.memory_space<semaphore_mem>>)
      %dma_wait3A = tpu.memref_slice %arg3[%select_n3A] : memref<160016xi32, #tpu.memory_space<hbm>> -> memref<5008xi32, #tpu.memory_space<hbm>>
      %dma_wait3A_40 = tpu.memref_slice %arg3[%select_n3A] : memref<160016xi32, #tpu.memory_space<hbm>> -> memref<5008xi32, #tpu.memory_space<hbm>>
      tpu.wait_dma2 semaphore(%run_scoped3A : memref<!tpu.dma_semaphore, #tpu.memory_space<semaphore_mem>>) src(%dma_wait3A_40 : memref<5008xi32, #tpu.memory_space<hbm>>) dst(%arg14 : memref<5008xi32, #tpu.memory_space<vmem>>)
      tpu.yield
    }) : () -> ()
    %mul3A_13 = arith.constant 2 : i32
    %mul3A_14 = arith.muli %mul3A_13, %select_n3A : i32
    "tpu.region"() ({
      %run_scoped3A = tpu.sem_alloc : memref<!tpu.dma_semaphore, #tpu.memory_space<semaphore_mem>>
      %dma_start3A = tpu.memref_slice %arg4[%mul3A_14] : memref<320032xf32, #tpu.memory_space<hbm>> -> memref<10016xf32, #tpu.memory_space<hbm>>
      %dma_start3A_39 = tpu.memref_slice %arg4[%mul3A_14] : memref<320032xf32, #tpu.memory_space<hbm>> -> memref<10016xf32, #tpu.memory_space<hbm>>
      tpu.enqueue_dma source(%dma_start3A_39 : memref<10016xf32, #tpu.memory_space<hbm>>) target(%arg15 : memref<10016xf32, #tpu.memory_space<vmem>>) target_semaphore(%run_scoped3A : memref<!tpu.dma_semaphore, #tpu.memory_space<semaphore_mem>>)
      %dma_wait3A = tpu.memref_slice %arg4[%mul3A_14] : memref<320032xf32, #tpu.memory_space<hbm>> -> memref<10016xf32, #tpu.memory_space<hbm>>
      %dma_wait3A_40 = tpu.memref_slice %arg4[%mul3A_14] : memref<320032xf32, #tpu.memory_space<hbm>> -> memref<10016xf32, #tpu.memory_space<hbm>>
      tpu.wait_dma2 semaphore(%run_scoped3A : memref<!tpu.dma_semaphore, #tpu.memory_space<semaphore_mem>>) src(%dma_wait3A_40 : memref<10016xf32, #tpu.memory_space<hbm>>) dst(%arg15 : memref<10016xf32, #tpu.memory_space<vmem>>)
      tpu.yield
    }) : () -> ()
    %iota3A = tpu.iota {dimensions = array<i32: 0>} : vector<16xi32>
    %sub3A_15 = arith.constant 0 : i32
    %sub3A_16 = arith.subi %select_n3A_12, %sub3A_15 : i32
    %sub3A_17 = arith.constant 1 : i32
    %sub3A_18 = arith.constant 1 : i32
    %sub3A_19 = arith.subi %sub3A_17, %sub3A_18 : i32
    %add3A_20 = arith.addi %sub3A_16, %sub3A_19 : i32
    %div3A = arith.constant 1 : i32
    %div3A_21 = arith.divsi %add3A_20, %div3A : i32
    %while3A = arith.constant 1 : i32
    %while3A_22 = arith.constant 0 : i32
    %while3A_23 = arith.constant 0 : i32
    %while3A_24 = arith.subi %div3A_21, %while3A_23 : i32
    %while3A_25 = arith.addi %while3A_23, %while3A_24 : i32
    %while3A_26 = arith.constant 1 : i32
    %while3A_27 = arith.divsi %while3A_24, %while3A_26 : i32
    %while3A_28 = arith.muli %while3A_27, %while3A_26 : i32
    %while3A_29 = arith.addi %while3A_23, %while3A_28 : i32
    %while3A_30 = arith.constant 1 : i32
    scf.for %while3A_39 = %while3A_23 to %while3A_29 step %while3A_30  : i32 {
      %mul3A_40 = arith.muli %while3A_39, %while3A : i32
      %add3A_41 = arith.addi %while3A_22, %mul3A_40 : i32
      %mul3A_42 = arith.constant 16 : i32
      %mul3A_43 = arith.muli %add3A_41, %mul3A_42 : i32
      %get3A = arith.index_cast %mul3A_43 : i32 to index
      %get3A_44 = tpu.vector_load %arg13[%get3A] {strides = array<i32>} : memref<5008xi32, #tpu.memory_space<vmem>>, vector<16xi32>,
      %mul3A_45 = arith.constant 16 : i32
      %mul3A_46 = arith.muli %add3A_41, %mul3A_45 : i32
      %get3A_47 = arith.index_cast %mul3A_46 : i32 to index
      %get3A_48 = tpu.vector_load %arg14[%get3A_47] {strides = array<i32>} : memref<5008xi32, #tpu.memory_space<vmem>>, vector<16xi32>,
      %mul3A_49 = arith.constant 2 : i32
      %mul3A_50 = vector.broadcast %mul3A_49 : i32 to vector<16xi32>
      %mul3A_51 = arith.muli %get3A_44, %mul3A_50 : vector<16xi32>
      %add3A_52 = arith.constant 0 : i32
      %add3A_53 = vector.broadcast %add3A_52 : i32 to vector<16xi32>
      %add3A_54 = arith.addi %mul3A_51, %add3A_53 : vector<16xi32>
      %gather3A = tpu.vector_load_idx %arg10[%add3A_54] : memref<20000xf32, #tpu.memory_space<vmem>>[vector<16xi32>], vector<16xf32>,
      %mul3A_55 = arith.constant 2 : i32
      %mul3A_56 = vector.broadcast %mul3A_55 : i32 to vector<16xi32>
      %mul3A_57 = arith.muli %get3A_48, %mul3A_56 : vector<16xi32>
      %add3A_58 = arith.constant 0 : i32
      %add3A_59 = vector.broadcast %add3A_58 : i32 to vector<16xi32>
      %add3A_60 = arith.addi %mul3A_57, %add3A_59 : vector<16xi32>
      %gather3A_61 = tpu.vector_load_idx %arg11[%add3A_60] : memref<20000xf32, #tpu.memory_space<vmem>>[vector<16xi32>], vector<16xf32>,
      %mul3A_62 = arith.constant 16 : i32
      %mul3A_63 = arith.muli %add3A_41, %mul3A_62 : i32
      %iota3A_64 = tpu.iota {dimensions = array<i32: 0>} : vector<16xi32>
      %add3A_65 = vector.broadcast %mul3A_63 : i32 to vector<16xi32>
      %add3A_66 = arith.addi %add3A_65, %iota3A_64 : vector<16xi32>
      %mul3A_67 = arith.constant 2 : i32
      %mul3A_68 = vector.broadcast %mul3A_67 : i32 to vector<16xi32>
      %mul3A_69 = arith.muli %add3A_66, %mul3A_68 : vector<16xi32>
      %add3A_70 = arith.constant 0 : i32
      %add3A_71 = vector.broadcast %add3A_70 : i32 to vector<16xi32>
      %add3A_72 = arith.addi %mul3A_69, %add3A_71 : vector<16xi32>
      %gather3A_73 = tpu.vector_load_idx %arg15[%add3A_72] : memref<10016xf32, #tpu.memory_space<vmem>>[vector<16xi32>], vector<16xf32>,
      %add3A_74 = arith.addf %gather3A, %gather3A_61 : vector<16xf32>
      %add3A_75 = arith.addf %add3A_74, %gather3A_73 : vector<16xf32>
      %mul3A_76 = arith.constant 2.000000e-01 : f32
      %mul3A_77 = vector.broadcast %mul3A_76 : f32 to vector<16xf32>
      %mul3A_78 = arith.mulf %mul3A_77, %add3A_75 : vector<16xf32>
      %max3A = arith.maximumf %add3A_75, %mul3A_78 : vector<16xf32>
      %exp3A = math.exp %max3A : vector<16xf32>
      %mul3A_79 = arith.constant 2 : i32
      %mul3A_80 = vector.broadcast %mul3A_79 : i32 to vector<16xi32>
      %mul3A_81 = arith.muli %get3A_48, %mul3A_80 : vector<16xi32>
      %add3A_82 = arith.constant 0 : i32
      %add3A_83 = vector.broadcast %add3A_82 : i32 to vector<16xi32>
      %add3A_84 = arith.addi %mul3A_81, %add3A_83 : vector<16xi32>
      %gather3A_85 = tpu.vector_load_idx %arg12[%add3A_84] : memref<20000xf32, #tpu.memory_space<vmem>>[vector<16xi32>], vector<16xf32>,
      %add3A_86 = arith.constant 1.000000e-16 : f32
      %add3A_87 = vector.broadcast %add3A_86 : f32 to vector<16xf32>
      %add3A_88 = arith.addf %gather3A_85, %add3A_87 : vector<16xf32>
      %div3A_89 = arith.divf %exp3A, %add3A_88 : vector<16xf32>
      %mul3A_90 = arith.constant 16 : i32
      %mul3A_91 = arith.muli %add3A_41, %mul3A_90 : i32
      %add3A_92 = vector.broadcast %mul3A_91 : i32 to vector<16xi32>
      %add3A_93 = arith.addi %add3A_92, %iota3A : vector<16xi32>
      %mul3A_94 = arith.constant 2 : i32
      %mul3A_95 = vector.broadcast %mul3A_94 : i32 to vector<16xi32>
      %mul3A_96 = arith.muli %add3A_93, %mul3A_95 : vector<16xi32>
      %add3A_97 = arith.constant 0 : i32
      %add3A_98 = vector.broadcast %add3A_97 : i32 to vector<16xi32>
      %add3A_99 = arith.addi %mul3A_96, %add3A_98 : vector<16xi32>
      tpu.vector_store_idx %arg16[%add3A_99], %div3A_89 : memref<10016xf32, #tpu.memory_space<vmem>>[vector<16xi32>], vector<16xf32>,
      %mul3A_100 = arith.constant 16 : i32
      %mul3A_101 = arith.muli %add3A_41, %mul3A_100 : i32
      %swap3A = arith.index_cast %mul3A_101 : i32 to index
      %swap3A_102 = tpu.vector_load %arg17[%swap3A] {strides = array<i32>} : memref<5008xf32, #tpu.memory_space<vmem>>, vector<16xf32>,
      tpu.vector_store %arg17[%swap3A], %div3A_89 {strides = array<i32>} : memref<5008xf32, #tpu.memory_space<vmem>>, vector<16xf32>,
      %mul3A_103 = arith.constant 2 : i32
      %mul3A_104 = vector.broadcast %mul3A_103 : i32 to vector<16xi32>
      %mul3A_105 = arith.muli %get3A_44, %mul3A_104 : vector<16xi32>
      %add3A_106 = arith.constant 1 : i32
      %add3A_107 = vector.broadcast %add3A_106 : i32 to vector<16xi32>
      %add3A_108 = arith.addi %mul3A_105, %add3A_107 : vector<16xi32>
      %gather3A_109 = tpu.vector_load_idx %arg10[%add3A_108] : memref<20000xf32, #tpu.memory_space<vmem>>[vector<16xi32>], vector<16xf32>,
      %mul3A_110 = arith.constant 2 : i32
      %mul3A_111 = vector.broadcast %mul3A_110 : i32 to vector<16xi32>
      %mul3A_112 = arith.muli %get3A_48, %mul3A_111 : vector<16xi32>
      %add3A_113 = arith.constant 1 : i32
      %add3A_114 = vector.broadcast %add3A_113 : i32 to vector<16xi32>
      %add3A_115 = arith.addi %mul3A_112, %add3A_114 : vector<16xi32>
      %gather3A_116 = tpu.vector_load_idx %arg11[%add3A_115] : memref<20000xf32, #tpu.memory_space<vmem>>[vector<16xi32>], vector<16xf32>,
      %mul3A_117 = arith.constant 16 : i32
      %mul3A_118 = arith.muli %add3A_41, %mul3A_117 : i32
      %iota3A_119 = tpu.iota {dimensions = array<i32: 0>} : vector<16xi32>
      %add3A_120 = vector.broadcast %mul3A_118 : i32 to vector<16xi32>
      %add3A_121 = arith.addi %add3A_120, %iota3A_119 : vector<16xi32>
      %mul3A_122 = arith.constant 2 : i32
      %mul3A_123 = vector.broadcast %mul3A_122 : i32 to vector<16xi32>
      %mul3A_124 = arith.muli %add3A_121, %mul3A_123 : vector<16xi32>
      %add3A_125 = arith.constant 1 : i32
      %add3A_126 = vector.broadcast %add3A_125 : i32 to vector<16xi32>
      %add3A_127 = arith.addi %mul3A_124, %add3A_126 : vector<16xi32>
      %gather3A_128 = tpu.vector_load_idx %arg15[%add3A_127] : memref<10016xf32, #tpu.memory_space<vmem>>[vector<16xi32>], vector<16xf32>,
      %add3A_129 = arith.addf %gather3A_109, %gather3A_116 : vector<16xf32>
      %add3A_130 = arith.addf %add3A_129, %gather3A_128 : vector<16xf32>
      %mul3A_131 = arith.constant 2.000000e-01 : f32
      %mul3A_132 = vector.broadcast %mul3A_131 : f32 to vector<16xf32>
      %mul3A_133 = arith.mulf %mul3A_132, %add3A_130 : vector<16xf32>
      %max3A_134 = arith.maximumf %add3A_130, %mul3A_133 : vector<16xf32>
      %exp3A_135 = math.exp %max3A_134 : vector<16xf32>
      %mul3A_136 = arith.constant 2 : i32
      %mul3A_137 = vector.broadcast %mul3A_136 : i32 to vector<16xi32>
      %mul3A_138 = arith.muli %get3A_48, %mul3A_137 : vector<16xi32>
      %add3A_139 = arith.constant 1 : i32
      %add3A_140 = vector.broadcast %add3A_139 : i32 to vector<16xi32>
      %add3A_141 = arith.addi %mul3A_138, %add3A_140 : vector<16xi32>
      %gather3A_142 = tpu.vector_load_idx %arg12[%add3A_141] : memref<20000xf32, #tpu.memory_space<vmem>>[vector<16xi32>], vector<16xf32>,
      %add3A_143 = arith.constant 1.000000e-16 : f32
      %add3A_144 = vector.broadcast %add3A_143 : f32 to vector<16xf32>
      %add3A_145 = arith.addf %gather3A_142, %add3A_144 : vector<16xf32>
      %div3A_146 = arith.divf %exp3A_135, %add3A_145 : vector<16xf32>
      %mul3A_147 = arith.constant 16 : i32
      %mul3A_148 = arith.muli %add3A_41, %mul3A_147 : i32
      %add3A_149 = vector.broadcast %mul3A_148 : i32 to vector<16xi32>
      %add3A_150 = arith.addi %add3A_149, %iota3A : vector<16xi32>
      %mul3A_151 = arith.constant 2 : i32
      %mul3A_152 = vector.broadcast %mul3A_151 : i32 to vector<16xi32>
      %mul3A_153 = arith.muli %add3A_150, %mul3A_152 : vector<16xi32>
      %add3A_154 = arith.constant 1 : i32
      %add3A_155 = vector.broadcast %add3A_154 : i32 to vector<16xi32>
      %add3A_156 = arith.addi %mul3A_153, %add3A_155 : vector<16xi32>
      tpu.vector_store_idx %arg16[%add3A_156], %div3A_146 : memref<10016xf32, #tpu.memory_space<vmem>>[vector<16xi32>], vector<16xf32>,
      %mul3A_157 = arith.constant 16 : i32
      %mul3A_158 = arith.muli %add3A_41, %mul3A_157 : i32
      %swap3A_159 = arith.index_cast %mul3A_158 : i32 to index
      %swap3A_160 = tpu.vector_load %arg18[%swap3A_159] {strides = array<i32>} : memref<5008xf32, #tpu.memory_space<vmem>>, vector<16xf32>,
      tpu.vector_store %arg18[%swap3A_159], %div3A_146 {strides = array<i32>} : memref<5008xf32, #tpu.memory_space<vmem>>, vector<16xf32>,
    }
    %while3A_31 = arith.constant 1 : i32
    scf.for %while3A_39 = %while3A_29 to %while3A_25 step %while3A_31  : i32 {
      %mul3A_40 = arith.muli %while3A_39, %while3A : i32
      %add3A_41 = arith.addi %while3A_22, %mul3A_40 : i32
      %mul3A_42 = arith.constant 16 : i32
      %mul3A_43 = arith.muli %add3A_41, %mul3A_42 : i32
      %get3A = arith.index_cast %mul3A_43 : i32 to index
      %get3A_44 = tpu.vector_load %arg13[%get3A] {strides = array<i32>} : memref<5008xi32, #tpu.memory_space<vmem>>, vector<16xi32>,
      %mul3A_45 = arith.constant 16 : i32
      %mul3A_46 = arith.muli %add3A_41, %mul3A_45 : i32
      %get3A_47 = arith.index_cast %mul3A_46 : i32 to index
      %get3A_48 = tpu.vector_load %arg14[%get3A_47] {strides = array<i32>} : memref<5008xi32, #tpu.memory_space<vmem>>, vector<16xi32>,
      %mul3A_49 = arith.constant 2 : i32
      %mul3A_50 = vector.broadcast %mul3A_49 : i32 to vector<16xi32>
      %mul3A_51 = arith.muli %get3A_44, %mul3A_50 : vector<16xi32>
      %add3A_52 = arith.constant 0 : i32
      %add3A_53 = vector.broadcast %add3A_52 : i32 to vector<16xi32>
      %add3A_54 = arith.addi %mul3A_51, %add3A_53 : vector<16xi32>
      %gather3A = tpu.vector_load_idx %arg10[%add3A_54] : memref<20000xf32, #tpu.memory_space<vmem>>[vector<16xi32>], vector<16xf32>,
      %mul3A_55 = arith.constant 2 : i32
      %mul3A_56 = vector.broadcast %mul3A_55 : i32 to vector<16xi32>
      %mul3A_57 = arith.muli %get3A_48, %mul3A_56 : vector<16xi32>
      %add3A_58 = arith.constant 0 : i32
      %add3A_59 = vector.broadcast %add3A_58 : i32 to vector<16xi32>
      %add3A_60 = arith.addi %mul3A_57, %add3A_59 : vector<16xi32>
      %gather3A_61 = tpu.vector_load_idx %arg11[%add3A_60] : memref<20000xf32, #tpu.memory_space<vmem>>[vector<16xi32>], vector<16xf32>,
      %mul3A_62 = arith.constant 16 : i32
      %mul3A_63 = arith.muli %add3A_41, %mul3A_62 : i32
      %iota3A_64 = tpu.iota {dimensions = array<i32: 0>} : vector<16xi32>
      %add3A_65 = vector.broadcast %mul3A_63 : i32 to vector<16xi32>
      %add3A_66 = arith.addi %add3A_65, %iota3A_64 : vector<16xi32>
      %mul3A_67 = arith.constant 2 : i32
      %mul3A_68 = vector.broadcast %mul3A_67 : i32 to vector<16xi32>
      %mul3A_69 = arith.muli %add3A_66, %mul3A_68 : vector<16xi32>
      %add3A_70 = arith.constant 0 : i32
      %add3A_71 = vector.broadcast %add3A_70 : i32 to vector<16xi32>
      %add3A_72 = arith.addi %mul3A_69, %add3A_71 : vector<16xi32>
      %gather3A_73 = tpu.vector_load_idx %arg15[%add3A_72] : memref<10016xf32, #tpu.memory_space<vmem>>[vector<16xi32>], vector<16xf32>,
      %add3A_74 = arith.addf %gather3A, %gather3A_61 : vector<16xf32>
      %add3A_75 = arith.addf %add3A_74, %gather3A_73 : vector<16xf32>
      %mul3A_76 = arith.constant 2.000000e-01 : f32
      %mul3A_77 = vector.broadcast %mul3A_76 : f32 to vector<16xf32>
      %mul3A_78 = arith.mulf %mul3A_77, %add3A_75 : vector<16xf32>
      %max3A = arith.maximumf %add3A_75, %mul3A_78 : vector<16xf32>
      %exp3A = math.exp %max3A : vector<16xf32>
      %mul3A_79 = arith.constant 2 : i32
      %mul3A_80 = vector.broadcast %mul3A_79 : i32 to vector<16xi32>
      %mul3A_81 = arith.muli %get3A_48, %mul3A_80 : vector<16xi32>
      %add3A_82 = arith.constant 0 : i32
      %add3A_83 = vector.broadcast %add3A_82 : i32 to vector<16xi32>
      %add3A_84 = arith.addi %mul3A_81, %add3A_83 : vector<16xi32>
      %gather3A_85 = tpu.vector_load_idx %arg12[%add3A_84] : memref<20000xf32, #tpu.memory_space<vmem>>[vector<16xi32>], vector<16xf32>,
      %add3A_86 = arith.constant 1.000000e-16 : f32
      %add3A_87 = vector.broadcast %add3A_86 : f32 to vector<16xf32>
      %add3A_88 = arith.addf %gather3A_85, %add3A_87 : vector<16xf32>
      %div3A_89 = arith.divf %exp3A, %add3A_88 : vector<16xf32>
      %mul3A_90 = arith.constant 16 : i32
      %mul3A_91 = arith.muli %add3A_41, %mul3A_90 : i32
      %add3A_92 = vector.broadcast %mul3A_91 : i32 to vector<16xi32>
      %add3A_93 = arith.addi %add3A_92, %iota3A : vector<16xi32>
      %mul3A_94 = arith.constant 2 : i32
      %mul3A_95 = vector.broadcast %mul3A_94 : i32 to vector<16xi32>
      %mul3A_96 = arith.muli %add3A_93, %mul3A_95 : vector<16xi32>
      %add3A_97 = arith.constant 0 : i32
      %add3A_98 = vector.broadcast %add3A_97 : i32 to vector<16xi32>
      %add3A_99 = arith.addi %mul3A_96, %add3A_98 : vector<16xi32>
      tpu.vector_store_idx %arg16[%add3A_99], %div3A_89 : memref<10016xf32, #tpu.memory_space<vmem>>[vector<16xi32>], vector<16xf32>,
      %mul3A_100 = arith.constant 16 : i32
      %mul3A_101 = arith.muli %add3A_41, %mul3A_100 : i32
      %swap3A = arith.index_cast %mul3A_101 : i32 to index
      %swap3A_102 = tpu.vector_load %arg17[%swap3A] {strides = array<i32>} : memref<5008xf32, #tpu.memory_space<vmem>>, vector<16xf32>,
      tpu.vector_store %arg17[%swap3A], %div3A_89 {strides = array<i32>} : memref<5008xf32, #tpu.memory_space<vmem>>, vector<16xf32>,
      %mul3A_103 = arith.constant 2 : i32
      %mul3A_104 = vector.broadcast %mul3A_103 : i32 to vector<16xi32>
      %mul3A_105 = arith.muli %get3A_44, %mul3A_104 : vector<16xi32>
      %add3A_106 = arith.constant 1 : i32
      %add3A_107 = vector.broadcast %add3A_106 : i32 to vector<16xi32>
      %add3A_108 = arith.addi %mul3A_105, %add3A_107 : vector<16xi32>
      %gather3A_109 = tpu.vector_load_idx %arg10[%add3A_108] : memref<20000xf32, #tpu.memory_space<vmem>>[vector<16xi32>], vector<16xf32>,
      %mul3A_110 = arith.constant 2 : i32
      %mul3A_111 = vector.broadcast %mul3A_110 : i32 to vector<16xi32>
      %mul3A_112 = arith.muli %get3A_48, %mul3A_111 : vector<16xi32>
      %add3A_113 = arith.constant 1 : i32
      %add3A_114 = vector.broadcast %add3A_113 : i32 to vector<16xi32>
      %add3A_115 = arith.addi %mul3A_112, %add3A_114 : vector<16xi32>
      %gather3A_116 = tpu.vector_load_idx %arg11[%add3A_115] : memref<20000xf32, #tpu.memory_space<vmem>>[vector<16xi32>], vector<16xf32>,
      %mul3A_117 = arith.constant 16 : i32
      %mul3A_118 = arith.muli %add3A_41, %mul3A_117 : i32
      %iota3A_119 = tpu.iota {dimensions = array<i32: 0>} : vector<16xi32>
      %add3A_120 = vector.broadcast %mul3A_118 : i32 to vector<16xi32>
      %add3A_121 = arith.addi %add3A_120, %iota3A_119 : vector<16xi32>
      %mul3A_122 = arith.constant 2 : i32
      %mul3A_123 = vector.broadcast %mul3A_122 : i32 to vector<16xi32>
      %mul3A_124 = arith.muli %add3A_121, %mul3A_123 : vector<16xi32>
      %add3A_125 = arith.constant 1 : i32
      %add3A_126 = vector.broadcast %add3A_125 : i32 to vector<16xi32>
      %add3A_127 = arith.addi %mul3A_124, %add3A_126 : vector<16xi32>
      %gather3A_128 = tpu.vector_load_idx %arg15[%add3A_127] : memref<10016xf32, #tpu.memory_space<vmem>>[vector<16xi32>], vector<16xf32>,
      %add3A_129 = arith.addf %gather3A_109, %gather3A_116 : vector<16xf32>
      %add3A_130 = arith.addf %add3A_129, %gather3A_128 : vector<16xf32>
      %mul3A_131 = arith.constant 2.000000e-01 : f32
      %mul3A_132 = vector.broadcast %mul3A_131 : f32 to vector<16xf32>
      %mul3A_133 = arith.mulf %mul3A_132, %add3A_130 : vector<16xf32>
      %max3A_134 = arith.maximumf %add3A_130, %mul3A_133 : vector<16xf32>
      %exp3A_135 = math.exp %max3A_134 : vector<16xf32>
      %mul3A_136 = arith.constant 2 : i32
      %mul3A_137 = vector.broadcast %mul3A_136 : i32 to vector<16xi32>
      %mul3A_138 = arith.muli %get3A_48, %mul3A_137 : vector<16xi32>
      %add3A_139 = arith.constant 1 : i32
      %add3A_140 = vector.broadcast %add3A_139 : i32 to vector<16xi32>
      %add3A_141 = arith.addi %mul3A_138, %add3A_140 : vector<16xi32>
      %gather3A_142 = tpu.vector_load_idx %arg12[%add3A_141] : memref<20000xf32, #tpu.memory_space<vmem>>[vector<16xi32>], vector<16xf32>,
      %add3A_143 = arith.constant 1.000000e-16 : f32
      %add3A_144 = vector.broadcast %add3A_143 : f32 to vector<16xf32>
      %add3A_145 = arith.addf %gather3A_142, %add3A_144 : vector<16xf32>
      %div3A_146 = arith.divf %exp3A_135, %add3A_145 : vector<16xf32>
      %mul3A_147 = arith.constant 16 : i32
      %mul3A_148 = arith.muli %add3A_41, %mul3A_147 : i32
      %add3A_149 = vector.broadcast %mul3A_148 : i32 to vector<16xi32>
      %add3A_150 = arith.addi %add3A_149, %iota3A : vector<16xi32>
      %mul3A_151 = arith.constant 2 : i32
      %mul3A_152 = vector.broadcast %mul3A_151 : i32 to vector<16xi32>
      %mul3A_153 = arith.muli %add3A_150, %mul3A_152 : vector<16xi32>
      %add3A_154 = arith.constant 1 : i32
      %add3A_155 = vector.broadcast %add3A_154 : i32 to vector<16xi32>
      %add3A_156 = arith.addi %mul3A_153, %add3A_155 : vector<16xi32>
      tpu.vector_store_idx %arg16[%add3A_156], %div3A_146 : memref<10016xf32, #tpu.memory_space<vmem>>[vector<16xi32>], vector<16xf32>,
      %mul3A_157 = arith.constant 16 : i32
      %mul3A_158 = arith.muli %add3A_41, %mul3A_157 : i32
      %swap3A_159 = arith.index_cast %mul3A_158 : i32 to index
      %swap3A_160 = tpu.vector_load %arg18[%swap3A_159] {strides = array<i32>} : memref<5008xf32, #tpu.memory_space<vmem>>, vector<16xf32>,
      tpu.vector_store %arg18[%swap3A_159], %div3A_146 {strides = array<i32>} : memref<5008xf32, #tpu.memory_space<vmem>>, vector<16xf32>,
    }
    %lt3A_32 = arith.constant 16 : i32
    %lt3A_33 = arith.cmpi slt, %add3A, %lt3A_32 : i32
    %convert_element_type3A = arith.extui %lt3A_33 : i1 to i32
    %cond3A = arith.constant 0 : i32
    %cond3A_34 = arith.cmpi ne, %convert_element_type3A, %cond3A : i32
    scf.if %cond3A_34 {
      %mul3A_39 = arith.constant 2 : i32
      %mul3A_40 = arith.muli %mul3A_39, %select_n3A : i32
      "tpu.region"() ({
        %run_scoped3A = tpu.sem_alloc : memref<!tpu.dma_semaphore, #tpu.memory_space<semaphore_mem>>
        %dma_start3A = arith.constant 0 : i32
        %dma_start3A_45 = tpu.memref_slice %arg16[%dma_start3A] : memref<10016xf32, #tpu.memory_space<vmem>> -> memref<10016xf32, #tpu.memory_space<vmem>>
        %dma_start3A_46 = tpu.memref_slice %arg8[%mul3A_40] : memref<320000xf32, #tpu.memory_space<hbm>> -> memref<10016xf32, #tpu.memory_space<hbm>>
        %dma_start3A_47 = tpu.memref_slice %arg8[%mul3A_40] : memref<320000xf32, #tpu.memory_space<hbm>> -> memref<10016xf32, #tpu.memory_space<hbm>>
        %dma_start3A_48 = arith.constant 0 : i32
        %dma_start3A_49 = tpu.memref_slice %arg16[%dma_start3A_48] : memref<10016xf32, #tpu.memory_space<vmem>> -> memref<10016xf32, #tpu.memory_space<vmem>>
        tpu.enqueue_dma source(%dma_start3A_49 : memref<10016xf32, #tpu.memory_space<vmem>>) target(%dma_start3A_47 : memref<10016xf32, #tpu.memory_space<hbm>>) target_semaphore(%run_scoped3A : memref<!tpu.dma_semaphore, #tpu.memory_space<semaphore_mem>>)
        %dma_wait3A = arith.constant 0 : i32
        %dma_wait3A_50 = tpu.memref_slice %arg16[%dma_wait3A] : memref<10016xf32, #tpu.memory_space<vmem>> -> memref<10016xf32, #tpu.memory_space<vmem>>
        %dma_wait3A_51 = tpu.memref_slice %arg8[%mul3A_40] : memref<320000xf32, #tpu.memory_space<hbm>> -> memref<10016xf32, #tpu.memory_space<hbm>>
        %dma_wait3A_52 = tpu.memref_slice %arg8[%mul3A_40] : memref<320000xf32, #tpu.memory_space<hbm>> -> memref<10016xf32, #tpu.memory_space<hbm>>
        %dma_wait3A_53 = arith.constant 0 : i32
        %dma_wait3A_54 = tpu.memref_slice %arg16[%dma_wait3A_53] : memref<10016xf32, #tpu.memory_space<vmem>> -> memref<10016xf32, #tpu.memory_space<vmem>>
        tpu.wait_dma2 semaphore(%run_scoped3A : memref<!tpu.dma_semaphore, #tpu.memory_space<semaphore_mem>>) src(%dma_wait3A_54 : memref<10016xf32, #tpu.memory_space<vmem>>) dst(%dma_wait3A_52 : memref<10016xf32, #tpu.memory_space<hbm>>)
        tpu.yield
      }) : () -> ()
      %add3A_41 = arith.constant 0 : i32
      %add3A_42 = arith.addi %add3A_41, %select_n3A : i32
      "tpu.region"() ({
        %run_scoped3A = tpu.sem_alloc : memref<!tpu.dma_semaphore, #tpu.memory_space<semaphore_mem>>
        %dma_start3A = arith.constant 0 : i32
        %dma_start3A_45 = tpu.memref_slice %arg17[%dma_start3A] : memref<5008xf32, #tpu.memory_space<vmem>> -> memref<5008xf32, #tpu.memory_space<vmem>>
        %dma_start3A_46 = tpu.memref_slice %arg9[%add3A_42] : memref<320000xf32, #tpu.memory_space<hbm>> -> memref<5008xf32, #tpu.memory_space<hbm>>
        %dma_start3A_47 = tpu.memref_slice %arg9[%add3A_42] : memref<320000xf32, #tpu.memory_space<hbm>> -> memref<5008xf32, #tpu.memory_space<hbm>>
        %dma_start3A_48 = arith.constant 0 : i32
        %dma_start3A_49 = tpu.memref_slice %arg17[%dma_start3A_48] : memref<5008xf32, #tpu.memory_space<vmem>> -> memref<5008xf32, #tpu.memory_space<vmem>>
        tpu.enqueue_dma source(%dma_start3A_49 : memref<5008xf32, #tpu.memory_space<vmem>>) target(%dma_start3A_47 : memref<5008xf32, #tpu.memory_space<hbm>>) target_semaphore(%run_scoped3A : memref<!tpu.dma_semaphore, #tpu.memory_space<semaphore_mem>>)
        %dma_wait3A = arith.constant 0 : i32
        %dma_wait3A_50 = tpu.memref_slice %arg17[%dma_wait3A] : memref<5008xf32, #tpu.memory_space<vmem>> -> memref<5008xf32, #tpu.memory_space<vmem>>
        %dma_wait3A_51 = tpu.memref_slice %arg9[%add3A_42] : memref<320000xf32, #tpu.memory_space<hbm>> -> memref<5008xf32, #tpu.memory_space<hbm>>
        %dma_wait3A_52 = tpu.memref_slice %arg9[%add3A_42] : memref<320000xf32, #tpu.memory_space<hbm>> -> memref<5008xf32, #tpu.memory_space<hbm>>
        %dma_wait3A_53 = arith.constant 0 : i32
        %dma_wait3A_54 = tpu.memref_slice %arg17[%dma_wait3A_53] : memref<5008xf32, #tpu.memory_space<vmem>> -> memref<5008xf32, #tpu.memory_space<vmem>>
        tpu.wait_dma2 semaphore(%run_scoped3A : memref<!tpu.dma_semaphore, #tpu.memory_space<semaphore_mem>>) src(%dma_wait3A_54 : memref<5008xf32, #tpu.memory_space<vmem>>) dst(%dma_wait3A_52 : memref<5008xf32, #tpu.memory_space<hbm>>)
        tpu.yield
      }) : () -> ()
      %add3A_43 = arith.constant 160000 : i32
      %add3A_44 = arith.addi %add3A_43, %select_n3A : i32
      "tpu.region"() ({
        %run_scoped3A = tpu.sem_alloc : memref<!tpu.dma_semaphore, #tpu.memory_space<semaphore_mem>>
        %dma_start3A = arith.constant 0 : i32
        %dma_start3A_45 = tpu.memref_slice %arg18[%dma_start3A] : memref<5008xf32, #tpu.memory_space<vmem>> -> memref<5008xf32, #tpu.memory_space<vmem>>
        %dma_start3A_46 = tpu.memref_slice %arg9[%add3A_44] : memref<320000xf32, #tpu.memory_space<hbm>> -> memref<5008xf32, #tpu.memory_space<hbm>>
        %dma_start3A_47 = tpu.memref_slice %arg9[%add3A_44] : memref<320000xf32, #tpu.memory_space<hbm>> -> memref<5008xf32, #tpu.memory_space<hbm>>
        %dma_start3A_48 = arith.constant 0 : i32
        %dma_start3A_49 = tpu.memref_slice %arg18[%dma_start3A_48] : memref<5008xf32, #tpu.memory_space<vmem>> -> memref<5008xf32, #tpu.memory_space<vmem>>
        tpu.enqueue_dma source(%dma_start3A_49 : memref<5008xf32, #tpu.memory_space<vmem>>) target(%dma_start3A_47 : memref<5008xf32, #tpu.memory_space<hbm>>) target_semaphore(%run_scoped3A : memref<!tpu.dma_semaphore, #tpu.memory_space<semaphore_mem>>)
        %dma_wait3A = arith.constant 0 : i32
        %dma_wait3A_50 = tpu.memref_slice %arg18[%dma_wait3A] : memref<5008xf32, #tpu.memory_space<vmem>> -> memref<5008xf32, #tpu.memory_space<vmem>>
        %dma_wait3A_51 = tpu.memref_slice %arg9[%add3A_44] : memref<320000xf32, #tpu.memory_space<hbm>> -> memref<5008xf32, #tpu.memory_space<hbm>>
        %dma_wait3A_52 = tpu.memref_slice %arg9[%add3A_44] : memref<320000xf32, #tpu.memory_space<hbm>> -> memref<5008xf32, #tpu.memory_space<hbm>>
        %dma_wait3A_53 = arith.constant 0 : i32
        %dma_wait3A_54 = tpu.memref_slice %arg18[%dma_wait3A_53] : memref<5008xf32, #tpu.memory_space<vmem>> -> memref<5008xf32, #tpu.memory_space<vmem>>
        tpu.wait_dma2 semaphore(%run_scoped3A : memref<!tpu.dma_semaphore, #tpu.memory_space<semaphore_mem>>) src(%dma_wait3A_54 : memref<5008xf32, #tpu.memory_space<vmem>>) dst(%dma_wait3A_52 : memref<5008xf32, #tpu.memory_space<hbm>>)
        tpu.yield
      }) : () -> ()
    } else {
    }
    %ge3A = arith.constant 16 : i32
    %ge3A_35 = arith.cmpi sge, %add3A, %ge3A : i32
    %convert_element_type3A_36 = arith.extui %ge3A_35 : i1 to i32
    %cond3A_37 = arith.constant 0 : i32
    %cond3A_38 = arith.cmpi ne, %convert_element_type3A_36, %cond3A_37 : i32
    scf.if %cond3A_38 {
      %mul3A_39 = arith.constant 2 : i32
      %mul3A_40 = arith.muli %mul3A_39, %select_n3A : i32
      "tpu.region"() ({
        %run_scoped3A = tpu.sem_alloc : memref<!tpu.dma_semaphore, #tpu.memory_space<semaphore_mem>>
        %dma_start3A = arith.constant 0 : i32
        %dma_start3A_45 = tpu.memref_slice %arg16[%dma_start3A] : memref<10016xf32, #tpu.memory_space<vmem>> -> memref<9984xf32, #tpu.memory_space<vmem>>
        %dma_start3A_46 = tpu.memref_slice %arg8[%mul3A_40] : memref<320000xf32, #tpu.memory_space<hbm>> -> memref<9984xf32, #tpu.memory_space<hbm>>
        %dma_start3A_47 = tpu.memref_slice %arg8[%mul3A_40] : memref<320000xf32, #tpu.memory_space<hbm>> -> memref<9984xf32, #tpu.memory_space<hbm>>
        %dma_start3A_48 = arith.constant 0 : i32
        %dma_start3A_49 = tpu.memref_slice %arg16[%dma_start3A_48] : memref<10016xf32, #tpu.memory_space<vmem>> -> memref<9984xf32, #tpu.memory_space<vmem>>
        tpu.enqueue_dma source(%dma_start3A_49 : memref<9984xf32, #tpu.memory_space<vmem>>) target(%dma_start3A_47 : memref<9984xf32, #tpu.memory_space<hbm>>) target_semaphore(%run_scoped3A : memref<!tpu.dma_semaphore, #tpu.memory_space<semaphore_mem>>)
        %dma_wait3A = arith.constant 0 : i32
        %dma_wait3A_50 = tpu.memref_slice %arg16[%dma_wait3A] : memref<10016xf32, #tpu.memory_space<vmem>> -> memref<9984xf32, #tpu.memory_space<vmem>>
        %dma_wait3A_51 = tpu.memref_slice %arg8[%mul3A_40] : memref<320000xf32, #tpu.memory_space<hbm>> -> memref<9984xf32, #tpu.memory_space<hbm>>
        %dma_wait3A_52 = tpu.memref_slice %arg8[%mul3A_40] : memref<320000xf32, #tpu.memory_space<hbm>> -> memref<9984xf32, #tpu.memory_space<hbm>>
        %dma_wait3A_53 = arith.constant 0 : i32
        %dma_wait3A_54 = tpu.memref_slice %arg16[%dma_wait3A_53] : memref<10016xf32, #tpu.memory_space<vmem>> -> memref<9984xf32, #tpu.memory_space<vmem>>
        tpu.wait_dma2 semaphore(%run_scoped3A : memref<!tpu.dma_semaphore, #tpu.memory_space<semaphore_mem>>) src(%dma_wait3A_54 : memref<9984xf32, #tpu.memory_space<vmem>>) dst(%dma_wait3A_52 : memref<9984xf32, #tpu.memory_space<hbm>>)
        tpu.yield
      }) : () -> ()
      %add3A_41 = arith.constant 0 : i32
      %add3A_42 = arith.addi %add3A_41, %select_n3A : i32
      "tpu.region"() ({
        %run_scoped3A = tpu.sem_alloc : memref<!tpu.dma_semaphore, #tpu.memory_space<semaphore_mem>>
        %dma_start3A = arith.constant 0 : i32
        %dma_start3A_45 = tpu.memref_slice %arg17[%dma_start3A] : memref<5008xf32, #tpu.memory_space<vmem>> -> memref<4992xf32, #tpu.memory_space<vmem>>
        %dma_start3A_46 = tpu.memref_slice %arg9[%add3A_42] : memref<320000xf32, #tpu.memory_space<hbm>> -> memref<4992xf32, #tpu.memory_space<hbm>>
        %dma_start3A_47 = tpu.memref_slice %arg9[%add3A_42] : memref<320000xf32, #tpu.memory_space<hbm>> -> memref<4992xf32, #tpu.memory_space<hbm>>
        %dma_start3A_48 = arith.constant 0 : i32
        %dma_start3A_49 = tpu.memref_slice %arg17[%dma_start3A_48] : memref<5008xf32, #tpu.memory_space<vmem>> -> memref<4992xf32, #tpu.memory_space<vmem>>
        tpu.enqueue_dma source(%dma_start3A_49 : memref<4992xf32, #tpu.memory_space<vmem>>) target(%dma_start3A_47 : memref<4992xf32, #tpu.memory_space<hbm>>) target_semaphore(%run_scoped3A : memref<!tpu.dma_semaphore, #tpu.memory_space<semaphore_mem>>)
        %dma_wait3A = arith.constant 0 : i32
        %dma_wait3A_50 = tpu.memref_slice %arg17[%dma_wait3A] : memref<5008xf32, #tpu.memory_space<vmem>> -> memref<4992xf32, #tpu.memory_space<vmem>>
        %dma_wait3A_51 = tpu.memref_slice %arg9[%add3A_42] : memref<320000xf32, #tpu.memory_space<hbm>> -> memref<4992xf32, #tpu.memory_space<hbm>>
        %dma_wait3A_52 = tpu.memref_slice %arg9[%add3A_42] : memref<320000xf32, #tpu.memory_space<hbm>> -> memref<4992xf32, #tpu.memory_space<hbm>>
        %dma_wait3A_53 = arith.constant 0 : i32
        %dma_wait3A_54 = tpu.memref_slice %arg17[%dma_wait3A_53] : memref<5008xf32, #tpu.memory_space<vmem>> -> memref<4992xf32, #tpu.memory_space<vmem>>
        tpu.wait_dma2 semaphore(%run_scoped3A : memref<!tpu.dma_semaphore, #tpu.memory_space<semaphore_mem>>) src(%dma_wait3A_54 : memref<4992xf32, #tpu.memory_space<vmem>>) dst(%dma_wait3A_52 : memref<4992xf32, #tpu.memory_space<hbm>>)
        tpu.yield
      }) : () -> ()
      %add3A_43 = arith.constant 160000 : i32
      %add3A_44 = arith.addi %add3A_43, %select_n3A : i32
      "tpu.region"() ({
        %run_scoped3A = tpu.sem_alloc : memref<!tpu.dma_semaphore, #tpu.memory_space<semaphore_mem>>
        %dma_start3A = arith.constant 0 : i32
        %dma_start3A_45 = tpu.memref_slice %arg18[%dma_start3A] : memref<5008xf32, #tpu.memory_space<vmem>> -> memref<4992xf32, #tpu.memory_space<vmem>>
        %dma_start3A_46 = tpu.memref_slice %arg9[%add3A_44] : memref<320000xf32, #tpu.memory_space<hbm>> -> memref<4992xf32, #tpu.memory_space<hbm>>
        %dma_start3A_47 = tpu.memref_slice %arg9[%add3A_44] : memref<320000xf32, #tpu.memory_space<hbm>> -> memref<4992xf32, #tpu.memory_space<hbm>>
        %dma_start3A_48 = arith.constant 0 : i32
        %dma_start3A_49 = tpu.memref_slice %arg18[%dma_start3A_48] : memref<5008xf32, #tpu.memory_space<vmem>> -> memref<4992xf32, #tpu.memory_space<vmem>>
        tpu.enqueue_dma source(%dma_start3A_49 : memref<4992xf32, #tpu.memory_space<vmem>>) target(%dma_start3A_47 : memref<4992xf32, #tpu.memory_space<hbm>>) target_semaphore(%run_scoped3A : memref<!tpu.dma_semaphore, #tpu.memory_space<semaphore_mem>>)
        %dma_wait3A = arith.constant 0 : i32
        %dma_wait3A_50 = tpu.memref_slice %arg18[%dma_wait3A] : memref<5008xf32, #tpu.memory_space<vmem>> -> memref<4992xf32, #tpu.memory_space<vmem>>
        %dma_wait3A_51 = tpu.memref_slice %arg9[%add3A_44] : memref<320000xf32, #tpu.memory_space<hbm>> -> memref<4992xf32, #tpu.memory_space<hbm>>
        %dma_wait3A_52 = tpu.memref_slice %arg9[%add3A_44] : memref<320000xf32, #tpu.memory_space<hbm>> -> memref<4992xf32, #tpu.memory_space<hbm>>
        %dma_wait3A_53 = arith.constant 0 : i32
        %dma_wait3A_54 = tpu.memref_slice %arg18[%dma_wait3A_53] : memref<5008xf32, #tpu.memory_space<vmem>> -> memref<4992xf32, #tpu.memory_space<vmem>>
        tpu.wait_dma2 semaphore(%run_scoped3A : memref<!tpu.dma_semaphore, #tpu.memory_space<semaphore_mem>>) src(%dma_wait3A_54 : memref<4992xf32, #tpu.memory_space<vmem>>) dst(%dma_wait3A_52 : memref<4992xf32, #tpu.memory_space<hbm>>)
        tpu.yield
      }) : () -> ()
    } else {
    }
    return
  }
}

module attributes {stable_mosaic.version = 14 : i64} {
  func.func @_p1_body(%arg0: i32, %arg1: memref<400x256xf32, #tpu.memory_space<vmem>>, %arg2: memref<256x512xf32, #tpu.memory_space<vmem>>, %arg3: memref<2x256xf32, #tpu.memory_space<vmem>>, %arg4: memref<2x256xf32, #tpu.memory_space<vmem>>, %arg5: memref<400x512xf32, #tpu.memory_space<vmem>>, %arg6: memref<400x2xf32, #tpu.memory_space<vmem>>, %arg7: memref<400x2xf32, #tpu.memory_space<vmem>>) attributes {dimension_semantics = [#tpu.dimension_semantics<arbitrary>], iteration_bounds = array<i64: 25>, scalar_prefetch = 0 : i64, scratch_operands = 0 : i64, tpu.core_type = #tpu.core_type<tc>, window_params = [{transform_indices = @transform_0, window_bounds = array<i64: 400, 256>}, {pipeline_mode = #tpu.pipeline_mode<synchronous>, transform_indices = @transform_1, window_bounds = array<i64: 256, 512>}, {pipeline_mode = #tpu.pipeline_mode<synchronous>, transform_indices = @transform_2, window_bounds = array<i64: 2, 256>}, {pipeline_mode = #tpu.pipeline_mode<synchronous>, transform_indices = @transform_3, window_bounds = array<i64: 2, 256>}, {transform_indices = @transform_4, window_bounds = array<i64: 400, 512>}, {transform_indices = @transform_5, window_bounds = array<i64: 400, 2>}, {transform_indices = @transform_6, window_bounds = array<i64: 400, 2>}]} {
    %get3A = arith.constant 0 : index
    %get3A_0 = arith.constant 0 : index
    %get3A_1 = vector.load %arg1[%get3A, %get3A_0] : memref<400x256xf32, #tpu.memory_space<vmem>>, vector<400x256xf32>
    %get3A_2 = arith.constant 0 : index
    %get3A_3 = arith.constant 0 : index
    %get3A_4 = vector.load %arg2[%get3A_2, %get3A_3] : memref<256x512xf32, #tpu.memory_space<vmem>>, vector<256x512xf32>
    %dot_general3A = arith.constant dense<0.000000e+00> : vector<400x512xf32>
    %dot_general3A_5 = tpu.matmul %get3A_1, %get3A_4, %dot_general3A {dimension_numbers = #tpu.dot_dimension_numbers<[1], [0], [0], [1], [0, 0, 1, 1], [], []>, transpose_lhs_hint = false} : vector<400x256xf32>, vector<256x512xf32>, vector<400x512xf32> -> vector<400x512xf32>
    %swap3A = arith.constant 0 : index
    %swap3A_6 = arith.constant 0 : index
    %swap3A_7 = vector.load %arg5[%swap3A, %swap3A_6] : memref<400x512xf32, #tpu.memory_space<vmem>>, vector<400x512xf32>
    tpu.vector_store %arg5[%swap3A, %swap3A_6], %dot_general3A_5 {strides = array<i32>} : memref<400x512xf32, #tpu.memory_space<vmem>>, vector<400x512xf32>,
    %reshape3A = vector.shape_cast %dot_general3A_5 : vector<400x512xf32> to vector<400x2x256xf32>
    %get3A_8 = arith.constant 0 : index
    %get3A_9 = arith.constant 0 : index
    %get3A_10 = vector.load %arg3[%get3A_8, %get3A_9] : memref<2x256xf32, #tpu.memory_space<vmem>>, vector<2x256xf32>
    %broadcast_in_dim3A = vector.shape_cast %get3A_10 : vector<2x256xf32> to vector<1x2x256xf32>
    %mul3A = vector.broadcast %broadcast_in_dim3A : vector<1x2x256xf32> to vector<400x2x256xf32>
    %mul3A_11 = arith.mulf %reshape3A, %mul3A : vector<400x2x256xf32>
    %reduce_sum3A = arith.constant dense<0.000000e+00> : vector<400x2xf32>
    %reduce_sum3A_12 = vector.multi_reduction <add>, %mul3A_11, %reduce_sum3A [2] : vector<400x2x256xf32> to vector<400x2xf32>
    %swap3A_13 = arith.constant 0 : index
    %swap3A_14 = arith.constant 0 : index
    %swap3A_15 = vector.load %arg6[%swap3A_13, %swap3A_14] : memref<400x2xf32, #tpu.memory_space<vmem>>, vector<400x2xf32>
    tpu.vector_store %arg6[%swap3A_13, %swap3A_14], %reduce_sum3A_12 {strides = array<i32>} : memref<400x2xf32, #tpu.memory_space<vmem>>, vector<400x2xf32>,
    %get3A_16 = arith.constant 0 : index
    %get3A_17 = arith.constant 0 : index
    %get3A_18 = vector.load %arg4[%get3A_16, %get3A_17] : memref<2x256xf32, #tpu.memory_space<vmem>>, vector<2x256xf32>
    %broadcast_in_dim3A_19 = vector.shape_cast %get3A_18 : vector<2x256xf32> to vector<1x2x256xf32>
    %mul3A_20 = vector.broadcast %broadcast_in_dim3A_19 : vector<1x2x256xf32> to vector<400x2x256xf32>
    %mul3A_21 = arith.mulf %reshape3A, %mul3A_20 : vector<400x2x256xf32>
    %reduce_sum3A_22 = arith.constant dense<0.000000e+00> : vector<400x2xf32>
    %reduce_sum3A_23 = vector.multi_reduction <add>, %mul3A_21, %reduce_sum3A_22 [2] : vector<400x2x256xf32> to vector<400x2xf32>
    %swap3A_24 = arith.constant 0 : index
    %swap3A_25 = arith.constant 0 : index
    %swap3A_26 = vector.load %arg7[%swap3A_24, %swap3A_25] : memref<400x2xf32, #tpu.memory_space<vmem>>, vector<400x2xf32>
    tpu.vector_store %arg7[%swap3A_24, %swap3A_25], %reduce_sum3A_23 {strides = array<i32>} : memref<400x2xf32, #tpu.memory_space<vmem>>, vector<400x2xf32>,
    return
  }
  func.func @transform_0(%arg0: i32) -> (i32, i32) {
    %c0_i32 = arith.constant 0 : i32
    %c0_i32_0 = arith.constant 0 : i32
    return %arg0, %c0_i32 : i32, i32
  }
  func.func @transform_1(%arg0: i32) -> (i32, i32) {
    %c0_i32 = arith.constant 0 : i32
    %c0_i32_0 = arith.constant 0 : i32
    %c0_i32_1 = arith.constant 0 : i32
    return %c0_i32, %c0_i32_0 : i32, i32
  }
  func.func @transform_2(%arg0: i32) -> (i32, i32) {
    %c0_i32 = arith.constant 0 : i32
    %c0_i32_0 = arith.constant 0 : i32
    %c0_i32_1 = arith.constant 0 : i32
    return %c0_i32, %c0_i32_0 : i32, i32
  }
  func.func @transform_3(%arg0: i32) -> (i32, i32) {
    %c0_i32 = arith.constant 0 : i32
    %c0_i32_0 = arith.constant 0 : i32
    %c0_i32_1 = arith.constant 0 : i32
    return %c0_i32, %c0_i32_0 : i32, i32
  }
  func.func @transform_4(%arg0: i32) -> (i32, i32) {
    %c0_i32 = arith.constant 0 : i32
    %c0_i32_0 = arith.constant 0 : i32
    return %arg0, %c0_i32 : i32, i32
  }
  func.func @transform_5(%arg0: i32) -> (i32, i32) {
    %c0_i32 = arith.constant 0 : i32
    %c0_i32_0 = arith.constant 0 : i32
    return %arg0, %c0_i32 : i32, i32
  }
  func.func @transform_6(%arg0: i32) -> (i32, i32) {
    %c0_i32 = arith.constant 0 : i32
    %c0_i32_0 = arith.constant 0 : i32
    return %arg0, %c0_i32 : i32, i32
  }
}

module attributes {stable_mosaic.version = 14 : i64} {
  func.func @_p1b_body(%arg0: i32, %arg1: memref<2000x16xf32, #tpu.memory_space<vmem>>, %arg2: memref<16x512xf32, #tpu.memory_space<vmem>>, %arg3: memref<2x256xf32, #tpu.memory_space<vmem>>, %arg4: memref<2000x2xf32, #tpu.memory_space<vmem>>) attributes {dimension_semantics = [#tpu.dimension_semantics<arbitrary>], iteration_bounds = array<i64: 80>, scalar_prefetch = 0 : i64, scratch_operands = 0 : i64, tpu.core_type = #tpu.core_type<tc>, window_params = [{transform_indices = @transform_0, window_bounds = array<i64: 2000, 16>}, {pipeline_mode = #tpu.pipeline_mode<synchronous>, transform_indices = @transform_1, window_bounds = array<i64: 16, 512>}, {pipeline_mode = #tpu.pipeline_mode<synchronous>, transform_indices = @transform_2, window_bounds = array<i64: 2, 256>}, {transform_indices = @transform_3, window_bounds = array<i64: 2000, 2>}]} {
    %get3A = arith.constant 0 : index
    %get3A_0 = arith.constant 0 : index
    %get3A_1 = vector.load %arg2[%get3A, %get3A_0] : memref<16x512xf32, #tpu.memory_space<vmem>>, vector<16x512xf32>
    %reshape3A = vector.shape_cast %get3A_1 : vector<16x512xf32> to vector<16x2x256xf32>
    %get3A_2 = arith.constant 0 : index
    %get3A_3 = arith.constant 0 : index
    %get3A_4 = vector.load %arg3[%get3A_2, %get3A_3] : memref<2x256xf32, #tpu.memory_space<vmem>>, vector<2x256xf32>
    %broadcast_in_dim3A = vector.shape_cast %get3A_4 : vector<2x256xf32> to vector<1x2x256xf32>
    %mul3A = vector.broadcast %broadcast_in_dim3A : vector<1x2x256xf32> to vector<16x2x256xf32>
    %mul3A_5 = arith.mulf %reshape3A, %mul3A : vector<16x2x256xf32>
    %reduce_sum3A = arith.constant dense<0.000000e+00> : vector<16x2xf32>
    %reduce_sum3A_6 = vector.multi_reduction <add>, %mul3A_5, %reduce_sum3A [2] : vector<16x2x256xf32> to vector<16x2xf32>
    %get3A_7 = arith.constant 0 : index
    %get3A_8 = arith.constant 0 : index
    %get3A_9 = vector.load %arg1[%get3A_7, %get3A_8] : memref<2000x16xf32, #tpu.memory_space<vmem>>, vector<2000x16xf32>
    %dot_general3A = arith.constant dense<0.000000e+00> : vector<2000x2xf32>
    %dot_general3A_10 = tpu.matmul %get3A_9, %reduce_sum3A_6, %dot_general3A {dimension_numbers = #tpu.dot_dimension_numbers<[1], [0], [0], [1], [0, 0, 1, 1], [], []>, transpose_lhs_hint = false} : vector<2000x16xf32>, vector<16x2xf32>, vector<2000x2xf32> -> vector<2000x2xf32>
    %swap3A = arith.constant 0 : index
    %swap3A_11 = arith.constant 0 : index
    %swap3A_12 = vector.load %arg4[%swap3A, %swap3A_11] : memref<2000x2xf32, #tpu.memory_space<vmem>>, vector<2000x2xf32>
    tpu.vector_store %arg4[%swap3A, %swap3A_11], %dot_general3A_10 {strides = array<i32>} : memref<2000x2xf32, #tpu.memory_space<vmem>>, vector<2000x2xf32>,
    return
  }
  func.func @transform_0(%arg0: i32) -> (i32, i32) {
    %c0_i32 = arith.constant 0 : i32
    %c0_i32_0 = arith.constant 0 : i32
    return %arg0, %c0_i32 : i32, i32
  }
  func.func @transform_1(%arg0: i32) -> (i32, i32) {
    %c0_i32 = arith.constant 0 : i32
    %c0_i32_0 = arith.constant 0 : i32
    %c0_i32_1 = arith.constant 0 : i32
    return %c0_i32, %c0_i32_0 : i32, i32
  }
  func.func @transform_2(%arg0: i32) -> (i32, i32) {
    %c0_i32 = arith.constant 0 : i32
    %c0_i32_0 = arith.constant 0 : i32
    %c0_i32_1 = arith.constant 0 : i32
    return %c0_i32, %c0_i32_0 : i32, i32
  }
  func.func @transform_3(%arg0: i32) -> (i32, i32) {
    %c0_i32 = arith.constant 0 : i32
    %c0_i32_0 = arith.constant 0 : i32
    return %arg0, %c0_i32 : i32, i32
  }
}

module attributes {stable_mosaic.version = 14 : i64} {
  func.func @_p2b_body(%arg0: memref<32x20000xf32, #tpu.memory_space<vmem>>, %arg1: memref<1x20000xf32, #tpu.memory_space<vmem>>) attributes {dimension_semantics = [], scalar_prefetch = 0 : i64, scratch_operands = 0 : i64, tpu.core_type = #tpu.core_type<tc>} {
    %get3A = arith.constant 0 : index
    %get3A_0 = arith.constant 0 : index
    %get3A_1 = vector.load %arg0[%get3A, %get3A_0] : memref<32x20000xf32, #tpu.memory_space<vmem>>, vector<32x20000xf32>
    %reduce_sum3A = arith.constant dense<0.000000e+00> : vector<20000xf32>
    %reduce_sum3A_2 = vector.multi_reduction <add>, %get3A_1, %reduce_sum3A [0] : vector<32x20000xf32> to vector<20000xf32>
    %broadcast_in_dim3A = vector.shape_cast %reduce_sum3A_2 : vector<20000xf32> to vector<1x20000xf32>
    %swap3A = arith.constant 0 : index
    %swap3A_3 = arith.constant 0 : index
    %swap3A_4 = vector.load %arg1[%swap3A, %swap3A_3] : memref<1x20000xf32, #tpu.memory_space<vmem>>, vector<1x20000xf32>
    tpu.vector_store %arg1[%swap3A, %swap3A_3], %broadcast_in_dim3A {strides = array<i32>} : memref<1x20000xf32, #tpu.memory_space<vmem>>, vector<1x20000xf32>,
    return
  }
}

module attributes {stable_mosaic.version = 14 : i64} {
  func.func @_p4_body(%arg0: i32, %arg1: memref<512x256xf32, #tpu.memory_space<vmem>>, %arg2: memref<1x256xf32, #tpu.memory_space<vmem>>, %arg3: memref<1x256xf32, #tpu.memory_space<vmem>>, %arg4: memref<1x256xf32, #tpu.memory_space<vmem>>, %arg5: memref<1x256x256xf32, #tpu.memory_space<vmem>>) attributes {dimension_semantics = [#tpu.dimension_semantics<arbitrary>], iteration_bounds = array<i64: 40>, scalar_prefetch = 0 : i64, scratch_operands = 0 : i64, tpu.core_type = #tpu.core_type<tc>, window_params = [{transform_indices = @transform_0, window_bounds = array<i64: 512, 256>}, {pipeline_mode = #tpu.pipeline_mode<synchronous>, transform_indices = @transform_1, window_bounds = array<i64: 1, 256>}, {pipeline_mode = #tpu.pipeline_mode<synchronous>, transform_indices = @transform_2, window_bounds = array<i64: 1, 256>}, {pipeline_mode = #tpu.pipeline_mode<synchronous>, transform_indices = @transform_3, window_bounds = array<i64: 1, 256>}, {transform_indices = @transform_4, window_bounds = array<i64: 1, 256, 256>}]} {
    %get3A = arith.constant 0 : index
    %get3A_0 = arith.constant 0 : index
    %get3A_1 = vector.load %arg1[%get3A, %get3A_0] : memref<512x256xf32, #tpu.memory_space<vmem>>, vector<512x256xf32>
    %slice3A = vector.extract_strided_slice %get3A_1 {offsets = [0, 0], sizes = [256, 256], strides = [1, 1]} : vector<512x256xf32> to vector<256x256xf32>
    %slice3A_2 = vector.extract_strided_slice %get3A_1 {offsets = [256, 0], sizes = [256, 256], strides = [1, 1]} : vector<512x256xf32> to vector<256x256xf32>
    %add3A = arith.addf %slice3A, %slice3A_2 : vector<256x256xf32>
    %mul3A = arith.constant 5.000000e-01 : f32
    %mul3A_3 = vector.broadcast %mul3A : f32 to vector<256x256xf32>
    %mul3A_4 = arith.mulf %mul3A_3, %add3A : vector<256x256xf32>
    %get3A_5 = arith.constant 0 : index
    %get3A_6 = arith.constant 0 : index
    %get3A_7 = vector.load %arg2[%get3A_5, %get3A_6] : memref<1x256xf32, #tpu.memory_space<vmem>>, vector<1x256xf32>
    %reshape3A = vector.shape_cast %get3A_7 : vector<1x256xf32> to vector<256x1xf32>
    %add3A_8 = vector.broadcast %reshape3A : vector<256x1xf32> to vector<256x256xf32>
    %add3A_9 = arith.addf %mul3A_4, %add3A_8 : vector<256x256xf32>
    %max3A = arith.constant 0.000000e+00 : f32
    %max3A_10 = vector.broadcast %max3A : f32 to vector<256x256xf32>
    %max3A_11 = arith.maximumf %add3A_9, %max3A_10 : vector<256x256xf32>
    %reduce_sum3A = arith.constant dense<0.000000e+00> : vector<256xf32>
    %reduce_sum3A_12 = vector.multi_reduction <add>, %max3A_11, %reduce_sum3A [0] : vector<256x256xf32> to vector<256xf32>
    %broadcast_in_dim3A = vector.shape_cast %reduce_sum3A_12 : vector<256xf32> to vector<1x256xf32>
    %div3A = arith.constant 2.560000e+02 : f32
    %div3A_13 = vector.broadcast %div3A : f32 to vector<1x256xf32>
    %div3A_14 = arith.divf %broadcast_in_dim3A, %div3A_13 : vector<1x256xf32>
    %sub3A = vector.broadcast %div3A_14 : vector<1x256xf32> to vector<256x256xf32>
    %sub3A_15 = arith.subf %max3A_11, %sub3A : vector<256x256xf32>
    %integer_pow3A = arith.mulf %sub3A_15, %sub3A_15 : vector<256x256xf32>
    %reduce_sum3A_16 = arith.constant dense<0.000000e+00> : vector<256xf32>
    %reduce_sum3A_17 = vector.multi_reduction <add>, %integer_pow3A, %reduce_sum3A_16 [0] : vector<256x256xf32> to vector<256xf32>
    %broadcast_in_dim3A_18 = vector.shape_cast %reduce_sum3A_17 : vector<256xf32> to vector<1x256xf32>
    %div3A_19 = arith.constant 2.560000e+02 : f32
    %div3A_20 = vector.broadcast %div3A_19 : f32 to vector<1x256xf32>
    %div3A_21 = arith.divf %broadcast_in_dim3A_18, %div3A_20 : vector<1x256xf32>
    %sub3A_22 = vector.broadcast %div3A_14 : vector<1x256xf32> to vector<256x256xf32>
    %sub3A_23 = arith.subf %max3A_11, %sub3A_22 : vector<256x256xf32>
    %add3A_24 = arith.constant 9.99999974E-6 : f32
    %add3A_25 = vector.broadcast %add3A_24 : f32 to vector<1x256xf32>
    %add3A_26 = arith.addf %div3A_21, %add3A_25 : vector<1x256xf32>
    %sqrt3A = math.sqrt %add3A_26 : vector<1x256xf32>
    %div3A_27 = vector.broadcast %sqrt3A : vector<1x256xf32> to vector<256x256xf32>
    %div3A_28 = arith.divf %sub3A_23, %div3A_27 : vector<256x256xf32>
    %get3A_29 = arith.constant 0 : index
    %get3A_30 = arith.constant 0 : index
    %get3A_31 = vector.load %arg3[%get3A_29, %get3A_30] : memref<1x256xf32, #tpu.memory_space<vmem>>, vector<1x256xf32>
    %reshape3A_32 = vector.shape_cast %get3A_31 : vector<1x256xf32> to vector<256x1xf32>
    %mul3A_33 = vector.broadcast %reshape3A_32 : vector<256x1xf32> to vector<256x256xf32>
    %mul3A_34 = arith.mulf %div3A_28, %mul3A_33 : vector<256x256xf32>
    %get3A_35 = arith.constant 0 : index
    %get3A_36 = arith.constant 0 : index
    %get3A_37 = vector.load %arg4[%get3A_35, %get3A_36] : memref<1x256xf32, #tpu.memory_space<vmem>>, vector<1x256xf32>
    %reshape3A_38 = vector.shape_cast %get3A_37 : vector<1x256xf32> to vector<256x1xf32>
    %add3A_39 = vector.broadcast %reshape3A_38 : vector<256x1xf32> to vector<256x256xf32>
    %add3A_40 = arith.addf %mul3A_34, %add3A_39 : vector<256x256xf32>
    %transpose3A = tpu.transpose %add3A_40, [1, 0] : vector<256x256xf32> -> vector<256x256xf32>
    %broadcast_in_dim3A_41 = vector.shape_cast %transpose3A : vector<256x256xf32> to vector<1x256x256xf32>
    %swap3A = arith.constant 0 : index
    %swap3A_42 = arith.constant 0 : index
    %swap3A_43 = arith.constant 0 : index
    %swap3A_44 = vector.load %arg5[%swap3A, %swap3A_42, %swap3A_43] : memref<1x256x256xf32, #tpu.memory_space<vmem>>, vector<1x256x256xf32>
    tpu.vector_store %arg5[%swap3A, %swap3A_42, %swap3A_43], %broadcast_in_dim3A_41 {strides = array<i32>} : memref<1x256x256xf32, #tpu.memory_space<vmem>>, vector<1x256x256xf32>,
    return
  }
  func.func @transform_0(%arg0: i32) -> (i32, i32) {
    %c0_i32 = arith.constant 0 : i32
    %c0_i32_0 = arith.constant 0 : i32
    return %c0_i32, %arg0 : i32, i32
  }
  func.func @transform_1(%arg0: i32) -> (i32, i32) {
    %c0_i32 = arith.constant 0 : i32
    %c0_i32_0 = arith.constant 0 : i32
    %c0_i32_1 = arith.constant 0 : i32
    return %c0_i32, %c0_i32_0 : i32, i32
  }
  func.func @transform_2(%arg0: i32) -> (i32, i32) {
    %c0_i32 = arith.constant 0 : i32
    %c0_i32_0 = arith.constant 0 : i32
    %c0_i32_1 = arith.constant 0 : i32
    return %c0_i32, %c0_i32_0 : i32, i32
  }
  func.func @transform_3(%arg0: i32) -> (i32, i32) {
    %c0_i32 = arith.constant 0 : i32
    %c0_i32_0 = arith.constant 0 : i32
    %c0_i32_1 = arith.constant 0 : i32
    return %c0_i32, %c0_i32_0 : i32, i32
  }
  func.func @transform_4(%arg0: i32) -> (i32, i32, i32) {
    %c0_i32 = arith.constant 0 : i32
    %c0_i32_0 = arith.constant 0 : i32
    %c0_i32_1 = arith.constant 0 : i32
    return %c0_i32, %arg0, %c0_i32_0 : i32, i32, i32
  }
}

</mosaic_0001>

<sc_bundles>
// kernel: kernel.12.cloned.1.call-start
scs
__scs_entry_jumppad:
0x0: {  	(pc) =	sbr.rel $0x88, $3  }
0x1: {  	(tag) =	ssettag $0x0;
	lr =	simm.s32 $0x1  }
0x2: {  	[smem:$0x3F96] =	sst lr;
	_ =	strace $0xD0000000  }
0x3: {  	_ = 	snop  }
0x4: {  	_ = 	snop  }
0x5: {  	_ = 	snop  }
0x6: {  	_ = 	snop  }
0x7: {  	_ = 	snop  }
__scs_overlays_trampoline_lowered:
0x8: {  	[smem:$0x3FA5] =	sst s0  }
0x9: {  	[smem:$0x3FA6] =	sst s1  }
0xa: {  	[smem:$0x3FA7] =	sst s2  }
0xb: {  	[smem:$0x3FA8] =	sst s3  }
0xc: {  	[smem:$0x3FA9] =	sst s4  }
0xd: {  	[smem:$0x3FAA] =	sst s5  }
0xe: {  	[smem:$0x3FAB] =	sst s6  }
0xf: {  	[smem:$0x3FAC] =	sst s7  }
0x10: {  	[smem:$0x3FAD] =	sst s8  }
0x11: {  	[smem:$0x3FAE] =	sst s9;
	s0 =	simm.s32 @!p0 $0x0  }
0x12: {  	s1 =	sld [smem:$0x3F94];
	s0 =	simm.s32 @p0 $0x1  }
0x13: {  	[smem:$0x3FAF] =	sst s0;
	s0 =	simm.s32 @!p1 $0x0  }
0x14: {  	s2 =	sld [smem:$0x3F93];
	s0 =	simm.s32 @p1 $0x1  }
0x15: {  	[smem:$0x3FB0] =	sst s0;
	s0 =	simm.s32 @!p2 $0x0  }
0x16: {  	s3 =	sld [smem:$0x3FDB];
	s0 =	simm.s32 @p2 $0x1  }
0x17: {  	s4 =	simm.s32 $0x1BF5;
	[smem:$0x3FB2] =	sst s0  }
0x18: {  	s0 =	sld [smem:$0x3F95];
	_ =	swait.ge [sflag:s4], $0x0  }
0x19: {  	s7 =	sld [smem:$0x3F96]  }
0x1a: {  	s8 =	sadd.s32 $0xFFFFE003, lr  }
0x1b: {  	s9 =	sadd.s32 $0xFFFFFEF7, lr;
	s5 =	simm.s32 $0xFFFFFFFF;
	p2 =	slt.u32 s8, $0xFFFFF086  }
0x1c: {  	p1 =	slt.u32 s9, $0xF7A;
	s5 =	simm.s32 @!p2 $0x0  }
0x1d: {  	s5 =	simm.s32 @p1 $0x1;
	p0 =	seq.s32 s7, s2  }
0x1e: {  	s7 =	smul.u32 @!p0 $0xF7A, s2;
	p2 =	seq.s32 @!p0 s5, $0x0  }
0x1f: {  	s9 =	smul.u32 $0xF7A, s1;
	s8 =	simm.s32 @!p0 $0x1BF5;
	p2 =	por !p2, p0  }
0x20: {  	[sflag:s8] =	ssyncset.s32 @!p0 $0xFFFFF086;
	s6 =	sadd.s32 @!p0 s3, s7;
	s7 =	simm.s32 @!p0 $0x108  }
0x21: {  	s3 =	sadd.s32 s3, s9;
	s6 =	sadd.s32 @!p0 $0x88, s6;
	s7 =	simm.s32 @p2 $0x1082  }
0x22: {  	[simem:s7], [sflag:s8] =	dma.local @!p0 [hbm:s6], $0xF7A  }
0x23: {  	s9 =	sor.u32 $0xD0000000, s2;
	s6 =	simm.s32 $0x108;
	_ =	swait.ge @!p0 [sflag:s8], $0x0  }
0x24: {  	s3 =	sadd.s32 $0x88, s3;
	s6 =	simm.s32 @!p1 $0x1082;
	[sflag:s4] =	ssyncset.s32 $0xFFFFF086  }
0x25: {  	[simem:s6], [sflag:s4] =	dma.local [hbm:s3], $0xF7A  }
0x26: {  	[smem:$0x3F96] =	sst s1;
	(tag) =	ssettag s2;
	_ =	strace s9  }
0x27: {  	s1 =	sld [smem:$0x3FA6]  }
0x28: {  	s2 =	sld [smem:$0x3FA7]  }
0x29: {  	s4 =	sld [smem:$0x3FA9]  }
0x2a: {  	p0 =	seq.s32 s5, $0x0;
	s5 =	sld [smem:$0x3FAA]  }
0x2b: {  	s6 =	sld [smem:$0x3FAB]  }
0x2c: {  	s7 =	sld [smem:$0x3FAC]  }
0x2d: {  	s3 =	simm.s32 $0x108;
	s8 =	sld [smem:$0x3FAD]  }
0x2e: {  	s3 =	simm.s32 @!p0 $0x1082;
	s9 =	sld [smem:$0x3FAE]  }
0x2f: {  	lr =	sadd.s32 s0, s3;
	s0 =	sld [smem:$0x3FA5]  }
0x30: {  	s3 =	sld [smem:$0x3FA8]  }
0x31: {  	[smem:$0x3FB1] =	sst s10  }
0x32: {  	s10 =	sld [smem:$0x3FAF];
	_ =	sdelay $0x3  }
0x33: {  	p0 =	seq.s32 s10, $0x1;
	s10 =	sld [smem:$0x3FB1];
	_ =	sdelay $0x3  }
0x34: {  	[smem:$0x3FB1] =	sst s10  }
0x35: {  	s10 =	sld [smem:$0x3FB0];
	_ =	sdelay $0x3  }
0x36: {  	p1 =	seq.s32 s10, $0x1;
	s10 =	sld [smem:$0x3FB1];
	_ =	sdelay $0x3  }
0x37: {  	[smem:$0x3FB1] =	sst s10  }
0x38: {  	s10 =	sld [smem:$0x3FB2]  }
0x39: {  	_ = 	snop;
	(pc) =	sbr.ind lr, $3  }
0x3a: {  	_ = 	snop  }
0x3b: {  	_ = 	snop  }
0x3c: {  	p2 =	seq.s32 s10, $0x1;
	s10 =	sld [smem:$0x3FB1]  }
0x3d: {  	_ =	shalt  }
0x3e: {  	_ =	shalt  }
0x3f: {  	_ =	shalt  }
0x40: {  	_ =	shalt  }
0x41: {  	_ =	shalt  }
0x42: {  	_ =	shalt  }
0x43: {  	_ =	shalt  }
0x44: {  	_ =	shalt  }
0x45: {  	_ =	shalt  }
0x46: {  	_ =	shalt  }
0x47: {  	_ =	shalt  }
0x48: {  	_ =	shalt  }
0x49: {  	_ =	shalt  }
0x4a: {  	_ =	shalt  }
0x4b: {  	_ =	shalt  }
0x4c: {  	_ =	shalt  }
0x4d: {  	_ =	shalt  }
0x4e: {  	_ =	shalt  }
0x4f: {  	_ =	shalt  }
0x50: {  	_ =	shalt  }
0x51: {  	_ =	shalt  }
0x52: {  	_ =	shalt  }
0x53: {  	_ =	shalt  }
0x54: {  	_ =	shalt  }
0x55: {  	_ =	shalt  }
0x56: {  	_ =	shalt  }
0x57: {  	_ =	shalt  }
0x58: {  	_ =	shalt  }
0x59: {  	_ =	shalt  }
0x5a: {  	_ =	shalt  }
0x5b: {  	_ =	shalt  }
0x5c: {  	_ =	shalt  }
0x5d: {  	_ =	shalt  }
0x5e: {  	_ =	shalt  }
0x5f: {  	_ =	shalt  }
0x60: {  	_ =	shalt  }
0x61: {  	_ =	shalt  }
0x62: {  	_ =	shalt  }
0x63: {  	_ =	shalt  }
0x64: {  	_ =	shalt  }
0x65: {  	_ =	shalt  }
0x66: {  	_ =	shalt  }
0x67: {  	_ =	shalt  }
0x68: {  	_ =	shalt  }
0x69: {  	_ =	shalt  }
0x6a: {  	_ =	shalt  }
0x6b: {  	_ =	shalt  }
0x6c: {  	_ =	shalt  }
0x6d: {  	_ =	shalt  }
0x6e: {  	_ =	shalt  }
0x6f: {  	_ =	shalt  }
0x70: {  	_ =	shalt  }
0x71: {  	_ =	shalt  }
0x72: {  	_ =	shalt  }
0x73: {  	_ =	shalt  }
0x74: {  	_ =	shalt  }
0x75: {  	_ =	shalt  }
0x76: {  	_ =	shalt  }
0x77: {  	_ =	shalt  }
0x78: {  	_ =	shalt  }
0x79: {  	_ =	shalt  }
0x7a: {  	_ =	shalt  }
0x7b: {  	_ =	shalt  }
0x7c: {  	_ =	shalt  }
0x7d: {  	_ =	shalt  }
0x7e: {  	_ =	shalt  }
0x7f: {  	_ =	shalt  }
0x80: {  	_ =	shalt  }
0x81: {  	_ =	shalt  }
0x82: {  	_ =	shalt  }
0x83: {  	_ =	shalt  }
0x84: {  	_ =	shalt  }
0x85: {  	_ =	shalt  }
0x86: {  	_ =	shalt  }
0x87: {  	_ =	shalt  }
.Lfunc_end0:
.L_simem_size_0:
called_computation.1_lowered:
.L_overlay_start_0:
0x88: {  	s2 =	sld [smem:$0x3FD9]  }
0x89: {  	s3 =	sld [smem:$0x3FFE];
	_ =	sdelay $0x1  }
0x8a: {  	s1 =	srdreg.scid  }
0x8b: {  	s0 =	sand.u32 $0x1, s1  }
0x8c: {  	s14 =	sshll.u32 s0, $0xA;
	s2 =	sadd.s32 s3, s2  }
0x8d: {  	s2 =	sadd.s32 s2, s14  }
0x8e: {  	[smem:$0x3FBD] =	sst s2  }
0x8f: {  	_ = 	snop  }
0x90: {  	s2 =	sld [smem:$0x3FD0];
	_ =	sdelay $0x2  }
0x91: {  	s15 =	simm.s32 $0xA;
	s4 =	simm.s32 $0x10  }
0x92: {  	[smem:s4], [sflag:s15] =	dma.local [hbm:s2], $0x1  }
0x93: {  	_ =	swait.eq [sflag:s15], $0x1  }
0x94: {  	s16 =	sld [smem:$0x10];
	[sflag:s15] =	ssyncset.done $0x0  }
0x95: {  	s17 =	sld [smem:$0x11];
	[sflag:s15] =	ssyncadd.s32 $0xFFFFFFFF  }
0x96: {  	s18 =	sld [smem:$0x12];
	(tm) =	ssettm $0x1  }
0x97: {  	s5 =	sld [smem:$0x3FFB];
	_ =	sdelay $0x3  }
0x98: {  	_ =	strace s5  }
0x99: {  	s5 =	sld [smem:$0x3FFC];
	_ =	sdelay $0x3  }
0x9a: {  	_ =	strace s5  }
0x9b: {  	s5 =	sld [smem:$0x3FFD];
	_ =	sdelay $0x3  }
0x9c: {  	_ =	strace s5  }
0x9d: {  	_ =	strace $0x8FFFFFFF  }
0x9e: {  	s19 =	sld [smem:$0x3FDB];
	_ =	sdelay $0x1  }
0x9f: {  	s6 =	simm.s32 $_scs_section_size  }
0xa0: {  	s7 =	simm.s32 $_size__tile_overlayer_lowered;
	s8 =	simm.s32 $_tile_overlayer_lowered  }
0xa1: {  	s22 =	simm.s32 $0x1BFF;
	s21 =	sshll.u32 s8, $0x1;
	s5 =	sadd.s32 s6, s19  }
0xa2: {  	s9 =	simm.s32 $0x0;
	s20 =	sshll.u32 s7, $0x1;
	s7 =	sadd.s32 s21, s5  }
0xa3: {  	[timem:s9], [sflag:s22] =	dma.local [hbm:s7], s20  }
0xa4: {  	_ =	swait.ge [sflag:s22], s20  }
0xa5: {  	s6 =	ssub.s32 $0x0, s20;
	[sflag:s22] =	ssyncset.done $0x0  }
0xa6: {  	[sflag:s22] =	ssyncadd.s32 s6;
	_ =	sdelay $0x1  }
0xa7: {  	s23 =	simm.s32 $0x1B8B  }
0xa8: {  	_ =	swait.ge [sflag:s23], $0x1  }
0xa9: {  	[sflag:s23] =	ssyncset.done $0x0  }
0xaa: {  	s25 =	simm.s32 $0x1B8E;
	s24 =	sld [smem:$0x3FFE];
	[sflag:s23] =	ssyncadd.s32 $0xFFFFFFFF  }
0xab: {  	s26 =	simm.s32 $execute0_lowered;
	[smem:$0x3FD2] =	sst s25  }
0xac: {  	s7 =	sshll.u32 s26, $0x1;
	_ =	strace $0x80000049;
	[dreg:$0x1] =	wrdreg $0xFFFFFFFF  }
0xad: {  	s28 =	simm.s32 $_size_execute0_lowered;
	s5 =	sadd.s32 s5, s7;
	[dreg:$0x0] =	wrdreg $0x0  }
0xae: {  	s7 =	sshll.u32 s28, $0x1;
	[dreg:$0x2] =	wrdreg s5  }
0xaf: {  	[dreg:$0x3] =	wrdreg s7  }
0xb0: {  	[dreg:$0x4] =	wrdreg $0xC0  }
0xb1: {  	_ =	task [dreg:s9], $0x5FFFF  }
0xb2: {  	[dreg:$0x1] =	wrdreg $0xFFFFFFFF  }
0xb3: {  	[dreg:$0x0] =	wrdreg $0x60  }
0xb4: {  	[dreg:$0x2] =	wrdreg s18  }
0xb5: {  	[dreg:$0x3] =	wrdreg s17  }
0xb6: {  	[dreg:$0x4] =	wrdreg s24  }
0xb7: {  	[dreg:$0x5] =	wrdreg s16  }
0xb8: {  	[dreg:$0x6] =	wrdreg $0x9  }
0xb9: {  	_ =	task.clear_ibuf [dreg:s9], $0x7FFFF;
	_ =	strace $0x90000049  }
0xba: {  	s29 =	simm.s32 $0x9;
	_ =	strace $0x8000004B  }
0xbb: {  	_ =	swait.ge [sflag:s29], $0x1  }
0xbc: {  	[sflag:s29] =	ssyncadd.s32 $0xFFFFFFFF  }
0xbd: {  	_ =	strace $0x9000004B  }
0xbe: {  	_ =	sfence  }
0xbf: {  	s30 =	sld [smem:$0x0];
	_ =	sdelay $0x2  }
0xc0: {  	s31 =	sshll.u32 s1, $0xD;
	s1 =	sshrl.u32 s1, $0x2  }
0xc1: {  	s3 =	sand.u32 $0x4000, s31;
	s1 =	sadd.s32 s1, s30  }
0xc2: {  	s0 =	sor.u32 s3, s0;
	s1 =	sshll.u32 s1, $0x11  }
0xc3: {  	s0 =	sor.u32 s1, s0  }
0xc4: {  	s0 =	sadd.s32 $0x8F2B, s0  }
0xc5: {  	[sflag:s0] =	ssyncadd.remote.s32 $0x1  }
0xc6: {  	_ =	sfence.sel $0xFFFF  }
0xc7: {  	[dreg:$0x0] =	wrdreg $0xFFFFFFFF;
	(pc) =	sbr.abs _section_cstart, $3  }
0xc8: {  	[dreg:$0x1] =	wrdreg $0xFFFFFFFF  }
0xc9: {  	_ =	task.clear_ibuf [dreg:s9], $0x2FFFF;
	_ =	strace $0x9FFFFFFF  }
0xca: {  	(tm) =	ssettm $0x7FFFFFFF  }
0xcb: {  	_ =	shalt  }
tec
execute0_lowered:
.L_overlay_start_1:
0x0: {  	(tag) =	ssettag $0x1  }
0x1: {  	s7 =	rddreg [dreg:$0x0]  }
0x2: {  	s8 =	rddreg [dreg:$0x1]  }
0x3: {  	s1 =	srdreg.scid;
	s9 =	rddreg [dreg:$0x2]  }
0x4: {  	s0 =	stileid.u32;
	s10 =	rddreg [dreg:$0x3];
	s18 =	simm.s32 $0x11380  }
0x5: {  	s19 =	simm.s32 $0x13B00;
	s20 =	simm.s32 $0x0;
	s6 =	sand.u32 $0x1, s1  }
0x6: {  	s26 =	sshll.u32 s0, $0x1;
	s1 =	rddreg [dreg:$0x4];
	p0 =	slt.u32 s0, $0x8  }
0x7: {  	s3 =	sadd.s32 $0xA0800, s9;
	s4 =	sadd.s32 $0xA1200, s9;
	s2 =	sor.u32 s6, s26  }
0x8: {  	s5 =	sadd.s32 $0xB5A00, s9;
	s16 =	sadd.s32 $0xB6400, s9;
	s11 =	smul.u32 $0x1380, s2  }
0x9: {  	s28 =	ssub.s32 $0x2, s6;
	s6 =	simm.s32 $0x1390;
	s12 =	smul.u32 $0x1390, s2  }
0xa: {  	s2 =	simm.s32 $0x0;
	s17 =	sshrl.u32 s28, $0x1;
	s6 =	simm.s32 @!p0 $0x1380  }
0xb: {  	[smem:$0x7FF] =	sst s2;
	s17 =	ssub.s32 s28, s17;
	s13 =	sadd.s32 $0x100, s11  }
0xc: {  	_ =	strace $0x8000004A;
	s11 =	sshrl.u32 s11, $0x3;
	s30 =	sshrl.u32 s12, $0x3  }
0xd: {  	s13 =	smov.u32 @p0 s12;
	s29 =	sadd.s32 s16, s11;
	s31 =	sadd.s32 s16, s30  }
0xe: {  	p0 =	sgt.u32 s0, $0x7;
	s14 =	sshrl.u32 s13, $0x2;
	s13 =	sshrl.u32 s13, $0x3  }
0xf: {  	s12 =	sadd.s32 $0x4E40, s29;
	s15 =	sadd.s32 s14, s9;
	s7 =	sadd.s32 s7, s13  }
0x10: {  	s8 =	sadd.s32 s8, s13;
	s10 =	sadd.s32 s10, s14;
	s11 =	sadd.s32 s16, s13  }
0x11: {  	v0 =	vlaneseq.u32;
	s13 =	sadd.s32 $0x4E20, s31;
	s14 =	smax.u32 s17, $0x1;
	s16 =	simm.s32 $0x4E80  }
0x12: {  	v0 =	vmul.u32 $0x2, v0;
	s17 =	simm.s32 $0x9D00;
	s9 =	sadd.s32 $0xABC00, s15;
	s15 =	simm.s32 $0x1  }
.LBB2_1:
0x13: {  	[tilespmem:s2], [sflag:$0x1] =	stream.linear.gather [hbm4b:s3+s2], $0x4E80, $0x38;
	[tilespmem:$0x18A80] =	vst v63  }
0x14: {  	_ =	swait.ge [sflag:s15], $0x4E80  }
0x15: {  	[sflag:s15] =	ssyncset.done $0x0  }
0x16: {  	[sflag:s15] =	ssyncadd.s32 $0xFFFFB180  }
0x17: {  	[tilespmem:s16], [sflag:$0x1] =	stream.linear.gather [hbm4b:s4+s2], $0x4E80, $0x38;
	[tilespmem:$0x18A80] =	vst v63  }
0x18: {  	_ =	swait.ge [sflag:s15], $0x4E80  }
0x19: {  	[sflag:s15] =	ssyncset.done $0x0  }
0x1a: {  	[sflag:s15] =	ssyncadd.s32 $0xFFFFB180  }
0x1b: {  	[tilespmem:s17], [sflag:$0x1] =	stream.linear.gather [hbm4b:s5+s2], $0x4E80, $0x38;
	[tilespmem:$0x18A80] =	vst v63  }
0x1c: {  	_ =	swait.ge [sflag:s15], $0x4E80  }
0x1d: {  	[sflag:s15] =	ssyncset.done $0x0  }
0x1e: {  	s21 =	simm.s32 $0xEB80;
	[sflag:s15] =	ssyncadd.s32 $0xFFFFB180  }
0x1f: {  	[tilespmem:s21], [sflag:$0x1] =	stream.linear.gather [hbm4b:s7+s2], $0x1390, $0x38;
	[tilespmem:$0x18A80] =	vst v63  }
0x20: {  	_ =	swait.ge [sflag:s15], $0x1390  }
0x21: {  	[sflag:s15] =	ssyncset.done $0x0  }
0x22: {  	s22 =	simm.s32 $0xFF80;
	[sflag:s15] =	ssyncadd.s32 $0xFFFFEC70  }
0x23: {  	[tilespmem:s22], [sflag:$0x1] =	stream.linear.gather [hbm4b:s8+s2], $0x1390, $0x38;
	[tilespmem:$0x18A80] =	vst v63  }
0x24: {  	_ =	swait.ge [sflag:s15], $0x1390  }
0x25: {  	[sflag:s15] =	ssyncset.done $0x0  }
0x26: {  	[sflag:s15] =	ssyncadd.s32 $0xFFFFEC70  }
0x27: {  	[tilespmem:s18], [sflag:$0x1] =	stream.linear.gather [hbm4b:s9+s2], $0x2720, $0x38;
	[tilespmem:$0x18A80] =	vst v63  }
0x28: {  	_ =	swait.ge [sflag:s15], $0x2720  }
0x29: {  	[sflag:s15] =	ssyncset.done $0x0  }
0x2a: {  	[sflag:s15] =	ssyncadd.s32 $0xFFFFD8E0  }
0x2b: {  	v1 =	vld [tilespmem:s21+$0x0]  }
0x2c: {  	v2 =	vld [tilespmem:s22+$0x0];
	_ =	sdelay $0x3  }
0x2d: {  	v1 =	vshll.u32 v1, $0x1  }
0x2e: {  	v3 =	vmov s2;
	v2 =	vshll.u32 v2, $0x1  }
0x2f: {  	v3 =	vshll.u32 v3, $0x1  }
0x30: {  	v3 =	vor.u32 v0, v3;
	_ =	sdelay $0x1  }
0x31: {  	v4 =	vld.idx.msk [tilespmem:v1+s2+$0x0], $0xffff  }
0x32: {  	v5 =	vld.idx.msk [tilespmem:v2+s16+$0x0], $0xffff;
	_ =	sdelay $0x1  }
0x33: {  	v6 =	vld.idx.msk [tilespmem:v3+s18+$0x0], $0xffff;
	_ =	sdelay $0x2  }
0x34: {  	v4 =	vadd.f32 v5, v4;
	_ =	sdelay $0x1  }
0x35: {  	v4 =	vadd.f32 v6, v4  }
0x36: {  	v60 =	vld.idx.msk [tilespmem:v2+s17+$0x0], $0xffff  }
0x37: {  	v6 =	vmul.f32 $2.000000030e-01, v4;
	_ =	sdelay $0x1  }
0x38: {  	v4 =	vmax.f32 v4, v6  }
0x39: {  	v4 =	vmul.f32 $1.442695020e+00, v4  }
0x3a: {  	v5 =	vadd.f32 $1.000000020e-16, v60  }
0x3b: {  	(erf) = vpow2.f32 v4  }
0x3c: {  	(erf) = vrcp.f32 v5;
	_ =	sdelay $0x7  }
0x3d: {  	v4 =	vpop (erf)  }
0x3e: {  	v61 =	vor.u32 $0x1, v1;
	v1 =	vpop (erf)  }
0x3f: {  	v2 =	vor.u32 $0x1, v2;
	v4 =	vmul.f32 v4, v1;
	_ =	sdelay $0x1  }
0x40: {  	s23 =	simm.s32 $0x16280;
	v1 =	vor.u32 $0x1, v3;
	[tilespmem:v3+s19+$0x0] =	vst.idx.msk $0xffff, v4  }
0x41: {  	[tilespmem:s23+$0x0] =	vst v4  }
0x42: {  	v3 =	vld.idx.msk [tilespmem:v61+s2+$0x0], $0xffff  }
0x43: {  	v4 =	vld.idx.msk [tilespmem:v2+s16+$0x0], $0xffff;
	_ =	sdelay $0x1  }
0x44: {  	v62 =	vld.idx.msk [tilespmem:v1+s18+$0x0], $0xffff;
	_ =	sdelay $0x2  }
0x45: {  	v3 =	vadd.f32 v4, v3  }
0x46: {  	v2 =	vld.idx.msk [tilespmem:v2+s17+$0x0], $0xffff  }
0x47: {  	v3 =	vadd.f32 v62, v3;
	_ =	sdelay $0x1  }
0x48: {  	v63 =	vmul.f32 $2.000000030e-01, v3;
	_ =	sdelay $0x1  }
0x49: {  	v2 =	vadd.f32 $1.000000020e-16, v2;
	v3 =	vmax.f32 v3, v63  }
0x4a: {  	v3 =	vmul.f32 $1.442695020e+00, v3  }
0x4b: {  	(erf) = vrcp.f32 v2  }
0x4c: {  	(erf) = vpow2.f32 v3;
	_ =	sdelay $0x4  }
0x4d: {  	p1 =	sne.s32 s6, $0x10  }
.Ltmp0:
0x4e: {  	_ = 	snop;
	(pc) =	sbr.rel @!p1 .LBB2_3-.Ltmp0, $4  }
0x4f: {  	_ = 	snop  }
0x50: {  	v2 =	vpop (erf)  }
0x51: {  	s24 =	simm.s32 $0x10;
	v3 =	vpop (erf)  }
0x52: {  	s25 =	simm.s32 $0x16290;
	s26 =	simm.s32 $0x17690;
	s23 =	simm.s32 $0x17680;
	v2 =	vmul.f32 v3, v2  }
.LBB2_2:
0x53: {  	s21 =	sadd.s32 $0x10, s21  }
0x54: {  	s22 =	sadd.s32 $0x10, s22;
	s28 =	smov.u32 s24;
	s24 =	sadd.s32 $0x10, s24  }
0x55: {  	p1 =	sne.s32 s6, s24;
	[tilespmem:v1+s19+$0x0] =	vst.idx.msk $0xffff, v2  }
0x56: {  	[tilespmem:s23+$0x0] =	vst v2;
	s23 =	smov.u32 s26  }
0x57: {  	v1 =	vld [tilespmem:s21+$0x0]  }
0x58: {  	v2 =	vld [tilespmem:s22+$0x0];
	_ =	sdelay $0x3  }
0x59: {  	v1 =	vshll.u32 v1, $0x1  }
0x5a: {  	v3 =	vmov s28;
	v2 =	vshll.u32 v2, $0x1  }
0x5b: {  	v3 =	vshll.u32 v3, $0x1  }
0x5c: {  	v3 =	vor.u32 v0, v3;
	_ =	sdelay $0x1  }
0x5d: {  	v4 =	vld.idx.msk [tilespmem:v1+s2+$0x0], $0xffff  }
0x5e: {  	v5 =	vld.idx.msk [tilespmem:v2+s16+$0x0], $0xffff;
	_ =	sdelay $0x1  }
0x5f: {  	v6 =	vld.idx.msk [tilespmem:v3+s18+$0x0], $0xffff;
	_ =	sdelay $0x3  }
0x60: {  	v4 =	vadd.f32 v5, v4  }
0x61: {  	v5 =	vld.idx.msk [tilespmem:v2+s17+$0x0], $0xffff  }
0x62: {  	v4 =	vadd.f32 v6, v4;
	_ =	sdelay $0x1  }
0x63: {  	v6 =	vmul.f32 $2.000000030e-01, v4;
	_ =	sdelay $0x1  }
0x64: {  	v4 =	vmax.f32 v4, v6  }
0x65: {  	v4 =	vmul.f32 $1.442695020e+00, v4;
	v5 =	vadd.f32 $1.000000020e-16, v5;
	_ =	sdelay $0x1  }
0x66: {  	(erf) = vpow2.f32 v4  }
0x67: {  	(erf) = vrcp.f32 v5;
	_ =	sdelay $0x7  }
0x68: {  	v4 =	vpop (erf)  }
0x69: {  	v2 =	vor.u32 $0x1, v2;
	v5 =	vor.u32 $0x1, v1;
	v1 =	vpop (erf)  }
0x6a: {  	v4 =	vmul.f32 v4, v1  }
0x6b: {  	v1 =	vor.u32 $0x1, v3  }
0x6c: {  	[tilespmem:v3+s19+$0x0] =	vst.idx.msk $0xffff, v4  }
0x6d: {  	[tilespmem:s25+$0x0] =	vst v4  }
0x6e: {  	v3 =	vld.idx.msk [tilespmem:v5+s2+$0x0], $0xffff  }
0x6f: {  	v4 =	vld.idx.msk [tilespmem:v2+s16+$0x0], $0xffff  }
0x70: {  	v5 =	vld.idx.msk [tilespmem:v1+s18+$0x0], $0xffff;
	_ =	sdelay $0x4  }
0x71: {  	v3 =	vadd.f32 v4, v3;
	v2 =	vld.idx.msk [tilespmem:v2+s17+$0x0], $0xffff;
	_ =	sdelay $0x1  }
0x72: {  	v3 =	vadd.f32 v5, v3;
	_ =	sdelay $0x1  }
0x73: {  	v4 =	vmul.f32 $2.000000030e-01, v3;
	_ =	sdelay $0x1  }
0x74: {  	v3 =	vmax.f32 v3, v4;
	v2 =	vadd.f32 $1.000000020e-16, v2  }
0x75: {  	v3 =	vmul.f32 $1.442695020e+00, v3  }
0x76: {  	(erf) = vrcp.f32 v2  }
0x77: {  	(erf) = vpow2.f32 v3;
	_ =	sdelay $0x5  }
.Ltmp1:
0x78: {  	(pc) =	sbr.rel @p1 .LBB2_2-.Ltmp1, $4  }
0x79: {  	_ = 	snop  }
0x7a: {  	v2 =	vpop (erf)  }
0x7b: {  	v3 =	vpop (erf)  }
0x7c: {  	s26 =	sadd.s32 $0x10, s26;
	s25 =	sadd.s32 $0x10, s25;
	v2 =	vmul.f32 v3, v2  }
.LBB2_3:
0x7d: {  	_ =	sdelay $0x3  }
0x7e: {  	[tilespmem:v1+s19+$0x0] =	vst.idx.msk $0xffff, v2  }
0x7f: {  	s21 =	simm.s32 @p0 $0x0;
	s22 =	simm.s32 @p0 $0x13B00;
	[tilespmem:s23+$0x0] =	vst v2  }
0x80: {  	[hbm4b:s10+s21] =	stream.linear.scatter @p0 [tilespmem:s22], [sflag:$0x1], $0x2700, $0x38;
	[tilespmem:$0x18A80] =	vst v63  }
0x81: {  	s22 =	simm.s32 @p0 $0x1  }
0x82: {  	_ =	swait.ge @p0 [sflag:s22], $0x2700  }
0x83: {  	[sflag:s22] =	ssyncset.done @p0 $0x0  }
0x84: {  	s23 =	simm.s32 @p0 $0x16280;
	[sflag:s22] =	ssyncadd.s32 @p0 $0xFFFFD900  }
0x85: {  	[hbm4b:s11+s21] =	stream.linear.scatter @p0 [tilespmem:s23], [sflag:$0x1], $0x1380, $0x38;
	[tilespmem:$0x18A80] =	vst v63  }
0x86: {  	_ =	swait.ge @p0 [sflag:s22], $0x1380  }
0x87: {  	[sflag:s22] =	ssyncset.done @p0 $0x0  }
0x88: {  	s23 =	simm.s32 @p0 $0x17680;
	[sflag:s22] =	ssyncadd.s32 @p0 $0xFFFFEC80  }
0x89: {  	[hbm4b:s12+s21] =	stream.linear.scatter @p0 [tilespmem:s23], [sflag:$0x1], $0x1380, $0x38;
	[tilespmem:$0x18A80] =	vst v63  }
0x8a: {  	_ =	swait.ge @p0 [sflag:s22], $0x1380  }
0x8b: {  	[sflag:s22] =	ssyncset.done @p0 $0x0  }
0x8c: {  	s21 =	simm.s32 @!p0 $0x0;
	[sflag:s22] =	ssyncadd.s32 @p0 $0xFFFFEC80;
	s22 =	simm.s32 @!p0 $0x13B00  }
0x8d: {  	[hbm4b:s10+s21] =	stream.linear.scatter @!p0 [tilespmem:s22], [sflag:$0x1], $0x2720, $0x38;
	[tilespmem:$0x18A80] =	vst v63  }
0x8e: {  	s22 =	simm.s32 @!p0 $0x1  }
0x8f: {  	_ =	swait.ge @!p0 [sflag:s22], $0x2720  }
0x90: {  	[sflag:s22] =	ssyncset.done @!p0 $0x0  }
0x91: {  	s23 =	simm.s32 @!p0 $0x16280;
	[sflag:s22] =	ssyncadd.s32 @!p0 $0xFFFFD8E0  }
0x92: {  	[hbm4b:s11+s21] =	stream.linear.scatter @!p0 [tilespmem:s23], [sflag:$0x1], $0x1390, $0x38;
	[tilespmem:$0x18A80] =	vst v63  }
0x93: {  	s20 =	sadd.s32 $0x1, s20;
	_ =	swait.ge @!p0 [sflag:s22], $0x1390  }
0x94: {  	p1 =	sne.s32 s20, s14;
	[sflag:s22] =	ssyncset.done @!p0 $0x0  }
.Ltmp2:
0x95: {  	s23 =	simm.s32 @!p0 $0x17680;
	[sflag:s22] =	ssyncadd.s32 @!p0 $0xFFFFEC70;
	(pc) =	sbr.rel @p1 .LBB2_1-.Ltmp2, $4  }
0x96: {  	[hbm4b:s13+s21] =	stream.linear.scatter @!p0 [tilespmem:s23], [sflag:$0x1], $0x1390, $0x38;
	[tilespmem:$0x18A80] =	vst v63  }
0x97: {  	_ =	swait.ge @!p0 [sflag:s22], $0x1390  }
0x98: {  	[sflag:s22] =	ssyncset.done @!p0 $0x0  }
0x99: {  	[sflag:s22] =	ssyncadd.s32 @!p0 $0xFFFFEC70  }
0x9a: {  	_ =	sfence.sel $0x180000  }
0x9b: {  	[bflag:$0x0] =	sbarrier.arrive $0xFFFF  }
0x9c: {  	p0 =	sne.s32 s0, $0x0;
	_ =	strace $0x9000004A  }
0x9d: {  	s0 =	sadd.s32 @!p0 $0x100000, s1;
	[bflag:$0x2] =	sbarrier.arrive $0xFFFF  }
0x9e: {  	[sflag:s0] =	ssyncadd.tile.s32 @!p0 $0x1;
	_ =	shalt  }
.Lfunc_end2:
_tile_overlayer_lowered:
.L_overlay_start_2:
0x9f: {  	(tag) =	ssettag $0x2  }
0xa0: {  	s0 =	rddreg [dreg:$0x0];
	s2 =	stileid.u32  }
0xa1: {  	s1 =	rddreg [dreg:$0x1];
	p0 =	sne.s32 s2, $0x0  }
0xa2: {  	s3 =	rddreg [dreg:$0x2];
	[bflag:$0x3] =	sbarrier.arrive $0xFFFF;
	s2 =	simm.s32 @!p0 $0x1C01  }
0xa3: {  	[timem:s3], [sflag:s2] =	dma.local @!p0 [hbm:s0], s1  }
0xa4: {  	s0 =	simm.s32 @!p0 $0x1  }
0xa5: {  	_ =	swait.ge @!p0 [sflag:s0], s1  }
0xa6: {  	s1 =	ssub.s32 @!p0 $0x0, s1;
	[sflag:s0] =	ssyncset.done @!p0 $0x0  }
0xa7: {  	[sflag:s0] =	ssyncadd.s32 @!p0 s1  }
0xa8: {  	[bflag:$0x3] =	sbarrier.arrive $0xFFFF  }
0xa9: {  	_ =	shalt  }

// kernel: kernel.15.cloned.1.call-start
scs
__scs_entry_jumppad:
0x0: {  	(pc) =	sbr.rel $0x88, $3  }
0x1: {  	(tag) =	ssettag $0x0;
	lr =	simm.s32 $0x1  }
0x2: {  	[smem:$0x3F96] =	sst lr;
	_ =	strace $0xD0000000  }
0x3: {  	_ = 	snop  }
0x4: {  	_ = 	snop  }
0x5: {  	_ = 	snop  }
0x6: {  	_ = 	snop  }
0x7: {  	_ = 	snop  }
__scs_overlays_trampoline_lowered:
0x8: {  	[smem:$0x3FA5] =	sst s0  }
0x9: {  	[smem:$0x3FA6] =	sst s1  }
0xa: {  	[smem:$0x3FA7] =	sst s2  }
0xb: {  	[smem:$0x3FA8] =	sst s3  }
0xc: {  	[smem:$0x3FA9] =	sst s4  }
0xd: {  	[smem:$0x3FAA] =	sst s5  }
0xe: {  	[smem:$0x3FAB] =	sst s6  }
0xf: {  	[smem:$0x3FAC] =	sst s7  }
0x10: {  	[smem:$0x3FAD] =	sst s8  }
0x11: {  	[smem:$0x3FAE] =	sst s9;
	s0 =	simm.s32 @!p0 $0x0  }
0x12: {  	s1 =	sld [smem:$0x3F94];
	s0 =	simm.s32 @p0 $0x1  }
0x13: {  	[smem:$0x3FAF] =	sst s0;
	s0 =	simm.s32 @!p1 $0x0  }
0x14: {  	s2 =	sld [smem:$0x3F93];
	s0 =	simm.s32 @p1 $0x1  }
0x15: {  	[smem:$0x3FB0] =	sst s0;
	s0 =	simm.s32 @!p2 $0x0  }
0x16: {  	s3 =	sld [smem:$0x3FDB];
	s0 =	simm.s32 @p2 $0x1  }
0x17: {  	s4 =	simm.s32 $0x1BF5;
	[smem:$0x3FB2] =	sst s0  }
0x18: {  	s0 =	sld [smem:$0x3F95];
	_ =	swait.ge [sflag:s4], $0x0  }
0x19: {  	s7 =	sld [smem:$0x3F96]  }
0x1a: {  	s8 =	sadd.s32 $0xFFFFE003, lr  }
0x1b: {  	s9 =	sadd.s32 $0xFFFFFEF7, lr;
	s5 =	simm.s32 $0xFFFFFFFF;
	p2 =	slt.u32 s8, $0xFFFFF086  }
0x1c: {  	p1 =	slt.u32 s9, $0xF7A;
	s5 =	simm.s32 @!p2 $0x0  }
0x1d: {  	s5 =	simm.s32 @p1 $0x1;
	p0 =	seq.s32 s7, s2  }
0x1e: {  	s7 =	smul.u32 @!p0 $0xF7A, s2;
	p2 =	seq.s32 @!p0 s5, $0x0  }
0x1f: {  	s9 =	smul.u32 $0xF7A, s1;
	s8 =	simm.s32 @!p0 $0x1BF5;
	p2 =	por !p2, p0  }
0x20: {  	[sflag:s8] =	ssyncset.s32 @!p0 $0xFFFFF086;
	s6 =	sadd.s32 @!p0 s3, s7;
	s7 =	simm.s32 @!p0 $0x108  }
0x21: {  	s3 =	sadd.s32 s3, s9;
	s6 =	sadd.s32 @!p0 $0x88, s6;
	s7 =	simm.s32 @p2 $0x1082  }
0x22: {  	[simem:s7], [sflag:s8] =	dma.local @!p0 [hbm:s6], $0xF7A  }
0x23: {  	s9 =	sor.u32 $0xD0000000, s2;
	s6 =	simm.s32 $0x108;
	_ =	swait.ge @!p0 [sflag:s8], $0x0  }
0x24: {  	s3 =	sadd.s32 $0x88, s3;
	s6 =	simm.s32 @!p1 $0x1082;
	[sflag:s4] =	ssyncset.s32 $0xFFFFF086  }
0x25: {  	[simem:s6], [sflag:s4] =	dma.local [hbm:s3], $0xF7A  }
0x26: {  	[smem:$0x3F96] =	sst s1;
	(tag) =	ssettag s2;
	_ =	strace s9  }
0x27: {  	s1 =	sld [smem:$0x3FA6]  }
0x28: {  	s2 =	sld [smem:$0x3FA7]  }
0x29: {  	s4 =	sld [smem:$0x3FA9]  }
0x2a: {  	p0 =	seq.s32 s5, $0x0;
	s5 =	sld [smem:$0x3FAA]  }
0x2b: {  	s6 =	sld [smem:$0x3FAB]  }
0x2c: {  	s7 =	sld [smem:$0x3FAC]  }
0x2d: {  	s3 =	simm.s32 $0x108;
	s8 =	sld [smem:$0x3FAD]  }
0x2e: {  	s3 =	simm.s32 @!p0 $0x1082;
	s9 =	sld [smem:$0x3FAE]  }
0x2f: {  	lr =	sadd.s32 s0, s3;
	s0 =	sld [smem:$0x3FA5]  }
0x30: {  	s3 =	sld [smem:$0x3FA8]  }
0x31: {  	[smem:$0x3FB1] =	sst s10  }
0x32: {  	s10 =	sld [smem:$0x3FAF];
	_ =	sdelay $0x3  }
0x33: {  	p0 =	seq.s32 s10, $0x1;
	s10 =	sld [smem:$0x3FB1];
	_ =	sdelay $0x3  }
0x34: {  	[smem:$0x3FB1] =	sst s10  }
0x35: {  	s10 =	sld [smem:$0x3FB0];
	_ =	sdelay $0x3  }
0x36: {  	p1 =	seq.s32 s10, $0x1;
	s10 =	sld [smem:$0x3FB1];
	_ =	sdelay $0x3  }
0x37: {  	[smem:$0x3FB1] =	sst s10  }
0x38: {  	s10 =	sld [smem:$0x3FB2]  }
0x39: {  	_ = 	snop;
	(pc) =	sbr.ind lr, $3  }
0x3a: {  	_ = 	snop  }
0x3b: {  	_ = 	snop  }
0x3c: {  	p2 =	seq.s32 s10, $0x1;
	s10 =	sld [smem:$0x3FB1]  }
0x3d: {  	_ =	shalt  }
0x3e: {  	_ =	shalt  }
0x3f: {  	_ =	shalt  }
0x40: {  	_ =	shalt  }
0x41: {  	_ =	shalt  }
0x42: {  	_ =	shalt  }
0x43: {  	_ =	shalt  }
0x44: {  	_ =	shalt  }
0x45: {  	_ =	shalt  }
0x46: {  	_ =	shalt  }
0x47: {  	_ =	shalt  }
0x48: {  	_ =	shalt  }
0x49: {  	_ =	shalt  }
0x4a: {  	_ =	shalt  }
0x4b: {  	_ =	shalt  }
0x4c: {  	_ =	shalt  }
0x4d: {  	_ =	shalt  }
0x4e: {  	_ =	shalt  }
0x4f: {  	_ =	shalt  }
0x50: {  	_ =	shalt  }
0x51: {  	_ =	shalt  }
0x52: {  	_ =	shalt  }
0x53: {  	_ =	shalt  }
0x54: {  	_ =	shalt  }
0x55: {  	_ =	shalt  }
0x56: {  	_ =	shalt  }
0x57: {  	_ =	shalt  }
0x58: {  	_ =	shalt  }
0x59: {  	_ =	shalt  }
0x5a: {  	_ =	shalt  }
0x5b: {  	_ =	shalt  }
0x5c: {  	_ =	shalt  }
0x5d: {  	_ =	shalt  }
0x5e: {  	_ =	shalt  }
0x5f: {  	_ =	shalt  }
0x60: {  	_ =	shalt  }
0x61: {  	_ =	shalt  }
0x62: {  	_ =	shalt  }
0x63: {  	_ =	shalt  }
0x64: {  	_ =	shalt  }
0x65: {  	_ =	shalt  }
0x66: {  	_ =	shalt  }
0x67: {  	_ =	shalt  }
0x68: {  	_ =	shalt  }
0x69: {  	_ =	shalt  }
0x6a: {  	_ =	shalt  }
0x6b: {  	_ =	shalt  }
0x6c: {  	_ =	shalt  }
0x6d: {  	_ =	shalt  }
0x6e: {  	_ =	shalt  }
0x6f: {  	_ =	shalt  }
0x70: {  	_ =	shalt  }
0x71: {  	_ =	shalt  }
0x72: {  	_ =	shalt  }
0x73: {  	_ =	shalt  }
0x74: {  	_ =	shalt  }
0x75: {  	_ =	shalt  }
0x76: {  	_ =	shalt  }
0x77: {  	_ =	shalt  }
0x78: {  	_ =	shalt  }
0x79: {  	_ =	shalt  }
0x7a: {  	_ =	shalt  }
0x7b: {  	_ =	shalt  }
0x7c: {  	_ =	shalt  }
0x7d: {  	_ =	shalt  }
0x7e: {  	_ =	shalt  }
0x7f: {  	_ =	shalt  }
0x80: {  	_ =	shalt  }
0x81: {  	_ =	shalt  }
0x82: {  	_ =	shalt  }
0x83: {  	_ =	shalt  }
0x84: {  	_ =	shalt  }
0x85: {  	_ =	shalt  }
0x86: {  	_ =	shalt  }
0x87: {  	_ =	shalt  }
.Lfunc_end0:
.L_simem_size_0:
called_computation.2_lowered:
.L_overlay_start_0:
0x88: {  	s2 =	sld [smem:$0x3FD9]  }
0x89: {  	s3 =	sld [smem:$0x3FFE];
	_ =	sdelay $0x1  }
0x8a: {  	s1 =	srdreg.scid  }
0x8b: {  	s0 =	sand.u32 $0x1, s1  }
0x8c: {  	s16 =	sshll.u32 s0, $0xA;
	s2 =	sadd.s32 s3, s2  }
0x8d: {  	s2 =	sadd.s32 s2, s16  }
0x8e: {  	[smem:$0x3FBD] =	sst s2  }
0x8f: {  	_ = 	snop  }
0x90: {  	(tm) =	ssettm $0x1  }
0x91: {  	s17 =	sld [smem:$0x3FFB];
	_ =	sdelay $0x3  }
0x92: {  	_ =	strace s17  }
0x93: {  	s2 =	sld [smem:$0x3FFC];
	_ =	sdelay $0x3  }
0x94: {  	_ =	strace s2  }
0x95: {  	s2 =	sld [smem:$0x3FFD];
	_ =	sdelay $0x3  }
0x96: {  	_ =	strace s2  }
0x97: {  	_ =	strace $0x8FFFFFFF  }
0x98: {  	s18 =	sld [smem:$0x3FDB];
	_ =	sdelay $0x1  }
0x99: {  	s19 =	simm.s32 $_scs_section_size  }
0x9a: {  	s4 =	simm.s32 $_size__tile_overlayer_lowered;
	s5 =	simm.s32 $_tile_overlayer_lowered  }
0x9b: {  	s22 =	simm.s32 $0x1BFF;
	s21 =	sshll.u32 s5, $0x1;
	s2 =	sadd.s32 s19, s18  }
0x9c: {  	s6 =	simm.s32 $0x0;
	s20 =	sshll.u32 s4, $0x1;
	s4 =	sadd.s32 s21, s2  }
0x9d: {  	[timem:s6], [sflag:s22] =	dma.local [hbm:s4], s20  }
0x9e: {  	_ =	swait.ge [sflag:s22], s20  }
0x9f: {  	s3 =	ssub.s32 $0x0, s20;
	[sflag:s22] =	ssyncset.done $0x0  }
0xa0: {  	[sflag:s22] =	ssyncadd.s32 s3;
	_ =	sdelay $0x1  }
0xa1: {  	s23 =	simm.s32 $0x1B8B  }
0xa2: {  	_ =	swait.ge [sflag:s23], $0x1  }
0xa3: {  	[sflag:s23] =	ssyncset.done $0x0  }
0xa4: {  	s25 =	simm.s32 $0x1B8E;
	s24 =	sld [smem:$0x3FFE];
	[sflag:s23] =	ssyncadd.s32 $0xFFFFFFFF  }
0xa5: {  	s26 =	simm.s32 $execute0_lowered;
	[smem:$0x3FD2] =	sst s25  }
0xa6: {  	s4 =	sshll.u32 s26, $0x1;
	_ =	strace $0x8000004C;
	[dreg:$0x1] =	wrdreg $0xFFFFFFFF  }
0xa7: {  	s28 =	simm.s32 $_size_execute0_lowered;
	s2 =	sadd.s32 s2, s4;
	[dreg:$0x0] =	wrdreg $0x0  }
0xa8: {  	s4 =	sshll.u32 s28, $0x1;
	[dreg:$0x2] =	wrdreg s2  }
0xa9: {  	[dreg:$0x3] =	wrdreg s4  }
0xaa: {  	[dreg:$0x4] =	wrdreg $0xC0  }
0xab: {  	_ =	task [dreg:s6], $0x5FFFF  }
0xac: {  	[dreg:$0x1] =	wrdreg $0xFFFFFFFF  }
0xad: {  	[dreg:$0x0] =	wrdreg $0x60  }
0xae: {  	[dreg:$0x2] =	wrdreg s24  }
0xaf: {  	[dreg:$0x3] =	wrdreg $0x9  }
0xb0: {  	_ =	task.clear_ibuf [dreg:s6], $0x4FFFF;
	_ =	strace $0x9000004C  }
0xb1: {  	s29 =	simm.s32 $0x9;
	_ =	strace $0x8000004E  }
0xb2: {  	_ =	swait.ge [sflag:s29], $0x1  }
0xb3: {  	[sflag:s29] =	ssyncadd.s32 $0xFFFFFFFF  }
0xb4: {  	_ =	strace $0x9000004E  }
0xb5: {  	_ =	sfence  }
0xb6: {  	s30 =	sld [smem:$0x0];
	_ =	sdelay $0x2  }
0xb7: {  	s31 =	sshll.u32 s1, $0xD;
	s1 =	sshrl.u32 s1, $0x2  }
0xb8: {  	s3 =	sand.u32 $0x4000, s31;
	s1 =	sadd.s32 s1, s30  }
0xb9: {  	s0 =	sor.u32 s3, s0;
	s1 =	sshll.u32 s1, $0x11  }
0xba: {  	s0 =	sor.u32 s1, s0  }
0xbb: {  	s0 =	sadd.s32 $0x8F2B, s0  }
0xbc: {  	[sflag:s0] =	ssyncadd.remote.s32 $0x1  }
0xbd: {  	_ =	sfence.sel $0xFFFF  }
0xbe: {  	[dreg:$0x0] =	wrdreg $0xFFFFFFFF;
	(pc) =	sbr.abs _section_cstart, $3  }
0xbf: {  	[dreg:$0x1] =	wrdreg $0xFFFFFFFF  }
0xc0: {  	_ =	task.clear_ibuf [dreg:s6], $0x2FFFF;
	_ =	strace $0x9FFFFFFF  }
0xc1: {  	(tm) =	ssettm $0x7FFFFFFF  }
tec
execute0_lowered:
.L_overlay_start_1:
0x0: {  	(tag) =	ssettag $0x1  }
0x1: {  	s0 =	rddreg [dreg:$0x0]  }
0x2: {  	s1 =	simm.s32 $0x0;
	s2 =	srdreg.scid;
	s7 =	stileid.u32  }
0x3: {  	s28 =	simm.s32 $0x19A10;
	s18 =	simm.s32 $0x1;
	s19 =	simm.s32 $0x80  }
0x4: {  	s29 =	simm.s32 $0x1B010;
	s30 =	simm.s32 $0x15010;
	s31 =	simm.s32 $0x1B090  }
0x5: {  	s11 =	simm.s32 $0x15C10;
	s12 =	simm.s32 $0x1B210;
	s13 =	simm.s32 $0x16010  }
0x6: {  	s14 =	simm.s32 $0x1B290;
	s15 =	simm.s32 $0x16810;
	[smem:$0x7FF] =	sst s1  }
0x7: {  	s3 =	sadd.s32 $0x4400, s0;
	s4 =	sadd.s32 $0xB6400, s0;
	s5 =	sadd.s32 $0xA6C00, s0  }
0x8: {  	s6 =	sadd.s32 $0xA1C00, s0;
	s2 =	sand.u32 $0x1, s2;
	s21 =	sadd.s32 $0xA6CA0, s0  }
0x9: {  	s10 =	sadd.s32 $0xA1CA0, s0;
	_ =	strace $0x8000004D;
	[dreg:$0x2] =	wrdreg s21  }
0xa: {  	s7 =	sshll.u32 s7, $0x1;
	s23 =	sadd.s32 $0xB64A0, s0;
	[dreg:$0x3] =	wrdreg s10  }
0xb: {  	s8 =	sadd.s32 $0xC0200, s0;
	s24 =	sadd.s32 $0xBB220, s0;
	[dreg:$0x4] =	wrdreg s23  }
0xc: {  	s0 =	sadd.s32 $0xBB2C0, s0;
	s9 =	ssub.s32 $0x2, s2;
	[dreg:$0x6] =	wrdreg s24  }
0xd: {  	v12 =	vlaneseq.u32;
	v4 =	vimm.f32 $0.0e+00;
	s16 =	sor.u32 s2, s7;
	[dreg:$0x7] =	wrdreg s0;
	s21 =	simm.s32 $0x14010  }
0xe: {  	vm0 =	vcmask $0x3F20;
	v0 =	vshrl.u32 v12, $0x3;
	v12 =	vand.u32 $0x7, v12;
	s0 =	simm.s32 $0x15410;
	s10 =	simm.s32 $0x1B190;
	s23 =	simm.s32 $0x0  }
0xf: {  	v1 =	vmul.u32 $0x8, v0;
	v13 =	vmul.u32 $0x2801, v12;
	v14 =	vor.u32 $0x2, v0;
	s20 =	sshrl.u32 s9, $0x1;
	s7 =	smul.u32 $0x2801, s16;
	s17 =	sor.u32 $0x20, s16  }
.Ltmp0:
0x10: {  	v15 =	vor.u32 $0x4, v0;
	v16 =	vor.u32 $0x6, v0;
	v2 =	vmov s16;
	s16 =	simm.s32 $0x3;
	s2 =	ssub.s32 s9, s20;
	(pc) =	sbr.rel .LBB2_1-.Ltmp0, $4  }
0x11: {  	v17 =	vor.u32 $0x8, v0;
	v18 =	vor.u32 $0xA, v0;
	v19 =	vor.u32 $0xC, v0;
	s22 =	smul.u32 $0x2801, s17;
	s9 =	simm.s32 $0x15810;
	s7 =	sadd.s32 s8, s7  }
0x12: {  	v20 =	vor.u32 $0xE, v0;
	v3 =	vmov s17;
	v5 =	vor.u32 $0x70, v1;
	s17 =	simm.s32 $0x4;
	s26 =	smax.u32 s2, $0x1;
	[dreg:$0x5] =	wrdreg s7  }
0x13: {  	v6 =	vor.u32 $0x60, v1;
	v7 =	vor.u32 $0x50, v1;
	v8 =	vor.u32 $0x40, v1;
	s2 =	simm.s32 $0x1B110;
	s25 =	sadd.s32 s8, s22;
	[dreg:$0x9] =	wrdreg s26  }
0x14: {  	v9 =	vor.u32 $0x30, v1;
	v10 =	vor.u32 $0x20, v1;
	v11 =	vor.u32 $0x10, v1;
	s7 =	simm.s32 $0x16410;
	s8 =	simm.s32 $0x2;
	[dreg:$0x8] =	wrdreg s25  }
.LBB2_39:
0x15: {  	s20 =	rddreg [dreg:$0x8];
	s22 =	simm.s32 $0x5  }
0x16: {  	[hbm4b:s20+s1] =	stream.linear.scatter [tilespmem:s1], [sflag:$0x5], $0x14008, $0x38;
	[tilespmem:$0x1B810] =	vst v63  }
0x17: {  	_ =	swait.ge [sflag:s22], $0x14008  }
0x18: {  	s23 =	rddreg [dreg:$0xa]  }
0x19: {  	s26 =	rddreg [dreg:$0x9];
	s23 =	sadd.s32 $0x1, s23  }
0x1a: {  	p0 =	sne.s32 s23, s26  }
.Ltmp1:
0x1b: {  	_ = 	snop;
	(pc) =	sbr.rel @!p0 .LBB2_40-.Ltmp1, $3  }
0x1c: {  	_ =	sdelay $0x1  }
0x1d: {  	[sflag:s22] =	ssyncset.done $0x0  }
0x1e: {  	[sflag:s22] =	ssyncadd.s32 $0xFFFEBFF8  }
.LBB2_1:
0x1f: {  	[dreg:$0xa] =	wrdreg s23  }
0x20: {  	s20 =	simm.s32 $0x0;
	s22 =	simm.s32 $0x0;
	[tilespmem:s1+$0x0] =	vst v4  }
.LBB2_2:
0x21: {  	s20 =	sadd.s32 $0x10, s20  }
0x22: {  	p0 =	slt.u32 s20, $0x14000  }
.Ltmp2:
0x23: {  	_ = 	snop;
	(pc) =	sbr.rel @p0 .LBB2_2-.Ltmp2, $3  }
0x24: {  	_ =	sdelay $0x1  }
0x25: {  	s22 =	sadd.s32 $0x10, s22  }
0x26: {  	[tilespmem:s22+$0x0] =	vst v4  }
0x27: {  	s20 =	simm.s32 $0x0;
	s22 =	simm.s32 $0x19010  }
0x28: {  	[tilespmem:s22], [sflag:$0x1] =	stream.linear.gather [hbm4b:s5+s20], $0x500, $0x38;
	[tilespmem:$0x1B810] =	vst v63  }
0x29: {  	_ = 	snop  }
0x2a: {  	[tilespmem:s28], [sflag:$0x1] =	stream.linear.gather [hbm4b:s6+s20], $0x500, $0x38;
	[tilespmem:$0x1B810] =	vst v63  }
0x2b: {  	s26 =	simm.s32 $0x1A410  }
0x2c: {  	[tilespmem:s26], [sflag:$0x1] =	stream.linear.gather [hbm4b:s4+s20], $0x500, $0x38;
	[tilespmem:$0x1B810] =	vst v63  }
0x2d: {  	_ =	swait.ge [sflag:s18], $0x500  }
0x2e: {  	[sflag:s18] =	ssyncset.done $0x0  }
0x2f: {  	[sflag:s18] =	ssyncadd.s32 $0xFFFFFB00  }
0x30: {  	_ =	swait.ge [sflag:s18], $0x500  }
0x31: {  	[sflag:s18] =	ssyncset.done $0x0  }
0x32: {  	[sflag:s18] =	ssyncadd.s32 $0xFFFFFB00  }
0x33: {  	_ =	swait.ge [sflag:s18], $0x500  }
0x34: {  	[sflag:s18] =	ssyncset.done $0x0  }
0x35: {  	s20 =	simm.s32 $0x0;
	[sflag:s18] =	ssyncadd.s32 $0xFFFFFB00  }
0x36: {  	v21 =	vld [tilespmem:s20+$0x19010]  }
0x37: {  	s22 =	simm.s32 $0x40  }
.LBB2_4:
0x38: {  	p0 =	sne.s32 s22, $0x13C0  }
.Ltmp3:
0x39: {  	_ = 	snop;
	(pc) =	sbr.rel @p0 .LBB2_4-.Ltmp3, $4  }
0x3a: {  	_ = 	snop  }
0x3b: {  	s23 =	sshra.s32 s22, $0x2;
	s22 =	sadd.s32 $0x40, s22;
	v22 =	vshll.u32 v21, $0x6  }
0x3c: {  	v21 =	vld [tilespmem:s23+$0x19010];
	v22 =	vor.u32 v2, v22  }
0x3d: {  	[tilespmem:s20+$0x1AE10] =	vst v22;
	s20 =	smov.u32 s23  }
0x3e: {  	_ =	sdelay $0x2  }
0x3f: {  	v21 =	vshll.u32 v21, $0x6  }
0x40: {  	v21 =	vor.u32 v2, v21  }
0x41: {  	s25 =	simm.s32 $0x1AE10;
	[tilespmem:s20+$0x1AE10] =	vst v21  }
0x42: {  	[tilespmem:s21], [sflag:$0x3] =	stream.indirect.gather [hbm4b:s3+s19], $0x8, s25, s19, $0xb8;
	[tilespmem:$0x1B810] =	vst v63  }
0x43: {  	s26 =	simm.s32 $0x1AE90;
	s22 =	simm.s32 $0x14410  }
0x44: {  	[tilespmem:s22], [sflag:$0x3] =	stream.indirect.gather [hbm4b:s3+s19], $0x8, s26, s19, $0xb8;
	[tilespmem:$0x1B810] =	vst v63  }
0x45: {  	s23 =	simm.s32 $0x14810;
	s22 =	simm.s32 $0x1AF10  }
0x46: {  	[tilespmem:s23], [sflag:$0x3] =	stream.indirect.gather [hbm4b:s3+s19], $0x8, s22, s19, $0xb8;
	[tilespmem:$0x1B810] =	vst v63  }
0x47: {  	s24 =	simm.s32 $0x1AF90;
	s25 =	simm.s32 $0x14C10  }
0x48: {  	[tilespmem:s25], [sflag:$0x3] =	stream.indirect.gather [hbm4b:s3+s19], $0x8, s24, s19, $0xb8;
	[tilespmem:$0x1B810] =	vst v63  }
0x49: {  	_ = 	snop  }
0x4a: {  	[tilespmem:s30], [sflag:$0x3] =	stream.indirect.gather [hbm4b:s3+s19], $0x8, s29, s19, $0xb8;
	[tilespmem:$0x1B810] =	vst v63  }
0x4b: {  	_ = 	snop  }
0x4c: {  	[tilespmem:s0], [sflag:$0x3] =	stream.indirect.gather [hbm4b:s3+s19], $0x8, s31, s19, $0xb8;
	[tilespmem:$0x1B810] =	vst v63  }
0x4d: {  	_ = 	snop  }
0x4e: {  	[tilespmem:s9], [sflag:$0x3] =	stream.indirect.gather [hbm4b:s3+s19], $0x8, s2, s19, $0xb8;
	[tilespmem:$0x1B810] =	vst v63  }
0x4f: {  	_ = 	snop  }
0x50: {  	[tilespmem:s11], [sflag:$0x3] =	stream.indirect.gather [hbm4b:s3+s19], $0x8, s10, s19, $0xb8;
	[tilespmem:$0x1B810] =	vst v63  }
0x51: {  	_ = 	snop  }
0x52: {  	[tilespmem:s13], [sflag:$0x3] =	stream.indirect.gather [hbm4b:s3+s19], $0x8, s12, s19, $0xb8;
	[tilespmem:$0x1B810] =	vst v63  }
0x53: {  	_ = 	snop  }
0x54: {  	[tilespmem:s7], [sflag:$0x3] =	stream.indirect.gather [hbm4b:s3+s19], $0x8, s14, s19, $0xb8;
	[tilespmem:$0x1B810] =	vst v63  }
0x55: {  	s20 =	simm.s32 $0x0;
	s26 =	rddreg [dreg:$0x2];
	s23 =	simm.s32 $0x19510  }
0x56: {  	[tilespmem:s23], [sflag:$0x2] =	stream.linear.gather [hbm4b:s26+s20], $0x500, $0x38;
	[tilespmem:$0x1B810] =	vst v63  }
.Ltmp4:
0x57: {  	_ = 	snop;
	(pc) =	sbr.rel .LBB2_6-.Ltmp4, $4  }
0x58: {  	s24 =	simm.s32 $0x19F10;
	s23 =	rddreg [dreg:$0x3]  }
0x59: {  	[tilespmem:s24], [sflag:$0x2] =	stream.linear.gather [hbm4b:s23+s20], $0x500, $0x38;
	[tilespmem:$0x1B810] =	vst v63  }
0x5a: {  	s25 =	rddreg [dreg:$0x4];
	s26 =	simm.s32 $0x1A910  }
0x5b: {  	[tilespmem:s26], [sflag:$0x2] =	stream.linear.gather [hbm4b:s25+s20], $0x500, $0x38;
	[tilespmem:$0x1B810] =	vst v63  }
.LBB2_19:
0x5c: {  	s20 =	sadd.s32 $0x1, s20  }
.LBB2_6:
0x5d: {  	p0 =	sgt.u32 s20, $0x3D  }
.Ltmp5:
0x5e: {  	_ = 	snop;
	(pc) =	sbr.rel @p0 .LBB2_10-.Ltmp5, $1  }
0x5f: {  	_ =	sdelay $0x3  }
0x60: {  	_ =	swait.ge [sflag:s8], $0x500  }
0x61: {  	[sflag:s8] =	ssyncset.done $0x0  }
0x62: {  	[sflag:s8] =	ssyncadd.s32 $0xFFFFFB00  }
0x63: {  	_ =	swait.ge [sflag:s8], $0x500  }
0x64: {  	[sflag:s8] =	ssyncset.done $0x0  }
0x65: {  	[sflag:s8] =	ssyncadd.s32 $0xFFFFFB00  }
0x66: {  	_ =	swait.ge [sflag:s8], $0x500  }
0x67: {  	[sflag:s8] =	ssyncset.done $0x0  }
0x68: {  	s22 =	simm.s32 $0x0;
	[sflag:s8] =	ssyncadd.s32 $0xFFFFFB00  }
0x69: {  	v21 =	vld [tilespmem:s22+$0x19510]  }
0x6a: {  	s23 =	simm.s32 $0x40  }
.LBB2_8:
0x6b: {  	p1 =	sne.s32 s23, $0x13C0  }
.Ltmp6:
0x6c: {  	_ = 	snop;
	(pc) =	sbr.rel @p1 .LBB2_8-.Ltmp6, $4  }
0x6d: {  	_ = 	snop  }
0x6e: {  	s24 =	sshra.s32 s23, $0x2;
	s23 =	sadd.s32 $0x40, s23;
	v22 =	vshll.u32 v21, $0x6  }
0x6f: {  	v21 =	vld [tilespmem:s24+$0x19510];
	v22 =	vor.u32 v2, v22  }
0x70: {  	[tilespmem:s22+$0x1B310] =	vst v22;
	s22 =	smov.u32 s24  }
0x71: {  	_ =	sdelay $0x2  }
0x72: {  	v21 =	vshll.u32 v21, $0x6  }
0x73: {  	v21 =	vor.u32 v2, v21  }
0x74: {  	s25 =	simm.s32 $0x1B310;
	[tilespmem:s22+$0x1B310] =	vst v21  }
0x75: {  	[tilespmem:s15], [sflag:$0x4] =	stream.indirect.gather [hbm4b:s3+s19], $0x8, s25, s19, $0xb8;
	[tilespmem:$0x1B810] =	vst v63  }
0x76: {  	s26 =	simm.s32 $0x1B390;
	s23 =	simm.s32 $0x16C10  }
0x77: {  	[tilespmem:s23], [sflag:$0x4] =	stream.indirect.gather [hbm4b:s3+s19], $0x8, s26, s19, $0xb8;
	[tilespmem:$0x1B810] =	vst v63  }
0x78: {  	s24 =	simm.s32 $0x17010;
	s23 =	simm.s32 $0x1B410  }
0x79: {  	[tilespmem:s24], [sflag:$0x4] =	stream.indirect.gather [hbm4b:s3+s19], $0x8, s23, s19, $0xb8;
	[tilespmem:$0x1B810] =	vst v63  }
0x7a: {  	s25 =	simm.s32 $0x1B490;
	s26 =	simm.s32 $0x17410  }
0x7b: {  	[tilespmem:s26], [sflag:$0x4] =	stream.indirect.gather [hbm4b:s3+s19], $0x8, s25, s19, $0xb8;
	[tilespmem:$0x1B810] =	vst v63  }
0x7c: {  	s23 =	simm.s32 $0x1B510;
	s24 =	simm.s32 $0x17810  }
0x7d: {  	[tilespmem:s24], [sflag:$0x4] =	stream.indirect.gather [hbm4b:s3+s19], $0x8, s23, s19, $0xb8;
	[tilespmem:$0x1B810] =	vst v63  }
0x7e: {  	s25 =	simm.s32 $0x1B590;
	s26 =	simm.s32 $0x17C10  }
0x7f: {  	[tilespmem:s26], [sflag:$0x4] =	stream.indirect.gather [hbm4b:s3+s19], $0x8, s25, s19, $0xb8;
	[tilespmem:$0x1B810] =	vst v63  }
0x80: {  	s23 =	simm.s32 $0x1B610;
	s24 =	simm.s32 $0x18010  }
0x81: {  	[tilespmem:s24], [sflag:$0x4] =	stream.indirect.gather [hbm4b:s3+s19], $0x8, s23, s19, $0xb8;
	[tilespmem:$0x1B810] =	vst v63  }
0x82: {  	s25 =	simm.s32 $0x1B690;
	s26 =	simm.s32 $0x18410  }
0x83: {  	[tilespmem:s26], [sflag:$0x4] =	stream.indirect.gather [hbm4b:s3+s19], $0x8, s25, s19, $0xb8;
	[tilespmem:$0x1B810] =	vst v63  }
0x84: {  	s23 =	simm.s32 $0x1B710;
	s24 =	simm.s32 $0x18810  }
0x85: {  	[tilespmem:s24], [sflag:$0x4] =	stream.indirect.gather [hbm4b:s3+s19], $0x8, s23, s19, $0xb8;
	[tilespmem:$0x1B810] =	vst v63  }
0x86: {  	s25 =	simm.s32 $0x1B790;
	s26 =	simm.s32 $0x18C10  }
0x87: {  	[tilespmem:s26], [sflag:$0x4] =	stream.indirect.gather [hbm4b:s3+s19], $0x8, s25, s19, $0xb8;
	[tilespmem:$0x1B810] =	vst v63  }
.LBB2_10:
0x88: {  	_ =	swait.ge [sflag:s16], $0x400  }
0x89: {  	[sflag:s16] =	ssyncset.done $0x0  }
0x8a: {  	[sflag:s16] =	ssyncadd.s32 $0xFFFFFC00  }
0x8b: {  	_ =	swait.ge [sflag:s16], $0x400  }
0x8c: {  	[sflag:s16] =	ssyncset.done $0x0  }
0x8d: {  	[sflag:s16] =	ssyncadd.s32 $0xFFFFFC00  }
0x8e: {  	_ =	swait.ge [sflag:s16], $0x400  }
0x8f: {  	[sflag:s16] =	ssyncset.done $0x0  }
0x90: {  	[sflag:s16] =	ssyncadd.s32 $0xFFFFFC00  }
0x91: {  	_ =	swait.ge [sflag:s16], $0x400  }
0x92: {  	[sflag:s16] =	ssyncset.done $0x0  }
0x93: {  	[sflag:s16] =	ssyncadd.s32 $0xFFFFFC00  }
0x94: {  	_ =	swait.ge [sflag:s16], $0x400  }
0x95: {  	[sflag:s16] =	ssyncset.done $0x0  }
0x96: {  	[sflag:s16] =	ssyncadd.s32 $0xFFFFFC00  }
0x97: {  	_ =	swait.ge [sflag:s16], $0x400  }
0x98: {  	[sflag:s16] =	ssyncset.done $0x0  }
0x99: {  	[sflag:s16] =	ssyncadd.s32 $0xFFFFFC00  }
0x9a: {  	_ =	swait.ge [sflag:s16], $0x400  }
0x9b: {  	[sflag:s16] =	ssyncset.done $0x0  }
0x9c: {  	[sflag:s16] =	ssyncadd.s32 $0xFFFFFC00  }
0x9d: {  	_ =	swait.ge [sflag:s16], $0x400  }
0x9e: {  	[sflag:s16] =	ssyncset.done $0x0  }
0x9f: {  	[sflag:s16] =	ssyncadd.s32 $0xFFFFFC00  }
0xa0: {  	_ =	swait.ge [sflag:s16], $0x400  }
0xa1: {  	[sflag:s16] =	ssyncset.done $0x0  }
0xa2: {  	s22 =	simm.s32 $0x0;
	[sflag:s16] =	ssyncadd.s32 $0xFFFFFC00  }
0xa3: {  	v21 =	vmov s22;
	_ =	swait.ge [sflag:s16], $0x400  }
0xa4: {  	v32 =	vshll.u32 v21, $0x3;
	[sflag:s16] =	ssyncset.done $0x0  }
0xa5: {  	s26 =	simm.s32 $0x19A10;
	v21 =	vor.u32 v1, v32;
	[sflag:s16] =	ssyncadd.s32 $0xFFFFFC00  }
0xa6: {  	v21 =	vor.u32 v12, v21;
	v30 =	vld [tilespmem:s26+$0x0];
	_ =	sdelay $0x1  }
0xa7: {  	s23 =	simm.s32 $0x1A410  }
0xa8: {  	v31 =	vld [tilespmem:s23+$0x0];
	_ =	sdelay $0x1  }
0xa9: {  	v21 =	vld.idx.msk [tilespmem:v21+s21+$0x0], $0xffff;
	v22 =	vperm.xlane v30, v0;
	_ =	sdelay $0x1  }
0xaa: {  	v22 =	vadd.s32 v13, v22  }
0xab: {  	v24 =	vor.u32 v11, v32;
	v23 =	vperm.xlane v31, v0  }
0xac: {  	v24 =	vor.u32 v12, v24  }
0xad: {  	v21 =	vmul.f32 v21, v23;
	_ =	sdelay $0x1  }
0xae: {  	[tilespmem:v22+s1+$0x0] =	vst.idx.add.f32.msk $0xff, v21  }
0xaf: {  	[tilespmem:v22+s1+$0x0] =	vst.idx.add.f32.msk vm0, v21  }
0xb0: {  	v22 =	vperm.xlane v30, v14;
	v21 =	vld.idx.msk [tilespmem:v24+s21+$0x0], $0xffff;
	_ =	sdelay $0x1  }
0xb1: {  	v22 =	vadd.s32 v13, v22  }
0xb2: {  	v23 =	vperm.xlane v31, v14;
	v24 =	vor.u32 v10, v32  }
0xb3: {  	s24 =	simm.s32 $0x10;
	v24 =	vor.u32 v12, v24  }
0xb4: {  	s25 =	simm.s32 $0x19A20;
	v25 =	vmov s24;
	v26 =	vmul.f32 v21, v23  }
0xb5: {  	v23 =	vshll.u32 v25, $0x3;
	v21 =	vld [tilespmem:s25+$0x0]  }
0xb6: {  	v25 =	vor.u32 v1, v23;
	[tilespmem:v22+s1+$0x0] =	vst.idx.add.f32.msk $0xff, v26  }
0xb7: {  	v25 =	vor.u32 v12, v25;
	[tilespmem:v22+s1+$0x0] =	vst.idx.add.f32.msk vm0, v26  }
0xb8: {  	v26 =	vperm.xlane v30, v15;
	v24 =	vld.idx.msk [tilespmem:v24+s21+$0x0], $0xffff  }
0xb9: {  	s26 =	simm.s32 $0x1A420  }
0xba: {  	v22 =	vld [tilespmem:s26+$0x0];
	v26 =	vadd.s32 v13, v26  }
0xbb: {  	v27 =	vor.u32 v9, v32;
	v28 =	vperm.xlane v31, v15  }
0xbc: {  	v27 =	vor.u32 v12, v27;
	v29 =	vperm.xlane v21, v0;
	v25 =	vld.idx.msk [tilespmem:v25+s21+$0x0], $0xffff  }
0xbd: {  	v24 =	vmul.f32 v24, v28  }
0xbe: {  	v28 =	vadd.s32 v13, v29  }
0xbf: {  	v29 =	vperm.xlane v22, v0;
	[tilespmem:v26+s1+$0x0] =	vst.idx.add.f32.msk $0xff, v24  }
0xc0: {  	v33 =	vor.u32 v11, v23;
	[tilespmem:v26+s1+$0x0] =	vst.idx.add.f32.msk vm0, v24  }
0xc1: {  	v33 =	vor.u32 v12, v33;
	v24 =	vmul.f32 v25, v29;
	v25 =	vperm.xlane v30, v16;
	v27 =	vld.idx.msk [tilespmem:v27+s21+$0x0], $0xffff;
	_ =	sdelay $0x1  }
0xc2: {  	s23 =	simm.s32 $0x20;
	[tilespmem:v28+s1+$0x0] =	vst.idx.add.f32.msk $0xff, v24;
	v29 =	vadd.s32 v13, v25  }
0xc3: {  	v25 =	vor.u32 v8, v32;
	[tilespmem:v28+s1+$0x0] =	vst.idx.add.f32.msk vm0, v24;
	v24 =	vmov s23;
	v28 =	vperm.xlane v31, v16  }
0xc4: {  	v34 =	vor.u32 v12, v25;
	v26 =	vshll.u32 v24, $0x3  }
0xc5: {  	s24 =	simm.s32 $0x19A30;
	v35 =	vperm.xlane v21, v14;
	v33 =	vld.idx.msk [tilespmem:v33+s21+$0x0], $0xffff;
	v24 =	vor.u32 v1, v26;
	v27 =	vmul.f32 v27, v28  }
0xc6: {  	v25 =	vld [tilespmem:s24+$0x0];
	v28 =	vor.u32 v12, v24  }
0xc7: {  	v35 =	vadd.s32 v13, v35;
	[tilespmem:v29+s1+$0x0] =	vst.idx.add.f32.msk $0xff, v27  }
0xc8: {  	v36 =	vperm.xlane v22, v14;
	[tilespmem:v29+s1+$0x0] =	vst.idx.add.f32.msk vm0, v27;
	v27 =	vor.u32 v10, v23  }
0xc9: {  	v58 =	vperm.xlane v30, v17;
	s25 =	simm.s32 $0x1A430;
	v29 =	vld.idx.msk [tilespmem:v34+s21+$0x0], $0xffff;
	v27 =	vor.u32 v12, v27  }
0xca: {  	v24 =	vld [tilespmem:s25+$0x0];
	v33 =	vmul.f32 v33, v36  }
0xcb: {  	v37 =	vor.u32 v7, v32;
	v34 =	vadd.s32 v13, v58;
	v28 =	vld.idx.msk [tilespmem:v28+s21+$0x0], $0xffff  }
0xcc: {  	v38 =	vperm.xlane v31, v17;
	v59 =	vperm.xlane v25, v0;
	[tilespmem:v35+s1+$0x0] =	vst.idx.add.f32.msk $0xff, v33  }
0xcd: {  	v37 =	vor.u32 v12, v37;
	[tilespmem:v35+s1+$0x0] =	vst.idx.add.f32.msk vm0, v33  }
0xce: {  	v61 =	vperm.xlane v21, v15;
	v60 =	vadd.s32 v13, v59;
	v27 =	vld.idx.msk [tilespmem:v27+s21+$0x0], $0xffff;
	v29 =	vmul.f32 v29, v38  }
0xcf: {  	v39 =	vperm.xlane v24, v0  }
0xd0: {  	v63 =	vor.u32 v11, v26;
	v35 =	vadd.s32 v13, v61;
	[tilespmem:v34+s1+$0x0] =	vst.idx.add.f32.msk $0xff, v29  }
0xd1: {  	v28 =	vmul.f32 v28, v39;
	[tilespmem:v34+s1+$0x0] =	vst.idx.add.f32.msk vm0, v29;
	v29 =	vperm.xlane v22, v15  }
0xd2: {  	v40 =	vperm.xlane v30, v18;
	v62 =	vor.u32 v9, v23;
	v34 =	vor.u32 v12, v63;
	v37 =	vld.idx.msk [tilespmem:v37+s21+$0x0], $0xffff  }
0xd3: {  	v36 =	vor.u32 v12, v62;
	[tilespmem:v60+s1+$0x0] =	vst.idx.add.f32.msk $0xff, v28;
	v27 =	vmul.f32 v27, v29  }
0xd4: {  	[tilespmem:v60+s1+$0x0] =	vst.idx.add.f32.msk vm0, v28;
	v28 =	vadd.s32 v13, v40  }
0xd5: {  	v41 =	vperm.xlane v31, v18;
	s26 =	simm.s32 $0x30;
	[tilespmem:v35+s1+$0x0] =	vst.idx.add.f32.msk $0xff, v27  }
0xd6: {  	v42 =	vmov s26;
	v29 =	vor.u32 v6, v32;
	[tilespmem:v35+s1+$0x0] =	vst.idx.add.f32.msk vm0, v27  }
0xd7: {  	v27 =	vor.u32 v12, v29;
	v29 =	vshll.u32 v42, $0x3;
	v34 =	vld.idx.msk [tilespmem:v34+s21+$0x0], $0xffff;
	v33 =	vmul.f32 v37, v41  }
0xd8: {  	v44 =	vperm.xlane v21, v16;
	v35 =	vld.idx.msk [tilespmem:v36+s21+$0x0], $0xffff;
	v43 =	vor.u32 v1, v29  }
0xd9: {  	v36 =	vor.u32 v12, v43;
	[tilespmem:v28+s1+$0x0] =	vst.idx.add.f32.msk $0xff, v33  }
0xda: {  	s22 =	simm.s32 $0x19A40;
	v45 =	vperm.xlane v25, v14;
	v37 =	vadd.s32 v13, v44;
	[tilespmem:v28+s1+$0x0] =	vst.idx.add.f32.msk vm0, v33  }
0xdb: {  	v46 =	vperm.xlane v22, v16;
	v28 =	vld [tilespmem:s22+$0x0]  }
0xdc: {  	v47 =	vor.u32 v8, v23;
	s23 =	simm.s32 $0x1A440;
	v48 =	vperm.xlane v24, v14;
	v33 =	vadd.s32 v13, v45;
	v40 =	vld.idx.msk [tilespmem:v27+s21+$0x0], $0xffff  }
0xdd: {  	v39 =	vor.u32 v12, v47;
	v41 =	vperm.xlane v30, v19;
	v27 =	vld [tilespmem:s23+$0x0];
	v35 =	vmul.f32 v35, v46  }
0xde: {  	v50 =	vor.u32 v10, v26;
	v36 =	vld.idx.msk [tilespmem:v36+s21+$0x0], $0xffff  }
0xdf: {  	v41 =	vadd.s32 v13, v41;
	v34 =	vmul.f32 v34, v48;
	[tilespmem:v37+s1+$0x0] =	vst.idx.add.f32.msk $0xff, v35  }
0xe0: {  	v32 =	vor.u32 v5, v32;
	v42 =	vperm.xlane v31, v19;
	[tilespmem:v37+s1+$0x0] =	vst.idx.add.f32.msk vm0, v35  }
0xe1: {  	v32 =	vor.u32 v12, v32;
	v49 =	vperm.xlane v28, v0;
	[tilespmem:v33+s1+$0x0] =	vst.idx.add.f32.msk $0xff, v34  }
0xe2: {  	v53 =	vperm.xlane v21, v17;
	v37 =	vor.u32 v12, v50;
	v51 =	vld.idx.msk [tilespmem:v39+s21+$0x0], $0xffff;
	v52 =	vmul.f32 v40, v42  }
0xe3: {  	[tilespmem:v33+s1+$0x0] =	vst.idx.add.f32.msk vm0, v34;
	v35 =	vadd.s32 v13, v49  }
0xe4: {  	v43 =	vperm.xlane v27, v0;
	v40 =	vadd.s32 v13, v53;
	[tilespmem:v41+s1+$0x0] =	vst.idx.add.f32.msk $0xff, v52  }
0xe5: {  	v55 =	vperm.xlane v22, v17;
	[tilespmem:v41+s1+$0x0] =	vst.idx.add.f32.msk vm0, v52  }
0xe6: {  	v54 =	vor.u32 v7, v23;
	v30 =	vperm.xlane v30, v20;
	v36 =	vmul.f32 v36, v43;
	v57 =	vld.idx.msk [tilespmem:v32+s21+$0x0], $0xffff  }
0xe7: {  	v56 =	vor.u32 v12, v54;
	v58 =	vld.idx.msk [tilespmem:v37+s21+$0x0], $0xffff;
	v59 =	vmul.f32 v51, v55  }
0xe8: {  	v60 =	vperm.xlane v25, v15;
	v30 =	vadd.s32 v13, v30;
	[tilespmem:v35+s1+$0x0] =	vst.idx.add.f32.msk $0xff, v36  }
0xe9: {  	v31 =	vperm.xlane v31, v20;
	[tilespmem:v40+s1+$0x0] =	vst.idx.add.f32.msk $0xff, v59  }
0xea: {  	v61 =	vor.u32 v9, v26;
	v34 =	vadd.s32 v13, v60;
	[tilespmem:v35+s1+$0x0] =	vst.idx.add.f32.msk vm0, v36  }
0xeb: {  	v63 =	vperm.xlane v24, v15;
	[tilespmem:v40+s1+$0x0] =	vst.idx.add.f32.msk vm0, v59;
	v31 =	vmul.f32 v57, v31  }
0xec: {  	v62 =	vor.u32 v11, v29;
	v33 =	vperm.xlane v21, v18;
	v35 =	vor.u32 v12, v61;
	v32 =	vld.idx.msk [tilespmem:v56+s21+$0x0], $0xffff  }
0xed: {  	s24 =	simm.s32 $0x40;
	v37 =	vor.u32 v12, v62;
	v36 =	vmul.f32 v58, v63;
	[tilespmem:v30+s1+$0x0] =	vst.idx.add.f32.msk $0xff, v31  }
.LBB2_11:
0xee: {  	p1 =	sne.s32 s24, $0x4F0;
	v33 =	vadd.s32 v13, v33;
	[tilespmem:v30+s1+$0x0] =	vst.idx.add.f32.msk vm0, v31  }
0xef: {  	v30 =	vperm.xlane v22, v18;
	v31 =	vor.u32 v6, v23;
	[tilespmem:v34+s1+$0x0] =	vst.idx.add.f32.msk $0xff, v36  }
0xf0: {  	v38 =	vmov s24;
	v31 =	vor.u32 v12, v31;
	[tilespmem:v34+s1+$0x0] =	vst.idx.add.f32.msk vm0, v36  }
0xf1: {  	v34 =	vshll.u32 v38, $0x3;
	v30 =	vmul.f32 v32, v30;
	v35 =	vld.idx.msk [tilespmem:v35+s21+$0x0], $0xffff  }
0xf2: {  	v32 =	vor.u32 v1, v34;
	v36 =	vld.idx.msk [tilespmem:v37+s21+$0x0], $0xffff;
	v37 =	vperm.xlane v25, v16  }
0xf3: {  	v32 =	vor.u32 v12, v32;
	[tilespmem:v33+s1+$0x0] =	vst.idx.add.f32.msk $0xff, v30  }
0xf4: {  	v37 =	vadd.s32 v13, v37;
	[tilespmem:v33+s1+$0x0] =	vst.idx.add.f32.msk vm0, v30  }
0xf5: {  	s22 =	sadd.s32 $0x10, s22;
	v38 =	vor.u32 v8, v26;
	v30 =	vperm.xlane v28, v14;
	v33 =	vperm.xlane v24, v16;
	v31 =	vld.idx.msk [tilespmem:v31+s21+$0x0], $0xffff  }
0xf6: {  	s23 =	sadd.s32 $0x10, s23;
	v40 =	vperm.xlane v21, v19;
	v38 =	vor.u32 v12, v38;
	v39 =	vld [tilespmem:s22+$0x0]  }
0xf7: {  	v30 =	vadd.s32 v13, v30;
	v33 =	vmul.f32 v35, v33;
	v41 =	vld [tilespmem:s23+$0x0]  }
0xf8: {  	v40 =	vadd.s32 v13, v40;
	v35 =	vperm.xlane v27, v14;
	v32 =	vld.idx.msk [tilespmem:v32+s21+$0x0], $0xffff  }
0xf9: {  	v42 =	vperm.xlane v22, v19;
	v43 =	vor.u32 v5, v23;
	v23 =	vmov v26;
	[tilespmem:v37+s1+$0x0] =	vst.idx.add.f32.msk $0xff, v33  }
0xfa: {  	v26 =	vmov v29;
	v35 =	vmul.f32 v36, v35;
	[tilespmem:v37+s1+$0x0] =	vst.idx.add.f32.msk vm0, v33;
	v33 =	vor.u32 v12, v43  }
0xfb: {  	v43 =	vor.u32 v10, v26;
	v31 =	vmul.f32 v31, v42;
	v36 =	vperm.xlane v39, v0;
	v37 =	vld.idx.msk [tilespmem:v38+s21+$0x0], $0xffff  }
0xfc: {  	v29 =	vmov v34;
	v42 =	vperm.xlane v25, v17;
	v38 =	vor.u32 v12, v43;
	[tilespmem:v30+s1+$0x0] =	vst.idx.add.f32.msk $0xff, v35  }
0xfd: {  	v34 =	vor.u32 v7, v23;
	v36 =	vadd.s32 v13, v36;
	[tilespmem:v40+s1+$0x0] =	vst.idx.add.f32.msk $0xff, v31  }
0xfe: {  	v43 =	vperm.xlane v41, v0;
	v42 =	vadd.s32 v13, v42;
	[tilespmem:v40+s1+$0x0] =	vst.idx.add.f32.msk vm0, v31  }
0xff: {  	v31 =	vperm.xlane v24, v17;
	v40 =	vor.u32 v12, v34;
	v33 =	vld.idx.msk [tilespmem:v33+s21+$0x0], $0xffff  }
0x100: {  	v43 =	vmul.f32 v32, v43;
	[tilespmem:v30+s1+$0x0] =	vst.idx.add.f32.msk vm0, v35;
	v30 =	vperm.xlane v21, v20;
	v21 =	vmov v25  }
0x101: {  	v31 =	vmul.f32 v37, v31;
	v25 =	vmov v28;
	v28 =	vmov v39;
	v38 =	vld.idx.msk [tilespmem:v38+s21+$0x0], $0xffff  }
0x102: {  	v32 =	vperm.xlane v25, v15;
	[tilespmem:v36+s1+$0x0] =	vst.idx.add.f32.msk $0xff, v43;
	v30 =	vadd.s32 v13, v30  }
.Ltmp7:
0x103: {  	v35 =	vperm.xlane v22, v20;
	v22 =	vmovc v24;
	v24 =	vmov v27;
	v27 =	vmov v41;
	[tilespmem:v42+s1+$0x0] =	vst.idx.add.f32.msk $0xff, v31;
	(pc) =	sbr.rel @p1 .LBB2_11-.Ltmp7, $4  }
0x104: {  	v37 =	vor.u32 v9, v26;
	v34 =	vadd.s32 v13, v32;
	[tilespmem:v42+s1+$0x0] =	vst.idx.add.f32.msk vm0, v31  }
0x105: {  	v39 =	vor.u32 v11, v29;
	v41 =	vperm.xlane v24, v15;
	v31 =	vmul.f32 v33, v35;
	v32 =	vld.idx.msk [tilespmem:v40+s21+$0x0], $0xffff  }
0x106: {  	v35 =	vor.u32 v12, v37;
	v33 =	vperm.xlane v21, v18;
	[tilespmem:v36+s1+$0x0] =	vst.idx.add.f32.msk vm0, v43  }
0x107: {  	s24 =	sadd.s32 $0x10, s24;
	v37 =	vor.u32 v12, v39;
	v36 =	vmul.f32 v38, v41;
	[tilespmem:v30+s1+$0x0] =	vst.idx.add.f32.msk $0xff, v31  }
0x108: {  	_ =	sdelay $0x3  }
0x109: {  	v37 =	vld.idx.msk [tilespmem:v37+s21+$0x0], $0xffff;
	v38 =	vperm.xlane v28, v14;
	_ =	sdelay $0x1  }
0x10a: {  	v38 =	vadd.s32 v13, v38  }
0x10b: {  	v39 =	vperm.xlane v27, v14;
	v40 =	vor.u32 v10, v29  }
0x10c: {  	v40 =	vor.u32 v12, v40  }
0x10d: {  	v37 =	vmul.f32 v37, v39;
	_ =	sdelay $0x1  }
0x10e: {  	[tilespmem:v38+s1+$0x0] =	vst.idx.add.f32.msk $0xff, v37  }
0x10f: {  	[tilespmem:v38+s1+$0x0] =	vst.idx.add.f32.msk vm0, v37  }
0x110: {  	v53 =	vperm.xlane v28, v15;
	v37 =	vld.idx.msk [tilespmem:v40+s21+$0x0], $0xffff;
	_ =	sdelay $0x1  }
0x111: {  	v38 =	vadd.s32 v13, v53  }
0x112: {  	v54 =	vor.u32 v9, v29;
	v55 =	vperm.xlane v27, v15  }
0x113: {  	[tilespmem:v34+s1+$0x0] =	vst.idx.add.f32.msk $0xff, v36;
	v39 =	vor.u32 v12, v54  }
0x114: {  	[tilespmem:v34+s1+$0x0] =	vst.idx.add.f32.msk vm0, v36;
	v56 =	vmul.f32 v37, v55  }
0x115: {  	v57 =	vperm.xlane v25, v16;
	v35 =	vld.idx.msk [tilespmem:v35+s21+$0x0], $0xffff  }
0x116: {  	[tilespmem:v38+s1+$0x0] =	vst.idx.add.f32.msk $0xff, v56  }
0x117: {  	v36 =	vadd.s32 v13, v57;
	[tilespmem:v38+s1+$0x0] =	vst.idx.add.f32.msk vm0, v56  }
0x118: {  	v58 =	vperm.xlane v24, v16;
	v59 =	vor.u32 v8, v26;
	v60 =	vperm.xlane v28, v16;
	v38 =	vld.idx.msk [tilespmem:v39+s21+$0x0], $0xffff  }
0x119: {  	v37 =	vor.u32 v12, v59  }
0x11a: {  	v61 =	vadd.s32 v13, v60;
	v34 =	vmul.f32 v35, v58  }
0x11b: {  	v62 =	vperm.xlane v27, v16;
	v63 =	vor.u32 v8, v29  }
0x11c: {  	v40 =	vor.u32 v12, v63;
	[tilespmem:v36+s1+$0x0] =	vst.idx.add.f32.msk $0xff, v34  }
0x11d: {  	[tilespmem:v36+s1+$0x0] =	vst.idx.add.f32.msk vm0, v34;
	v44 =	vmul.f32 v38, v62  }
0x11e: {  	v45 =	vperm.xlane v25, v17;
	v36 =	vld.idx.msk [tilespmem:v37+s21+$0x0], $0xffff  }
0x11f: {  	[tilespmem:v61+s1+$0x0] =	vst.idx.add.f32.msk $0xff, v44  }
0x120: {  	v37 =	vadd.s32 v13, v45;
	[tilespmem:v61+s1+$0x0] =	vst.idx.add.f32.msk vm0, v44  }
0x121: {  	v46 =	vor.u32 v7, v26;
	v47 =	vperm.xlane v24, v17;
	v49 =	vperm.xlane v28, v17;
	v48 =	vld.idx.msk [tilespmem:v40+s21+$0x0], $0xffff  }
0x122: {  	v34 =	vor.u32 v12, v46  }
0x123: {  	v50 =	vadd.s32 v13, v49;
	v35 =	vmul.f32 v36, v47  }
0x124: {  	v51 =	vor.u32 v7, v29;
	v52 =	vperm.xlane v27, v17  }
0x125: {  	v39 =	vor.u32 v12, v51;
	[tilespmem:v37+s1+$0x0] =	vst.idx.add.f32.msk $0xff, v35  }
0x126: {  	v33 =	vadd.s32 v13, v33;
	[tilespmem:v37+s1+$0x0] =	vst.idx.add.f32.msk vm0, v35;
	v53 =	vmul.f32 v48, v52  }
0x127: {  	v54 =	vperm.xlane v22, v18;
	v55 =	vor.u32 v6, v23;
	v56 =	vperm.xlane v25, v18;
	v34 =	vld.idx.msk [tilespmem:v34+s21+$0x0], $0xffff  }
0x128: {  	v38 =	vor.u32 v12, v55;
	[tilespmem:v50+s1+$0x0] =	vst.idx.add.f32.msk $0xff, v53  }
0x129: {  	v32 =	vmul.f32 v32, v54;
	v57 =	vadd.s32 v13, v56;
	[tilespmem:v50+s1+$0x0] =	vst.idx.add.f32.msk vm0, v53  }
0x12a: {  	v60 =	vperm.xlane v28, v18;
	v58 =	vperm.xlane v24, v18;
	v59 =	vor.u32 v6, v26;
	v39 =	vld.idx.msk [tilespmem:v39+s21+$0x0], $0xffff  }
0x12b: {  	[tilespmem:v33+s1+$0x0] =	vst.idx.add.f32.msk $0xff, v32;
	v36 =	vor.u32 v12, v59  }
0x12c: {  	[tilespmem:v33+s1+$0x0] =	vst.idx.add.f32.msk vm0, v32;
	v62 =	vadd.s32 v13, v60;
	v61 =	vmul.f32 v34, v58  }
0x12d: {  	v46 =	vor.u32 v6, v29;
	v45 =	vperm.xlane v27, v18;
	v44 =	vperm.xlane v21, v19;
	v63 =	vld.idx.msk [tilespmem:v38+s21+$0x0], $0xffff  }
0x12e: {  	v40 =	vor.u32 v12, v46;
	[tilespmem:v57+s1+$0x0] =	vst.idx.add.f32.msk $0xff, v61  }
0x12f: {  	v47 =	vadd.s32 v13, v44;
	[tilespmem:v57+s1+$0x0] =	vst.idx.add.f32.msk vm0, v61;
	v48 =	vmul.f32 v39, v45  }
0x130: {  	v49 =	vperm.xlane v22, v19;
	v23 =	vor.u32 v5, v23;
	v50 =	vperm.xlane v25, v19;
	v36 =	vld.idx.msk [tilespmem:v36+s21+$0x0], $0xffff  }
0x131: {  	v23 =	vor.u32 v12, v23;
	[tilespmem:v62+s1+$0x0] =	vst.idx.add.f32.msk $0xff, v48  }
0x132: {  	v34 =	vmul.f32 v63, v49;
	v51 =	vadd.s32 v13, v50;
	[tilespmem:v62+s1+$0x0] =	vst.idx.add.f32.msk vm0, v48  }
0x133: {  	v54 =	vperm.xlane v28, v19;
	v52 =	vperm.xlane v24, v19;
	v53 =	vor.u32 v5, v26;
	v35 =	vld.idx.msk [tilespmem:v40+s21+$0x0], $0xffff  }
0x134: {  	[tilespmem:v47+s1+$0x0] =	vst.idx.add.f32.msk $0xff, v34;
	v26 =	vor.u32 v12, v53  }
0x135: {  	v56 =	vadd.s32 v13, v54;
	[tilespmem:v47+s1+$0x0] =	vst.idx.add.f32.msk vm0, v34;
	v55 =	vmul.f32 v36, v52  }
0x136: {  	v58 =	vor.u32 v5, v29;
	v57 =	vperm.xlane v27, v19;
	v23 =	vld.idx.msk [tilespmem:v23+s21+$0x0], $0xffff  }
0x137: {  	v29 =	vor.u32 v12, v58;
	[tilespmem:v51+s1+$0x0] =	vst.idx.add.f32.msk $0xff, v55  }
0x138: {  	v21 =	vperm.xlane v21, v20;
	[tilespmem:v51+s1+$0x0] =	vst.idx.add.f32.msk vm0, v55;
	v59 =	vmul.f32 v35, v57  }
0x139: {  	v26 =	vld.idx.msk [tilespmem:v26+s21+$0x0], $0xffff  }
0x13a: {  	v60 =	vperm.xlane v25, v20;
	v21 =	vadd.s32 v13, v21;
	[tilespmem:v56+s1+$0x0] =	vst.idx.add.f32.msk $0xff, v59  }
0x13b: {  	v22 =	vperm.xlane v22, v20;
	[tilespmem:v56+s1+$0x0] =	vst.idx.add.f32.msk vm0, v59  }
0x13c: {  	v25 =	vadd.s32 v13, v60;
	v61 =	vperm.xlane v28, v20;
	v29 =	vld.idx.msk [tilespmem:v29+s21+$0x0], $0xffff  }
0x13d: {  	v22 =	vmul.f32 v23, v22;
	v23 =	vperm.xlane v24, v20  }
0x13e: {  	[tilespmem:v30+s1+$0x0] =	vst.idx.add.f32.msk vm0, v31;
	v62 =	vadd.s32 v13, v61  }
0x13f: {  	p1 =	seq.s32 s20, $0x3E;
	v63 =	vperm.xlane v27, v20;
	[tilespmem:v21+s1+$0x0] =	vst.idx.add.f32.msk $0xff, v22;
	v23 =	vmul.f32 v26, v23  }
.Ltmp8:
0x140: {  	[tilespmem:v21+s1+$0x0] =	vst.idx.add.f32.msk vm0, v22;
	(pc) =	sbr.rel @p1 .LBB2_20-.Ltmp8, $4  }
0x141: {  	[tilespmem:v25+s1+$0x0] =	vst.idx.add.f32.msk $0xff, v23;
	v21 =	vmul.f32 v29, v63  }
0x142: {  	[tilespmem:v25+s1+$0x0] =	vst.idx.add.f32.msk vm0, v23  }
0x143: {  	[tilespmem:v62+s1+$0x0] =	vst.idx.add.f32.msk $0xff, v21  }
0x144: {  	[tilespmem:v62+s1+$0x0] =	vst.idx.add.f32.msk vm0, v21  }
0x145: {  	s22 =	smul.u32 $0xA00, s20;
	_ =	sdelay $0x1  }
0x146: {  	s23 =	sshrl.u32 s22, $0x3  }
0x147: {  	s23 =	sadd.s32 $0x140, s23  }
0x148: {  	s25 =	simm.s32 $0x0;
	s26 =	simm.s32 $0x19010;
	s24 =	sadd.s32 s5, s23  }
0x149: {  	[tilespmem:s26], [sflag:$0x1] =	stream.linear.gather [hbm4b:s24+s25], $0x500, $0x38;
	[tilespmem:$0x1B810] =	vst v63  }
0x14a: {  	s26 =	sadd.s32 s6, s23  }
0x14b: {  	[tilespmem:s28], [sflag:$0x1] =	stream.linear.gather [hbm4b:s26+s25], $0x500, $0x38;
	[tilespmem:$0x1B810] =	vst v63  }
0x14c: {  	s23 =	sadd.s32 s4, s23;
	s26 =	simm.s32 $0x1A410  }
0x14d: {  	[tilespmem:s26], [sflag:$0x1] =	stream.linear.gather [hbm4b:s23+s25], $0x500, $0x38;
	[tilespmem:$0x1B810] =	vst v63  }
0x14e: {  	_ =	swait.ge [sflag:s18], $0x500  }
0x14f: {  	[sflag:s18] =	ssyncset.done $0x0  }
0x150: {  	[sflag:s18] =	ssyncadd.s32 $0xFFFFFB00  }
0x151: {  	_ =	swait.ge [sflag:s18], $0x500  }
0x152: {  	[sflag:s18] =	ssyncset.done $0x0  }
0x153: {  	[sflag:s18] =	ssyncadd.s32 $0xFFFFFB00  }
0x154: {  	_ =	swait.ge [sflag:s18], $0x500  }
0x155: {  	[sflag:s18] =	ssyncset.done $0x0  }
0x156: {  	s23 =	simm.s32 $0x0;
	[sflag:s18] =	ssyncadd.s32 $0xFFFFFB00  }
0x157: {  	v21 =	vld [tilespmem:s23+$0x19010]  }
0x158: {  	s24 =	simm.s32 $0x40  }
.LBB2_14:
0x159: {  	p1 =	sne.s32 s24, $0x13C0  }
.Ltmp9:
0x15a: {  	_ = 	snop;
	(pc) =	sbr.rel @p1 .LBB2_14-.Ltmp9, $4  }
0x15b: {  	_ = 	snop  }
0x15c: {  	s25 =	sshra.s32 s24, $0x2;
	s24 =	sadd.s32 $0x40, s24;
	v22 =	vshll.u32 v21, $0x6  }
0x15d: {  	v21 =	vld [tilespmem:s25+$0x19010];
	v22 =	vor.u32 v2, v22  }
0x15e: {  	[tilespmem:s23+$0x1AE10] =	vst v22;
	s23 =	smov.u32 s25  }
0x15f: {  	_ =	sdelay $0x2  }
0x160: {  	v21 =	vshll.u32 v21, $0x6  }
0x161: {  	v21 =	vor.u32 v2, v21  }
0x162: {  	s25 =	simm.s32 $0x1AE10;
	[tilespmem:s23+$0x1AE10] =	vst v21  }
0x163: {  	[tilespmem:s21], [sflag:$0x3] =	stream.indirect.gather [hbm4b:s3+s19], $0x8, s25, s19, $0xb8;
	[tilespmem:$0x1B810] =	vst v63  }
0x164: {  	s26 =	simm.s32 $0x1AE90;
	s24 =	simm.s32 $0x14410  }
0x165: {  	[tilespmem:s24], [sflag:$0x3] =	stream.indirect.gather [hbm4b:s3+s19], $0x8, s26, s19, $0xb8;
	[tilespmem:$0x1B810] =	vst v63  }
0x166: {  	s25 =	simm.s32 $0x1AF10;
	s26 =	simm.s32 $0x14810  }
0x167: {  	[tilespmem:s26], [sflag:$0x3] =	stream.indirect.gather [hbm4b:s3+s19], $0x8, s25, s19, $0xb8;
	[tilespmem:$0x1B810] =	vst v63  }
0x168: {  	s25 =	simm.s32 $0x1AF90;
	s26 =	simm.s32 $0x14C10  }
0x169: {  	[tilespmem:s26], [sflag:$0x3] =	stream.indirect.gather [hbm4b:s3+s19], $0x8, s25, s19, $0xb8;
	[tilespmem:$0x1B810] =	vst v63  }
0x16a: {  	_ = 	snop  }
0x16b: {  	[tilespmem:s30], [sflag:$0x3] =	stream.indirect.gather [hbm4b:s3+s19], $0x8, s29, s19, $0xb8;
	[tilespmem:$0x1B810] =	vst v63  }
0x16c: {  	_ = 	snop  }
0x16d: {  	[tilespmem:s0], [sflag:$0x3] =	stream.indirect.gather [hbm4b:s3+s19], $0x8, s31, s19, $0xb8;
	[tilespmem:$0x1B810] =	vst v63  }
0x16e: {  	_ = 	snop  }
0x16f: {  	[tilespmem:s9], [sflag:$0x3] =	stream.indirect.gather [hbm4b:s3+s19], $0x8, s2, s19, $0xb8;
	[tilespmem:$0x1B810] =	vst v63  }
0x170: {  	_ = 	snop  }
0x171: {  	[tilespmem:s11], [sflag:$0x3] =	stream.indirect.gather [hbm4b:s3+s19], $0x8, s10, s19, $0xb8;
	[tilespmem:$0x1B810] =	vst v63  }
.Ltmp10:
0x172: {  	_ = 	snop;
	(pc) =	sbr.rel @p0 .LBB2_19-.Ltmp10, $4  }
0x173: {  	_ = 	snop  }
0x174: {  	[tilespmem:s13], [sflag:$0x3] =	stream.indirect.gather [hbm4b:s3+s19], $0x8, s12, s19, $0xb8;
	[tilespmem:$0x1B810] =	vst v63  }
0x175: {  	_ = 	snop  }
0x176: {  	[tilespmem:s7], [sflag:$0x3] =	stream.indirect.gather [hbm4b:s3+s19], $0x8, s14, s19, $0xb8;
	[tilespmem:$0x1B810] =	vst v63  }
0x177: {  	_ =	swait.ge [sflag:s17], $0x400  }
0x178: {  	[sflag:s17] =	ssyncset.done $0x0  }
0x179: {  	[sflag:s17] =	ssyncadd.s32 $0xFFFFFC00  }
0x17a: {  	_ =	swait.ge [sflag:s17], $0x400  }
0x17b: {  	[sflag:s17] =	ssyncset.done $0x0  }
0x17c: {  	[sflag:s17] =	ssyncadd.s32 $0xFFFFFC00  }
0x17d: {  	_ =	swait.ge [sflag:s17], $0x400  }
0x17e: {  	[sflag:s17] =	ssyncset.done $0x0  }
0x17f: {  	[sflag:s17] =	ssyncadd.s32 $0xFFFFFC00  }
0x180: {  	_ =	swait.ge [sflag:s17], $0x400  }
0x181: {  	[sflag:s17] =	ssyncset.done $0x0  }
0x182: {  	[sflag:s17] =	ssyncadd.s32 $0xFFFFFC00  }
0x183: {  	_ =	swait.ge [sflag:s17], $0x400  }
0x184: {  	[sflag:s17] =	ssyncset.done $0x0  }
0x185: {  	[sflag:s17] =	ssyncadd.s32 $0xFFFFFC00  }
0x186: {  	_ =	swait.ge [sflag:s17], $0x400  }
0x187: {  	[sflag:s17] =	ssyncset.done $0x0  }
0x188: {  	[sflag:s17] =	ssyncadd.s32 $0xFFFFFC00  }
0x189: {  	_ =	swait.ge [sflag:s17], $0x400  }
0x18a: {  	[sflag:s17] =	ssyncset.done $0x0  }
0x18b: {  	[sflag:s17] =	ssyncadd.s32 $0xFFFFFC00  }
0x18c: {  	_ =	swait.ge [sflag:s17], $0x400  }
0x18d: {  	[sflag:s17] =	ssyncset.done $0x0  }
0x18e: {  	[sflag:s17] =	ssyncadd.s32 $0xFFFFFC00  }
0x18f: {  	_ =	swait.ge [sflag:s17], $0x400  }
0x190: {  	[sflag:s17] =	ssyncset.done $0x0  }
0x191: {  	s23 =	simm.s32 $0x0;
	[sflag:s17] =	ssyncadd.s32 $0xFFFFFC00  }
0x192: {  	v21 =	vmov s23;
	_ =	swait.ge [sflag:s17], $0x400  }
0x193: {  	v32 =	vshll.u32 v21, $0x3;
	[sflag:s17] =	ssyncset.done $0x0  }
0x194: {  	s24 =	simm.s32 $0x19F10;
	v21 =	vor.u32 v1, v32;
	[sflag:s17] =	ssyncadd.s32 $0xFFFFFC00  }
0x195: {  	v21 =	vor.u32 v12, v21;
	v30 =	vld [tilespmem:s24+$0x0];
	_ =	sdelay $0x1  }
0x196: {  	s25 =	simm.s32 $0x1A910  }
0x197: {  	v31 =	vld [tilespmem:s25+$0x0];
	_ =	sdelay $0x1  }
0x198: {  	v21 =	vld.idx.msk [tilespmem:v21+s15+$0x0], $0xffff;
	v22 =	vperm.xlane v30, v0;
	_ =	sdelay $0x1  }
0x199: {  	v22 =	vadd.s32 v13, v22  }
0x19a: {  	v24 =	vor.u32 v11, v32;
	v23 =	vperm.xlane v31, v0  }
0x19b: {  	v24 =	vor.u32 v12, v24  }
0x19c: {  	v21 =	vmul.f32 v21, v23;
	_ =	sdelay $0x1  }
0x19d: {  	[tilespmem:v22+s1+$0x0] =	vst.idx.add.f32.msk $0xff, v21  }
0x19e: {  	[tilespmem:v22+s1+$0x0] =	vst.idx.add.f32.msk vm0, v21  }
0x19f: {  	v22 =	vperm.xlane v30, v14;
	v21 =	vld.idx.msk [tilespmem:v24+s15+$0x0], $0xffff;
	_ =	sdelay $0x1  }
0x1a0: {  	v22 =	vadd.s32 v13, v22  }
0x1a1: {  	v23 =	vperm.xlane v31, v14;
	v24 =	vor.u32 v10, v32  }
0x1a2: {  	s26 =	simm.s32 $0x10;
	v24 =	vor.u32 v12, v24  }
0x1a3: {  	v25 =	vmov s26;
	s24 =	simm.s32 $0x19F20;
	v26 =	vmul.f32 v21, v23  }
0x1a4: {  	v23 =	vshll.u32 v25, $0x3;
	v21 =	vld [tilespmem:s24+$0x0]  }
0x1a5: {  	v25 =	vor.u32 v1, v23;
	[tilespmem:v22+s1+$0x0] =	vst.idx.add.f32.msk $0xff, v26  }
0x1a6: {  	v25 =	vor.u32 v12, v25;
	[tilespmem:v22+s1+$0x0] =	vst.idx.add.f32.msk vm0, v26  }
0x1a7: {  	v26 =	vperm.xlane v30, v15;
	v24 =	vld.idx.msk [tilespmem:v24+s15+$0x0], $0xffff  }
0x1a8: {  	s25 =	simm.s32 $0x1A920  }
0x1a9: {  	v22 =	vld [tilespmem:s25+$0x0];
	v26 =	vadd.s32 v13, v26  }
0x1aa: {  	v27 =	vor.u32 v9, v32;
	v28 =	vperm.xlane v31, v15  }
0x1ab: {  	v27 =	vor.u32 v12, v27;
	v29 =	vperm.xlane v21, v0;
	v25 =	vld.idx.msk [tilespmem:v25+s15+$0x0], $0xffff  }
0x1ac: {  	v24 =	vmul.f32 v24, v28  }
0x1ad: {  	v28 =	vadd.s32 v13, v29  }
0x1ae: {  	v29 =	vperm.xlane v22, v0;
	[tilespmem:v26+s1+$0x0] =	vst.idx.add.f32.msk $0xff, v24  }
0x1af: {  	v33 =	vor.u32 v11, v23;
	[tilespmem:v26+s1+$0x0] =	vst.idx.add.f32.msk vm0, v24  }
0x1b0: {  	v33 =	vor.u32 v12, v33;
	v24 =	vmul.f32 v25, v29;
	v25 =	vperm.xlane v30, v16;
	v27 =	vld.idx.msk [tilespmem:v27+s15+$0x0], $0xffff;
	_ =	sdelay $0x1  }
0x1b1: {  	s26 =	simm.s32 $0x20;
	[tilespmem:v28+s1+$0x0] =	vst.idx.add.f32.msk $0xff, v24;
	v29 =	vadd.s32 v13, v25  }
0x1b2: {  	v25 =	vor.u32 v8, v32;
	[tilespmem:v28+s1+$0x0] =	vst.idx.add.f32.msk vm0, v24;
	v24 =	vmov s26;
	v28 =	vperm.xlane v31, v16  }
0x1b3: {  	v34 =	vor.u32 v12, v25;
	v26 =	vshll.u32 v24, $0x3  }
0x1b4: {  	s24 =	simm.s32 $0x19F30;
	v35 =	vperm.xlane v21, v14;
	v33 =	vld.idx.msk [tilespmem:v33+s15+$0x0], $0xffff;
	v24 =	vor.u32 v1, v26;
	v27 =	vmul.f32 v27, v28  }
0x1b5: {  	v25 =	vld [tilespmem:s24+$0x0];
	v28 =	vor.u32 v12, v24  }
0x1b6: {  	v35 =	vadd.s32 v13, v35;
	[tilespmem:v29+s1+$0x0] =	vst.idx.add.f32.msk $0xff, v27  }
0x1b7: {  	v36 =	vperm.xlane v22, v14;
	[tilespmem:v29+s1+$0x0] =	vst.idx.add.f32.msk vm0, v27;
	v27 =	vor.u32 v10, v23  }
0x1b8: {  	v58 =	vperm.xlane v30, v17;
	s25 =	simm.s32 $0x1A930;
	v29 =	vld.idx.msk [tilespmem:v34+s15+$0x0], $0xffff;
	v27 =	vor.u32 v12, v27  }
0x1b9: {  	v24 =	vld [tilespmem:s25+$0x0];
	v33 =	vmul.f32 v33, v36  }
0x1ba: {  	v37 =	vor.u32 v7, v32;
	v34 =	vadd.s32 v13, v58;
	v28 =	vld.idx.msk [tilespmem:v28+s15+$0x0], $0xffff  }
0x1bb: {  	v38 =	vperm.xlane v31, v17;
	v59 =	vperm.xlane v25, v0;
	[tilespmem:v35+s1+$0x0] =	vst.idx.add.f32.msk $0xff, v33  }
0x1bc: {  	v37 =	vor.u32 v12, v37;
	[tilespmem:v35+s1+$0x0] =	vst.idx.add.f32.msk vm0, v33  }
0x1bd: {  	v61 =	vperm.xlane v21, v15;
	v60 =	vadd.s32 v13, v59;
	v27 =	vld.idx.msk [tilespmem:v27+s15+$0x0], $0xffff;
	v29 =	vmul.f32 v29, v38  }
0x1be: {  	v39 =	vperm.xlane v24, v0  }
0x1bf: {  	v63 =	vor.u32 v11, v26;
	v35 =	vadd.s32 v13, v61;
	[tilespmem:v34+s1+$0x0] =	vst.idx.add.f32.msk $0xff, v29  }
0x1c0: {  	v28 =	vmul.f32 v28, v39;
	[tilespmem:v34+s1+$0x0] =	vst.idx.add.f32.msk vm0, v29;
	v29 =	vperm.xlane v22, v15  }
0x1c1: {  	v40 =	vperm.xlane v30, v18;
	v62 =	vor.u32 v9, v23;
	v34 =	vor.u32 v12, v63;
	v37 =	vld.idx.msk [tilespmem:v37+s15+$0x0], $0xffff  }
0x1c2: {  	v36 =	vor.u32 v12, v62;
	[tilespmem:v60+s1+$0x0] =	vst.idx.add.f32.msk $0xff, v28;
	v27 =	vmul.f32 v27, v29  }
0x1c3: {  	[tilespmem:v60+s1+$0x0] =	vst.idx.add.f32.msk vm0, v28;
	v28 =	vadd.s32 v13, v40  }
0x1c4: {  	v41 =	vperm.xlane v31, v18;
	s26 =	simm.s32 $0x30;
	[tilespmem:v35+s1+$0x0] =	vst.idx.add.f32.msk $0xff, v27  }
0x1c5: {  	v42 =	vmov s26;
	v29 =	vor.u32 v6, v32;
	[tilespmem:v35+s1+$0x0] =	vst.idx.add.f32.msk vm0, v27  }
0x1c6: {  	v27 =	vor.u32 v12, v29;
	v29 =	vshll.u32 v42, $0x3;
	v34 =	vld.idx.msk [tilespmem:v34+s15+$0x0], $0xffff;
	v33 =	vmul.f32 v37, v41  }
0x1c7: {  	v44 =	vperm.xlane v21, v16;
	v35 =	vld.idx.msk [tilespmem:v36+s15+$0x0], $0xffff;
	v43 =	vor.u32 v1, v29  }
0x1c8: {  	v36 =	vor.u32 v12, v43;
	[tilespmem:v28+s1+$0x0] =	vst.idx.add.f32.msk $0xff, v33  }
0x1c9: {  	s23 =	simm.s32 $0x19F40;
	v45 =	vperm.xlane v25, v14;
	v37 =	vadd.s32 v13, v44;
	[tilespmem:v28+s1+$0x0] =	vst.idx.add.f32.msk vm0, v33  }
0x1ca: {  	v46 =	vperm.xlane v22, v16;
	v28 =	vld [tilespmem:s23+$0x0]  }
0x1cb: {  	v47 =	vor.u32 v8, v23;
	s24 =	simm.s32 $0x1A940;
	v48 =	vperm.xlane v24, v14;
	v33 =	vadd.s32 v13, v45;
	v40 =	vld.idx.msk [tilespmem:v27+s15+$0x0], $0xffff  }
0x1cc: {  	v39 =	vor.u32 v12, v47;
	v41 =	vperm.xlane v30, v19;
	v27 =	vld [tilespmem:s24+$0x0];
	v35 =	vmul.f32 v35, v46  }
0x1cd: {  	v50 =	vor.u32 v10, v26;
	v36 =	vld.idx.msk [tilespmem:v36+s15+$0x0], $0xffff  }
0x1ce: {  	v41 =	vadd.s32 v13, v41;
	v34 =	vmul.f32 v34, v48;
	[tilespmem:v37+s1+$0x0] =	vst.idx.add.f32.msk $0xff, v35  }
0x1cf: {  	v32 =	vor.u32 v5, v32;
	v42 =	vperm.xlane v31, v19;
	[tilespmem:v37+s1+$0x0] =	vst.idx.add.f32.msk vm0, v35  }
0x1d0: {  	v32 =	vor.u32 v12, v32;
	v49 =	vperm.xlane v28, v0;
	[tilespmem:v33+s1+$0x0] =	vst.idx.add.f32.msk $0xff, v34  }
0x1d1: {  	v53 =	vperm.xlane v21, v17;
	v37 =	vor.u32 v12, v50;
	v51 =	vld.idx.msk [tilespmem:v39+s15+$0x0], $0xffff;
	v52 =	vmul.f32 v40, v42  }
0x1d2: {  	[tilespmem:v33+s1+$0x0] =	vst.idx.add.f32.msk vm0, v34;
	v35 =	vadd.s32 v13, v49  }
0x1d3: {  	v43 =	vperm.xlane v27, v0;
	v40 =	vadd.s32 v13, v53;
	[tilespmem:v41+s1+$0x0] =	vst.idx.add.f32.msk $0xff, v52  }
0x1d4: {  	v55 =	vperm.xlane v22, v17;
	[tilespmem:v41+s1+$0x0] =	vst.idx.add.f32.msk vm0, v52  }
0x1d5: {  	v54 =	vor.u32 v7, v23;
	v30 =	vperm.xlane v30, v20;
	v36 =	vmul.f32 v36, v43;
	v57 =	vld.idx.msk [tilespmem:v32+s15+$0x0], $0xffff  }
0x1d6: {  	v56 =	vor.u32 v12, v54;
	v58 =	vld.idx.msk [tilespmem:v37+s15+$0x0], $0xffff;
	v59 =	vmul.f32 v51, v55  }
0x1d7: {  	v60 =	vperm.xlane v25, v15;
	v30 =	vadd.s32 v13, v30;
	[tilespmem:v35+s1+$0x0] =	vst.idx.add.f32.msk $0xff, v36  }
0x1d8: {  	v31 =	vperm.xlane v31, v20;
	[tilespmem:v40+s1+$0x0] =	vst.idx.add.f32.msk $0xff, v59  }
0x1d9: {  	v61 =	vor.u32 v9, v26;
	v34 =	vadd.s32 v13, v60;
	[tilespmem:v35+s1+$0x0] =	vst.idx.add.f32.msk vm0, v36  }
0x1da: {  	v63 =	vperm.xlane v24, v15;
	[tilespmem:v40+s1+$0x0] =	vst.idx.add.f32.msk vm0, v59;
	v31 =	vmul.f32 v57, v31  }
0x1db: {  	v62 =	vor.u32 v11, v29;
	v33 =	vperm.xlane v21, v18;
	v35 =	vor.u32 v12, v61;
	v32 =	vld.idx.msk [tilespmem:v56+s15+$0x0], $0xffff  }
0x1dc: {  	s25 =	simm.s32 $0x40;
	v37 =	vor.u32 v12, v62;
	v36 =	vmul.f32 v58, v63;
	[tilespmem:v30+s1+$0x0] =	vst.idx.add.f32.msk $0xff, v31  }
.LBB2_17:
0x1dd: {  	p0 =	sne.s32 s25, $0x4F0;
	v33 =	vadd.s32 v13, v33;
	[tilespmem:v30+s1+$0x0] =	vst.idx.add.f32.msk vm0, v31  }
0x1de: {  	v30 =	vperm.xlane v22, v18;
	v31 =	vor.u32 v6, v23;
	[tilespmem:v34+s1+$0x0] =	vst.idx.add.f32.msk $0xff, v36  }
0x1df: {  	v38 =	vmov s25;
	v31 =	vor.u32 v12, v31;
	[tilespmem:v34+s1+$0x0] =	vst.idx.add.f32.msk vm0, v36  }
0x1e0: {  	v34 =	vshll.u32 v38, $0x3;
	v30 =	vmul.f32 v32, v30;
	v35 =	vld.idx.msk [tilespmem:v35+s15+$0x0], $0xffff  }
0x1e1: {  	v32 =	vor.u32 v1, v34;
	v36 =	vld.idx.msk [tilespmem:v37+s15+$0x0], $0xffff;
	v37 =	vperm.xlane v25, v16  }
0x1e2: {  	v32 =	vor.u32 v12, v32;
	[tilespmem:v33+s1+$0x0] =	vst.idx.add.f32.msk $0xff, v30  }
0x1e3: {  	v37 =	vadd.s32 v13, v37;
	[tilespmem:v33+s1+$0x0] =	vst.idx.add.f32.msk vm0, v30  }
0x1e4: {  	s23 =	sadd.s32 $0x10, s23;
	v38 =	vor.u32 v8, v26;
	v30 =	vperm.xlane v28, v14;
	v33 =	vperm.xlane v24, v16;
	v31 =	vld.idx.msk [tilespmem:v31+s15+$0x0], $0xffff  }
0x1e5: {  	s24 =	sadd.s32 $0x10, s24;
	v40 =	vperm.xlane v21, v19;
	v38 =	vor.u32 v12, v38;
	v39 =	vld [tilespmem:s23+$0x0]  }
0x1e6: {  	v30 =	vadd.s32 v13, v30;
	v33 =	vmul.f32 v35, v33;
	v41 =	vld [tilespmem:s24+$0x0]  }
0x1e7: {  	v40 =	vadd.s32 v13, v40;
	v35 =	vperm.xlane v27, v14;
	v32 =	vld.idx.msk [tilespmem:v32+s15+$0x0], $0xffff  }
0x1e8: {  	v42 =	vperm.xlane v22, v19;
	v43 =	vor.u32 v5, v23;
	v23 =	vmov v26;
	[tilespmem:v37+s1+$0x0] =	vst.idx.add.f32.msk $0xff, v33  }
0x1e9: {  	v26 =	vmov v29;
	v35 =	vmul.f32 v36, v35;
	[tilespmem:v37+s1+$0x0] =	vst.idx.add.f32.msk vm0, v33;
	v33 =	vor.u32 v12, v43  }
0x1ea: {  	v43 =	vor.u32 v10, v26;
	v31 =	vmul.f32 v31, v42;
	v36 =	vperm.xlane v39, v0;
	v37 =	vld.idx.msk [tilespmem:v38+s15+$0x0], $0xffff  }
0x1eb: {  	v29 =	vmov v34;
	v42 =	vperm.xlane v25, v17;
	v38 =	vor.u32 v12, v43;
	[tilespmem:v30+s1+$0x0] =	vst.idx.add.f32.msk $0xff, v35  }
0x1ec: {  	v34 =	vor.u32 v7, v23;
	v36 =	vadd.s32 v13, v36;
	[tilespmem:v40+s1+$0x0] =	vst.idx.add.f32.msk $0xff, v31  }
0x1ed: {  	v43 =	vperm.xlane v41, v0;
	v42 =	vadd.s32 v13, v42;
	[tilespmem:v40+s1+$0x0] =	vst.idx.add.f32.msk vm0, v31  }
0x1ee: {  	v31 =	vperm.xlane v24, v17;
	v40 =	vor.u32 v12, v34;
	v33 =	vld.idx.msk [tilespmem:v33+s15+$0x0], $0xffff  }
0x1ef: {  	v43 =	vmul.f32 v32, v43;
	[tilespmem:v30+s1+$0x0] =	vst.idx.add.f32.msk vm0, v35;
	v30 =	vperm.xlane v21, v20;
	v21 =	vmov v25  }
0x1f0: {  	v31 =	vmul.f32 v37, v31;
	v25 =	vmov v28;
	v28 =	vmov v39;
	v38 =	vld.idx.msk [tilespmem:v38+s15+$0x0], $0xffff  }
0x1f1: {  	v32 =	vperm.xlane v25, v15;
	[tilespmem:v36+s1+$0x0] =	vst.idx.add.f32.msk $0xff, v43;
	v30 =	vadd.s32 v13, v30  }
.Ltmp11:
0x1f2: {  	v35 =	vperm.xlane v22, v20;
	v22 =	vmovc v24;
	v24 =	vmov v27;
	v27 =	vmov v41;
	[tilespmem:v42+s1+$0x0] =	vst.idx.add.f32.msk $0xff, v31;
	(pc) =	sbr.rel @p0 .LBB2_17-.Ltmp11, $4  }
0x1f3: {  	v37 =	vor.u32 v9, v26;
	v34 =	vadd.s32 v13, v32;
	[tilespmem:v42+s1+$0x0] =	vst.idx.add.f32.msk vm0, v31  }
0x1f4: {  	v39 =	vor.u32 v11, v29;
	v41 =	vperm.xlane v24, v15;
	v31 =	vmul.f32 v33, v35;
	v32 =	vld.idx.msk [tilespmem:v40+s15+$0x0], $0xffff  }
0x1f5: {  	v35 =	vor.u32 v12, v37;
	v33 =	vperm.xlane v21, v18;
	[tilespmem:v36+s1+$0x0] =	vst.idx.add.f32.msk vm0, v43  }
0x1f6: {  	s25 =	sadd.s32 $0x10, s25;
	v37 =	vor.u32 v12, v39;
	v36 =	vmul.f32 v38, v41;
	[tilespmem:v30+s1+$0x0] =	vst.idx.add.f32.msk $0xff, v31  }
0x1f7: {  	_ =	sdelay $0x3  }
0x1f8: {  	v37 =	vld.idx.msk [tilespmem:v37+s15+$0x0], $0xffff;
	v38 =	vperm.xlane v28, v14;
	_ =	sdelay $0x1  }
0x1f9: {  	v38 =	vadd.s32 v13, v38  }
0x1fa: {  	v39 =	vperm.xlane v27, v14;
	v40 =	vor.u32 v10, v29  }
0x1fb: {  	v40 =	vor.u32 v12, v40  }
0x1fc: {  	v37 =	vmul.f32 v37, v39;
	_ =	sdelay $0x1  }
0x1fd: {  	[tilespmem:v38+s1+$0x0] =	vst.idx.add.f32.msk $0xff, v37  }
0x1fe: {  	[tilespmem:v38+s1+$0x0] =	vst.idx.add.f32.msk vm0, v37  }
0x1ff: {  	v53 =	vperm.xlane v28, v15;
	v37 =	vld.idx.msk [tilespmem:v40+s15+$0x0], $0xffff;
	_ =	sdelay $0x1  }
0x200: {  	v38 =	vadd.s32 v13, v53  }
0x201: {  	v54 =	vor.u32 v9, v29;
	v55 =	vperm.xlane v27, v15  }
0x202: {  	[tilespmem:v34+s1+$0x0] =	vst.idx.add.f32.msk $0xff, v36;
	v39 =	vor.u32 v12, v54  }
0x203: {  	[tilespmem:v34+s1+$0x0] =	vst.idx.add.f32.msk vm0, v36;
	v56 =	vmul.f32 v37, v55  }
0x204: {  	v57 =	vperm.xlane v25, v16;
	v35 =	vld.idx.msk [tilespmem:v35+s15+$0x0], $0xffff  }
0x205: {  	[tilespmem:v38+s1+$0x0] =	vst.idx.add.f32.msk $0xff, v56  }
0x206: {  	v36 =	vadd.s32 v13, v57;
	[tilespmem:v38+s1+$0x0] =	vst.idx.add.f32.msk vm0, v56  }
0x207: {  	v58 =	vperm.xlane v24, v16;
	v59 =	vor.u32 v8, v26;
	v60 =	vperm.xlane v28, v16;
	v38 =	vld.idx.msk [tilespmem:v39+s15+$0x0], $0xffff  }
0x208: {  	v37 =	vor.u32 v12, v59  }
0x209: {  	v61 =	vadd.s32 v13, v60;
	v34 =	vmul.f32 v35, v58  }
0x20a: {  	v62 =	vperm.xlane v27, v16;
	v63 =	vor.u32 v8, v29  }
0x20b: {  	v40 =	vor.u32 v12, v63;
	[tilespmem:v36+s1+$0x0] =	vst.idx.add.f32.msk $0xff, v34  }
0x20c: {  	[tilespmem:v36+s1+$0x0] =	vst.idx.add.f32.msk vm0, v34;
	v44 =	vmul.f32 v38, v62  }
0x20d: {  	v45 =	vperm.xlane v25, v17;
	v36 =	vld.idx.msk [tilespmem:v37+s15+$0x0], $0xffff  }
0x20e: {  	[tilespmem:v61+s1+$0x0] =	vst.idx.add.f32.msk $0xff, v44  }
0x20f: {  	v37 =	vadd.s32 v13, v45;
	[tilespmem:v61+s1+$0x0] =	vst.idx.add.f32.msk vm0, v44  }
0x210: {  	v46 =	vor.u32 v7, v26;
	v47 =	vperm.xlane v24, v17;
	v49 =	vperm.xlane v28, v17;
	v48 =	vld.idx.msk [tilespmem:v40+s15+$0x0], $0xffff  }
0x211: {  	v34 =	vor.u32 v12, v46  }
0x212: {  	v50 =	vadd.s32 v13, v49;
	v35 =	vmul.f32 v36, v47  }
0x213: {  	v51 =	vor.u32 v7, v29;
	v52 =	vperm.xlane v27, v17  }
0x214: {  	v39 =	vor.u32 v12, v51;
	[tilespmem:v37+s1+$0x0] =	vst.idx.add.f32.msk $0xff, v35  }
0x215: {  	v33 =	vadd.s32 v13, v33;
	[tilespmem:v37+s1+$0x0] =	vst.idx.add.f32.msk vm0, v35;
	v53 =	vmul.f32 v48, v52  }
0x216: {  	v54 =	vperm.xlane v22, v18;
	v55 =	vor.u32 v6, v23;
	v56 =	vperm.xlane v25, v18;
	v34 =	vld.idx.msk [tilespmem:v34+s15+$0x0], $0xffff  }
0x217: {  	v38 =	vor.u32 v12, v55;
	[tilespmem:v50+s1+$0x0] =	vst.idx.add.f32.msk $0xff, v53  }
0x218: {  	v32 =	vmul.f32 v32, v54;
	v57 =	vadd.s32 v13, v56;
	[tilespmem:v50+s1+$0x0] =	vst.idx.add.f32.msk vm0, v53  }
0x219: {  	v60 =	vperm.xlane v28, v18;
	v58 =	vperm.xlane v24, v18;
	v59 =	vor.u32 v6, v26;
	v39 =	vld.idx.msk [tilespmem:v39+s15+$0x0], $0xffff  }
0x21a: {  	[tilespmem:v33+s1+$0x0] =	vst.idx.add.f32.msk $0xff, v32;
	v36 =	vor.u32 v12, v59  }
0x21b: {  	[tilespmem:v33+s1+$0x0] =	vst.idx.add.f32.msk vm0, v32;
	v62 =	vadd.s32 v13, v60;
	v61 =	vmul.f32 v34, v58  }
0x21c: {  	v46 =	vor.u32 v6, v29;
	v45 =	vperm.xlane v27, v18;
	v44 =	vperm.xlane v21, v19;
	v63 =	vld.idx.msk [tilespmem:v38+s15+$0x0], $0xffff  }
0x21d: {  	v40 =	vor.u32 v12, v46;
	[tilespmem:v57+s1+$0x0] =	vst.idx.add.f32.msk $0xff, v61  }
0x21e: {  	v47 =	vadd.s32 v13, v44;
	[tilespmem:v57+s1+$0x0] =	vst.idx.add.f32.msk vm0, v61;
	v48 =	vmul.f32 v39, v45  }
0x21f: {  	v49 =	vperm.xlane v22, v19;
	v23 =	vor.u32 v5, v23;
	v50 =	vperm.xlane v25, v19;
	v36 =	vld.idx.msk [tilespmem:v36+s15+$0x0], $0xffff  }
0x220: {  	v23 =	vor.u32 v12, v23;
	[tilespmem:v62+s1+$0x0] =	vst.idx.add.f32.msk $0xff, v48  }
0x221: {  	v34 =	vmul.f32 v63, v49;
	v51 =	vadd.s32 v13, v50;
	[tilespmem:v62+s1+$0x0] =	vst.idx.add.f32.msk vm0, v48  }
0x222: {  	v54 =	vperm.xlane v28, v19;
	v52 =	vperm.xlane v24, v19;
	v53 =	vor.u32 v5, v26;
	v35 =	vld.idx.msk [tilespmem:v40+s15+$0x0], $0xffff  }
0x223: {  	[tilespmem:v47+s1+$0x0] =	vst.idx.add.f32.msk $0xff, v34;
	v26 =	vor.u32 v12, v53  }
0x224: {  	v56 =	vadd.s32 v13, v54;
	[tilespmem:v47+s1+$0x0] =	vst.idx.add.f32.msk vm0, v34;
	v55 =	vmul.f32 v36, v52  }
0x225: {  	v58 =	vor.u32 v5, v29;
	v57 =	vperm.xlane v27, v19;
	v23 =	vld.idx.msk [tilespmem:v23+s15+$0x0], $0xffff  }
0x226: {  	v29 =	vor.u32 v12, v58;
	[tilespmem:v51+s1+$0x0] =	vst.idx.add.f32.msk $0xff, v55  }
0x227: {  	v21 =	vperm.xlane v21, v20;
	[tilespmem:v51+s1+$0x0] =	vst.idx.add.f32.msk vm0, v55;
	v59 =	vmul.f32 v35, v57  }
0x228: {  	v26 =	vld.idx.msk [tilespmem:v26+s15+$0x0], $0xffff  }
0x229: {  	v60 =	vperm.xlane v25, v20;
	v21 =	vadd.s32 v13, v21;
	[tilespmem:v56+s1+$0x0] =	vst.idx.add.f32.msk $0xff, v59  }
0x22a: {  	v22 =	vperm.xlane v22, v20;
	[tilespmem:v56+s1+$0x0] =	vst.idx.add.f32.msk vm0, v59  }
0x22b: {  	v25 =	vadd.s32 v13, v60;
	v61 =	vperm.xlane v28, v20;
	v29 =	vld.idx.msk [tilespmem:v29+s15+$0x0], $0xffff  }
0x22c: {  	v22 =	vmul.f32 v23, v22;
	v23 =	vperm.xlane v24, v20  }
0x22d: {  	[tilespmem:v30+s1+$0x0] =	vst.idx.add.f32.msk vm0, v31;
	v62 =	vadd.s32 v13, v61  }
0x22e: {  	v63 =	vperm.xlane v27, v20;
	[tilespmem:v21+s1+$0x0] =	vst.idx.add.f32.msk $0xff, v22;
	v23 =	vmul.f32 v26, v23  }
0x22f: {  	[tilespmem:v21+s1+$0x0] =	vst.idx.add.f32.msk vm0, v22  }
0x230: {  	p0 =	seq.s32 s20, $0x3D;
	[tilespmem:v25+s1+$0x0] =	vst.idx.add.f32.msk $0xff, v23;
	v21 =	vmul.f32 v29, v63  }
0x231: {  	s22 =	sshrl.u32 @!p0 s22, $0x3;
	[tilespmem:v25+s1+$0x0] =	vst.idx.add.f32.msk vm0, v23  }
0x232: {  	s22 =	sadd.s32 @!p0 $0x1E0, s22;
	[tilespmem:v62+s1+$0x0] =	vst.idx.add.f32.msk $0xff, v21  }
0x233: {  	s24 =	simm.s32 @!p0 $0x0;
	s25 =	simm.s32 @!p0 $0x19510;
	s23 =	sadd.s32 @!p0 s5, s22;
	[tilespmem:v62+s1+$0x0] =	vst.idx.add.f32.msk vm0, v21  }
0x234: {  	[tilespmem:s25], [sflag:$0x2] =	stream.linear.gather @!p0 [hbm4b:s23+s24], $0x500, $0x38;
	[tilespmem:$0x1B810] =	vst v63  }
.Ltmp12:
0x235: {  	_ = 	snop;
	(pc) =	sbr.rel .LBB2_19-.Ltmp12, $4  }
0x236: {  	s23 =	sadd.s32 @!p0 s6, s22;
	s25 =	simm.s32 @!p0 $0x19F10  }
0x237: {  	[tilespmem:s25], [sflag:$0x2] =	stream.linear.gather @!p0 [hbm4b:s23+s24], $0x500, $0x38;
	[tilespmem:$0x1B810] =	vst v63  }
0x238: {  	s22 =	sadd.s32 @!p0 s4, s22;
	s23 =	simm.s32 @!p0 $0x1A910  }
0x239: {  	[tilespmem:s23], [sflag:$0x2] =	stream.linear.gather @!p0 [hbm4b:s22+s24], $0x500, $0x38;
	[tilespmem:$0x1B810] =	vst v63  }
.LBB2_20:
0x23a: {  	s20 =	simm.s32 $0x0;
	s22 =	rddreg [dreg:$0x5];
	s26 =	simm.s32 $0x5  }
0x23b: {  	[hbm4b:s22+s20] =	stream.linear.scatter [tilespmem:s20], [sflag:$0x5], $0x14008, $0x38;
	[tilespmem:$0x1B810] =	vst v63  }
0x23c: {  	_ =	swait.ge [sflag:s26], $0x14008  }
0x23d: {  	[sflag:s26] =	ssyncset.done $0x0  }
0x23e: {  	[sflag:s26] =	ssyncadd.s32 $0xFFFEBFF8  }
0x23f: {  	s22 =	simm.s32 $0x0;
	[tilespmem:s20+$0x0] =	vst v4  }
.LBB2_21:
0x240: {  	s22 =	sadd.s32 $0x10, s22  }
0x241: {  	p0 =	slt.u32 s22, $0x14000  }
.Ltmp13:
0x242: {  	_ = 	snop;
	(pc) =	sbr.rel @p0 .LBB2_21-.Ltmp13, $3  }
0x243: {  	_ =	sdelay $0x1  }
0x244: {  	s20 =	sadd.s32 $0x10, s20  }
0x245: {  	[tilespmem:s20+$0x0] =	vst v4  }
0x246: {  	s20 =	simm.s32 $0x0;
	s22 =	simm.s32 $0x19010  }
0x247: {  	[tilespmem:s22], [sflag:$0x1] =	stream.linear.gather [hbm4b:s5+s20], $0x500, $0x38;
	[tilespmem:$0x1B810] =	vst v63  }
0x248: {  	_ = 	snop  }
0x249: {  	[tilespmem:s28], [sflag:$0x1] =	stream.linear.gather [hbm4b:s6+s20], $0x500, $0x38;
	[tilespmem:$0x1B810] =	vst v63  }
0x24a: {  	s26 =	rddreg [dreg:$0x6];
	s23 =	simm.s32 $0x1A410  }
0x24b: {  	[tilespmem:s23], [sflag:$0x1] =	stream.linear.gather [hbm4b:s26+s20], $0x500, $0x38;
	[tilespmem:$0x1B810] =	vst v63  }
0x24c: {  	_ =	swait.ge [sflag:s18], $0x500  }
0x24d: {  	[sflag:s18] =	ssyncset.done $0x0  }
0x24e: {  	[sflag:s18] =	ssyncadd.s32 $0xFFFFFB00  }
0x24f: {  	_ =	swait.ge [sflag:s18], $0x500  }
0x250: {  	[sflag:s18] =	ssyncset.done $0x0  }
0x251: {  	[sflag:s18] =	ssyncadd.s32 $0xFFFFFB00  }
0x252: {  	_ =	swait.ge [sflag:s18], $0x500  }
0x253: {  	[sflag:s18] =	ssyncset.done $0x0  }
0x254: {  	s20 =	simm.s32 $0x0;
	[sflag:s18] =	ssyncadd.s32 $0xFFFFFB00  }
0x255: {  	v21 =	vld [tilespmem:s20+$0x19010]  }
0x256: {  	s22 =	simm.s32 $0x40  }
.LBB2_23:
0x257: {  	p0 =	sne.s32 s22, $0x13C0  }
.Ltmp14:
0x258: {  	_ = 	snop;
	(pc) =	sbr.rel @p0 .LBB2_23-.Ltmp14, $4  }
0x259: {  	_ = 	snop  }
0x25a: {  	s23 =	sshra.s32 s22, $0x2;
	s22 =	sadd.s32 $0x40, s22;
	v22 =	vshll.u32 v21, $0x6  }
0x25b: {  	v21 =	vld [tilespmem:s23+$0x19010];
	v22 =	vor.u32 v3, v22  }
0x25c: {  	[tilespmem:s20+$0x1AE10] =	vst v22;
	s20 =	smov.u32 s23  }
0x25d: {  	_ =	sdelay $0x2  }
0x25e: {  	v21 =	vshll.u32 v21, $0x6  }
0x25f: {  	v21 =	vor.u32 v3, v21  }
0x260: {  	s25 =	simm.s32 $0x1AE10;
	[tilespmem:s20+$0x1AE10] =	vst v21  }
0x261: {  	[tilespmem:s21], [sflag:$0x3] =	stream.indirect.gather [hbm4b:s3+s19], $0x8, s25, s19, $0xb8;
	[tilespmem:$0x1B810] =	vst v63  }
0x262: {  	s26 =	simm.s32 $0x1AE90;
	s22 =	simm.s32 $0x14410  }
0x263: {  	[tilespmem:s22], [sflag:$0x3] =	stream.indirect.gather [hbm4b:s3+s19], $0x8, s26, s19, $0xb8;
	[tilespmem:$0x1B810] =	vst v63  }
0x264: {  	s23 =	simm.s32 $0x14810;
	s22 =	simm.s32 $0x1AF10  }
0x265: {  	[tilespmem:s23], [sflag:$0x3] =	stream.indirect.gather [hbm4b:s3+s19], $0x8, s22, s19, $0xb8;
	[tilespmem:$0x1B810] =	vst v63  }
0x266: {  	s24 =	simm.s32 $0x1AF90;
	s25 =	simm.s32 $0x14C10  }
0x267: {  	[tilespmem:s25], [sflag:$0x3] =	stream.indirect.gather [hbm4b:s3+s19], $0x8, s24, s19, $0xb8;
	[tilespmem:$0x1B810] =	vst v63  }
0x268: {  	_ = 	snop  }
0x269: {  	[tilespmem:s30], [sflag:$0x3] =	stream.indirect.gather [hbm4b:s3+s19], $0x8, s29, s19, $0xb8;
	[tilespmem:$0x1B810] =	vst v63  }
0x26a: {  	_ = 	snop  }
0x26b: {  	[tilespmem:s0], [sflag:$0x3] =	stream.indirect.gather [hbm4b:s3+s19], $0x8, s31, s19, $0xb8;
	[tilespmem:$0x1B810] =	vst v63  }
0x26c: {  	_ = 	snop  }
0x26d: {  	[tilespmem:s9], [sflag:$0x3] =	stream.indirect.gather [hbm4b:s3+s19], $0x8, s2, s19, $0xb8;
	[tilespmem:$0x1B810] =	vst v63  }
0x26e: {  	_ = 	snop  }
0x26f: {  	[tilespmem:s11], [sflag:$0x3] =	stream.indirect.gather [hbm4b:s3+s19], $0x8, s10, s19, $0xb8;
	[tilespmem:$0x1B810] =	vst v63  }
0x270: {  	_ = 	snop  }
0x271: {  	[tilespmem:s13], [sflag:$0x3] =	stream.indirect.gather [hbm4b:s3+s19], $0x8, s12, s19, $0xb8;
	[tilespmem:$0x1B810] =	vst v63  }
0x272: {  	_ = 	snop  }
0x273: {  	[tilespmem:s7], [sflag:$0x3] =	stream.indirect.gather [hbm4b:s3+s19], $0x8, s14, s19, $0xb8;
	[tilespmem:$0x1B810] =	vst v63  }
0x274: {  	s20 =	simm.s32 $0x0;
	s26 =	rddreg [dreg:$0x2];
	s23 =	simm.s32 $0x19510  }
0x275: {  	[tilespmem:s23], [sflag:$0x2] =	stream.linear.gather [hbm4b:s26+s20], $0x500, $0x38;
	[tilespmem:$0x1B810] =	vst v63  }
.Ltmp15:
0x276: {  	_ = 	snop;
	(pc) =	sbr.rel .LBB2_25-.Ltmp15, $4  }
0x277: {  	s24 =	simm.s32 $0x19F10;
	s23 =	rddreg [dreg:$0x3]  }
0x278: {  	[tilespmem:s24], [sflag:$0x2] =	stream.linear.gather [hbm4b:s23+s20], $0x500, $0x38;
	[tilespmem:$0x1B810] =	vst v63  }
0x279: {  	s25 =	rddreg [dreg:$0x7];
	s26 =	simm.s32 $0x1A910  }
0x27a: {  	[tilespmem:s26], [sflag:$0x2] =	stream.linear.gather [hbm4b:s25+s20], $0x500, $0x38;
	[tilespmem:$0x1B810] =	vst v63  }
.LBB2_38:
0x27b: {  	s20 =	sadd.s32 $0x1, s20  }
.LBB2_25:
0x27c: {  	p0 =	sgt.u32 s20, $0x3D  }
.Ltmp16:
0x27d: {  	_ = 	snop;
	(pc) =	sbr.rel @p0 .LBB2_29-.Ltmp16, $1  }
0x27e: {  	_ =	sdelay $0x3  }
0x27f: {  	_ =	swait.ge [sflag:s8], $0x500  }
0x280: {  	[sflag:s8] =	ssyncset.done $0x0  }
0x281: {  	[sflag:s8] =	ssyncadd.s32 $0xFFFFFB00  }
0x282: {  	_ =	swait.ge [sflag:s8], $0x500  }
0x283: {  	[sflag:s8] =	ssyncset.done $0x0  }
0x284: {  	[sflag:s8] =	ssyncadd.s32 $0xFFFFFB00  }
0x285: {  	_ =	swait.ge [sflag:s8], $0x500  }
0x286: {  	[sflag:s8] =	ssyncset.done $0x0  }
0x287: {  	s22 =	simm.s32 $0x0;
	[sflag:s8] =	ssyncadd.s32 $0xFFFFFB00  }
0x288: {  	v21 =	vld [tilespmem:s22+$0x19510]  }
0x289: {  	s23 =	simm.s32 $0x40  }
.LBB2_27:
0x28a: {  	p1 =	sne.s32 s23, $0x13C0  }
.Ltmp17:
0x28b: {  	_ = 	snop;
	(pc) =	sbr.rel @p1 .LBB2_27-.Ltmp17, $4  }
0x28c: {  	_ = 	snop  }
0x28d: {  	s24 =	sshra.s32 s23, $0x2;
	s23 =	sadd.s32 $0x40, s23;
	v22 =	vshll.u32 v21, $0x6  }
0x28e: {  	v21 =	vld [tilespmem:s24+$0x19510];
	v22 =	vor.u32 v3, v22  }
0x28f: {  	[tilespmem:s22+$0x1B310] =	vst v22;
	s22 =	smov.u32 s24  }
0x290: {  	_ =	sdelay $0x2  }
0x291: {  	v21 =	vshll.u32 v21, $0x6  }
0x292: {  	v21 =	vor.u32 v3, v21  }
0x293: {  	s25 =	simm.s32 $0x1B310;
	[tilespmem:s22+$0x1B310] =	vst v21  }
0x294: {  	[tilespmem:s15], [sflag:$0x4] =	stream.indirect.gather [hbm4b:s3+s19], $0x8, s25, s19, $0xb8;
	[tilespmem:$0x1B810] =	vst v63  }
0x295: {  	s26 =	simm.s32 $0x1B390;
	s23 =	simm.s32 $0x16C10  }
0x296: {  	[tilespmem:s23], [sflag:$0x4] =	stream.indirect.gather [hbm4b:s3+s19], $0x8, s26, s19, $0xb8;
	[tilespmem:$0x1B810] =	vst v63  }
0x297: {  	s24 =	simm.s32 $0x17010;
	s23 =	simm.s32 $0x1B410  }
0x298: {  	[tilespmem:s24], [sflag:$0x4] =	stream.indirect.gather [hbm4b:s3+s19], $0x8, s23, s19, $0xb8;
	[tilespmem:$0x1B810] =	vst v63  }
0x299: {  	s25 =	simm.s32 $0x1B490;
	s26 =	simm.s32 $0x17410  }
0x29a: {  	[tilespmem:s26], [sflag:$0x4] =	stream.indirect.gather [hbm4b:s3+s19], $0x8, s25, s19, $0xb8;
	[tilespmem:$0x1B810] =	vst v63  }
0x29b: {  	s23 =	simm.s32 $0x1B510;
	s24 =	simm.s32 $0x17810  }
0x29c: {  	[tilespmem:s24], [sflag:$0x4] =	stream.indirect.gather [hbm4b:s3+s19], $0x8, s23, s19, $0xb8;
	[tilespmem:$0x1B810] =	vst v63  }
0x29d: {  	s25 =	simm.s32 $0x1B590;
	s26 =	simm.s32 $0x17C10  }
0x29e: {  	[tilespmem:s26], [sflag:$0x4] =	stream.indirect.gather [hbm4b:s3+s19], $0x8, s25, s19, $0xb8;
	[tilespmem:$0x1B810] =	vst v63  }
0x29f: {  	s23 =	simm.s32 $0x1B610;
	s24 =	simm.s32 $0x18010  }
0x2a0: {  	[tilespmem:s24], [sflag:$0x4] =	stream.indirect.gather [hbm4b:s3+s19], $0x8, s23, s19, $0xb8;
	[tilespmem:$0x1B810] =	vst v63  }
0x2a1: {  	s25 =	simm.s32 $0x1B690;
	s26 =	simm.s32 $0x18410  }
0x2a2: {  	[tilespmem:s26], [sflag:$0x4] =	stream.indirect.gather [hbm4b:s3+s19], $0x8, s25, s19, $0xb8;
	[tilespmem:$0x1B810] =	vst v63  }
0x2a3: {  	s23 =	simm.s32 $0x1B710;
	s24 =	simm.s32 $0x18810  }
0x2a4: {  	[tilespmem:s24], [sflag:$0x4] =	stream.indirect.gather [hbm4b:s3+s19], $0x8, s23, s19, $0xb8;
	[tilespmem:$0x1B810] =	vst v63  }
0x2a5: {  	s25 =	simm.s32 $0x1B790;
	s26 =	simm.s32 $0x18C10  }
0x2a6: {  	[tilespmem:s26], [sflag:$0x4] =	stream.indirect.gather [hbm4b:s3+s19], $0x8, s25, s19, $0xb8;
	[tilespmem:$0x1B810] =	vst v63  }
.LBB2_29:
0x2a7: {  	_ =	swait.ge [sflag:s16], $0x400  }
0x2a8: {  	[sflag:s16] =	ssyncset.done $0x0  }
0x2a9: {  	[sflag:s16] =	ssyncadd.s32 $0xFFFFFC00  }
0x2aa: {  	_ =	swait.ge [sflag:s16], $0x400  }
0x2ab: {  	[sflag:s16] =	ssyncset.done $0x0  }
0x2ac: {  	[sflag:s16] =	ssyncadd.s32 $0xFFFFFC00  }
0x2ad: {  	_ =	swait.ge [sflag:s16], $0x400  }
0x2ae: {  	[sflag:s16] =	ssyncset.done $0x0  }
0x2af: {  	[sflag:s16] =	ssyncadd.s32 $0xFFFFFC00  }
0x2b0: {  	_ =	swait.ge [sflag:s16], $0x400  }
0x2b1: {  	[sflag:s16] =	ssyncset.done $0x0  }
0x2b2: {  	[sflag:s16] =	ssyncadd.s32 $0xFFFFFC00  }
0x2b3: {  	_ =	swait.ge [sflag:s16], $0x400  }
0x2b4: {  	[sflag:s16] =	ssyncset.done $0x0  }
0x2b5: {  	[sflag:s16] =	ssyncadd.s32 $0xFFFFFC00  }
0x2b6: {  	_ =	swait.ge [sflag:s16], $0x400  }
0x2b7: {  	[sflag:s16] =	ssyncset.done $0x0  }
0x2b8: {  	[sflag:s16] =	ssyncadd.s32 $0xFFFFFC00  }
0x2b9: {  	_ =	swait.ge [sflag:s16], $0x400  }
0x2ba: {  	[sflag:s16] =	ssyncset.done $0x0  }
0x2bb: {  	[sflag:s16] =	ssyncadd.s32 $0xFFFFFC00  }
0x2bc: {  	_ =	swait.ge [sflag:s16], $0x400  }
0x2bd: {  	[sflag:s16] =	ssyncset.done $0x0  }
0x2be: {  	[sflag:s16] =	ssyncadd.s32 $0xFFFFFC00  }
0x2bf: {  	_ =	swait.ge [sflag:s16], $0x400  }
0x2c0: {  	[sflag:s16] =	ssyncset.done $0x0  }
0x2c1: {  	s22 =	simm.s32 $0x0;
	[sflag:s16] =	ssyncadd.s32 $0xFFFFFC00  }
0x2c2: {  	v21 =	vmov s22;
	_ =	swait.ge [sflag:s16], $0x400  }
0x2c3: {  	v32 =	vshll.u32 v21, $0x3;
	[sflag:s16] =	ssyncset.done $0x0  }
0x2c4: {  	s26 =	simm.s32 $0x19A10;
	v21 =	vor.u32 v1, v32;
	[sflag:s16] =	ssyncadd.s32 $0xFFFFFC00  }
0x2c5: {  	v21 =	vor.u32 v12, v21;
	v30 =	vld [tilespmem:s26+$0x0];
	_ =	sdelay $0x1  }
0x2c6: {  	s23 =	simm.s32 $0x1A410  }
0x2c7: {  	v31 =	vld [tilespmem:s23+$0x0];
	_ =	sdelay $0x1  }
0x2c8: {  	v21 =	vld.idx.msk [tilespmem:v21+s21+$0x0], $0xffff;
	v22 =	vperm.xlane v30, v0;
	_ =	sdelay $0x1  }
0x2c9: {  	v22 =	vadd.s32 v13, v22  }
0x2ca: {  	v24 =	vor.u32 v11, v32;
	v23 =	vperm.xlane v31, v0  }
0x2cb: {  	v24 =	vor.u32 v12, v24  }
0x2cc: {  	v21 =	vmul.f32 v21, v23;
	_ =	sdelay $0x1  }
0x2cd: {  	[tilespmem:v22+s1+$0x0] =	vst.idx.add.f32.msk $0xff, v21  }
0x2ce: {  	[tilespmem:v22+s1+$0x0] =	vst.idx.add.f32.msk vm0, v21  }
0x2cf: {  	v22 =	vperm.xlane v30, v14;
	v21 =	vld.idx.msk [tilespmem:v24+s21+$0x0], $0xffff;
	_ =	sdelay $0x1  }
0x2d0: {  	v22 =	vadd.s32 v13, v22  }
0x2d1: {  	v23 =	vperm.xlane v31, v14;
	v24 =	vor.u32 v10, v32  }
0x2d2: {  	s24 =	simm.s32 $0x10;
	v24 =	vor.u32 v12, v24  }
0x2d3: {  	s25 =	simm.s32 $0x19A20;
	v25 =	vmov s24;
	v26 =	vmul.f32 v21, v23  }
0x2d4: {  	v23 =	vshll.u32 v25, $0x3;
	v21 =	vld [tilespmem:s25+$0x0]  }
0x2d5: {  	v25 =	vor.u32 v1, v23;
	[tilespmem:v22+s1+$0x0] =	vst.idx.add.f32.msk $0xff, v26  }
0x2d6: {  	v25 =	vor.u32 v12, v25;
	[tilespmem:v22+s1+$0x0] =	vst.idx.add.f32.msk vm0, v26  }
0x2d7: {  	v26 =	vperm.xlane v30, v15;
	v24 =	vld.idx.msk [tilespmem:v24+s21+$0x0], $0xffff  }
0x2d8: {  	s26 =	simm.s32 $0x1A420  }
0x2d9: {  	v22 =	vld [tilespmem:s26+$0x0];
	v26 =	vadd.s32 v13, v26  }
0x2da: {  	v27 =	vor.u32 v9, v32;
	v28 =	vperm.xlane v31, v15  }
0x2db: {  	v27 =	vor.u32 v12, v27;
	v29 =	vperm.xlane v21, v0;
	v25 =	vld.idx.msk [tilespmem:v25+s21+$0x0], $0xffff  }
0x2dc: {  	v24 =	vmul.f32 v24, v28  }
0x2dd: {  	v28 =	vadd.s32 v13, v29  }
0x2de: {  	v29 =	vperm.xlane v22, v0;
	[tilespmem:v26+s1+$0x0] =	vst.idx.add.f32.msk $0xff, v24  }
0x2df: {  	v33 =	vor.u32 v11, v23;
	[tilespmem:v26+s1+$0x0] =	vst.idx.add.f32.msk vm0, v24  }
0x2e0: {  	v33 =	vor.u32 v12, v33;
	v24 =	vmul.f32 v25, v29;
	v25 =	vperm.xlane v30, v16;
	v27 =	vld.idx.msk [tilespmem:v27+s21+$0x0], $0xffff;
	_ =	sdelay $0x1  }
0x2e1: {  	s23 =	simm.s32 $0x20;
	[tilespmem:v28+s1+$0x0] =	vst.idx.add.f32.msk $0xff, v24;
	v29 =	vadd.s32 v13, v25  }
0x2e2: {  	v25 =	vor.u32 v8, v32;
	[tilespmem:v28+s1+$0x0] =	vst.idx.add.f32.msk vm0, v24;
	v24 =	vmov s23;
	v28 =	vperm.xlane v31, v16  }
0x2e3: {  	v34 =	vor.u32 v12, v25;
	v26 =	vshll.u32 v24, $0x3  }
0x2e4: {  	s24 =	simm.s32 $0x19A30;
	v35 =	vperm.xlane v21, v14;
	v33 =	vld.idx.msk [tilespmem:v33+s21+$0x0], $0xffff;
	v24 =	vor.u32 v1, v26;
	v27 =	vmul.f32 v27, v28  }
0x2e5: {  	v25 =	vld [tilespmem:s24+$0x0];
	v28 =	vor.u32 v12, v24  }
0x2e6: {  	v35 =	vadd.s32 v13, v35;
	[tilespmem:v29+s1+$0x0] =	vst.idx.add.f32.msk $0xff, v27  }
0x2e7: {  	v36 =	vperm.xlane v22, v14;
	[tilespmem:v29+s1+$0x0] =	vst.idx.add.f32.msk vm0, v27;
	v27 =	vor.u32 v10, v23  }
0x2e8: {  	v58 =	vperm.xlane v30, v17;
	s25 =	simm.s32 $0x1A430;
	v29 =	vld.idx.msk [tilespmem:v34+s21+$0x0], $0xffff;
	v27 =	vor.u32 v12, v27  }
0x2e9: {  	v24 =	vld [tilespmem:s25+$0x0];
	v33 =	vmul.f32 v33, v36  }
0x2ea: {  	v37 =	vor.u32 v7, v32;
	v34 =	vadd.s32 v13, v58;
	v28 =	vld.idx.msk [tilespmem:v28+s21+$0x0], $0xffff  }
0x2eb: {  	v38 =	vperm.xlane v31, v17;
	v59 =	vperm.xlane v25, v0;
	[tilespmem:v35+s1+$0x0] =	vst.idx.add.f32.msk $0xff, v33  }
0x2ec: {  	v37 =	vor.u32 v12, v37;
	[tilespmem:v35+s1+$0x0] =	vst.idx.add.f32.msk vm0, v33  }
0x2ed: {  	v61 =	vperm.xlane v21, v15;
	v60 =	vadd.s32 v13, v59;
	v27 =	vld.idx.msk [tilespmem:v27+s21+$0x0], $0xffff;
	v29 =	vmul.f32 v29, v38  }
0x2ee: {  	v39 =	vperm.xlane v24, v0  }
0x2ef: {  	v63 =	vor.u32 v11, v26;
	v35 =	vadd.s32 v13, v61;
	[tilespmem:v34+s1+$0x0] =	vst.idx.add.f32.msk $0xff, v29  }
0x2f0: {  	v28 =	vmul.f32 v28, v39;
	[tilespmem:v34+s1+$0x0] =	vst.idx.add.f32.msk vm0, v29;
	v29 =	vperm.xlane v22, v15  }
0x2f1: {  	v40 =	vperm.xlane v30, v18;
	v62 =	vor.u32 v9, v23;
	v34 =	vor.u32 v12, v63;
	v37 =	vld.idx.msk [tilespmem:v37+s21+$0x0], $0xffff  }
0x2f2: {  	v36 =	vor.u32 v12, v62;
	[tilespmem:v60+s1+$0x0] =	vst.idx.add.f32.msk $0xff, v28;
	v27 =	vmul.f32 v27, v29  }
0x2f3: {  	[tilespmem:v60+s1+$0x0] =	vst.idx.add.f32.msk vm0, v28;
	v28 =	vadd.s32 v13, v40  }
0x2f4: {  	v41 =	vperm.xlane v31, v18;
	s26 =	simm.s32 $0x30;
	[tilespmem:v35+s1+$0x0] =	vst.idx.add.f32.msk $0xff, v27  }
0x2f5: {  	v42 =	vmov s26;
	v29 =	vor.u32 v6, v32;
	[tilespmem:v35+s1+$0x0] =	vst.idx.add.f32.msk vm0, v27  }
0x2f6: {  	v27 =	vor.u32 v12, v29;
	v29 =	vshll.u32 v42, $0x3;
	v34 =	vld.idx.msk [tilespmem:v34+s21+$0x0], $0xffff;
	v33 =	vmul.f32 v37, v41  }
0x2f7: {  	v44 =	vperm.xlane v21, v16;
	v35 =	vld.idx.msk [tilespmem:v36+s21+$0x0], $0xffff;
	v43 =	vor.u32 v1, v29  }
0x2f8: {  	v36 =	vor.u32 v12, v43;
	[tilespmem:v28+s1+$0x0] =	vst.idx.add.f32.msk $0xff, v33  }
0x2f9: {  	s22 =	simm.s32 $0x19A40;
	v45 =	vperm.xlane v25, v14;
	v37 =	vadd.s32 v13, v44;
	[tilespmem:v28+s1+$0x0] =	vst.idx.add.f32.msk vm0, v33  }
0x2fa: {  	v46 =	vperm.xlane v22, v16;
	v28 =	vld [tilespmem:s22+$0x0]  }
0x2fb: {  	v47 =	vor.u32 v8, v23;
	s23 =	simm.s32 $0x1A440;
	v48 =	vperm.xlane v24, v14;
	v33 =	vadd.s32 v13, v45;
	v40 =	vld.idx.msk [tilespmem:v27+s21+$0x0], $0xffff  }
0x2fc: {  	v39 =	vor.u32 v12, v47;
	v41 =	vperm.xlane v30, v19;
	v27 =	vld [tilespmem:s23+$0x0];
	v35 =	vmul.f32 v35, v46  }
0x2fd: {  	v50 =	vor.u32 v10, v26;
	v36 =	vld.idx.msk [tilespmem:v36+s21+$0x0], $0xffff  }
0x2fe: {  	v41 =	vadd.s32 v13, v41;
	v34 =	vmul.f32 v34, v48;
	[tilespmem:v37+s1+$0x0] =	vst.idx.add.f32.msk $0xff, v35  }
0x2ff: {  	v32 =	vor.u32 v5, v32;
	v42 =	vperm.xlane v31, v19;
	[tilespmem:v37+s1+$0x0] =	vst.idx.add.f32.msk vm0, v35  }
0x300: {  	v32 =	vor.u32 v12, v32;
	v49 =	vperm.xlane v28, v0;
	[tilespmem:v33+s1+$0x0] =	vst.idx.add.f32.msk $0xff, v34  }
0x301: {  	v53 =	vperm.xlane v21, v17;
	v37 =	vor.u32 v12, v50;
	v51 =	vld.idx.msk [tilespmem:v39+s21+$0x0], $0xffff;
	v52 =	vmul.f32 v40, v42  }
0x302: {  	[tilespmem:v33+s1+$0x0] =	vst.idx.add.f32.msk vm0, v34;
	v35 =	vadd.s32 v13, v49  }
0x303: {  	v43 =	vperm.xlane v27, v0;
	v40 =	vadd.s32 v13, v53;
	[tilespmem:v41+s1+$0x0] =	vst.idx.add.f32.msk $0xff, v52  }
0x304: {  	v55 =	vperm.xlane v22, v17;
	[tilespmem:v41+s1+$0x0] =	vst.idx.add.f32.msk vm0, v52  }
0x305: {  	v54 =	vor.u32 v7, v23;
	v30 =	vperm.xlane v30, v20;
	v36 =	vmul.f32 v36, v43;
	v57 =	vld.idx.msk [tilespmem:v32+s21+$0x0], $0xffff  }
0x306: {  	v56 =	vor.u32 v12, v54;
	v58 =	vld.idx.msk [tilespmem:v37+s21+$0x0], $0xffff;
	v59 =	vmul.f32 v51, v55  }
0x307: {  	v60 =	vperm.xlane v25, v15;
	v30 =	vadd.s32 v13, v30;
	[tilespmem:v35+s1+$0x0] =	vst.idx.add.f32.msk $0xff, v36  }
0x308: {  	v31 =	vperm.xlane v31, v20;
	[tilespmem:v40+s1+$0x0] =	vst.idx.add.f32.msk $0xff, v59  }
0x309: {  	v61 =	vor.u32 v9, v26;
	v34 =	vadd.s32 v13, v60;
	[tilespmem:v35+s1+$0x0] =	vst.idx.add.f32.msk vm0, v36  }
0x30a: {  	v63 =	vperm.xlane v24, v15;
	[tilespmem:v40+s1+$0x0] =	vst.idx.add.f32.msk vm0, v59;
	v31 =	vmul.f32 v57, v31  }
0x30b: {  	v62 =	vor.u32 v11, v29;
	v33 =	vperm.xlane v21, v18;
	v35 =	vor.u32 v12, v61;
	v32 =	vld.idx.msk [tilespmem:v56+s21+$0x0], $0xffff  }
0x30c: {  	s24 =	simm.s32 $0x40;
	v37 =	vor.u32 v12, v62;
	v36 =	vmul.f32 v58, v63;
	[tilespmem:v30+s1+$0x0] =	vst.idx.add.f32.msk $0xff, v31  }
.LBB2_30:
0x30d: {  	p1 =	sne.s32 s24, $0x4F0;
	v33 =	vadd.s32 v13, v33;
	[tilespmem:v30+s1+$0x0] =	vst.idx.add.f32.msk vm0, v31  }
0x30e: {  	v30 =	vperm.xlane v22, v18;
	v31 =	vor.u32 v6, v23;
	[tilespmem:v34+s1+$0x0] =	vst.idx.add.f32.msk $0xff, v36  }
0x30f: {  	v38 =	vmov s24;
	v31 =	vor.u32 v12, v31;
	[tilespmem:v34+s1+$0x0] =	vst.idx.add.f32.msk vm0, v36  }
0x310: {  	v34 =	vshll.u32 v38, $0x3;
	v30 =	vmul.f32 v32, v30;
	v35 =	vld.idx.msk [tilespmem:v35+s21+$0x0], $0xffff  }
0x311: {  	v32 =	vor.u32 v1, v34;
	v36 =	vld.idx.msk [tilespmem:v37+s21+$0x0], $0xffff;
	v37 =	vperm.xlane v25, v16  }
0x312: {  	v32 =	vor.u32 v12, v32;
	[tilespmem:v33+s1+$0x0] =	vst.idx.add.f32.msk $0xff, v30  }
0x313: {  	v37 =	vadd.s32 v13, v37;
	[tilespmem:v33+s1+$0x0] =	vst.idx.add.f32.msk vm0, v30  }
0x314: {  	s22 =	sadd.s32 $0x10, s22;
	v38 =	vor.u32 v8, v26;
	v30 =	vperm.xlane v28, v14;
	v33 =	vperm.xlane v24, v16;
	v31 =	vld.idx.msk [tilespmem:v31+s21+$0x0], $0xffff  }
0x315: {  	s23 =	sadd.s32 $0x10, s23;
	v40 =	vperm.xlane v21, v19;
	v38 =	vor.u32 v12, v38;
	v39 =	vld [tilespmem:s22+$0x0]  }
0x316: {  	v30 =	vadd.s32 v13, v30;
	v33 =	vmul.f32 v35, v33;
	v41 =	vld [tilespmem:s23+$0x0]  }
0x317: {  	v40 =	vadd.s32 v13, v40;
	v35 =	vperm.xlane v27, v14;
	v32 =	vld.idx.msk [tilespmem:v32+s21+$0x0], $0xffff  }
0x318: {  	v42 =	vperm.xlane v22, v19;
	v43 =	vor.u32 v5, v23;
	v23 =	vmov v26;
	[tilespmem:v37+s1+$0x0] =	vst.idx.add.f32.msk $0xff, v33  }
0x319: {  	v26 =	vmov v29;
	v35 =	vmul.f32 v36, v35;
	[tilespmem:v37+s1+$0x0] =	vst.idx.add.f32.msk vm0, v33;
	v33 =	vor.u32 v12, v43  }
0x31a: {  	v43 =	vor.u32 v10, v26;
	v31 =	vmul.f32 v31, v42;
	v36 =	vperm.xlane v39, v0;
	v37 =	vld.idx.msk [tilespmem:v38+s21+$0x0], $0xffff  }
0x31b: {  	v29 =	vmov v34;
	v42 =	vperm.xlane v25, v17;
	v38 =	vor.u32 v12, v43;
	[tilespmem:v30+s1+$0x0] =	vst.idx.add.f32.msk $0xff, v35  }
0x31c: {  	v34 =	vor.u32 v7, v23;
	v36 =	vadd.s32 v13, v36;
	[tilespmem:v40+s1+$0x0] =	vst.idx.add.f32.msk $0xff, v31  }
0x31d: {  	v43 =	vperm.xlane v41, v0;
	v42 =	vadd.s32 v13, v42;
	[tilespmem:v40+s1+$0x0] =	vst.idx.add.f32.msk vm0, v31  }
0x31e: {  	v31 =	vperm.xlane v24, v17;
	v40 =	vor.u32 v12, v34;
	v33 =	vld.idx.msk [tilespmem:v33+s21+$0x0], $0xffff  }
0x31f: {  	v43 =	vmul.f32 v32, v43;
	[tilespmem:v30+s1+$0x0] =	vst.idx.add.f32.msk vm0, v35;
	v30 =	vperm.xlane v21, v20;
	v21 =	vmov v25  }
0x320: {  	v31 =	vmul.f32 v37, v31;
	v25 =	vmov v28;
	v28 =	vmov v39;
	v38 =	vld.idx.msk [tilespmem:v38+s21+$0x0], $0xffff  }
0x321: {  	v32 =	vperm.xlane v25, v15;
	[tilespmem:v36+s1+$0x0] =	vst.idx.add.f32.msk $0xff, v43;
	v30 =	vadd.s32 v13, v30  }
.Ltmp18:
0x322: {  	v35 =	vperm.xlane v22, v20;
	v22 =	vmovc v24;
	v24 =	vmov v27;
	v27 =	vmov v41;
	[tilespmem:v42+s1+$0x0] =	vst.idx.add.f32.msk $0xff, v31;
	(pc) =	sbr.rel @p1 .LBB2_30-.Ltmp18, $4  }
0x323: {  	v37 =	vor.u32 v9, v26;
	v34 =	vadd.s32 v13, v32;
	[tilespmem:v42+s1+$0x0] =	vst.idx.add.f32.msk vm0, v31  }
0x324: {  	v39 =	vor.u32 v11, v29;
	v41 =	vperm.xlane v24, v15;
	v31 =	vmul.f32 v33, v35;
	v32 =	vld.idx.msk [tilespmem:v40+s21+$0x0], $0xffff  }
0x325: {  	v35 =	vor.u32 v12, v37;
	v33 =	vperm.xlane v21, v18;
	[tilespmem:v36+s1+$0x0] =	vst.idx.add.f32.msk vm0, v43  }
0x326: {  	s24 =	sadd.s32 $0x10, s24;
	v37 =	vor.u32 v12, v39;
	v36 =	vmul.f32 v38, v41;
	[tilespmem:v30+s1+$0x0] =	vst.idx.add.f32.msk $0xff, v31  }
0x327: {  	_ =	sdelay $0x3  }
0x328: {  	v37 =	vld.idx.msk [tilespmem:v37+s21+$0x0], $0xffff;
	v38 =	vperm.xlane v28, v14;
	_ =	sdelay $0x1  }
0x329: {  	v38 =	vadd.s32 v13, v38  }
0x32a: {  	v39 =	vperm.xlane v27, v14;
	v40 =	vor.u32 v10, v29  }
0x32b: {  	v40 =	vor.u32 v12, v40  }
0x32c: {  	v37 =	vmul.f32 v37, v39;
	_ =	sdelay $0x1  }
0x32d: {  	[tilespmem:v38+s1+$0x0] =	vst.idx.add.f32.msk $0xff, v37  }
0x32e: {  	[tilespmem:v38+s1+$0x0] =	vst.idx.add.f32.msk vm0, v37  }
0x32f: {  	v53 =	vperm.xlane v28, v15;
	v37 =	vld.idx.msk [tilespmem:v40+s21+$0x0], $0xffff;
	_ =	sdelay $0x1  }
0x330: {  	v38 =	vadd.s32 v13, v53  }
0x331: {  	v54 =	vor.u32 v9, v29;
	v55 =	vperm.xlane v27, v15  }
0x332: {  	[tilespmem:v34+s1+$0x0] =	vst.idx.add.f32.msk $0xff, v36;
	v39 =	vor.u32 v12, v54  }
0x333: {  	[tilespmem:v34+s1+$0x0] =	vst.idx.add.f32.msk vm0, v36;
	v56 =	vmul.f32 v37, v55  }
0x334: {  	v57 =	vperm.xlane v25, v16;
	v35 =	vld.idx.msk [tilespmem:v35+s21+$0x0], $0xffff  }
0x335: {  	[tilespmem:v38+s1+$0x0] =	vst.idx.add.f32.msk $0xff, v56  }
0x336: {  	v36 =	vadd.s32 v13, v57;
	[tilespmem:v38+s1+$0x0] =	vst.idx.add.f32.msk vm0, v56  }
0x337: {  	v58 =	vperm.xlane v24, v16;
	v59 =	vor.u32 v8, v26;
	v60 =	vperm.xlane v28, v16;
	v38 =	vld.idx.msk [tilespmem:v39+s21+$0x0], $0xffff  }
0x338: {  	v37 =	vor.u32 v12, v59  }
0x339: {  	v61 =	vadd.s32 v13, v60;
	v34 =	vmul.f32 v35, v58  }
0x33a: {  	v62 =	vperm.xlane v27, v16;
	v63 =	vor.u32 v8, v29  }
0x33b: {  	v40 =	vor.u32 v12, v63;
	[tilespmem:v36+s1+$0x0] =	vst.idx.add.f32.msk $0xff, v34  }
0x33c: {  	[tilespmem:v36+s1+$0x0] =	vst.idx.add.f32.msk vm0, v34;
	v44 =	vmul.f32 v38, v62  }
0x33d: {  	v45 =	vperm.xlane v25, v17;
	v36 =	vld.idx.msk [tilespmem:v37+s21+$0x0], $0xffff  }
0x33e: {  	[tilespmem:v61+s1+$0x0] =	vst.idx.add.f32.msk $0xff, v44  }
0x33f: {  	v37 =	vadd.s32 v13, v45;
	[tilespmem:v61+s1+$0x0] =	vst.idx.add.f32.msk vm0, v44  }
0x340: {  	v46 =	vor.u32 v7, v26;
	v47 =	vperm.xlane v24, v17;
	v49 =	vperm.xlane v28, v17;
	v48 =	vld.idx.msk [tilespmem:v40+s21+$0x0], $0xffff  }
0x341: {  	v34 =	vor.u32 v12, v46  }
0x342: {  	v50 =	vadd.s32 v13, v49;
	v35 =	vmul.f32 v36, v47  }
0x343: {  	v51 =	vor.u32 v7, v29;
	v52 =	vperm.xlane v27, v17  }
0x344: {  	v39 =	vor.u32 v12, v51;
	[tilespmem:v37+s1+$0x0] =	vst.idx.add.f32.msk $0xff, v35  }
0x345: {  	v33 =	vadd.s32 v13, v33;
	[tilespmem:v37+s1+$0x0] =	vst.idx.add.f32.msk vm0, v35;
	v53 =	vmul.f32 v48, v52  }
0x346: {  	v54 =	vperm.xlane v22, v18;
	v55 =	vor.u32 v6, v23;
	v56 =	vperm.xlane v25, v18;
	v34 =	vld.idx.msk [tilespmem:v34+s21+$0x0], $0xffff  }
0x347: {  	v38 =	vor.u32 v12, v55;
	[tilespmem:v50+s1+$0x0] =	vst.idx.add.f32.msk $0xff, v53  }
0x348: {  	v32 =	vmul.f32 v32, v54;
	v57 =	vadd.s32 v13, v56;
	[tilespmem:v50+s1+$0x0] =	vst.idx.add.f32.msk vm0, v53  }
0x349: {  	v60 =	vperm.xlane v28, v18;
	v58 =	vperm.xlane v24, v18;
	v59 =	vor.u32 v6, v26;
	v39 =	vld.idx.msk [tilespmem:v39+s21+$0x0], $0xffff  }
0x34a: {  	[tilespmem:v33+s1+$0x0] =	vst.idx.add.f32.msk $0xff, v32;
	v36 =	vor.u32 v12, v59  }
0x34b: {  	[tilespmem:v33+s1+$0x0] =	vst.idx.add.f32.msk vm0, v32;
	v62 =	vadd.s32 v13, v60;
	v61 =	vmul.f32 v34, v58  }
0x34c: {  	v46 =	vor.u32 v6, v29;
	v45 =	vperm.xlane v27, v18;
	v44 =	vperm.xlane v21, v19;
	v63 =	vld.idx.msk [tilespmem:v38+s21+$0x0], $0xffff  }
0x34d: {  	v40 =	vor.u32 v12, v46;
	[tilespmem:v57+s1+$0x0] =	vst.idx.add.f32.msk $0xff, v61  }
0x34e: {  	v47 =	vadd.s32 v13, v44;
	[tilespmem:v57+s1+$0x0] =	vst.idx.add.f32.msk vm0, v61;
	v48 =	vmul.f32 v39, v45  }
0x34f: {  	v49 =	vperm.xlane v22, v19;
	v23 =	vor.u32 v5, v23;
	v50 =	vperm.xlane v25, v19;
	v36 =	vld.idx.msk [tilespmem:v36+s21+$0x0], $0xffff  }
0x350: {  	v23 =	vor.u32 v12, v23;
	[tilespmem:v62+s1+$0x0] =	vst.idx.add.f32.msk $0xff, v48  }
0x351: {  	v34 =	vmul.f32 v63, v49;
	v51 =	vadd.s32 v13, v50;
	[tilespmem:v62+s1+$0x0] =	vst.idx.add.f32.msk vm0, v48  }
0x352: {  	v54 =	vperm.xlane v28, v19;
	v52 =	vperm.xlane v24, v19;
	v53 =	vor.u32 v5, v26;
	v35 =	vld.idx.msk [tilespmem:v40+s21+$0x0], $0xffff  }
0x353: {  	[tilespmem:v47+s1+$0x0] =	vst.idx.add.f32.msk $0xff, v34;
	v26 =	vor.u32 v12, v53  }
0x354: {  	v56 =	vadd.s32 v13, v54;
	[tilespmem:v47+s1+$0x0] =	vst.idx.add.f32.msk vm0, v34;
	v55 =	vmul.f32 v36, v52  }
0x355: {  	v58 =	vor.u32 v5, v29;
	v57 =	vperm.xlane v27, v19;
	v23 =	vld.idx.msk [tilespmem:v23+s21+$0x0], $0xffff  }
0x356: {  	v29 =	vor.u32 v12, v58;
	[tilespmem:v51+s1+$0x0] =	vst.idx.add.f32.msk $0xff, v55  }
0x357: {  	v21 =	vperm.xlane v21, v20;
	[tilespmem:v51+s1+$0x0] =	vst.idx.add.f32.msk vm0, v55;
	v59 =	vmul.f32 v35, v57  }
0x358: {  	v26 =	vld.idx.msk [tilespmem:v26+s21+$0x0], $0xffff  }
0x359: {  	v60 =	vperm.xlane v25, v20;
	v21 =	vadd.s32 v13, v21;
	[tilespmem:v56+s1+$0x0] =	vst.idx.add.f32.msk $0xff, v59  }
0x35a: {  	v22 =	vperm.xlane v22, v20;
	[tilespmem:v56+s1+$0x0] =	vst.idx.add.f32.msk vm0, v59  }
0x35b: {  	v25 =	vadd.s32 v13, v60;
	v61 =	vperm.xlane v28, v20;
	v29 =	vld.idx.msk [tilespmem:v29+s21+$0x0], $0xffff  }
0x35c: {  	v22 =	vmul.f32 v23, v22;
	v23 =	vperm.xlane v24, v20  }
0x35d: {  	[tilespmem:v30+s1+$0x0] =	vst.idx.add.f32.msk vm0, v31;
	v62 =	vadd.s32 v13, v61  }
0x35e: {  	p1 =	seq.s32 s20, $0x3E;
	v63 =	vperm.xlane v27, v20;
	[tilespmem:v21+s1+$0x0] =	vst.idx.add.f32.msk $0xff, v22;
	v23 =	vmul.f32 v26, v23  }
.Ltmp19:
0x35f: {  	[tilespmem:v21+s1+$0x0] =	vst.idx.add.f32.msk vm0, v22;
	(pc) =	sbr.rel @p1 .LBB2_39-.Ltmp19, $4  }
0x360: {  	[tilespmem:v25+s1+$0x0] =	vst.idx.add.f32.msk $0xff, v23;
	v21 =	vmul.f32 v29, v63  }
0x361: {  	[tilespmem:v25+s1+$0x0] =	vst.idx.add.f32.msk vm0, v23  }
0x362: {  	[tilespmem:v62+s1+$0x0] =	vst.idx.add.f32.msk $0xff, v21  }
0x363: {  	[tilespmem:v62+s1+$0x0] =	vst.idx.add.f32.msk vm0, v21  }
0x364: {  	s22 =	smul.u32 $0xA00, s20;
	_ =	sdelay $0x1  }
0x365: {  	s23 =	sshrl.u32 s22, $0x3  }
0x366: {  	s24 =	sadd.s32 $0x140, s23  }
0x367: {  	s26 =	simm.s32 $0x0;
	s28 =	simm.s32 $0x19010;
	s25 =	sadd.s32 s5, s24  }
0x368: {  	[tilespmem:s28], [sflag:$0x1] =	stream.linear.gather [hbm4b:s25+s26], $0x500, $0x38;
	[tilespmem:$0x1B810] =	vst v63  }
0x369: {  	s23 =	sadd.s32 s4, s23;
	s24 =	sadd.s32 s6, s24;
	s28 =	simm.s32 $0x19A10  }
0x36a: {  	[tilespmem:s28], [sflag:$0x1] =	stream.linear.gather [hbm4b:s24+s26], $0x500, $0x38;
	[tilespmem:$0x1B810] =	vst v63  }
0x36b: {  	s23 =	sadd.s32 $0x4F60, s23;
	s25 =	simm.s32 $0x1A410  }
0x36c: {  	[tilespmem:s25], [sflag:$0x1] =	stream.linear.gather [hbm4b:s23+s26], $0x500, $0x38;
	[tilespmem:$0x1B810] =	vst v63  }
0x36d: {  	_ =	swait.ge [sflag:s18], $0x500  }
0x36e: {  	[sflag:s18] =	ssyncset.done $0x0  }
0x36f: {  	[sflag:s18] =	ssyncadd.s32 $0xFFFFFB00  }
0x370: {  	_ =	swait.ge [sflag:s18], $0x500  }
0x371: {  	[sflag:s18] =	ssyncset.done $0x0  }
0x372: {  	[sflag:s18] =	ssyncadd.s32 $0xFFFFFB00  }
0x373: {  	_ =	swait.ge [sflag:s18], $0x500  }
0x374: {  	[sflag:s18] =	ssyncset.done $0x0  }
0x375: {  	s23 =	simm.s32 $0x0;
	[sflag:s18] =	ssyncadd.s32 $0xFFFFFB00  }
0x376: {  	v21 =	vld [tilespmem:s23+$0x19010]  }
0x377: {  	s24 =	simm.s32 $0x40  }
.LBB2_33:
0x378: {  	p1 =	sne.s32 s24, $0x13C0  }
.Ltmp20:
0x379: {  	_ = 	snop;
	(pc) =	sbr.rel @p1 .LBB2_33-.Ltmp20, $4  }
0x37a: {  	_ = 	snop  }
0x37b: {  	s25 =	sshra.s32 s24, $0x2;
	s24 =	sadd.s32 $0x40, s24;
	v22 =	vshll.u32 v21, $0x6  }
0x37c: {  	v21 =	vld [tilespmem:s25+$0x19010];
	v22 =	vor.u32 v3, v22  }
0x37d: {  	[tilespmem:s23+$0x1AE10] =	vst v22;
	s23 =	smov.u32 s25  }
0x37e: {  	_ =	sdelay $0x2  }
0x37f: {  	v21 =	vshll.u32 v21, $0x6  }
0x380: {  	v21 =	vor.u32 v3, v21  }
0x381: {  	s25 =	simm.s32 $0x1AE10;
	[tilespmem:s23+$0x1AE10] =	vst v21  }
0x382: {  	[tilespmem:s21], [sflag:$0x3] =	stream.indirect.gather [hbm4b:s3+s19], $0x8, s25, s19, $0xb8;
	[tilespmem:$0x1B810] =	vst v63  }
0x383: {  	s26 =	simm.s32 $0x1AE90;
	s24 =	simm.s32 $0x14410  }
0x384: {  	[tilespmem:s24], [sflag:$0x3] =	stream.indirect.gather [hbm4b:s3+s19], $0x8, s26, s19, $0xb8;
	[tilespmem:$0x1B810] =	vst v63  }
0x385: {  	s25 =	simm.s32 $0x1AF10;
	s26 =	simm.s32 $0x14810  }
0x386: {  	[tilespmem:s26], [sflag:$0x3] =	stream.indirect.gather [hbm4b:s3+s19], $0x8, s25, s19, $0xb8;
	[tilespmem:$0x1B810] =	vst v63  }
0x387: {  	s25 =	simm.s32 $0x1AF90;
	s26 =	simm.s32 $0x14C10  }
0x388: {  	[tilespmem:s26], [sflag:$0x3] =	stream.indirect.gather [hbm4b:s3+s19], $0x8, s25, s19, $0xb8;
	[tilespmem:$0x1B810] =	vst v63  }
0x389: {  	_ = 	snop  }
0x38a: {  	[tilespmem:s30], [sflag:$0x3] =	stream.indirect.gather [hbm4b:s3+s19], $0x8, s29, s19, $0xb8;
	[tilespmem:$0x1B810] =	vst v63  }
0x38b: {  	_ = 	snop  }
0x38c: {  	[tilespmem:s0], [sflag:$0x3] =	stream.indirect.gather [hbm4b:s3+s19], $0x8, s31, s19, $0xb8;
	[tilespmem:$0x1B810] =	vst v63  }
0x38d: {  	_ = 	snop  }
0x38e: {  	[tilespmem:s9], [sflag:$0x3] =	stream.indirect.gather [hbm4b:s3+s19], $0x8, s2, s19, $0xb8;
	[tilespmem:$0x1B810] =	vst v63  }
0x38f: {  	_ = 	snop  }
0x390: {  	[tilespmem:s11], [sflag:$0x3] =	stream.indirect.gather [hbm4b:s3+s19], $0x8, s10, s19, $0xb8;
	[tilespmem:$0x1B810] =	vst v63  }
.Ltmp21:
0x391: {  	_ = 	snop;
	(pc) =	sbr.rel @p0 .LBB2_38-.Ltmp21, $4  }
0x392: {  	_ = 	snop  }
0x393: {  	[tilespmem:s13], [sflag:$0x3] =	stream.indirect.gather [hbm4b:s3+s19], $0x8, s12, s19, $0xb8;
	[tilespmem:$0x1B810] =	vst v63  }
0x394: {  	_ = 	snop  }
0x395: {  	[tilespmem:s7], [sflag:$0x3] =	stream.indirect.gather [hbm4b:s3+s19], $0x8, s14, s19, $0xb8;
	[tilespmem:$0x1B810] =	vst v63  }
0x396: {  	_ =	swait.ge [sflag:s17], $0x400  }
0x397: {  	[sflag:s17] =	ssyncset.done $0x0  }
0x398: {  	[sflag:s17] =	ssyncadd.s32 $0xFFFFFC00  }
0x399: {  	_ =	swait.ge [sflag:s17], $0x400  }
0x39a: {  	[sflag:s17] =	ssyncset.done $0x0  }
0x39b: {  	[sflag:s17] =	ssyncadd.s32 $0xFFFFFC00  }
0x39c: {  	_ =	swait.ge [sflag:s17], $0x400  }
0x39d: {  	[sflag:s17] =	ssyncset.done $0x0  }
0x39e: {  	[sflag:s17] =	ssyncadd.s32 $0xFFFFFC00  }
0x39f: {  	_ =	swait.ge [sflag:s17], $0x400  }
0x3a0: {  	[sflag:s17] =	ssyncset.done $0x0  }
0x3a1: {  	[sflag:s17] =	ssyncadd.s32 $0xFFFFFC00  }
0x3a2: {  	_ =	swait.ge [sflag:s17], $0x400  }
0x3a3: {  	[sflag:s17] =	ssyncset.done $0x0  }
0x3a4: {  	[sflag:s17] =	ssyncadd.s32 $0xFFFFFC00  }
0x3a5: {  	_ =	swait.ge [sflag:s17], $0x400  }
0x3a6: {  	[sflag:s17] =	ssyncset.done $0x0  }
0x3a7: {  	[sflag:s17] =	ssyncadd.s32 $0xFFFFFC00  }
0x3a8: {  	_ =	swait.ge [sflag:s17], $0x400  }
0x3a9: {  	[sflag:s17] =	ssyncset.done $0x0  }
0x3aa: {  	[sflag:s17] =	ssyncadd.s32 $0xFFFFFC00  }
0x3ab: {  	_ =	swait.ge [sflag:s17], $0x400  }
0x3ac: {  	[sflag:s17] =	ssyncset.done $0x0  }
0x3ad: {  	[sflag:s17] =	ssyncadd.s32 $0xFFFFFC00  }
0x3ae: {  	_ =	swait.ge [sflag:s17], $0x400  }
0x3af: {  	[sflag:s17] =	ssyncset.done $0x0  }
0x3b0: {  	s23 =	simm.s32 $0x0;
	[sflag:s17] =	ssyncadd.s32 $0xFFFFFC00  }
0x3b1: {  	v21 =	vmov s23;
	_ =	swait.ge [sflag:s17], $0x400  }
0x3b2: {  	v32 =	vshll.u32 v21, $0x3;
	[sflag:s17] =	ssyncset.done $0x0  }
0x3b3: {  	s24 =	simm.s32 $0x19F10;
	v21 =	vor.u32 v1, v32;
	[sflag:s17] =	ssyncadd.s32 $0xFFFFFC00  }
0x3b4: {  	v21 =	vor.u32 v12, v21;
	v30 =	vld [tilespmem:s24+$0x0];
	_ =	sdelay $0x1  }
0x3b5: {  	s25 =	simm.s32 $0x1A910  }
0x3b6: {  	v31 =	vld [tilespmem:s25+$0x0];
	_ =	sdelay $0x1  }
0x3b7: {  	v21 =	vld.idx.msk [tilespmem:v21+s15+$0x0], $0xffff;
	v22 =	vperm.xlane v30, v0;
	_ =	sdelay $0x1  }
0x3b8: {  	v22 =	vadd.s32 v13, v22  }
0x3b9: {  	v24 =	vor.u32 v11, v32;
	v23 =	vperm.xlane v31, v0  }
0x3ba: {  	v24 =	vor.u32 v12, v24  }
0x3bb: {  	v21 =	vmul.f32 v21, v23;
	_ =	sdelay $0x1  }
0x3bc: {  	[tilespmem:v22+s1+$0x0] =	vst.idx.add.f32.msk $0xff, v21  }
0x3bd: {  	[tilespmem:v22+s1+$0x0] =	vst.idx.add.f32.msk vm0, v21  }
0x3be: {  	v22 =	vperm.xlane v30, v14;
	v21 =	vld.idx.msk [tilespmem:v24+s15+$0x0], $0xffff;
	_ =	sdelay $0x1  }
0x3bf: {  	v22 =	vadd.s32 v13, v22  }
0x3c0: {  	v23 =	vperm.xlane v31, v14;
	v24 =	vor.u32 v10, v32  }
0x3c1: {  	s26 =	simm.s32 $0x10;
	v24 =	vor.u32 v12, v24  }
0x3c2: {  	v25 =	vmov s26;
	s24 =	simm.s32 $0x19F20;
	v26 =	vmul.f32 v21, v23  }
0x3c3: {  	v23 =	vshll.u32 v25, $0x3;
	v21 =	vld [tilespmem:s24+$0x0]  }
0x3c4: {  	v25 =	vor.u32 v1, v23;
	[tilespmem:v22+s1+$0x0] =	vst.idx.add.f32.msk $0xff, v26  }
0x3c5: {  	v25 =	vor.u32 v12, v25;
	[tilespmem:v22+s1+$0x0] =	vst.idx.add.f32.msk vm0, v26  }
0x3c6: {  	v26 =	vperm.xlane v30, v15;
	v24 =	vld.idx.msk [tilespmem:v24+s15+$0x0], $0xffff  }
0x3c7: {  	s25 =	simm.s32 $0x1A920  }
0x3c8: {  	v22 =	vld [tilespmem:s25+$0x0];
	v26 =	vadd.s32 v13, v26  }
0x3c9: {  	v27 =	vor.u32 v9, v32;
	v28 =	vperm.xlane v31, v15  }
0x3ca: {  	v27 =	vor.u32 v12, v27;
	v29 =	vperm.xlane v21, v0;
	v25 =	vld.idx.msk [tilespmem:v25+s15+$0x0], $0xffff  }
0x3cb: {  	v24 =	vmul.f32 v24, v28  }
0x3cc: {  	v28 =	vadd.s32 v13, v29  }
0x3cd: {  	v29 =	vperm.xlane v22, v0;
	[tilespmem:v26+s1+$0x0] =	vst.idx.add.f32.msk $0xff, v24  }
0x3ce: {  	v33 =	vor.u32 v11, v23;
	[tilespmem:v26+s1+$0x0] =	vst.idx.add.f32.msk vm0, v24  }
0x3cf: {  	v33 =	vor.u32 v12, v33;
	v24 =	vmul.f32 v25, v29;
	v25 =	vperm.xlane v30, v16;
	v27 =	vld.idx.msk [tilespmem:v27+s15+$0x0], $0xffff;
	_ =	sdelay $0x1  }
0x3d0: {  	s26 =	simm.s32 $0x20;
	[tilespmem:v28+s1+$0x0] =	vst.idx.add.f32.msk $0xff, v24;
	v29 =	vadd.s32 v13, v25  }
0x3d1: {  	v25 =	vor.u32 v8, v32;
	[tilespmem:v28+s1+$0x0] =	vst.idx.add.f32.msk vm0, v24;
	v24 =	vmov s26;
	v28 =	vperm.xlane v31, v16  }
0x3d2: {  	v34 =	vor.u32 v12, v25;
	v26 =	vshll.u32 v24, $0x3  }
0x3d3: {  	s24 =	simm.s32 $0x19F30;
	v35 =	vperm.xlane v21, v14;
	v33 =	vld.idx.msk [tilespmem:v33+s15+$0x0], $0xffff;
	v24 =	vor.u32 v1, v26;
	v27 =	vmul.f32 v27, v28  }
0x3d4: {  	v25 =	vld [tilespmem:s24+$0x0];
	v28 =	vor.u32 v12, v24  }
0x3d5: {  	v35 =	vadd.s32 v13, v35;
	[tilespmem:v29+s1+$0x0] =	vst.idx.add.f32.msk $0xff, v27  }
0x3d6: {  	v36 =	vperm.xlane v22, v14;
	[tilespmem:v29+s1+$0x0] =	vst.idx.add.f32.msk vm0, v27;
	v27 =	vor.u32 v10, v23  }
0x3d7: {  	v58 =	vperm.xlane v30, v17;
	s25 =	simm.s32 $0x1A930;
	v29 =	vld.idx.msk [tilespmem:v34+s15+$0x0], $0xffff;
	v27 =	vor.u32 v12, v27  }
0x3d8: {  	v24 =	vld [tilespmem:s25+$0x0];
	v33 =	vmul.f32 v33, v36  }
0x3d9: {  	v37 =	vor.u32 v7, v32;
	v34 =	vadd.s32 v13, v58;
	v28 =	vld.idx.msk [tilespmem:v28+s15+$0x0], $0xffff  }
0x3da: {  	v38 =	vperm.xlane v31, v17;
	v59 =	vperm.xlane v25, v0;
	[tilespmem:v35+s1+$0x0] =	vst.idx.add.f32.msk $0xff, v33  }
0x3db: {  	v37 =	vor.u32 v12, v37;
	[tilespmem:v35+s1+$0x0] =	vst.idx.add.f32.msk vm0, v33  }
0x3dc: {  	v61 =	vperm.xlane v21, v15;
	v60 =	vadd.s32 v13, v59;
	v27 =	vld.idx.msk [tilespmem:v27+s15+$0x0], $0xffff;
	v29 =	vmul.f32 v29, v38  }
0x3dd: {  	v39 =	vperm.xlane v24, v0  }
0x3de: {  	v63 =	vor.u32 v11, v26;
	v35 =	vadd.s32 v13, v61;
	[tilespmem:v34+s1+$0x0] =	vst.idx.add.f32.msk $0xff, v29  }
0x3df: {  	v28 =	vmul.f32 v28, v39;
	[tilespmem:v34+s1+$0x0] =	vst.idx.add.f32.msk vm0, v29;
	v29 =	vperm.xlane v22, v15  }
0x3e0: {  	v40 =	vperm.xlane v30, v18;
	v62 =	vor.u32 v9, v23;
	v34 =	vor.u32 v12, v63;
	v37 =	vld.idx.msk [tilespmem:v37+s15+$0x0], $0xffff  }
0x3e1: {  	v36 =	vor.u32 v12, v62;
	[tilespmem:v60+s1+$0x0] =	vst.idx.add.f32.msk $0xff, v28;
	v27 =	vmul.f32 v27, v29  }
0x3e2: {  	[tilespmem:v60+s1+$0x0] =	vst.idx.add.f32.msk vm0, v28;
	v28 =	vadd.s32 v13, v40  }
0x3e3: {  	v41 =	vperm.xlane v31, v18;
	s26 =	simm.s32 $0x30;
	[tilespmem:v35+s1+$0x0] =	vst.idx.add.f32.msk $0xff, v27  }
0x3e4: {  	v42 =	vmov s26;
	v29 =	vor.u32 v6, v32;
	[tilespmem:v35+s1+$0x0] =	vst.idx.add.f32.msk vm0, v27  }
0x3e5: {  	v27 =	vor.u32 v12, v29;
	v29 =	vshll.u32 v42, $0x3;
	v34 =	vld.idx.msk [tilespmem:v34+s15+$0x0], $0xffff;
	v33 =	vmul.f32 v37, v41  }
0x3e6: {  	v44 =	vperm.xlane v21, v16;
	v35 =	vld.idx.msk [tilespmem:v36+s15+$0x0], $0xffff;
	v43 =	vor.u32 v1, v29  }
0x3e7: {  	v36 =	vor.u32 v12, v43;
	[tilespmem:v28+s1+$0x0] =	vst.idx.add.f32.msk $0xff, v33  }
0x3e8: {  	s23 =	simm.s32 $0x19F40;
	v45 =	vperm.xlane v25, v14;
	v37 =	vadd.s32 v13, v44;
	[tilespmem:v28+s1+$0x0] =	vst.idx.add.f32.msk vm0, v33  }
0x3e9: {  	v46 =	vperm.xlane v22, v16;
	v28 =	vld [tilespmem:s23+$0x0]  }
0x3ea: {  	v47 =	vor.u32 v8, v23;
	s24 =	simm.s32 $0x1A940;
	v48 =	vperm.xlane v24, v14;
	v33 =	vadd.s32 v13, v45;
	v40 =	vld.idx.msk [tilespmem:v27+s15+$0x0], $0xffff  }
0x3eb: {  	v39 =	vor.u32 v12, v47;
	v41 =	vperm.xlane v30, v19;
	v27 =	vld [tilespmem:s24+$0x0];
	v35 =	vmul.f32 v35, v46  }
0x3ec: {  	v50 =	vor.u32 v10, v26;
	v36 =	vld.idx.msk [tilespmem:v36+s15+$0x0], $0xffff  }
0x3ed: {  	v41 =	vadd.s32 v13, v41;
	v34 =	vmul.f32 v34, v48;
	[tilespmem:v37+s1+$0x0] =	vst.idx.add.f32.msk $0xff, v35  }
0x3ee: {  	v32 =	vor.u32 v5, v32;
	v42 =	vperm.xlane v31, v19;
	[tilespmem:v37+s1+$0x0] =	vst.idx.add.f32.msk vm0, v35  }
0x3ef: {  	v32 =	vor.u32 v12, v32;
	v49 =	vperm.xlane v28, v0;
	[tilespmem:v33+s1+$0x0] =	vst.idx.add.f32.msk $0xff, v34  }
0x3f0: {  	v53 =	vperm.xlane v21, v17;
	v37 =	vor.u32 v12, v50;
	v51 =	vld.idx.msk [tilespmem:v39+s15+$0x0], $0xffff;
	v52 =	vmul.f32 v40, v42  }
0x3f1: {  	[tilespmem:v33+s1+$0x0] =	vst.idx.add.f32.msk vm0, v34;
	v35 =	vadd.s32 v13, v49  }
0x3f2: {  	v43 =	vperm.xlane v27, v0;
	v40 =	vadd.s32 v13, v53;
	[tilespmem:v41+s1+$0x0] =	vst.idx.add.f32.msk $0xff, v52  }
0x3f3: {  	v55 =	vperm.xlane v22, v17;
	[tilespmem:v41+s1+$0x0] =	vst.idx.add.f32.msk vm0, v52  }
0x3f4: {  	v54 =	vor.u32 v7, v23;
	v30 =	vperm.xlane v30, v20;
	v36 =	vmul.f32 v36, v43;
	v57 =	vld.idx.msk [tilespmem:v32+s15+$0x0], $0xffff  }
0x3f5: {  	v56 =	vor.u32 v12, v54;
	v58 =	vld.idx.msk [tilespmem:v37+s15+$0x0], $0xffff;
	v59 =	vmul.f32 v51, v55  }
0x3f6: {  	v60 =	vperm.xlane v25, v15;
	v30 =	vadd.s32 v13, v30;
	[tilespmem:v35+s1+$0x0] =	vst.idx.add.f32.msk $0xff, v36  }
0x3f7: {  	v31 =	vperm.xlane v31, v20;
	[tilespmem:v40+s1+$0x0] =	vst.idx.add.f32.msk $0xff, v59  }
0x3f8: {  	v61 =	vor.u32 v9, v26;
	v34 =	vadd.s32 v13, v60;
	[tilespmem:v35+s1+$0x0] =	vst.idx.add.f32.msk vm0, v36  }
0x3f9: {  	v63 =	vperm.xlane v24, v15;
	[tilespmem:v40+s1+$0x0] =	vst.idx.add.f32.msk vm0, v59;
	v31 =	vmul.f32 v57, v31  }
0x3fa: {  	v62 =	vor.u32 v11, v29;
	v33 =	vperm.xlane v21, v18;
	v35 =	vor.u32 v12, v61;
	v32 =	vld.idx.msk [tilespmem:v56+s15+$0x0], $0xffff  }
0x3fb: {  	s25 =	simm.s32 $0x40;
	v37 =	vor.u32 v12, v62;
	v36 =	vmul.f32 v58, v63;
	[tilespmem:v30+s1+$0x0] =	vst.idx.add.f32.msk $0xff, v31  }
.LBB2_36:
0x3fc: {  	p0 =	sne.s32 s25, $0x4F0;
	v33 =	vadd.s32 v13, v33;
	[tilespmem:v30+s1+$0x0] =	vst.idx.add.f32.msk vm0, v31  }
0x3fd: {  	v30 =	vperm.xlane v22, v18;
	v31 =	vor.u32 v6, v23;
	[tilespmem:v34+s1+$0x0] =	vst.idx.add.f32.msk $0xff, v36  }
0x3fe: {  	v38 =	vmov s25;
	v31 =	vor.u32 v12, v31;
	[tilespmem:v34+s1+$0x0] =	vst.idx.add.f32.msk vm0, v36  }
0x3ff: {  	v34 =	vshll.u32 v38, $0x3;
	v30 =	vmul.f32 v32, v30;
	v35 =	vld.idx.msk [tilespmem:v35+s15+$0x0], $0xffff  }
0x400: {  	v32 =	vor.u32 v1, v34;
	v36 =	vld.idx.msk [tilespmem:v37+s15+$0x0], $0xffff;
	v37 =	vperm.xlane v25, v16  }
0x401: {  	v32 =	vor.u32 v12, v32;
	[tilespmem:v33+s1+$0x0] =	vst.idx.add.f32.msk $0xff, v30  }
0x402: {  	v37 =	vadd.s32 v13, v37;
	[tilespmem:v33+s1+$0x0] =	vst.idx.add.f32.msk vm0, v30  }
0x403: {  	s23 =	sadd.s32 $0x10, s23;
	v38 =	vor.u32 v8, v26;
	v30 =	vperm.xlane v28, v14;
	v33 =	vperm.xlane v24, v16;
	v31 =	vld.idx.msk [tilespmem:v31+s15+$0x0], $0xffff  }
0x404: {  	s24 =	sadd.s32 $0x10, s24;
	v40 =	vperm.xlane v21, v19;
	v38 =	vor.u32 v12, v38;
	v39 =	vld [tilespmem:s23+$0x0]  }
0x405: {  	v30 =	vadd.s32 v13, v30;
	v33 =	vmul.f32 v35, v33;
	v41 =	vld [tilespmem:s24+$0x0]  }
0x406: {  	v40 =	vadd.s32 v13, v40;
	v35 =	vperm.xlane v27, v14;
	v32 =	vld.idx.msk [tilespmem:v32+s15+$0x0], $0xffff  }
0x407: {  	v42 =	vperm.xlane v22, v19;
	v43 =	vor.u32 v5, v23;
	v23 =	vmov v26;
	[tilespmem:v37+s1+$0x0] =	vst.idx.add.f32.msk $0xff, v33  }
0x408: {  	v26 =	vmov v29;
	v35 =	vmul.f32 v36, v35;
	[tilespmem:v37+s1+$0x0] =	vst.idx.add.f32.msk vm0, v33;
	v33 =	vor.u32 v12, v43  }
0x409: {  	v43 =	vor.u32 v10, v26;
	v31 =	vmul.f32 v31, v42;
	v36 =	vperm.xlane v39, v0;
	v37 =	vld.idx.msk [tilespmem:v38+s15+$0x0], $0xffff  }
0x40a: {  	v29 =	vmov v34;
	v42 =	vperm.xlane v25, v17;
	v38 =	vor.u32 v12, v43;
	[tilespmem:v30+s1+$0x0] =	vst.idx.add.f32.msk $0xff, v35  }
0x40b: {  	v34 =	vor.u32 v7, v23;
	v36 =	vadd.s32 v13, v36;
	[tilespmem:v40+s1+$0x0] =	vst.idx.add.f32.msk $0xff, v31  }
0x40c: {  	v43 =	vperm.xlane v41, v0;
	v42 =	vadd.s32 v13, v42;
	[tilespmem:v40+s1+$0x0] =	vst.idx.add.f32.msk vm0, v31  }
0x40d: {  	v31 =	vperm.xlane v24, v17;
	v40 =	vor.u32 v12, v34;
	v33 =	vld.idx.msk [tilespmem:v33+s15+$0x0], $0xffff  }
0x40e: {  	v43 =	vmul.f32 v32, v43;
	[tilespmem:v30+s1+$0x0] =	vst.idx.add.f32.msk vm0, v35;
	v30 =	vperm.xlane v21, v20;
	v21 =	vmov v25  }
0x40f: {  	v31 =	vmul.f32 v37, v31;
	v25 =	vmov v28;
	v28 =	vmov v39;
	v38 =	vld.idx.msk [tilespmem:v38+s15+$0x0], $0xffff  }
0x410: {  	v32 =	vperm.xlane v25, v15;
	[tilespmem:v36+s1+$0x0] =	vst.idx.add.f32.msk $0xff, v43;
	v30 =	vadd.s32 v13, v30  }
.Ltmp22:
0x411: {  	v35 =	vperm.xlane v22, v20;
	v22 =	vmovc v24;
	v24 =	vmov v27;
	v27 =	vmov v41;
	[tilespmem:v42+s1+$0x0] =	vst.idx.add.f32.msk $0xff, v31;
	(pc) =	sbr.rel @p0 .LBB2_36-.Ltmp22, $4  }
0x412: {  	v37 =	vor.u32 v9, v26;
	v34 =	vadd.s32 v13, v32;
	[tilespmem:v42+s1+$0x0] =	vst.idx.add.f32.msk vm0, v31  }
0x413: {  	v39 =	vor.u32 v11, v29;
	v41 =	vperm.xlane v24, v15;
	v31 =	vmul.f32 v33, v35;
	v32 =	vld.idx.msk [tilespmem:v40+s15+$0x0], $0xffff  }
0x414: {  	v35 =	vor.u32 v12, v37;
	v33 =	vperm.xlane v21, v18;
	[tilespmem:v36+s1+$0x0] =	vst.idx.add.f32.msk vm0, v43  }
0x415: {  	s25 =	sadd.s32 $0x10, s25;
	v37 =	vor.u32 v12, v39;
	v36 =	vmul.f32 v38, v41;
	[tilespmem:v30+s1+$0x0] =	vst.idx.add.f32.msk $0xff, v31  }
0x416: {  	_ =	sdelay $0x3  }
0x417: {  	v37 =	vld.idx.msk [tilespmem:v37+s15+$0x0], $0xffff;
	v38 =	vperm.xlane v28, v14;
	_ =	sdelay $0x1  }
0x418: {  	v38 =	vadd.s32 v13, v38  }
0x419: {  	v39 =	vperm.xlane v27, v14;
	v40 =	vor.u32 v10, v29  }
0x41a: {  	v40 =	vor.u32 v12, v40  }
0x41b: {  	v37 =	vmul.f32 v37, v39;
	_ =	sdelay $0x1  }
0x41c: {  	[tilespmem:v38+s1+$0x0] =	vst.idx.add.f32.msk $0xff, v37  }
0x41d: {  	[tilespmem:v38+s1+$0x0] =	vst.idx.add.f32.msk vm0, v37  }
0x41e: {  	v53 =	vperm.xlane v28, v15;
	v37 =	vld.idx.msk [tilespmem:v40+s15+$0x0], $0xffff;
	_ =	sdelay $0x1  }
0x41f: {  	v38 =	vadd.s32 v13, v53  }
0x420: {  	v54 =	vor.u32 v9, v29;
	v55 =	vperm.xlane v27, v15  }
0x421: {  	[tilespmem:v34+s1+$0x0] =	vst.idx.add.f32.msk $0xff, v36;
	v39 =	vor.u32 v12, v54  }
0x422: {  	[tilespmem:v34+s1+$0x0] =	vst.idx.add.f32.msk vm0, v36;
	v56 =	vmul.f32 v37, v55  }
0x423: {  	v57 =	vperm.xlane v25, v16;
	v35 =	vld.idx.msk [tilespmem:v35+s15+$0x0], $0xffff  }
0x424: {  	[tilespmem:v38+s1+$0x0] =	vst.idx.add.f32.msk $0xff, v56  }
0x425: {  	v36 =	vadd.s32 v13, v57;
	[tilespmem:v38+s1+$0x0] =	vst.idx.add.f32.msk vm0, v56  }
0x426: {  	v58 =	vperm.xlane v24, v16;
	v59 =	vor.u32 v8, v26;
	v60 =	vperm.xlane v28, v16;
	v38 =	vld.idx.msk [tilespmem:v39+s15+$0x0], $0xffff  }
0x427: {  	v37 =	vor.u32 v12, v59  }
0x428: {  	v61 =	vadd.s32 v13, v60;
	v34 =	vmul.f32 v35, v58  }
0x429: {  	v62 =	vperm.xlane v27, v16;
	v63 =	vor.u32 v8, v29  }
0x42a: {  	v40 =	vor.u32 v12, v63;
	[tilespmem:v36+s1+$0x0] =	vst.idx.add.f32.msk $0xff, v34  }
0x42b: {  	[tilespmem:v36+s1+$0x0] =	vst.idx.add.f32.msk vm0, v34;
	v44 =	vmul.f32 v38, v62  }
0x42c: {  	v45 =	vperm.xlane v25, v17;
	v36 =	vld.idx.msk [tilespmem:v37+s15+$0x0], $0xffff  }
0x42d: {  	[tilespmem:v61+s1+$0x0] =	vst.idx.add.f32.msk $0xff, v44  }
0x42e: {  	v37 =	vadd.s32 v13, v45;
	[tilespmem:v61+s1+$0x0] =	vst.idx.add.f32.msk vm0, v44  }
0x42f: {  	v46 =	vor.u32 v7, v26;
	v47 =	vperm.xlane v24, v17;
	v49 =	vperm.xlane v28, v17;
	v48 =	vld.idx.msk [tilespmem:v40+s15+$0x0], $0xffff  }
0x430: {  	v34 =	vor.u32 v12, v46  }
0x431: {  	v50 =	vadd.s32 v13, v49;
	v35 =	vmul.f32 v36, v47  }
0x432: {  	v51 =	vor.u32 v7, v29;
	v52 =	vperm.xlane v27, v17  }
0x433: {  	v39 =	vor.u32 v12, v51;
	[tilespmem:v37+s1+$0x0] =	vst.idx.add.f32.msk $0xff, v35  }
0x434: {  	v33 =	vadd.s32 v13, v33;
	[tilespmem:v37+s1+$0x0] =	vst.idx.add.f32.msk vm0, v35;
	v53 =	vmul.f32 v48, v52  }
0x435: {  	v54 =	vperm.xlane v22, v18;
	v55 =	vor.u32 v6, v23;
	v56 =	vperm.xlane v25, v18;
	v34 =	vld.idx.msk [tilespmem:v34+s15+$0x0], $0xffff  }
0x436: {  	v38 =	vor.u32 v12, v55;
	[tilespmem:v50+s1+$0x0] =	vst.idx.add.f32.msk $0xff, v53  }
0x437: {  	v32 =	vmul.f32 v32, v54;
	v57 =	vadd.s32 v13, v56;
	[tilespmem:v50+s1+$0x0] =	vst.idx.add.f32.msk vm0, v53  }
0x438: {  	v60 =	vperm.xlane v28, v18;
	v58 =	vperm.xlane v24, v18;
	v59 =	vor.u32 v6, v26;
	v39 =	vld.idx.msk [tilespmem:v39+s15+$0x0], $0xffff  }
0x439: {  	[tilespmem:v33+s1+$0x0] =	vst.idx.add.f32.msk $0xff, v32;
	v36 =	vor.u32 v12, v59  }
0x43a: {  	[tilespmem:v33+s1+$0x0] =	vst.idx.add.f32.msk vm0, v32;
	v62 =	vadd.s32 v13, v60;
	v61 =	vmul.f32 v34, v58  }
0x43b: {  	v46 =	vor.u32 v6, v29;
	v45 =	vperm.xlane v27, v18;
	v44 =	vperm.xlane v21, v19;
	v63 =	vld.idx.msk [tilespmem:v38+s15+$0x0], $0xffff  }
0x43c: {  	v40 =	vor.u32 v12, v46;
	[tilespmem:v57+s1+$0x0] =	vst.idx.add.f32.msk $0xff, v61  }
0x43d: {  	v47 =	vadd.s32 v13, v44;
	[tilespmem:v57+s1+$0x0] =	vst.idx.add.f32.msk vm0, v61;
	v48 =	vmul.f32 v39, v45  }
0x43e: {  	v49 =	vperm.xlane v22, v19;
	v23 =	vor.u32 v5, v23;
	v50 =	vperm.xlane v25, v19;
	v36 =	vld.idx.msk [tilespmem:v36+s15+$0x0], $0xffff  }
0x43f: {  	v23 =	vor.u32 v12, v23;
	[tilespmem:v62+s1+$0x0] =	vst.idx.add.f32.msk $0xff, v48  }
0x440: {  	v34 =	vmul.f32 v63, v49;
	v51 =	vadd.s32 v13, v50;
	[tilespmem:v62+s1+$0x0] =	vst.idx.add.f32.msk vm0, v48  }
0x441: {  	v54 =	vperm.xlane v28, v19;
	v52 =	vperm.xlane v24, v19;
	v53 =	vor.u32 v5, v26;
	v35 =	vld.idx.msk [tilespmem:v40+s15+$0x0], $0xffff  }
0x442: {  	[tilespmem:v47+s1+$0x0] =	vst.idx.add.f32.msk $0xff, v34;
	v26 =	vor.u32 v12, v53  }
0x443: {  	v56 =	vadd.s32 v13, v54;
	[tilespmem:v47+s1+$0x0] =	vst.idx.add.f32.msk vm0, v34;
	v55 =	vmul.f32 v36, v52  }
0x444: {  	v58 =	vor.u32 v5, v29;
	v57 =	vperm.xlane v27, v19;
	v23 =	vld.idx.msk [tilespmem:v23+s15+$0x0], $0xffff  }
0x445: {  	v29 =	vor.u32 v12, v58;
	[tilespmem:v51+s1+$0x0] =	vst.idx.add.f32.msk $0xff, v55  }
0x446: {  	v21 =	vperm.xlane v21, v20;
	[tilespmem:v51+s1+$0x0] =	vst.idx.add.f32.msk vm0, v55;
	v59 =	vmul.f32 v35, v57  }
0x447: {  	v26 =	vld.idx.msk [tilespmem:v26+s15+$0x0], $0xffff  }
0x448: {  	v60 =	vperm.xlane v25, v20;
	v21 =	vadd.s32 v13, v21;
	[tilespmem:v56+s1+$0x0] =	vst.idx.add.f32.msk $0xff, v59  }
0x449: {  	v22 =	vperm.xlane v22, v20;
	[tilespmem:v56+s1+$0x0] =	vst.idx.add.f32.msk vm0, v59  }
0x44a: {  	v25 =	vadd.s32 v13, v60;
	v61 =	vperm.xlane v28, v20;
	v29 =	vld.idx.msk [tilespmem:v29+s15+$0x0], $0xffff  }
0x44b: {  	v22 =	vmul.f32 v23, v22;
	v23 =	vperm.xlane v24, v20  }
0x44c: {  	[tilespmem:v30+s1+$0x0] =	vst.idx.add.f32.msk vm0, v31;
	v62 =	vadd.s32 v13, v61  }
0x44d: {  	v63 =	vperm.xlane v27, v20;
	[tilespmem:v21+s1+$0x0] =	vst.idx.add.f32.msk $0xff, v22;
	v23 =	vmul.f32 v26, v23  }
0x44e: {  	[tilespmem:v21+s1+$0x0] =	vst.idx.add.f32.msk vm0, v22  }
0x44f: {  	p0 =	seq.s32 s20, $0x3D;
	[tilespmem:v25+s1+$0x0] =	vst.idx.add.f32.msk $0xff, v23;
	v21 =	vmul.f32 v29, v63  }
0x450: {  	s22 =	sshrl.u32 @!p0 s22, $0x3;
	[tilespmem:v25+s1+$0x0] =	vst.idx.add.f32.msk vm0, v23  }
0x451: {  	s23 =	sadd.s32 @!p0 $0x1E0, s22;
	[tilespmem:v62+s1+$0x0] =	vst.idx.add.f32.msk $0xff, v21  }
0x452: {  	s25 =	simm.s32 @!p0 $0x0;
	s26 =	simm.s32 @!p0 $0x19510;
	s24 =	sadd.s32 @!p0 s5, s23;
	[tilespmem:v62+s1+$0x0] =	vst.idx.add.f32.msk vm0, v21  }
0x453: {  	[tilespmem:s26], [sflag:$0x2] =	stream.linear.gather @!p0 [hbm4b:s24+s25], $0x500, $0x38;
	[tilespmem:$0x1B810] =	vst v63  }
.Ltmp23:
0x454: {  	_ = 	snop;
	(pc) =	sbr.rel .LBB2_38-.Ltmp23, $4  }
0x455: {  	s22 =	sadd.s32 @!p0 s4, s22;
	s23 =	sadd.s32 @!p0 s6, s23;
	s24 =	simm.s32 @!p0 $0x19F10  }
0x456: {  	[tilespmem:s24], [sflag:$0x2] =	stream.linear.gather @!p0 [hbm4b:s23+s25], $0x500, $0x38;
	[tilespmem:$0x1B810] =	vst v63  }
0x457: {  	s22 =	sadd.s32 @!p0 $0x5000, s22;
	s23 =	simm.s32 @!p0 $0x1A910  }
0x458: {  	[tilespmem:s23], [sflag:$0x2] =	stream.linear.gather @!p0 [hbm4b:s22+s25], $0x500, $0x38;
	[tilespmem:$0x1B810] =	vst v63  }
.LBB2_40:
0x459: {  	_ =	sfence.sel $0x180000  }
0x45a: {  	[bflag:$0x0] =	sbarrier.arrive $0xFFFF  }
0x45b: {  	_ =	strace $0x9000004D  }
0x45c: {  	s0 =	stileid.u32;
	[bflag:$0x2] =	sbarrier.arrive $0xFFFF  }
0x45d: {  	p0 =	sne.s32 s0, $0x0;
	s0 =	rddreg [dreg:$0x1]  }
0x45e: {  	s0 =	sadd.s32 @!p0 $0x100000, s0  }
0x45f: {  	[sflag:s0] =	ssyncadd.tile.s32 @!p0 $0x1;
	_ =	shalt  }
.Lfunc_end2:
_tile_overlayer_lowered:
.L_overlay_start_2:
0x460: {  	(tag) =	ssettag $0x2  }
0x461: {  	s0 =	rddreg [dreg:$0x0];
	s2 =	stileid.u32  }
0x462: {  	s1 =	rddreg [dreg:$0x1];
	p0 =	sne.s32 s2, $0x0  }
0x463: {  	s3 =	rddreg [dreg:$0x2];
	[bflag:$0x3] =	sbarrier.arrive $0xFFFF;
	s2 =	simm.s32 @!p0 $0x1C05  }
0x464: {  	[timem:s3], [sflag:s2] =	dma.local @!p0 [hbm:s0], s1  }
0x465: {  	s0 =	simm.s32 @!p0 $0x5  }
0x466: {  	_ =	swait.ge @!p0 [sflag:s0], s1  }
0x467: {  	s1 =	ssub.s32 @!p0 $0x0, s1;
	[sflag:s0] =	ssyncset.done @!p0 $0x0  }
0x468: {  	[sflag:s0] =	ssyncadd.s32 @!p0 s1  }
0x469: {  	[bflag:$0x3] =	sbarrier.arrive $0xFFFF  }
0x46a: {  	_ =	shalt  }

// kernel: kernel.9.cloned.1.call-start
scs
__scs_entry_jumppad:
0x0: {  	(pc) =	sbr.rel $0x88, $3  }
0x1: {  	(tag) =	ssettag $0x0;
	lr =	simm.s32 $0x1  }
0x2: {  	[smem:$0x3F96] =	sst lr;
	_ =	strace $0xD0000000  }
0x3: {  	_ = 	snop  }
0x4: {  	_ = 	snop  }
0x5: {  	_ = 	snop  }
0x6: {  	_ = 	snop  }
0x7: {  	_ = 	snop  }
__scs_overlays_trampoline_lowered:
0x8: {  	[smem:$0x3FA5] =	sst s0  }
0x9: {  	[smem:$0x3FA6] =	sst s1  }
0xa: {  	[smem:$0x3FA7] =	sst s2  }
0xb: {  	[smem:$0x3FA8] =	sst s3  }
0xc: {  	[smem:$0x3FA9] =	sst s4  }
0xd: {  	[smem:$0x3FAA] =	sst s5  }
0xe: {  	[smem:$0x3FAB] =	sst s6  }
0xf: {  	[smem:$0x3FAC] =	sst s7  }
0x10: {  	[smem:$0x3FAD] =	sst s8  }
0x11: {  	[smem:$0x3FAE] =	sst s9;
	s0 =	simm.s32 @!p0 $0x0  }
0x12: {  	s1 =	sld [smem:$0x3F94];
	s0 =	simm.s32 @p0 $0x1  }
0x13: {  	[smem:$0x3FAF] =	sst s0;
	s0 =	simm.s32 @!p1 $0x0  }
0x14: {  	s2 =	sld [smem:$0x3F93];
	s0 =	simm.s32 @p1 $0x1  }
0x15: {  	[smem:$0x3FB0] =	sst s0;
	s0 =	simm.s32 @!p2 $0x0  }
0x16: {  	s3 =	sld [smem:$0x3FDB];
	s0 =	simm.s32 @p2 $0x1  }
0x17: {  	s4 =	simm.s32 $0x1BF5;
	[smem:$0x3FB2] =	sst s0  }
0x18: {  	s0 =	sld [smem:$0x3F95];
	_ =	swait.ge [sflag:s4], $0x0  }
0x19: {  	s7 =	sld [smem:$0x3F96]  }
0x1a: {  	s8 =	sadd.s32 $0xFFFFE003, lr  }
0x1b: {  	s9 =	sadd.s32 $0xFFFFFEF7, lr;
	s5 =	simm.s32 $0xFFFFFFFF;
	p2 =	slt.u32 s8, $0xFFFFF086  }
0x1c: {  	p1 =	slt.u32 s9, $0xF7A;
	s5 =	simm.s32 @!p2 $0x0  }
0x1d: {  	s5 =	simm.s32 @p1 $0x1;
	p0 =	seq.s32 s7, s2  }
0x1e: {  	s7 =	smul.u32 @!p0 $0xF7A, s2;
	p2 =	seq.s32 @!p0 s5, $0x0  }
0x1f: {  	s9 =	smul.u32 $0xF7A, s1;
	s8 =	simm.s32 @!p0 $0x1BF5;
	p2 =	por !p2, p0  }
0x20: {  	[sflag:s8] =	ssyncset.s32 @!p0 $0xFFFFF086;
	s6 =	sadd.s32 @!p0 s3, s7;
	s7 =	simm.s32 @!p0 $0x108  }
0x21: {  	s3 =	sadd.s32 s3, s9;
	s6 =	sadd.s32 @!p0 $0x88, s6;
	s7 =	simm.s32 @p2 $0x1082  }
0x22: {  	[simem:s7], [sflag:s8] =	dma.local @!p0 [hbm:s6], $0xF7A  }
0x23: {  	s9 =	sor.u32 $0xD0000000, s2;
	s6 =	simm.s32 $0x108;
	_ =	swait.ge @!p0 [sflag:s8], $0x0  }
0x24: {  	s3 =	sadd.s32 $0x88, s3;
	s6 =	simm.s32 @!p1 $0x1082;
	[sflag:s4] =	ssyncset.s32 $0xFFFFF086  }
0x25: {  	[simem:s6], [sflag:s4] =	dma.local [hbm:s3], $0xF7A  }
0x26: {  	[smem:$0x3F96] =	sst s1;
	(tag) =	ssettag s2;
	_ =	strace s9  }
0x27: {  	s1 =	sld [smem:$0x3FA6]  }
0x28: {  	s2 =	sld [smem:$0x3FA7]  }
0x29: {  	s4 =	sld [smem:$0x3FA9]  }
0x2a: {  	p0 =	seq.s32 s5, $0x0;
	s5 =	sld [smem:$0x3FAA]  }
0x2b: {  	s6 =	sld [smem:$0x3FAB]  }
0x2c: {  	s7 =	sld [smem:$0x3FAC]  }
0x2d: {  	s3 =	simm.s32 $0x108;
	s8 =	sld [smem:$0x3FAD]  }
0x2e: {  	s3 =	simm.s32 @!p0 $0x1082;
	s9 =	sld [smem:$0x3FAE]  }
0x2f: {  	lr =	sadd.s32 s0, s3;
	s0 =	sld [smem:$0x3FA5]  }
0x30: {  	s3 =	sld [smem:$0x3FA8]  }
0x31: {  	[smem:$0x3FB1] =	sst s10  }
0x32: {  	s10 =	sld [smem:$0x3FAF];
	_ =	sdelay $0x3  }
0x33: {  	p0 =	seq.s32 s10, $0x1;
	s10 =	sld [smem:$0x3FB1];
	_ =	sdelay $0x3  }
0x34: {  	[smem:$0x3FB1] =	sst s10  }
0x35: {  	s10 =	sld [smem:$0x3FB0];
	_ =	sdelay $0x3  }
0x36: {  	p1 =	seq.s32 s10, $0x1;
	s10 =	sld [smem:$0x3FB1];
	_ =	sdelay $0x3  }
0x37: {  	[smem:$0x3FB1] =	sst s10  }
0x38: {  	s10 =	sld [smem:$0x3FB2]  }
0x39: {  	_ = 	snop;
	(pc) =	sbr.ind lr, $3  }
0x3a: {  	_ = 	snop  }
0x3b: {  	_ = 	snop  }
0x3c: {  	p2 =	seq.s32 s10, $0x1;
	s10 =	sld [smem:$0x3FB1]  }
0x3d: {  	_ =	shalt  }
0x3e: {  	_ =	shalt  }
0x3f: {  	_ =	shalt  }
0x40: {  	_ =	shalt  }
0x41: {  	_ =	shalt  }
0x42: {  	_ =	shalt  }
0x43: {  	_ =	shalt  }
0x44: {  	_ =	shalt  }
0x45: {  	_ =	shalt  }
0x46: {  	_ =	shalt  }
0x47: {  	_ =	shalt  }
0x48: {  	_ =	shalt  }
0x49: {  	_ =	shalt  }
0x4a: {  	_ =	shalt  }
0x4b: {  	_ =	shalt  }
0x4c: {  	_ =	shalt  }
0x4d: {  	_ =	shalt  }
0x4e: {  	_ =	shalt  }
0x4f: {  	_ =	shalt  }
0x50: {  	_ =	shalt  }
0x51: {  	_ =	shalt  }
0x52: {  	_ =	shalt  }
0x53: {  	_ =	shalt  }
0x54: {  	_ =	shalt  }
0x55: {  	_ =	shalt  }
0x56: {  	_ =	shalt  }
0x57: {  	_ =	shalt  }
0x58: {  	_ =	shalt  }
0x59: {  	_ =	shalt  }
0x5a: {  	_ =	shalt  }
0x5b: {  	_ =	shalt  }
0x5c: {  	_ =	shalt  }
0x5d: {  	_ =	shalt  }
0x5e: {  	_ =	shalt  }
0x5f: {  	_ =	shalt  }
0x60: {  	_ =	shalt  }
0x61: {  	_ =	shalt  }
0x62: {  	_ =	shalt  }
0x63: {  	_ =	shalt  }
0x64: {  	_ =	shalt  }
0x65: {  	_ =	shalt  }
0x66: {  	_ =	shalt  }
0x67: {  	_ =	shalt  }
0x68: {  	_ =	shalt  }
0x69: {  	_ =	shalt  }
0x6a: {  	_ =	shalt  }
0x6b: {  	_ =	shalt  }
0x6c: {  	_ =	shalt  }
0x6d: {  	_ =	shalt  }
0x6e: {  	_ =	shalt  }
0x6f: {  	_ =	shalt  }
0x70: {  	_ =	shalt  }
0x71: {  	_ =	shalt  }
0x72: {  	_ =	shalt  }
0x73: {  	_ =	shalt  }
0x74: {  	_ =	shalt  }
0x75: {  	_ =	shalt  }
0x76: {  	_ =	shalt  }
0x77: {  	_ =	shalt  }
0x78: {  	_ =	shalt  }
0x79: {  	_ =	shalt  }
0x7a: {  	_ =	shalt  }
0x7b: {  	_ =	shalt  }
0x7c: {  	_ =	shalt  }
0x7d: {  	_ =	shalt  }
0x7e: {  	_ =	shalt  }
0x7f: {  	_ =	shalt  }
0x80: {  	_ =	shalt  }
0x81: {  	_ =	shalt  }
0x82: {  	_ =	shalt  }
0x83: {  	_ =	shalt  }
0x84: {  	_ =	shalt  }
0x85: {  	_ =	shalt  }
0x86: {  	_ =	shalt  }
0x87: {  	_ =	shalt  }
.Lfunc_end0:
.L_simem_size_0:
called_computation_lowered:
.L_overlay_start_0:
0x88: {  	s2 =	sld [smem:$0x3FD9]  }
0x89: {  	s3 =	sld [smem:$0x3FFE];
	_ =	sdelay $0x1  }
0x8a: {  	s1 =	srdreg.scid  }
0x8b: {  	s0 =	sand.u32 $0x1, s1  }
0x8c: {  	s14 =	sshll.u32 s0, $0xA;
	s2 =	sadd.s32 s3, s2  }
0x8d: {  	s2 =	sadd.s32 s2, s14  }
0x8e: {  	[smem:$0x3FBD] =	sst s2  }
0x8f: {  	_ = 	snop  }
0x90: {  	s2 =	sld [smem:$0x3FD0];
	_ =	sdelay $0x2  }
0x91: {  	s15 =	simm.s32 $0xA;
	s4 =	simm.s32 $0x10  }
0x92: {  	[smem:s4], [sflag:s15] =	dma.local [hbm:s2], $0x1  }
0x93: {  	_ =	swait.eq [sflag:s15], $0x1  }
0x94: {  	s16 =	sld [smem:$0x10];
	[sflag:s15] =	ssyncset.done $0x0  }
0x95: {  	s17 =	sld [smem:$0x11];
	[sflag:s15] =	ssyncadd.s32 $0xFFFFFFFF  }
0x96: {  	s18 =	sld [smem:$0x12];
	(tm) =	ssettm $0x1  }
0x97: {  	s5 =	sld [smem:$0x3FFB];
	_ =	sdelay $0x3  }
0x98: {  	_ =	strace s5  }
0x99: {  	s5 =	sld [smem:$0x3FFC];
	_ =	sdelay $0x3  }
0x9a: {  	_ =	strace s5  }
0x9b: {  	s5 =	sld [smem:$0x3FFD];
	_ =	sdelay $0x3  }
0x9c: {  	_ =	strace s5  }
0x9d: {  	_ =	strace $0x8FFFFFFF  }
0x9e: {  	s19 =	sld [smem:$0x3FDB];
	_ =	sdelay $0x1  }
0x9f: {  	s6 =	simm.s32 $_scs_section_size  }
0xa0: {  	s7 =	simm.s32 $_size__tile_overlayer_lowered;
	s8 =	simm.s32 $_tile_overlayer_lowered  }
0xa1: {  	s22 =	simm.s32 $0x1BFF;
	s21 =	sshll.u32 s8, $0x1;
	s5 =	sadd.s32 s6, s19  }
0xa2: {  	s9 =	simm.s32 $0x0;
	s20 =	sshll.u32 s7, $0x1;
	s7 =	sadd.s32 s21, s5  }
0xa3: {  	[timem:s9], [sflag:s22] =	dma.local [hbm:s7], s20  }
0xa4: {  	_ =	swait.ge [sflag:s22], s20  }
0xa5: {  	s6 =	ssub.s32 $0x0, s20;
	[sflag:s22] =	ssyncset.done $0x0  }
0xa6: {  	[sflag:s22] =	ssyncadd.s32 s6;
	_ =	sdelay $0x1  }
0xa7: {  	s23 =	simm.s32 $0x1B8B  }
0xa8: {  	_ =	swait.ge [sflag:s23], $0x1  }
0xa9: {  	[sflag:s23] =	ssyncset.done $0x0  }
0xaa: {  	s25 =	simm.s32 $0x1B8E;
	s24 =	sld [smem:$0x3FFE];
	[sflag:s23] =	ssyncadd.s32 $0xFFFFFFFF  }
0xab: {  	s26 =	simm.s32 $execute0_lowered;
	[smem:$0x3FD2] =	sst s25  }
0xac: {  	s7 =	sshll.u32 s26, $0x1;
	_ =	strace $0x80000046;
	[dreg:$0x1] =	wrdreg $0xFFFFFFFF  }
0xad: {  	s28 =	simm.s32 $_size_execute0_lowered;
	s5 =	sadd.s32 s5, s7;
	[dreg:$0x0] =	wrdreg $0x0  }
0xae: {  	s7 =	sshll.u32 s28, $0x1;
	[dreg:$0x2] =	wrdreg s5  }
0xaf: {  	[dreg:$0x3] =	wrdreg s7  }
0xb0: {  	[dreg:$0x4] =	wrdreg $0xC0  }
0xb1: {  	_ =	task [dreg:s9], $0x5FFFF  }
0xb2: {  	[dreg:$0x1] =	wrdreg $0xFFFFFFFF  }
0xb3: {  	[dreg:$0x0] =	wrdreg $0x60  }
0xb4: {  	[dreg:$0x2] =	wrdreg s18  }
0xb5: {  	[dreg:$0x3] =	wrdreg s17  }
0xb6: {  	[dreg:$0x4] =	wrdreg s24  }
0xb7: {  	[dreg:$0x5] =	wrdreg s16  }
0xb8: {  	[dreg:$0x6] =	wrdreg $0x9  }
0xb9: {  	_ =	task.clear_ibuf [dreg:s9], $0x7FFFF;
	_ =	strace $0x90000046  }
0xba: {  	s29 =	simm.s32 $0x9;
	_ =	strace $0x80000048  }
0xbb: {  	_ =	swait.ge [sflag:s29], $0x1  }
0xbc: {  	[sflag:s29] =	ssyncadd.s32 $0xFFFFFFFF  }
0xbd: {  	_ =	strace $0x90000048  }
0xbe: {  	_ =	sfence  }
0xbf: {  	s30 =	sld [smem:$0x0];
	_ =	sdelay $0x2  }
0xc0: {  	s31 =	sshll.u32 s1, $0xD;
	s1 =	sshrl.u32 s1, $0x2  }
0xc1: {  	s3 =	sand.u32 $0x4000, s31;
	s1 =	sadd.s32 s1, s30  }
0xc2: {  	s0 =	sor.u32 s3, s0;
	s1 =	sshll.u32 s1, $0x11  }
0xc3: {  	s0 =	sor.u32 s1, s0  }
0xc4: {  	s0 =	sadd.s32 $0x8F2B, s0  }
0xc5: {  	[sflag:s0] =	ssyncadd.remote.s32 $0x1  }
0xc6: {  	_ =	sfence.sel $0xFFFF  }
0xc7: {  	[dreg:$0x0] =	wrdreg $0xFFFFFFFF;
	(pc) =	sbr.abs _section_cstart, $3  }
0xc8: {  	[dreg:$0x1] =	wrdreg $0xFFFFFFFF  }
0xc9: {  	_ =	task.clear_ibuf [dreg:s9], $0x2FFFF;
	_ =	strace $0x9FFFFFFF  }
0xca: {  	(tm) =	ssettm $0x7FFFFFFF  }
0xcb: {  	_ =	shalt  }
tec
execute0_lowered:
.L_overlay_start_1:
0x0: {  	(tag) =	ssettag $0x1  }
0x1: {  	s6 =	rddreg [dreg:$0x0]  }
0x2: {  	s7 =	rddreg [dreg:$0x1]  }
0x3: {  	s1 =	srdreg.scid;
	s5 =	rddreg [dreg:$0x2]  }
0x4: {  	s0 =	stileid.u32;
	s9 =	rddreg [dreg:$0x3];
	s2 =	simm.s32 $0x0  }
0x5: {  	s14 =	simm.s32 $0x9D00;
	s15 =	simm.s32 $0x80;
	s16 =	simm.s32 $0x400  }
0x6: {  	s17 =	simm.s32 $0x0;
	s4 =	sand.u32 $0x1, s1;
	s26 =	sshll.u32 s0, $0x1  }
0x7: {  	s1 =	rddreg [dreg:$0x4];
	p0 =	slt.u32 s0, $0x8;
	s13 =	sshrl.u32 s0, $0x2  }
0x8: {  	[smem:$0x7FF] =	sst s2;
	s8 =	sor.u32 s4, s26;
	s13 =	smul.u32 $0x27400, s13  }
0x9: {  	_ =	strace $0x80000047;
	s12 =	ssub.s32 $0x2, s4;
	s3 =	smul.u32 $0x1380, s8  }
0xa: {  	s10 =	smul.u32 $0x1390, s8;
	s30 =	sshrl.u32 s12, $0x1;
	s8 =	sshll.u32 s8, $0x7  }
0xb: {  	s4 =	sadd.s32 $0xA1200, s5;
	s12 =	ssub.s32 s12, s30;
	s8 =	sand.u32 $0x380, s8  }
0xc: {  	v1 =	vlaneseq.u32;
	v0 =	vimm.f32 $0.0e+00;
	vm0 =	vcmask $0x704;
	s11 =	sadd.s32 $0x100, s3;
	s3 =	sadd.s32 $0xA0800, s5;
	s13 =	sor.u32 s13, s8  }
0xd: {  	vm1 =	vcmask $0xB08;
	vm2 =	vcmask $0xF0C;
	vm13 =	vcmask $0x3B38;
	s11 =	smov.u32 @p0 s10;
	s31 =	sshrl.u32 s13, $0x3;
	s10 =	smax.u32 s12, $0x1  }
0xe: {  	vm3 =	vcmask $0x1310;
	vm4 =	vcmask $0x1714;
	vm14 =	vcmask $0x3F3C;
	s12 =	simm.s32 $0x4E80;
	s13 =	simm.s32 $0x11380;
	s28 =	sshrl.u32 s11, $0x2  }
0xf: {  	vm5 =	vcmask $0x1B18;
	vm6 =	vcmask $0x1F1C;
	vm7 =	vcmask $0x2320;
	s11 =	sshrl.u32 s11, $0x3;
	s9 =	sadd.s32 s9, s31;
	s29 =	sadd.s32 s28, s5  }
0x10: {  	vm8 =	vcmask $0x2724;
	vm9 =	vcmask $0x2B28;
	vm10 =	vcmask $0x2F2C;
	s5 =	simm.s32 $0x1390;
	s6 =	sadd.s32 s6, s11;
	s7 =	sadd.s32 s7, s11  }
0x11: {  	vm11 =	vcmask $0x3330;
	vm12 =	vcmask $0x3734;
	v1 =	vmul.u32 $0x2, v1;
	s11 =	simm.s32 $0x1;
	s5 =	simm.s32 @!p0 $0x1380;
	s8 =	sadd.s32 $0xABC00, s29  }
.LBB2_1:
0x12: {  	[tilespmem:s2], [sflag:$0x1] =	stream.linear.gather [hbm4b:s3+s2], $0x4E80, $0x38;
	[tilespmem:$0x13B00] =	vst v63  }
0x13: {  	_ =	swait.ge [sflag:s11], $0x4E80  }
0x14: {  	[sflag:s11] =	ssyncset.done $0x0  }
0x15: {  	[sflag:s11] =	ssyncadd.s32 $0xFFFFB180  }
0x16: {  	[tilespmem:s12], [sflag:$0x1] =	stream.linear.gather [hbm4b:s4+s2], $0x4E80, $0x38;
	[tilespmem:$0x13B00] =	vst v63  }
0x17: {  	_ =	swait.ge [sflag:s11], $0x4E80  }
0x18: {  	[sflag:s11] =	ssyncset.done $0x0  }
0x19: {  	s18 =	simm.s32 $0x40;
	s19 =	simm.s32 $0x0;
	[sflag:s11] =	ssyncadd.s32 $0xFFFFB180  }
.LBB2_2:
0x1a: {  	p0 =	sne.s32 s18, $0x13840;
	[tilespmem:s19+$0x9D00] =	vst v0;
	s19 =	smov.u32 s18;
	s18 =	sadd.s32 $0x40, s18  }
.Ltmp0:
0x1b: {  	(pc) =	sbr.rel @p0 .LBB2_2-.Ltmp0, $2  }
0x1c: {  	_ =	sdelay $0x2  }
0x1d: {  	s19 =	sshra.s32 s19, $0x2  }
0x1e: {  	[tilespmem:s19+$0x9D00] =	vst v0;
	s20 =	simm.s32 $0x0;
	s18 =	simm.s32 $0xEB80  }
0x1f: {  	[tilespmem:s18], [sflag:$0x1] =	stream.linear.gather [hbm4b:s6+s20], $0x1390, $0x38;
	[tilespmem:$0x13B00] =	vst v63  }
0x20: {  	_ =	swait.ge [sflag:s11], $0x1390  }
0x21: {  	[sflag:s11] =	ssyncset.done $0x0  }
0x22: {  	s19 =	simm.s32 $0xFF80;
	[sflag:s11] =	ssyncadd.s32 $0xFFFFEC70  }
0x23: {  	[tilespmem:s19], [sflag:$0x1] =	stream.linear.gather [hbm4b:s7+s20], $0x1390, $0x38;
	[tilespmem:$0x13B00] =	vst v63  }
0x24: {  	_ =	swait.ge [sflag:s11], $0x1390  }
0x25: {  	[sflag:s11] =	ssyncset.done $0x0  }
0x26: {  	[sflag:s11] =	ssyncadd.s32 $0xFFFFEC70  }
0x27: {  	[tilespmem:s13], [sflag:$0x1] =	stream.linear.gather [hbm4b:s8+s20], $0x2720, $0x38;
	[tilespmem:$0x13B00] =	vst v63  }
0x28: {  	_ =	swait.ge [sflag:s11], $0x2720  }
0x29: {  	[sflag:s11] =	ssyncset.done $0x0  }
0x2a: {  	[sflag:s11] =	ssyncadd.s32 $0xFFFFD8E0  }
0x2b: {  	v2 =	vld [tilespmem:s18+$0x0]  }
0x2c: {  	v3 =	vld [tilespmem:s19+$0x0];
	_ =	sdelay $0x3  }
0x2d: {  	v2 =	vshll.u32 v2, $0x1  }
0x2e: {  	v4 =	vmov s20;
	v3 =	vshll.u32 v3, $0x1  }
0x2f: {  	v4 =	vshll.u32 v4, $0x1  }
0x30: {  	v4 =	vor.u32 v1, v4;
	_ =	sdelay $0x1  }
0x31: {  	v5 =	vld.idx.msk [tilespmem:v2+s2+$0x0], $0xffff  }
0x32: {  	v6 =	vld.idx.msk [tilespmem:v3+s12+$0x0], $0xffff;
	_ =	sdelay $0x1  }
0x33: {  	v7 =	vld.idx.msk [tilespmem:v4+s13+$0x0], $0xffff;
	_ =	sdelay $0x2  }
0x34: {  	v5 =	vadd.f32 v6, v5;
	_ =	sdelay $0x1  }
0x35: {  	v5 =	vadd.f32 v7, v5;
	_ =	sdelay $0x1  }
0x36: {  	v62 =	vmul.f32 $2.000000030e-01, v5;
	_ =	sdelay $0x1  }
0x37: {  	v5 =	vmax.f32 v5, v62  }
0x38: {  	v5 =	vmul.f32 $1.442695020e+00, v5;
	_ =	sdelay $0x1  }
0x39: {  	(erf) = vpow2.f32 v5;
	_ =	sdelay $0x8  }
0x3a: {  	v5 =	vpop (erf)  }
0x3b: {  	[tilespmem:v3+s14+$0x0] =	vst.idx.add.f32.msk $0x1, v5  }
0x3c: {  	[tilespmem:v3+s14+$0x0] =	vst.idx.add.f32.msk vm0, v5  }
0x3d: {  	[tilespmem:v3+s14+$0x0] =	vst.idx.add.f32.msk vm1, v5  }
0x3e: {  	[tilespmem:v3+s14+$0x0] =	vst.idx.add.f32.msk vm2, v5  }
0x3f: {  	[tilespmem:v3+s14+$0x0] =	vst.idx.add.f32.msk vm3, v5  }
0x40: {  	[tilespmem:v3+s14+$0x0] =	vst.idx.add.f32.msk vm4, v5  }
0x41: {  	[tilespmem:v3+s14+$0x0] =	vst.idx.add.f32.msk vm5, v5  }
0x42: {  	[tilespmem:v3+s14+$0x0] =	vst.idx.add.f32.msk vm6, v5  }
0x43: {  	[tilespmem:v3+s14+$0x0] =	vst.idx.add.f32.msk vm7, v5  }
0x44: {  	[tilespmem:v3+s14+$0x0] =	vst.idx.add.f32.msk vm8, v5  }
0x45: {  	[tilespmem:v3+s14+$0x0] =	vst.idx.add.f32.msk vm9, v5  }
0x46: {  	v63 =	vor.u32 $0x1, v2;
	[tilespmem:v3+s14+$0x0] =	vst.idx.add.f32.msk vm10, v5  }
0x47: {  	v2 =	vor.u32 $0x1, v3;
	[tilespmem:v3+s14+$0x0] =	vst.idx.add.f32.msk vm11, v5  }
0x48: {  	[tilespmem:v3+s14+$0x0] =	vst.idx.add.f32.msk vm12, v5  }
0x49: {  	v4 =	vor.u32 $0x1, v4;
	[tilespmem:v3+s14+$0x0] =	vst.idx.add.f32.msk vm13, v5  }
0x4a: {  	[tilespmem:v3+s14+$0x0] =	vst.idx.add.f32.msk vm14, v5  }
0x4b: {  	v3 =	vld.idx.msk [tilespmem:v63+s2+$0x0], $0xffff  }
0x4c: {  	v5 =	vld.idx.msk [tilespmem:v2+s12+$0x0], $0xffff;
	_ =	sdelay $0x1  }
0x4d: {  	v4 =	vld.idx.msk [tilespmem:v4+s13+$0x0], $0xffff;
	_ =	sdelay $0x2  }
0x4e: {  	v3 =	vadd.f32 v5, v3;
	_ =	sdelay $0x1  }
0x4f: {  	v3 =	vadd.f32 v4, v3;
	_ =	sdelay $0x1  }
0x50: {  	v4 =	vmul.f32 $2.000000030e-01, v3;
	_ =	sdelay $0x1  }
0x51: {  	v3 =	vmax.f32 v3, v4  }
0x52: {  	v3 =	vmul.f32 $1.442695020e+00, v3;
	_ =	sdelay $0x1  }
0x53: {  	(erf) = vpow2.f32 v3;
	_ =	sdelay $0x8  }
0x54: {  	v3 =	vpop (erf)  }
0x55: {  	[tilespmem:v2+s14+$0x0] =	vst.idx.add.f32.msk $0x1, v3  }
0x56: {  	[tilespmem:v2+s14+$0x0] =	vst.idx.add.f32.msk vm0, v3  }
0x57: {  	[tilespmem:v2+s14+$0x0] =	vst.idx.add.f32.msk vm1, v3  }
0x58: {  	[tilespmem:v2+s14+$0x0] =	vst.idx.add.f32.msk vm2, v3  }
0x59: {  	[tilespmem:v2+s14+$0x0] =	vst.idx.add.f32.msk vm3, v3  }
0x5a: {  	[tilespmem:v2+s14+$0x0] =	vst.idx.add.f32.msk vm4, v3  }
0x5b: {  	[tilespmem:v2+s14+$0x0] =	vst.idx.add.f32.msk vm5, v3  }
0x5c: {  	[tilespmem:v2+s14+$0x0] =	vst.idx.add.f32.msk vm6, v3  }
0x5d: {  	p0 =	sne.s32 s5, $0x10;
	[tilespmem:v2+s14+$0x0] =	vst.idx.add.f32.msk vm7, v3  }
.Ltmp1:
0x5e: {  	[tilespmem:v2+s14+$0x0] =	vst.idx.add.f32.msk vm8, v3;
	(pc) =	sbr.rel @!p0 .LBB2_5-.Ltmp1, $4  }
0x5f: {  	[tilespmem:v2+s14+$0x0] =	vst.idx.add.f32.msk vm9, v3  }
0x60: {  	[tilespmem:v2+s14+$0x0] =	vst.idx.add.f32.msk vm10, v3  }
0x61: {  	[tilespmem:v2+s14+$0x0] =	vst.idx.add.f32.msk vm11, v3  }
0x62: {  	s20 =	simm.s32 $0x10;
	[tilespmem:v2+s14+$0x0] =	vst.idx.add.f32.msk vm12, v3  }
.LBB2_4:
0x63: {  	s18 =	sadd.s32 $0x10, s18  }
0x64: {  	[tilespmem:v2+s14+$0x0] =	vst.idx.add.f32.msk vm13, v3;
	s19 =	sadd.s32 $0x10, s19;
	s21 =	smov.u32 s20;
	s20 =	sadd.s32 $0x10, s20  }
0x65: {  	p0 =	sne.s32 s5, s20;
	[tilespmem:v2+s14+$0x0] =	vst.idx.add.f32.msk vm14, v3  }
0x66: {  	v2 =	vld [tilespmem:s18+$0x0]  }
0x67: {  	v3 =	vld [tilespmem:s19+$0x0];
	_ =	sdelay $0x3  }
0x68: {  	v2 =	vshll.u32 v2, $0x1  }
0x69: {  	v4 =	vmov s21;
	v3 =	vshll.u32 v3, $0x1  }
0x6a: {  	v4 =	vshll.u32 v4, $0x1  }
0x6b: {  	v4 =	vor.u32 v1, v4;
	_ =	sdelay $0x1  }
0x6c: {  	v5 =	vld.idx.msk [tilespmem:v2+s2+$0x0], $0xffff  }
0x6d: {  	v6 =	vld.idx.msk [tilespmem:v3+s12+$0x0], $0xffff;
	_ =	sdelay $0x1  }
0x6e: {  	v7 =	vld.idx.msk [tilespmem:v4+s13+$0x0], $0xffff;
	_ =	sdelay $0x3  }
0x6f: {  	v5 =	vadd.f32 v6, v5;
	_ =	sdelay $0x1  }
0x70: {  	v5 =	vadd.f32 v7, v5;
	_ =	sdelay $0x1  }
0x71: {  	v6 =	vmul.f32 $2.000000030e-01, v5;
	_ =	sdelay $0x1  }
0x72: {  	v5 =	vmax.f32 v5, v6  }
0x73: {  	v5 =	vmul.f32 $1.442695020e+00, v5;
	_ =	sdelay $0x1  }
0x74: {  	(erf) = vpow2.f32 v5;
	_ =	sdelay $0x8  }
0x75: {  	v5 =	vpop (erf)  }
0x76: {  	[tilespmem:v3+s14+$0x0] =	vst.idx.add.f32.msk $0x1, v5  }
0x77: {  	[tilespmem:v3+s14+$0x0] =	vst.idx.add.f32.msk vm0, v5  }
0x78: {  	[tilespmem:v3+s14+$0x0] =	vst.idx.add.f32.msk vm1, v5  }
0x79: {  	[tilespmem:v3+s14+$0x0] =	vst.idx.add.f32.msk vm2, v5  }
0x7a: {  	[tilespmem:v3+s14+$0x0] =	vst.idx.add.f32.msk vm3, v5  }
0x7b: {  	[tilespmem:v3+s14+$0x0] =	vst.idx.add.f32.msk vm4, v5  }
0x7c: {  	[tilespmem:v3+s14+$0x0] =	vst.idx.add.f32.msk vm5, v5  }
0x7d: {  	[tilespmem:v3+s14+$0x0] =	vst.idx.add.f32.msk vm6, v5  }
0x7e: {  	[tilespmem:v3+s14+$0x0] =	vst.idx.add.f32.msk vm7, v5  }
0x7f: {  	[tilespmem:v3+s14+$0x0] =	vst.idx.add.f32.msk vm8, v5  }
0x80: {  	[tilespmem:v3+s14+$0x0] =	vst.idx.add.f32.msk vm9, v5  }
0x81: {  	v6 =	vor.u32 $0x1, v2;
	v2 =	vor.u32 $0x1, v3;
	[tilespmem:v3+s14+$0x0] =	vst.idx.add.f32.msk vm10, v5  }
0x82: {  	[tilespmem:v3+s14+$0x0] =	vst.idx.add.f32.msk vm11, v5  }
0x83: {  	v4 =	vor.u32 $0x1, v4;
	[tilespmem:v3+s14+$0x0] =	vst.idx.add.f32.msk vm12, v5  }
0x84: {  	[tilespmem:v3+s14+$0x0] =	vst.idx.add.f32.msk vm13, v5  }
0x85: {  	[tilespmem:v3+s14+$0x0] =	vst.idx.add.f32.msk vm14, v5  }
0x86: {  	v3 =	vld.idx.msk [tilespmem:v6+s2+$0x0], $0xffff  }
0x87: {  	v5 =	vld.idx.msk [tilespmem:v2+s12+$0x0], $0xffff  }
0x88: {  	v4 =	vld.idx.msk [tilespmem:v4+s13+$0x0], $0xffff;
	_ =	sdelay $0x4  }
0x89: {  	v3 =	vadd.f32 v5, v3;
	_ =	sdelay $0x1  }
0x8a: {  	v3 =	vadd.f32 v4, v3;
	_ =	sdelay $0x1  }
0x8b: {  	v4 =	vmul.f32 $2.000000030e-01, v3;
	_ =	sdelay $0x1  }
0x8c: {  	v3 =	vmax.f32 v3, v4  }
0x8d: {  	v3 =	vmul.f32 $1.442695020e+00, v3;
	_ =	sdelay $0x1  }
0x8e: {  	(erf) = vpow2.f32 v3;
	_ =	sdelay $0x8  }
0x8f: {  	v3 =	vpop (erf)  }
0x90: {  	[tilespmem:v2+s14+$0x0] =	vst.idx.add.f32.msk $0x1, v3  }
0x91: {  	[tilespmem:v2+s14+$0x0] =	vst.idx.add.f32.msk vm0, v3  }
0x92: {  	[tilespmem:v2+s14+$0x0] =	vst.idx.add.f32.msk vm1, v3  }
0x93: {  	[tilespmem:v2+s14+$0x0] =	vst.idx.add.f32.msk vm2, v3  }
0x94: {  	[tilespmem:v2+s14+$0x0] =	vst.idx.add.f32.msk vm3, v3  }
0x95: {  	[tilespmem:v2+s14+$0x0] =	vst.idx.add.f32.msk vm4, v3  }
0x96: {  	[tilespmem:v2+s14+$0x0] =	vst.idx.add.f32.msk vm5, v3  }
0x97: {  	[tilespmem:v2+s14+$0x0] =	vst.idx.add.f32.msk vm6, v3  }
0x98: {  	[tilespmem:v2+s14+$0x0] =	vst.idx.add.f32.msk vm7, v3  }
.Ltmp2:
0x99: {  	[tilespmem:v2+s14+$0x0] =	vst.idx.add.f32.msk vm8, v3;
	(pc) =	sbr.rel @p0 .LBB2_4-.Ltmp2, $4  }
0x9a: {  	[tilespmem:v2+s14+$0x0] =	vst.idx.add.f32.msk vm9, v3  }
0x9b: {  	[tilespmem:v2+s14+$0x0] =	vst.idx.add.f32.msk vm10, v3  }
0x9c: {  	[tilespmem:v2+s14+$0x0] =	vst.idx.add.f32.msk vm11, v3  }
0x9d: {  	[tilespmem:v2+s14+$0x0] =	vst.idx.add.f32.msk vm12, v3  }
.LBB2_5:
0x9e: {  	_ =	sdelay $0x3  }
0x9f: {  	s17 =	sadd.s32 $0x1, s17  }
0xa0: {  	[tilespmem:v2+s14+$0x0] =	vst.idx.add.f32.msk vm13, v3;
	p0 =	sne.s32 s17, s10  }
.Ltmp3:
0xa1: {  	[tilespmem:v2+s14+$0x0] =	vst.idx.add.f32.msk vm14, v3;
	(pc) =	sbr.rel @p0 .LBB2_1-.Ltmp3, $4  }
0xa2: {  	[hbm4b:s9+s15] =	stream.strided.scatter [tilespmem:s14], [sflag:$0x1], $0x4E80, s16, s15, $0x38;
	[tilespmem:$0x13B00] =	vst v63  }
0xa3: {  	_ =	swait.ge [sflag:s11], $0x4E80  }
0xa4: {  	[sflag:s11] =	ssyncset.done $0x0  }
0xa5: {  	[sflag:s11] =	ssyncadd.s32 $0xFFFFB180  }
0xa6: {  	_ =	sfence.sel $0x180000  }
0xa7: {  	[bflag:$0x0] =	sbarrier.arrive $0xFFFF  }
0xa8: {  	p0 =	sne.s32 s0, $0x0;
	_ =	strace $0x90000047  }
0xa9: {  	s0 =	sadd.s32 @!p0 $0x100000, s1;
	[bflag:$0x2] =	sbarrier.arrive $0xFFFF  }
0xaa: {  	[sflag:s0] =	ssyncadd.tile.s32 @!p0 $0x1;
	_ =	shalt  }
.Lfunc_end2:
_tile_overlayer_lowered:
.L_overlay_start_2:
0xab: {  	(tag) =	ssettag $0x2  }
0xac: {  	s0 =	rddreg [dreg:$0x0];
	s2 =	stileid.u32  }
0xad: {  	s1 =	rddreg [dreg:$0x1];
	p0 =	sne.s32 s2, $0x0  }
0xae: {  	s3 =	rddreg [dreg:$0x2];
	[bflag:$0x3] =	sbarrier.arrive $0xFFFF;
	s2 =	simm.s32 @!p0 $0x1C01  }
0xaf: {  	[timem:s3], [sflag:s2] =	dma.local @!p0 [hbm:s0], s1  }
0xb0: {  	s0 =	simm.s32 @!p0 $0x1  }
0xb1: {  	_ =	swait.ge @!p0 [sflag:s0], s1  }
0xb2: {  	s1 =	ssub.s32 @!p0 $0x0, s1;
	[sflag:s0] =	ssyncset.done @!p0 $0x0  }
0xb3: {  	[sflag:s0] =	ssyncadd.s32 @!p0 s1  }
0xb4: {  	[bflag:$0x3] =	sbarrier.arrive $0xFFFF  }
0xb5: {  	_ =	shalt  }

</sc_bundles>
